<compile_context>
chip_gen: v7x
topology: tpu7x:2x2x1
jax: 0.10.2.dev20260603
libtpu: 0.0.44.dev20260713+nightly
codegen_flags: <defaults>
</compile_context>

<pallas_src>
import jax
import jax.numpy as jnp
from jax import lax
from jax.experimental import pallas as pl
from jax.experimental.pallas import tpu as pltpu
from jax.experimental.pallas import tpu_sc as plsc

B, C, H, W = 32, 384, 28, 28
N = B * C * H * W
BLK = 3 * 8 * 128
NBLK = H * W * (B // 8)
NW = 32
WBLK = NBLK // NW
CHUNK_B = 10
_CHUNKS = (10,) * 9 + (8,)
_STARTS = tuple(sum(_CHUNKS[:i]) for i in range(len(_CHUNKS)))
S = CHUNK_B * BLK
NCHUNK = len(_CHUNKS)
LANES = 16
NBUF = 3

_C0S = (0, 16, 32, 48, 64, 80)
_OFFS = tuple(
    tuple((ch // 128) * 1024 + ch % 128 for ch in (c0, c0 + 96, c0 + 192, c0 + 288))
    for c0 in _C0S
)

_mesh = plsc.VectorSubcoreMesh(core_axis_name="c", subcore_axis_name="s")


@pl.kernel(
    out_type=jax.ShapeDtypeStruct((N,), jnp.float32),
    mesh=_mesh,
    scratch_types=[
        [pltpu.VMEM((S,), jnp.float32) for _ in range(NBUF)],
        [pltpu.SemaphoreType.DMA for _ in range(NBUF)],
        [pltpu.SemaphoreType.DMA for _ in range(NBUF)],
    ],
)
def _topk_sc(x_hbm, out_hbm, buf, insem, outsem):
    wid = lax.axis_index("s") * 2 + lax.axis_index("c")
    base = wid * (WBLK * BLK)

    def load(t, slot):
        n = _CHUNKS[t] * BLK
        return pltpu.async_copy(
            x_hbm.at[pl.ds(base + _STARTS[t] * BLK, n)],
            buf[slot].at[pl.ds(0, n)],
            insem[slot],
        )

    def store(t, slot, blo, bhi):
        lo = blo * BLK
        n = (bhi - blo) * BLK
        return pltpu.async_copy(
            buf[slot].at[pl.ds(lo, n)],
            out_hbm.at[pl.ds(base + (_STARTS[t] + blo) * BLK, n)],
            outsem[slot],
        )

    def network(dat, r_lo, r_hi):
        @plsc.parallel_loop(r_lo, r_hi)
        def _network(r):
            row = (r // 8) * BLK + (r % 8) * 128
            for offs in _OFFS:
                s0 = pl.ds(row + offs[0], LANES)
                s1 = pl.ds(row + offs[1], LANES)
                s2 = pl.ds(row + offs[2], LANES)
                s3 = pl.ds(row + offs[3], LANES)
                v0 = dat[s0]
                v1 = dat[s1]
                v2 = dat[s2]
                v3 = dat[s3]
                l1 = jnp.minimum(v0, v1)
                h1 = jnp.maximum(v0, v1)
                l2 = jnp.minimum(v2, v3)
                h2 = jnp.maximum(v2, v3)
                m1 = jnp.minimum(h1, h2)
                m2 = jnp.maximum(l1, l2)
                dat[s0] = jnp.maximum(h1, h2)
                dat[s1] = jnp.maximum(m1, m2)
                dat[s2] = jnp.minimum(m1, m2)
                dat[s3] = jnp.minimum(l1, l2)

    in_cps = [None] * NCHUNK
    out_cps = [[] for _ in range(NBUF)]
    in_cps[0] = load(0, 0)
    for t in range(NCHUNK):
        slot = t % NBUF
        if t + 1 < NCHUNK:
            nslot = (t + 1) % NBUF
            for cp in out_cps[nslot]:
                cp.wait()
            out_cps[nslot] = []
            in_cps[t + 1] = load(t + 1, nslot)
        in_cps[t].wait()

        nb = _CHUNKS[t]
        network(buf[slot], 0, nb * 8)
        out_cps[slot].append(store(t, slot, 0, nb))
    for cps in out_cps:
        for cp in cps:
            cp.wait()


def kernel(x):
    z = x.reshape(4, 8, 3, 128, H, W).transpose(4, 5, 0, 2, 1, 3).reshape(N)
    o = _topk_sc(z)
    return (
        o.reshape(H, W, 4, 3, 8, 128)
        .transpose(2, 4, 3, 5, 0, 1)
        .reshape(B, C, H, W)
    )

# --- scband reference (transcript-rebuilt; emitter-appended) ---
"""Pipeline reference for scband-top-kfeature-map-22007412425423 (READ-ONLY COPY).

The authoritative reference and input builder live on the scoring server;
editing this copy changes nothing except your own understanding.
"""

import jax, jax.numpy as jnp
import numpy as np


def setup_inputs(seed: int = 0) -> dict:
    key = jax.random.key(seed)
    x = jax.random.normal(key, (32, 384, 28, 28), dtype=jnp.float32)
    return {"x": x}


def reference(x):
    k = 4
    # torch.chunk(x, k, dim=1) -> k pieces of C//k channels; stack on new dim 1
    xx = jnp.stack(jnp.split(x, k, axis=1), axis=1)  # [B, k, C//k, H, W]
    # torch.topk(xx, k, dim=1)[0] with dim-size == k is a full descending sort along dim 1
    top = jnp.flip(jnp.sort(xx, axis=1), axis=1)  # [B, k, C//k, H, W] descending
    # split size-1 slices along dim 1, concat along dim 2, squeeze dim 1
    out = jnp.concatenate(jnp.split(top, k, axis=1), axis=2)  # [B, 1, C, H, W]
    return jnp.squeeze(out, axis=1)  # [B, C, H, W]

if __name__ == "__main__":
    import jax
    _d = setup_inputs()
    print(jax.jit(kernel)(*tuple(_d.values())))

</pallas_src>

<mosaic_0001>
#map = affine_map<(d0, d1) -> (0)>
module attributes {stable_mosaic.version = 14 : i64} {
  func.func @_topk_sc(%arg0: i32, %arg1: i32, %arg2: memref<9633792xf32, #tpu.memory_space<hbm>>, %arg3: memref<9633792xf32, #tpu.memory_space<hbm>>, %arg4: memref<30720xf32, #tpu.memory_space<vmem>>, %arg5: memref<30720xf32, #tpu.memory_space<vmem>>, %arg6: memref<30720xf32, #tpu.memory_space<vmem>>, %arg7: memref<!tpu.dma_semaphore, #tpu.memory_space<semaphore_mem>>, %arg8: memref<!tpu.dma_semaphore, #tpu.memory_space<semaphore_mem>>, %arg9: memref<!tpu.dma_semaphore, #tpu.memory_space<semaphore_mem>>, %arg10: memref<!tpu.dma_semaphore, #tpu.memory_space<semaphore_mem>>, %arg11: memref<!tpu.dma_semaphore, #tpu.memory_space<semaphore_mem>>, %arg12: memref<!tpu.dma_semaphore, #tpu.memory_space<semaphore_mem>>) attributes {dimension_semantics = [#tpu.dimension_semantics<core_parallel>, #tpu.dimension_semantics<subcore_parallel>], iteration_bounds = array<i64: 2, 16>, scalar_prefetch = 0 : i64, scratch_operands = 9 : i64, tpu.core_type = #tpu.core_type<sc_vector_subcore>, window_params = [{transform_indices = #map}, {transform_indices = #map}]} {
    %mul3A = arith.constant 2 : i32
    %mul3A_0 = arith.muli %arg1, %mul3A : i32
    %add3A = arith.addi %mul3A_0, %arg0 : i32
    %mul3A_1 = arith.constant 301056 : i32
    %mul3A_2 = arith.muli %add3A, %mul3A_1 : i32
    %add3A_3 = arith.constant 0 : i32
    %add3A_4 = arith.addi %mul3A_2, %add3A_3 : i32
    %dma_start3A = arith.constant 0 : i32
    %dma_start3A_5 = tpu.memref_slice %arg4[%dma_start3A] : memref<30720xf32, #tpu.memory_space<vmem>> -> memref<30720xf32, #tpu.memory_space<vmem>>
    %dma_start3A_6 = tpu.memref_slice %arg2[%add3A_4] : memref<9633792xf32, #tpu.memory_space<hbm>> -> memref<30720xf32, #tpu.memory_space<hbm>>
    %dma_start3A_7 = arith.constant 0 : i32
    %dma_start3A_8 = tpu.memref_slice %arg4[%dma_start3A_7] : memref<30720xf32, #tpu.memory_space<vmem>> -> memref<30720xf32, #tpu.memory_space<vmem>>
    %dma_start3A_9 = tpu.memref_slice %arg2[%add3A_4] : memref<9633792xf32, #tpu.memory_space<hbm>> -> memref<30720xf32, #tpu.memory_space<hbm>>
    tpu.enqueue_dma source(%dma_start3A_9 : memref<30720xf32, #tpu.memory_space<hbm>>) target(%dma_start3A_8 : memref<30720xf32, #tpu.memory_space<vmem>>) target_semaphore(%arg7 : memref<!tpu.dma_semaphore, #tpu.memory_space<semaphore_mem>>)
    %add3A_10 = arith.constant 30720 : i32
    %add3A_11 = arith.addi %mul3A_2, %add3A_10 : i32
    %dma_start3A_12 = arith.constant 0 : i32
    %dma_start3A_13 = tpu.memref_slice %arg5[%dma_start3A_12] : memref<30720xf32, #tpu.memory_space<vmem>> -> memref<30720xf32, #tpu.memory_space<vmem>>
    %dma_start3A_14 = tpu.memref_slice %arg2[%add3A_11] : memref<9633792xf32, #tpu.memory_space<hbm>> -> memref<30720xf32, #tpu.memory_space<hbm>>
    %dma_start3A_15 = arith.constant 0 : i32
    %dma_start3A_16 = tpu.memref_slice %arg5[%dma_start3A_15] : memref<30720xf32, #tpu.memory_space<vmem>> -> memref<30720xf32, #tpu.memory_space<vmem>>
    %dma_start3A_17 = tpu.memref_slice %arg2[%add3A_11] : memref<9633792xf32, #tpu.memory_space<hbm>> -> memref<30720xf32, #tpu.memory_space<hbm>>
    tpu.enqueue_dma source(%dma_start3A_17 : memref<30720xf32, #tpu.memory_space<hbm>>) target(%dma_start3A_16 : memref<30720xf32, #tpu.memory_space<vmem>>) target_semaphore(%arg8 : memref<!tpu.dma_semaphore, #tpu.memory_space<semaphore_mem>>)
    %dma_wait3A = arith.constant 0 : i32
    %dma_wait3A_18 = tpu.memref_slice %arg4[%dma_wait3A] : memref<30720xf32, #tpu.memory_space<vmem>> -> memref<30720xf32, #tpu.memory_space<vmem>>
    %dma_wait3A_19 = tpu.memref_slice %arg2[%add3A_4] : memref<9633792xf32, #tpu.memory_space<hbm>> -> memref<30720xf32, #tpu.memory_space<hbm>>
    %dma_wait3A_20 = arith.constant 0 : i32
    %dma_wait3A_21 = tpu.memref_slice %arg4[%dma_wait3A_20] : memref<30720xf32, #tpu.memory_space<vmem>> -> memref<30720xf32, #tpu.memory_space<vmem>>
    %dma_wait3A_22 = tpu.memref_slice %arg2[%add3A_4] : memref<9633792xf32, #tpu.memory_space<hbm>> -> memref<30720xf32, #tpu.memory_space<hbm>>
    tpu.wait_dma2 semaphore(%arg7 : memref<!tpu.dma_semaphore, #tpu.memory_space<semaphore_mem>>) src(%dma_wait3A_22 : memref<30720xf32, #tpu.memory_space<hbm>>) dst(%dma_wait3A_21 : memref<30720xf32, #tpu.memory_space<vmem>>)
    %parallel_loop3A = arith.constant 0 : i32
    %parallel_loop3A_23 = arith.constant 80 : i32
    %parallel_loop3A_24 = arith.constant 1 : i32
    scf.for %parallel_loop3A_310 = %parallel_loop3A to %parallel_loop3A_23 step %parallel_loop3A_24  : i32 {
      %parallel_loop3A_311 = arith.constant 8 : i32
      %parallel_loop3A_312 = arith.divsi %parallel_loop3A_310, %parallel_loop3A_311 : i32
      %parallel_loop3A_313 = arith.constant 0 : i32
      %parallel_loop3A_314 = arith.cmpi sgt, %parallel_loop3A_310, %parallel_loop3A_313 : i32
      %parallel_loop3A_315 = arith.extui %parallel_loop3A_314 : i1 to i32
      %parallel_loop3A_316 = arith.constant 0 : i32
      %parallel_loop3A_317 = arith.cmpi slt, %parallel_loop3A_310, %parallel_loop3A_316 : i32
      %parallel_loop3A_318 = arith.extui %parallel_loop3A_317 : i1 to i32
      %parallel_loop3A_319 = arith.subi %parallel_loop3A_315, %parallel_loop3A_318 : i32
      %parallel_loop3A_320 = arith.constant 0 : i32
      %parallel_loop3A_321 = arith.cmpi sgt, %parallel_loop3A_311, %parallel_loop3A_320 : i32
      %parallel_loop3A_322 = arith.extui %parallel_loop3A_321 : i1 to i32
      %parallel_loop3A_323 = arith.constant 0 : i32
      %parallel_loop3A_324 = arith.cmpi slt, %parallel_loop3A_311, %parallel_loop3A_323 : i32
      %parallel_loop3A_325 = arith.extui %parallel_loop3A_324 : i1 to i32
      %parallel_loop3A_326 = arith.subi %parallel_loop3A_322, %parallel_loop3A_325 : i32
      %parallel_loop3A_327 = arith.cmpi ne, %parallel_loop3A_319, %parallel_loop3A_326 : i32
      %parallel_loop3A_328 = arith.remsi %parallel_loop3A_310, %parallel_loop3A_311 : i32
      %parallel_loop3A_329 = arith.constant 0 : i32
      %parallel_loop3A_330 = arith.cmpi ne, %parallel_loop3A_328, %parallel_loop3A_329 : i32
      %parallel_loop3A_331 = arith.andi %parallel_loop3A_327, %parallel_loop3A_330 : i1
      %parallel_loop3A_332 = arith.constant 1 : i32
      %parallel_loop3A_333 = arith.subi %parallel_loop3A_312, %parallel_loop3A_332 : i32
      %parallel_loop3A_334 = arith.select %parallel_loop3A_331, %parallel_loop3A_333, %parallel_loop3A_312 : i32
      %parallel_loop3A_335 = arith.constant 3072 : i32
      %parallel_loop3A_336 = arith.muli %parallel_loop3A_334, %parallel_loop3A_335 : i32
      %parallel_loop3A_337 = arith.constant 8 : i32
      %parallel_loop3A_338 = arith.constant 0 : i32
      %parallel_loop3A_339 = arith.cmpi eq, %parallel_loop3A_337, %parallel_loop3A_338 : i32
      %parallel_loop3A_340 = arith.constant 1 : i32
      %parallel_loop3A_341 = arith.select %parallel_loop3A_339, %parallel_loop3A_340, %parallel_loop3A_337 : i32
      %parallel_loop3A_342 = arith.remsi %parallel_loop3A_310, %parallel_loop3A_341 : i32
      %parallel_loop3A_343 = arith.constant 0 : i32
      %parallel_loop3A_344 = arith.cmpi ne, %parallel_loop3A_342, %parallel_loop3A_343 : i32
      %parallel_loop3A_345 = arith.constant 0 : i32
      %parallel_loop3A_346 = arith.cmpi slt, %parallel_loop3A_342, %parallel_loop3A_345 : i32
      %parallel_loop3A_347 = arith.constant 0 : i32
      %parallel_loop3A_348 = arith.cmpi slt, %parallel_loop3A_341, %parallel_loop3A_347 : i32
      %parallel_loop3A_349 = arith.xori %parallel_loop3A_346, %parallel_loop3A_348 : i1
      %parallel_loop3A_350 = arith.andi %parallel_loop3A_349, %parallel_loop3A_344 : i1
      %parallel_loop3A_351 = arith.addi %parallel_loop3A_342, %parallel_loop3A_341 : i32
      %parallel_loop3A_352 = arith.select %parallel_loop3A_350, %parallel_loop3A_351, %parallel_loop3A_342 : i32
      %parallel_loop3A_353 = arith.constant 128 : i32
      %parallel_loop3A_354 = arith.muli %parallel_loop3A_352, %parallel_loop3A_353 : i32
      %parallel_loop3A_355 = arith.addi %parallel_loop3A_336, %parallel_loop3A_354 : i32
      %parallel_loop3A_356 = arith.constant 0 : i32
      %parallel_loop3A_357 = arith.addi %parallel_loop3A_355, %parallel_loop3A_356 : i32
      %parallel_loop3A_358 = arith.constant 96 : i32
      %parallel_loop3A_359 = arith.addi %parallel_loop3A_355, %parallel_loop3A_358 : i32
      %parallel_loop3A_360 = arith.constant 1088 : i32
      %parallel_loop3A_361 = arith.addi %parallel_loop3A_355, %parallel_loop3A_360 : i32
      %parallel_loop3A_362 = arith.constant 2080 : i32
      %parallel_loop3A_363 = arith.addi %parallel_loop3A_355, %parallel_loop3A_362 : i32
      %parallel_loop3A_364 = arith.index_cast %parallel_loop3A_357 : i32 to index
      %parallel_loop3A_365 = tpu.vector_load %arg4[%parallel_loop3A_364] {strides = array<i32>} : memref<30720xf32, #tpu.memory_space<vmem>>, vector<16xf32>,
      %parallel_loop3A_366 = vector.shape_cast %parallel_loop3A_365 : vector<16xf32> to vector<16xf32>
      %parallel_loop3A_367 = arith.index_cast %parallel_loop3A_359 : i32 to index
      %parallel_loop3A_368 = tpu.vector_load %arg4[%parallel_loop3A_367] {strides = array<i32>} : memref<30720xf32, #tpu.memory_space<vmem>>, vector<16xf32>,
      %parallel_loop3A_369 = vector.shape_cast %parallel_loop3A_368 : vector<16xf32> to vector<16xf32>
      %parallel_loop3A_370 = arith.index_cast %parallel_loop3A_361 : i32 to index
      %parallel_loop3A_371 = tpu.vector_load %arg4[%parallel_loop3A_370] {strides = array<i32>} : memref<30720xf32, #tpu.memory_space<vmem>>, vector<16xf32>,
      %parallel_loop3A_372 = vector.shape_cast %parallel_loop3A_371 : vector<16xf32> to vector<16xf32>
      %parallel_loop3A_373 = arith.index_cast %parallel_loop3A_363 : i32 to index
      %parallel_loop3A_374 = tpu.vector_load %arg4[%parallel_loop3A_373] {strides = array<i32>} : memref<30720xf32, #tpu.memory_space<vmem>>, vector<16xf32>,
      %parallel_loop3A_375 = vector.shape_cast %parallel_loop3A_374 : vector<16xf32> to vector<16xf32>
      %parallel_loop3A_376 = arith.minimumf %parallel_loop3A_366, %parallel_loop3A_369 : vector<16xf32>
      %parallel_loop3A_377 = arith.maximumf %parallel_loop3A_366, %parallel_loop3A_369 : vector<16xf32>
      %parallel_loop3A_378 = arith.minimumf %parallel_loop3A_372, %parallel_loop3A_375 : vector<16xf32>
      %parallel_loop3A_379 = arith.maximumf %parallel_loop3A_372, %parallel_loop3A_375 : vector<16xf32>
      %parallel_loop3A_380 = arith.minimumf %parallel_loop3A_377, %parallel_loop3A_379 : vector<16xf32>
      %parallel_loop3A_381 = arith.maximumf %parallel_loop3A_376, %parallel_loop3A_378 : vector<16xf32>
      %parallel_loop3A_382 = arith.maximumf %parallel_loop3A_377, %parallel_loop3A_379 : vector<16xf32>
      %parallel_loop3A_383 = arith.index_cast %parallel_loop3A_357 : i32 to index
      %parallel_loop3A_384 = tpu.vector_load %arg4[%parallel_loop3A_383] {strides = array<i32>} : memref<30720xf32, #tpu.memory_space<vmem>>, vector<16xf32>,
      %parallel_loop3A_385 = vector.shape_cast %parallel_loop3A_384 : vector<16xf32> to vector<16xf32>
      %parallel_loop3A_386 = vector.shape_cast %parallel_loop3A_382 : vector<16xf32> to vector<16xf32>
      tpu.vector_store %arg4[%parallel_loop3A_383], %parallel_loop3A_386 {strides = array<i32>} : memref<30720xf32, #tpu.memory_space<vmem>>, vector<16xf32>,
      %parallel_loop3A_387 = arith.maximumf %parallel_loop3A_380, %parallel_loop3A_381 : vector<16xf32>
      %parallel_loop3A_388 = arith.index_cast %parallel_loop3A_359 : i32 to index
      %parallel_loop3A_389 = tpu.vector_load %arg4[%parallel_loop3A_388] {strides = array<i32>} : memref<30720xf32, #tpu.memory_space<vmem>>, vector<16xf32>,
      %parallel_loop3A_390 = vector.shape_cast %parallel_loop3A_389 : vector<16xf32> to vector<16xf32>
      %parallel_loop3A_391 = vector.shape_cast %parallel_loop3A_387 : vector<16xf32> to vector<16xf32>
      tpu.vector_store %arg4[%parallel_loop3A_388], %parallel_loop3A_391 {strides = array<i32>} : memref<30720xf32, #tpu.memory_space<vmem>>, vector<16xf32>,
      %parallel_loop3A_392 = arith.minimumf %parallel_loop3A_380, %parallel_loop3A_381 : vector<16xf32>
      %parallel_loop3A_393 = arith.index_cast %parallel_loop3A_361 : i32 to index
      %parallel_loop3A_394 = tpu.vector_load %arg4[%parallel_loop3A_393] {strides = array<i32>} : memref<30720xf32, #tpu.memory_space<vmem>>, vector<16xf32>,
      %parallel_loop3A_395 = vector.shape_cast %parallel_loop3A_394 : vector<16xf32> to vector<16xf32>
      %parallel_loop3A_396 = vector.shape_cast %parallel_loop3A_392 : vector<16xf32> to vector<16xf32>
      tpu.vector_store %arg4[%parallel_loop3A_393], %parallel_loop3A_396 {strides = array<i32>} : memref<30720xf32, #tpu.memory_space<vmem>>, vector<16xf32>,
      %parallel_loop3A_397 = arith.minimumf %parallel_loop3A_376, %parallel_loop3A_378 : vector<16xf32>
      %parallel_loop3A_398 = arith.index_cast %parallel_loop3A_363 : i32 to index
      %parallel_loop3A_399 = tpu.vector_load %arg4[%parallel_loop3A_398] {strides = array<i32>} : memref<30720xf32, #tpu.memory_space<vmem>>, vector<16xf32>,
      %parallel_loop3A_400 = vector.shape_cast %parallel_loop3A_399 : vector<16xf32> to vector<16xf32>
      %parallel_loop3A_401 = vector.shape_cast %parallel_loop3A_397 : vector<16xf32> to vector<16xf32>
      tpu.vector_store %arg4[%parallel_loop3A_398], %parallel_loop3A_401 {strides = array<i32>} : memref<30720xf32, #tpu.memory_space<vmem>>, vector<16xf32>,
      %parallel_loop3A_402 = arith.constant 16 : i32
      %parallel_loop3A_403 = arith.addi %parallel_loop3A_355, %parallel_loop3A_402 : i32
      %parallel_loop3A_404 = arith.constant 112 : i32
      %parallel_loop3A_405 = arith.addi %parallel_loop3A_355, %parallel_loop3A_404 : i32
      %parallel_loop3A_406 = arith.constant 1104 : i32
      %parallel_loop3A_407 = arith.addi %parallel_loop3A_355, %parallel_loop3A_406 : i32
      %parallel_loop3A_408 = arith.constant 2096 : i32
      %parallel_loop3A_409 = arith.addi %parallel_loop3A_355, %parallel_loop3A_408 : i32
      %parallel_loop3A_410 = arith.index_cast %parallel_loop3A_403 : i32 to index
      %parallel_loop3A_411 = tpu.vector_load %arg4[%parallel_loop3A_410] {strides = array<i32>} : memref<30720xf32, #tpu.memory_space<vmem>>, vector<16xf32>,
      %parallel_loop3A_412 = vector.shape_cast %parallel_loop3A_411 : vector<16xf32> to vector<16xf32>
      %parallel_loop3A_413 = arith.index_cast %parallel_loop3A_405 : i32 to index
      %parallel_loop3A_414 = tpu.vector_load %arg4[%parallel_loop3A_413] {strides = array<i32>} : memref<30720xf32, #tpu.memory_space<vmem>>, vector<16xf32>,
      %parallel_loop3A_415 = vector.shape_cast %parallel_loop3A_414 : vector<16xf32> to vector<16xf32>
      %parallel_loop3A_416 = arith.index_cast %parallel_loop3A_407 : i32 to index
      %parallel_loop3A_417 = tpu.vector_load %arg4[%parallel_loop3A_416] {strides = array<i32>} : memref<30720xf32, #tpu.memory_space<vmem>>, vector<16xf32>,
      %parallel_loop3A_418 = vector.shape_cast %parallel_loop3A_417 : vector<16xf32> to vector<16xf32>
      %parallel_loop3A_419 = arith.index_cast %parallel_loop3A_409 : i32 to index
      %parallel_loop3A_420 = tpu.vector_load %arg4[%parallel_loop3A_419] {strides = array<i32>} : memref<30720xf32, #tpu.memory_space<vmem>>, vector<16xf32>,
      %parallel_loop3A_421 = vector.shape_cast %parallel_loop3A_420 : vector<16xf32> to vector<16xf32>
      %parallel_loop3A_422 = arith.minimumf %parallel_loop3A_412, %parallel_loop3A_415 : vector<16xf32>
      %parallel_loop3A_423 = arith.maximumf %parallel_loop3A_412, %parallel_loop3A_415 : vector<16xf32>
      %parallel_loop3A_424 = arith.minimumf %parallel_loop3A_418, %parallel_loop3A_421 : vector<16xf32>
      %parallel_loop3A_425 = arith.maximumf %parallel_loop3A_418, %parallel_loop3A_421 : vector<16xf32>
      %parallel_loop3A_426 = arith.minimumf %parallel_loop3A_423, %parallel_loop3A_425 : vector<16xf32>
      %parallel_loop3A_427 = arith.maximumf %parallel_loop3A_422, %parallel_loop3A_424 : vector<16xf32>
      %parallel_loop3A_428 = arith.maximumf %parallel_loop3A_423, %parallel_loop3A_425 : vector<16xf32>
      %parallel_loop3A_429 = arith.index_cast %parallel_loop3A_403 : i32 to index
      %parallel_loop3A_430 = tpu.vector_load %arg4[%parallel_loop3A_429] {strides = array<i32>} : memref<30720xf32, #tpu.memory_space<vmem>>, vector<16xf32>,
      %parallel_loop3A_431 = vector.shape_cast %parallel_loop3A_430 : vector<16xf32> to vector<16xf32>
      %parallel_loop3A_432 = vector.shape_cast %parallel_loop3A_428 : vector<16xf32> to vector<16xf32>
      tpu.vector_store %arg4[%parallel_loop3A_429], %parallel_loop3A_432 {strides = array<i32>} : memref<30720xf32, #tpu.memory_space<vmem>>, vector<16xf32>,
      %parallel_loop3A_433 = arith.maximumf %parallel_loop3A_426, %parallel_loop3A_427 : vector<16xf32>
      %parallel_loop3A_434 = arith.index_cast %parallel_loop3A_405 : i32 to index
      %parallel_loop3A_435 = tpu.vector_load %arg4[%parallel_loop3A_434] {strides = array<i32>} : memref<30720xf32, #tpu.memory_space<vmem>>, vector<16xf32>,
      %parallel_loop3A_436 = vector.shape_cast %parallel_loop3A_435 : vector<16xf32> to vector<16xf32>
      %parallel_loop3A_437 = vector.shape_cast %parallel_loop3A_433 : vector<16xf32> to vector<16xf32>
      tpu.vector_store %arg4[%parallel_loop3A_434], %parallel_loop3A_437 {strides = array<i32>} : memref<30720xf32, #tpu.memory_space<vmem>>, vector<16xf32>,
      %parallel_loop3A_438 = arith.minimumf %parallel_loop3A_426, %parallel_loop3A_427 : vector<16xf32>
      %parallel_loop3A_439 = arith.index_cast %parallel_loop3A_407 : i32 to index
      %parallel_loop3A_440 = tpu.vector_load %arg4[%parallel_loop3A_439] {strides = array<i32>} : memref<30720xf32, #tpu.memory_space<vmem>>, vector<16xf32>,
      %parallel_loop3A_441 = vector.shape_cast %parallel_loop3A_440 : vector<16xf32> to vector<16xf32>
      %parallel_loop3A_442 = vector.shape_cast %parallel_loop3A_438 : vector<16xf32> to vector<16xf32>
      tpu.vector_store %arg4[%parallel_loop3A_439], %parallel_loop3A_442 {strides = array<i32>} : memref<30720xf32, #tpu.memory_space<vmem>>, vector<16xf32>,
      %parallel_loop3A_443 = arith.minimumf %parallel_loop3A_422, %parallel_loop3A_424 : vector<16xf32>
      %parallel_loop3A_444 = arith.index_cast %parallel_loop3A_409 : i32 to index
      %parallel_loop3A_445 = tpu.vector_load %arg4[%parallel_loop3A_444] {strides = array<i32>} : memref<30720xf32, #tpu.memory_space<vmem>>, vector<16xf32>,
      %parallel_loop3A_446 = vector.shape_cast %parallel_loop3A_445 : vector<16xf32> to vector<16xf32>
      %parallel_loop3A_447 = vector.shape_cast %parallel_loop3A_443 : vector<16xf32> to vector<16xf32>
      tpu.vector_store %arg4[%parallel_loop3A_444], %parallel_loop3A_447 {strides = array<i32>} : memref<30720xf32, #tpu.memory_space<vmem>>, vector<16xf32>,
      %parallel_loop3A_448 = arith.constant 32 : i32
      %parallel_loop3A_449 = arith.addi %parallel_loop3A_355, %parallel_loop3A_448 : i32
      %parallel_loop3A_450 = arith.constant 1024 : i32
      %parallel_loop3A_451 = arith.addi %parallel_loop3A_355, %parallel_loop3A_450 : i32
      %parallel_loop3A_452 = arith.constant 1120 : i32
      %parallel_loop3A_453 = arith.addi %parallel_loop3A_355, %parallel_loop3A_452 : i32
      %parallel_loop3A_454 = arith.constant 2112 : i32
      %parallel_loop3A_455 = arith.addi %parallel_loop3A_355, %parallel_loop3A_454 : i32
      %parallel_loop3A_456 = arith.index_cast %parallel_loop3A_449 : i32 to index
      %parallel_loop3A_457 = tpu.vector_load %arg4[%parallel_loop3A_456] {strides = array<i32>} : memref<30720xf32, #tpu.memory_space<vmem>>, vector<16xf32>,
      %parallel_loop3A_458 = vector.shape_cast %parallel_loop3A_457 : vector<16xf32> to vector<16xf32>
      %parallel_loop3A_459 = arith.index_cast %parallel_loop3A_451 : i32 to index
      %parallel_loop3A_460 = tpu.vector_load %arg4[%parallel_loop3A_459] {strides = array<i32>} : memref<30720xf32, #tpu.memory_space<vmem>>, vector<16xf32>,
      %parallel_loop3A_461 = vector.shape_cast %parallel_loop3A_460 : vector<16xf32> to vector<16xf32>
      %parallel_loop3A_462 = arith.index_cast %parallel_loop3A_453 : i32 to index
      %parallel_loop3A_463 = tpu.vector_load %arg4[%parallel_loop3A_462] {strides = array<i32>} : memref<30720xf32, #tpu.memory_space<vmem>>, vector<16xf32>,
      %parallel_loop3A_464 = vector.shape_cast %parallel_loop3A_463 : vector<16xf32> to vector<16xf32>
      %parallel_loop3A_465 = arith.index_cast %parallel_loop3A_455 : i32 to index
      %parallel_loop3A_466 = tpu.vector_load %arg4[%parallel_loop3A_465] {strides = array<i32>} : memref<30720xf32, #tpu.memory_space<vmem>>, vector<16xf32>,
      %parallel_loop3A_467 = vector.shape_cast %parallel_loop3A_466 : vector<16xf32> to vector<16xf32>
      %parallel_loop3A_468 = arith.minimumf %parallel_loop3A_458, %parallel_loop3A_461 : vector<16xf32>
      %parallel_loop3A_469 = arith.maximumf %parallel_loop3A_458, %parallel_loop3A_461 : vector<16xf32>
      %parallel_loop3A_470 = arith.minimumf %parallel_loop3A_464, %parallel_loop3A_467 : vector<16xf32>
      %parallel_loop3A_471 = arith.maximumf %parallel_loop3A_464, %parallel_loop3A_467 : vector<16xf32>
      %parallel_loop3A_472 = arith.minimumf %parallel_loop3A_469, %parallel_loop3A_471 : vector<16xf32>
      %parallel_loop3A_473 = arith.maximumf %parallel_loop3A_468, %parallel_loop3A_470 : vector<16xf32>
      %parallel_loop3A_474 = arith.maximumf %parallel_loop3A_469, %parallel_loop3A_471 : vector<16xf32>
      %parallel_loop3A_475 = arith.index_cast %parallel_loop3A_449 : i32 to index
      %parallel_loop3A_476 = tpu.vector_load %arg4[%parallel_loop3A_475] {strides = array<i32>} : memref<30720xf32, #tpu.memory_space<vmem>>, vector<16xf32>,
      %parallel_loop3A_477 = vector.shape_cast %parallel_loop3A_476 : vector<16xf32> to vector<16xf32>
      %parallel_loop3A_478 = vector.shape_cast %parallel_loop3A_474 : vector<16xf32> to vector<16xf32>
      tpu.vector_store %arg4[%parallel_loop3A_475], %parallel_loop3A_478 {strides = array<i32>} : memref<30720xf32, #tpu.memory_space<vmem>>, vector<16xf32>,
      %parallel_loop3A_479 = arith.maximumf %parallel_loop3A_472, %parallel_loop3A_473 : vector<16xf32>
      %parallel_loop3A_480 = arith.index_cast %parallel_loop3A_451 : i32 to index
      %parallel_loop3A_481 = tpu.vector_load %arg4[%parallel_loop3A_480] {strides = array<i32>} : memref<30720xf32, #tpu.memory_space<vmem>>, vector<16xf32>,
      %parallel_loop3A_482 = vector.shape_cast %parallel_loop3A_481 : vector<16xf32> to vector<16xf32>
      %parallel_loop3A_483 = vector.shape_cast %parallel_loop3A_479 : vector<16xf32> to vector<16xf32>
      tpu.vector_store %arg4[%parallel_loop3A_480], %parallel_loop3A_483 {strides = array<i32>} : memref<30720xf32, #tpu.memory_space<vmem>>, vector<16xf32>,
      %parallel_loop3A_484 = arith.minimumf %parallel_loop3A_472, %parallel_loop3A_473 : vector<16xf32>
      %parallel_loop3A_485 = arith.index_cast %parallel_loop3A_453 : i32 to index
      %parallel_loop3A_486 = tpu.vector_load %arg4[%parallel_loop3A_485] {strides = array<i32>} : memref<30720xf32, #tpu.memory_space<vmem>>, vector<16xf32>,
      %parallel_loop3A_487 = vector.shape_cast %parallel_loop3A_486 : vector<16xf32> to vector<16xf32>
      %parallel_loop3A_488 = vector.shape_cast %parallel_loop3A_484 : vector<16xf32> to vector<16xf32>
      tpu.vector_store %arg4[%parallel_loop3A_485], %parallel_loop3A_488 {strides = array<i32>} : memref<30720xf32, #tpu.memory_space<vmem>>, vector<16xf32>,
      %parallel_loop3A_489 = arith.minimumf %parallel_loop3A_468, %parallel_loop3A_470 : vector<16xf32>
      %parallel_loop3A_490 = arith.index_cast %parallel_loop3A_455 : i32 to index
      %parallel_loop3A_491 = tpu.vector_load %arg4[%parallel_loop3A_490] {strides = array<i32>} : memref<30720xf32, #tpu.memory_space<vmem>>, vector<16xf32>,
      %parallel_loop3A_492 = vector.shape_cast %parallel_loop3A_491 : vector<16xf32> to vector<16xf32>
      %parallel_loop3A_493 = vector.shape_cast %parallel_loop3A_489 : vector<16xf32> to vector<16xf32>
      tpu.vector_store %arg4[%parallel_loop3A_490], %parallel_loop3A_493 {strides = array<i32>} : memref<30720xf32, #tpu.memory_space<vmem>>, vector<16xf32>,
      %parallel_loop3A_494 = arith.constant 48 : i32
      %parallel_loop3A_495 = arith.addi %parallel_loop3A_355, %parallel_loop3A_494 : i32
      %parallel_loop3A_496 = arith.constant 1040 : i32
      %parallel_loop3A_497 = arith.addi %parallel_loop3A_355, %parallel_loop3A_496 : i32
      %parallel_loop3A_498 = arith.constant 1136 : i32
      %parallel_loop3A_499 = arith.addi %parallel_loop3A_355, %parallel_loop3A_498 : i32
      %parallel_loop3A_500 = arith.constant 2128 : i32
      %parallel_loop3A_501 = arith.addi %parallel_loop3A_355, %parallel_loop3A_500 : i32
      %parallel_loop3A_502 = arith.index_cast %parallel_loop3A_495 : i32 to index
      %parallel_loop3A_503 = tpu.vector_load %arg4[%parallel_loop3A_502] {strides = array<i32>} : memref<30720xf32, #tpu.memory_space<vmem>>, vector<16xf32>,
      %parallel_loop3A_504 = vector.shape_cast %parallel_loop3A_503 : vector<16xf32> to vector<16xf32>
      %parallel_loop3A_505 = arith.index_cast %parallel_loop3A_497 : i32 to index
      %parallel_loop3A_506 = tpu.vector_load %arg4[%parallel_loop3A_505] {strides = array<i32>} : memref<30720xf32, #tpu.memory_space<vmem>>, vector<16xf32>,
      %parallel_loop3A_507 = vector.shape_cast %parallel_loop3A_506 : vector<16xf32> to vector<16xf32>
      %parallel_loop3A_508 = arith.index_cast %parallel_loop3A_499 : i32 to index
      %parallel_loop3A_509 = tpu.vector_load %arg4[%parallel_loop3A_508] {strides = array<i32>} : memref<30720xf32, #tpu.memory_space<vmem>>, vector<16xf32>,
      %parallel_loop3A_510 = vector.shape_cast %parallel_loop3A_509 : vector<16xf32> to vector<16xf32>
      %parallel_loop3A_511 = arith.index_cast %parallel_loop3A_501 : i32 to index
      %parallel_loop3A_512 = tpu.vector_load %arg4[%parallel_loop3A_511] {strides = array<i32>} : memref<30720xf32, #tpu.memory_space<vmem>>, vector<16xf32>,
      %parallel_loop3A_513 = vector.shape_cast %parallel_loop3A_512 : vector<16xf32> to vector<16xf32>
      %parallel_loop3A_514 = arith.minimumf %parallel_loop3A_504, %parallel_loop3A_507 : vector<16xf32>
      %parallel_loop3A_515 = arith.maximumf %parallel_loop3A_504, %parallel_loop3A_507 : vector<16xf32>
      %parallel_loop3A_516 = arith.minimumf %parallel_loop3A_510, %parallel_loop3A_513 : vector<16xf32>
      %parallel_loop3A_517 = arith.maximumf %parallel_loop3A_510, %parallel_loop3A_513 : vector<16xf32>
      %parallel_loop3A_518 = arith.minimumf %parallel_loop3A_515, %parallel_loop3A_517 : vector<16xf32>
      %parallel_loop3A_519 = arith.maximumf %parallel_loop3A_514, %parallel_loop3A_516 : vector<16xf32>
      %parallel_loop3A_520 = arith.maximumf %parallel_loop3A_515, %parallel_loop3A_517 : vector<16xf32>
      %parallel_loop3A_521 = arith.index_cast %parallel_loop3A_495 : i32 to index
      %parallel_loop3A_522 = tpu.vector_load %arg4[%parallel_loop3A_521] {strides = array<i32>} : memref<30720xf32, #tpu.memory_space<vmem>>, vector<16xf32>,
      %parallel_loop3A_523 = vector.shape_cast %parallel_loop3A_522 : vector<16xf32> to vector<16xf32>
      %parallel_loop3A_524 = vector.shape_cast %parallel_loop3A_520 : vector<16xf32> to vector<16xf32>
      tpu.vector_store %arg4[%parallel_loop3A_521], %parallel_loop3A_524 {strides = array<i32>} : memref<30720xf32, #tpu.memory_space<vmem>>, vector<16xf32>,
      %parallel_loop3A_525 = arith.maximumf %parallel_loop3A_518, %parallel_loop3A_519 : vector<16xf32>
      %parallel_loop3A_526 = arith.index_cast %parallel_loop3A_497 : i32 to index
      %parallel_loop3A_527 = tpu.vector_load %arg4[%parallel_loop3A_526] {strides = array<i32>} : memref<30720xf32, #tpu.memory_space<vmem>>, vector<16xf32>,
      %parallel_loop3A_528 = vector.shape_cast %parallel_loop3A_527 : vector<16xf32> to vector<16xf32>
      %parallel_loop3A_529 = vector.shape_cast %parallel_loop3A_525 : vector<16xf32> to vector<16xf32>
      tpu.vector_store %arg4[%parallel_loop3A_526], %parallel_loop3A_529 {strides = array<i32>} : memref<30720xf32, #tpu.memory_space<vmem>>, vector<16xf32>,
      %parallel_loop3A_530 = arith.minimumf %parallel_loop3A_518, %parallel_loop3A_519 : vector<16xf32>
      %parallel_loop3A_531 = arith.index_cast %parallel_loop3A_499 : i32 to index
      %parallel_loop3A_532 = tpu.vector_load %arg4[%parallel_loop3A_531] {strides = array<i32>} : memref<30720xf32, #tpu.memory_space<vmem>>, vector<16xf32>,
      %parallel_loop3A_533 = vector.shape_cast %parallel_loop3A_532 : vector<16xf32> to vector<16xf32>
      %parallel_loop3A_534 = vector.shape_cast %parallel_loop3A_530 : vector<16xf32> to vector<16xf32>
      tpu.vector_store %arg4[%parallel_loop3A_531], %parallel_loop3A_534 {strides = array<i32>} : memref<30720xf32, #tpu.memory_space<vmem>>, vector<16xf32>,
      %parallel_loop3A_535 = arith.minimumf %parallel_loop3A_514, %parallel_loop3A_516 : vector<16xf32>
      %parallel_loop3A_536 = arith.index_cast %parallel_loop3A_501 : i32 to index
      %parallel_loop3A_537 = tpu.vector_load %arg4[%parallel_loop3A_536] {strides = array<i32>} : memref<30720xf32, #tpu.memory_space<vmem>>, vector<16xf32>,
      %parallel_loop3A_538 = vector.shape_cast %parallel_loop3A_537 : vector<16xf32> to vector<16xf32>
      %parallel_loop3A_539 = vector.shape_cast %parallel_loop3A_535 : vector<16xf32> to vector<16xf32>
      tpu.vector_store %arg4[%parallel_loop3A_536], %parallel_loop3A_539 {strides = array<i32>} : memref<30720xf32, #tpu.memory_space<vmem>>, vector<16xf32>,
      %parallel_loop3A_540 = arith.constant 64 : i32
      %parallel_loop3A_541 = arith.addi %parallel_loop3A_355, %parallel_loop3A_540 : i32
      %parallel_loop3A_542 = arith.constant 1056 : i32
      %parallel_loop3A_543 = arith.addi %parallel_loop3A_355, %parallel_loop3A_542 : i32
      %parallel_loop3A_544 = arith.constant 2048 : i32
      %parallel_loop3A_545 = arith.addi %parallel_loop3A_355, %parallel_loop3A_544 : i32
      %parallel_loop3A_546 = arith.constant 2144 : i32
      %parallel_loop3A_547 = arith.addi %parallel_loop3A_355, %parallel_loop3A_546 : i32
      %parallel_loop3A_548 = arith.index_cast %parallel_loop3A_541 : i32 to index
      %parallel_loop3A_549 = tpu.vector_load %arg4[%parallel_loop3A_548] {strides = array<i32>} : memref<30720xf32, #tpu.memory_space<vmem>>, vector<16xf32>,
      %parallel_loop3A_550 = vector.shape_cast %parallel_loop3A_549 : vector<16xf32> to vector<16xf32>
      %parallel_loop3A_551 = arith.index_cast %parallel_loop3A_543 : i32 to index
      %parallel_loop3A_552 = tpu.vector_load %arg4[%parallel_loop3A_551] {strides = array<i32>} : memref<30720xf32, #tpu.memory_space<vmem>>, vector<16xf32>,
      %parallel_loop3A_553 = vector.shape_cast %parallel_loop3A_552 : vector<16xf32> to vector<16xf32>
      %parallel_loop3A_554 = arith.index_cast %parallel_loop3A_545 : i32 to index
      %parallel_loop3A_555 = tpu.vector_load %arg4[%parallel_loop3A_554] {strides = array<i32>} : memref<30720xf32, #tpu.memory_space<vmem>>, vector<16xf32>,
      %parallel_loop3A_556 = vector.shape_cast %parallel_loop3A_555 : vector<16xf32> to vector<16xf32>
      %parallel_loop3A_557 = arith.index_cast %parallel_loop3A_547 : i32 to index
      %parallel_loop3A_558 = tpu.vector_load %arg4[%parallel_loop3A_557] {strides = array<i32>} : memref<30720xf32, #tpu.memory_space<vmem>>, vector<16xf32>,
      %parallel_loop3A_559 = vector.shape_cast %parallel_loop3A_558 : vector<16xf32> to vector<16xf32>
      %parallel_loop3A_560 = arith.minimumf %parallel_loop3A_550, %parallel_loop3A_553 : vector<16xf32>
      %parallel_loop3A_561 = arith.maximumf %parallel_loop3A_550, %parallel_loop3A_553 : vector<16xf32>
      %parallel_loop3A_562 = arith.minimumf %parallel_loop3A_556, %parallel_loop3A_559 : vector<16xf32>
      %parallel_loop3A_563 = arith.maximumf %parallel_loop3A_556, %parallel_loop3A_559 : vector<16xf32>
      %parallel_loop3A_564 = arith.minimumf %parallel_loop3A_561, %parallel_loop3A_563 : vector<16xf32>
      %parallel_loop3A_565 = arith.maximumf %parallel_loop3A_560, %parallel_loop3A_562 : vector<16xf32>
      %parallel_loop3A_566 = arith.maximumf %parallel_loop3A_561, %parallel_loop3A_563 : vector<16xf32>
      %parallel_loop3A_567 = arith.index_cast %parallel_loop3A_541 : i32 to index
      %parallel_loop3A_568 = tpu.vector_load %arg4[%parallel_loop3A_567] {strides = array<i32>} : memref<30720xf32, #tpu.memory_space<vmem>>, vector<16xf32>,
      %parallel_loop3A_569 = vector.shape_cast %parallel_loop3A_568 : vector<16xf32> to vector<16xf32>
      %parallel_loop3A_570 = vector.shape_cast %parallel_loop3A_566 : vector<16xf32> to vector<16xf32>
      tpu.vector_store %arg4[%parallel_loop3A_567], %parallel_loop3A_570 {strides = array<i32>} : memref<30720xf32, #tpu.memory_space<vmem>>, vector<16xf32>,
      %parallel_loop3A_571 = arith.maximumf %parallel_loop3A_564, %parallel_loop3A_565 : vector<16xf32>
      %parallel_loop3A_572 = arith.index_cast %parallel_loop3A_543 : i32 to index
      %parallel_loop3A_573 = tpu.vector_load %arg4[%parallel_loop3A_572] {strides = array<i32>} : memref<30720xf32, #tpu.memory_space<vmem>>, vector<16xf32>,
      %parallel_loop3A_574 = vector.shape_cast %parallel_loop3A_573 : vector<16xf32> to vector<16xf32>
      %parallel_loop3A_575 = vector.shape_cast %parallel_loop3A_571 : vector<16xf32> to vector<16xf32>
      tpu.vector_store %arg4[%parallel_loop3A_572], %parallel_loop3A_575 {strides = array<i32>} : memref<30720xf32, #tpu.memory_space<vmem>>, vector<16xf32>,
      %parallel_loop3A_576 = arith.minimumf %parallel_loop3A_564, %parallel_loop3A_565 : vector<16xf32>
      %parallel_loop3A_577 = arith.index_cast %parallel_loop3A_545 : i32 to index
      %parallel_loop3A_578 = tpu.vector_load %arg4[%parallel_loop3A_577] {strides = array<i32>} : memref<30720xf32, #tpu.memory_space<vmem>>, vector<16xf32>,
      %parallel_loop3A_579 = vector.shape_cast %parallel_loop3A_578 : vector<16xf32> to vector<16xf32>
      %parallel_loop3A_580 = vector.shape_cast %parallel_loop3A_576 : vector<16xf32> to vector<16xf32>
      tpu.vector_store %arg4[%parallel_loop3A_577], %parallel_loop3A_580 {strides = array<i32>} : memref<30720xf32, #tpu.memory_space<vmem>>, vector<16xf32>,
      %parallel_loop3A_581 = arith.minimumf %parallel_loop3A_560, %parallel_loop3A_562 : vector<16xf32>
      %parallel_loop3A_582 = arith.index_cast %parallel_loop3A_547 : i32 to index
      %parallel_loop3A_583 = tpu.vector_load %arg4[%parallel_loop3A_582] {strides = array<i32>} : memref<30720xf32, #tpu.memory_space<vmem>>, vector<16xf32>,
      %parallel_loop3A_584 = vector.shape_cast %parallel_loop3A_583 : vector<16xf32> to vector<16xf32>
      %parallel_loop3A_585 = vector.shape_cast %parallel_loop3A_581 : vector<16xf32> to vector<16xf32>
      tpu.vector_store %arg4[%parallel_loop3A_582], %parallel_loop3A_585 {strides = array<i32>} : memref<30720xf32, #tpu.memory_space<vmem>>, vector<16xf32>,
      %parallel_loop3A_586 = arith.constant 80 : i32
      %parallel_loop3A_587 = arith.addi %parallel_loop3A_355, %parallel_loop3A_586 : i32
      %parallel_loop3A_588 = arith.constant 1072 : i32
      %parallel_loop3A_589 = arith.addi %parallel_loop3A_355, %parallel_loop3A_588 : i32
      %parallel_loop3A_590 = arith.constant 2064 : i32
      %parallel_loop3A_591 = arith.addi %parallel_loop3A_355, %parallel_loop3A_590 : i32
      %parallel_loop3A_592 = arith.constant 2160 : i32
      %parallel_loop3A_593 = arith.addi %parallel_loop3A_355, %parallel_loop3A_592 : i32
      %parallel_loop3A_594 = arith.index_cast %parallel_loop3A_587 : i32 to index
      %parallel_loop3A_595 = tpu.vector_load %arg4[%parallel_loop3A_594] {strides = array<i32>} : memref<30720xf32, #tpu.memory_space<vmem>>, vector<16xf32>,
      %parallel_loop3A_596 = vector.shape_cast %parallel_loop3A_595 : vector<16xf32> to vector<16xf32>
      %parallel_loop3A_597 = arith.index_cast %parallel_loop3A_589 : i32 to index
      %parallel_loop3A_598 = tpu.vector_load %arg4[%parallel_loop3A_597] {strides = array<i32>} : memref<30720xf32, #tpu.memory_space<vmem>>, vector<16xf32>,
      %parallel_loop3A_599 = vector.shape_cast %parallel_loop3A_598 : vector<16xf32> to vector<16xf32>
      %parallel_loop3A_600 = arith.index_cast %parallel_loop3A_591 : i32 to index
      %parallel_loop3A_601 = tpu.vector_load %arg4[%parallel_loop3A_600] {strides = array<i32>} : memref<30720xf32, #tpu.memory_space<vmem>>, vector<16xf32>,
      %parallel_loop3A_602 = vector.shape_cast %parallel_loop3A_601 : vector<16xf32> to vector<16xf32>
      %parallel_loop3A_603 = arith.index_cast %parallel_loop3A_593 : i32 to index
      %parallel_loop3A_604 = tpu.vector_load %arg4[%parallel_loop3A_603] {strides = array<i32>} : memref<30720xf32, #tpu.memory_space<vmem>>, vector<16xf32>,
      %parallel_loop3A_605 = vector.shape_cast %parallel_loop3A_604 : vector<16xf32> to vector<16xf32>
      %parallel_loop3A_606 = arith.minimumf %parallel_loop3A_596, %parallel_loop3A_599 : vector<16xf32>
      %parallel_loop3A_607 = arith.maximumf %parallel_loop3A_596, %parallel_loop3A_599 : vector<16xf32>
      %parallel_loop3A_608 = arith.minimumf %parallel_loop3A_602, %parallel_loop3A_605 : vector<16xf32>
      %parallel_loop3A_609 = arith.maximumf %parallel_loop3A_602, %parallel_loop3A_605 : vector<16xf32>
      %parallel_loop3A_610 = arith.minimumf %parallel_loop3A_607, %parallel_loop3A_609 : vector<16xf32>
      %parallel_loop3A_611 = arith.maximumf %parallel_loop3A_606, %parallel_loop3A_608 : vector<16xf32>
      %parallel_loop3A_612 = arith.maximumf %parallel_loop3A_607, %parallel_loop3A_609 : vector<16xf32>
      %parallel_loop3A_613 = arith.index_cast %parallel_loop3A_587 : i32 to index
      %parallel_loop3A_614 = tpu.vector_load %arg4[%parallel_loop3A_613] {strides = array<i32>} : memref<30720xf32, #tpu.memory_space<vmem>>, vector<16xf32>,
      %parallel_loop3A_615 = vector.shape_cast %parallel_loop3A_614 : vector<16xf32> to vector<16xf32>
      %parallel_loop3A_616 = vector.shape_cast %parallel_loop3A_612 : vector<16xf32> to vector<16xf32>
      tpu.vector_store %arg4[%parallel_loop3A_613], %parallel_loop3A_616 {strides = array<i32>} : memref<30720xf32, #tpu.memory_space<vmem>>, vector<16xf32>,
      %parallel_loop3A_617 = arith.maximumf %parallel_loop3A_610, %parallel_loop3A_611 : vector<16xf32>
      %parallel_loop3A_618 = arith.index_cast %parallel_loop3A_589 : i32 to index
      %parallel_loop3A_619 = tpu.vector_load %arg4[%parallel_loop3A_618] {strides = array<i32>} : memref<30720xf32, #tpu.memory_space<vmem>>, vector<16xf32>,
      %parallel_loop3A_620 = vector.shape_cast %parallel_loop3A_619 : vector<16xf32> to vector<16xf32>
      %parallel_loop3A_621 = vector.shape_cast %parallel_loop3A_617 : vector<16xf32> to vector<16xf32>
      tpu.vector_store %arg4[%parallel_loop3A_618], %parallel_loop3A_621 {strides = array<i32>} : memref<30720xf32, #tpu.memory_space<vmem>>, vector<16xf32>,
      %parallel_loop3A_622 = arith.minimumf %parallel_loop3A_610, %parallel_loop3A_611 : vector<16xf32>
      %parallel_loop3A_623 = arith.index_cast %parallel_loop3A_591 : i32 to index
      %parallel_loop3A_624 = tpu.vector_load %arg4[%parallel_loop3A_623] {strides = array<i32>} : memref<30720xf32, #tpu.memory_space<vmem>>, vector<16xf32>,
      %parallel_loop3A_625 = vector.shape_cast %parallel_loop3A_624 : vector<16xf32> to vector<16xf32>
      %parallel_loop3A_626 = vector.shape_cast %parallel_loop3A_622 : vector<16xf32> to vector<16xf32>
      tpu.vector_store %arg4[%parallel_loop3A_623], %parallel_loop3A_626 {strides = array<i32>} : memref<30720xf32, #tpu.memory_space<vmem>>, vector<16xf32>,
      %parallel_loop3A_627 = arith.minimumf %parallel_loop3A_606, %parallel_loop3A_608 : vector<16xf32>
      %parallel_loop3A_628 = arith.index_cast %parallel_loop3A_593 : i32 to index
      %parallel_loop3A_629 = tpu.vector_load %arg4[%parallel_loop3A_628] {strides = array<i32>} : memref<30720xf32, #tpu.memory_space<vmem>>, vector<16xf32>,
      %parallel_loop3A_630 = vector.shape_cast %parallel_loop3A_629 : vector<16xf32> to vector<16xf32>
      %parallel_loop3A_631 = vector.shape_cast %parallel_loop3A_627 : vector<16xf32> to vector<16xf32>
      tpu.vector_store %arg4[%parallel_loop3A_628], %parallel_loop3A_631 {strides = array<i32>} : memref<30720xf32, #tpu.memory_space<vmem>>, vector<16xf32>,
    } {sc.loop_unroll_factor = 1 : i64, sc.parallel_access}
    %add3A_25 = arith.constant 0 : i32
    %add3A_26 = arith.addi %mul3A_2, %add3A_25 : i32
    %dma_start3A_27 = arith.constant 0 : i32
    %dma_start3A_28 = tpu.memref_slice %arg4[%dma_start3A_27] : memref<30720xf32, #tpu.memory_space<vmem>> -> memref<30720xf32, #tpu.memory_space<vmem>>
    %dma_start3A_29 = tpu.memref_slice %arg3[%add3A_26] : memref<9633792xf32, #tpu.memory_space<hbm>> -> memref<30720xf32, #tpu.memory_space<hbm>>
    %dma_start3A_30 = tpu.memref_slice %arg3[%add3A_26] : memref<9633792xf32, #tpu.memory_space<hbm>> -> memref<30720xf32, #tpu.memory_space<hbm>>
    %dma_start3A_31 = arith.constant 0 : i32
    %dma_start3A_32 = tpu.memref_slice %arg4[%dma_start3A_31] : memref<30720xf32, #tpu.memory_space<vmem>> -> memref<30720xf32, #tpu.memory_space<vmem>>
    tpu.enqueue_dma source(%dma_start3A_32 : memref<30720xf32, #tpu.memory_space<vmem>>) target(%dma_start3A_30 : memref<30720xf32, #tpu.memory_space<hbm>>) target_semaphore(%arg10 : memref<!tpu.dma_semaphore, #tpu.memory_space<semaphore_mem>>)
    %add3A_33 = arith.constant 61440 : i32
    %add3A_34 = arith.addi %mul3A_2, %add3A_33 : i32
    %dma_start3A_35 = arith.constant 0 : i32
    %dma_start3A_36 = tpu.memref_slice %arg6[%dma_start3A_35] : memref<30720xf32, #tpu.memory_space<vmem>> -> memref<30720xf32, #tpu.memory_space<vmem>>
    %dma_start3A_37 = tpu.memref_slice %arg2[%add3A_34] : memref<9633792xf32, #tpu.memory_space<hbm>> -> memref<30720xf32, #tpu.memory_space<hbm>>
    %dma_start3A_38 = arith.constant 0 : i32
    %dma_start3A_39 = tpu.memref_slice %arg6[%dma_start3A_38] : memref<30720xf32, #tpu.memory_space<vmem>> -> memref<30720xf32, #tpu.memory_space<vmem>>
    %dma_start3A_40 = tpu.memref_slice %arg2[%add3A_34] : memref<9633792xf32, #tpu.memory_space<hbm>> -> memref<30720xf32, #tpu.memory_space<hbm>>
    tpu.enqueue_dma source(%dma_start3A_40 : memref<30720xf32, #tpu.memory_space<hbm>>) target(%dma_start3A_39 : memref<30720xf32, #tpu.memory_space<vmem>>) target_semaphore(%arg9 : memref<!tpu.dma_semaphore, #tpu.memory_space<semaphore_mem>>)
    %dma_wait3A_41 = arith.constant 0 : i32
    %dma_wait3A_42 = tpu.memref_slice %arg5[%dma_wait3A_41] : memref<30720xf32, #tpu.memory_space<vmem>> -> memref<30720xf32, #tpu.memory_space<vmem>>
    %dma_wait3A_43 = tpu.memref_slice %arg2[%add3A_11] : memref<9633792xf32, #tpu.memory_space<hbm>> -> memref<30720xf32, #tpu.memory_space<hbm>>
    %dma_wait3A_44 = arith.constant 0 : i32
    %dma_wait3A_45 = tpu.memref_slice %arg5[%dma_wait3A_44] : memref<30720xf32, #tpu.memory_space<vmem>> -> memref<30720xf32, #tpu.memory_space<vmem>>
    %dma_wait3A_46 = tpu.memref_slice %arg2[%add3A_11] : memref<9633792xf32, #tpu.memory_space<hbm>> -> memref<30720xf32, #tpu.memory_space<hbm>>
    tpu.wait_dma2 semaphore(%arg8 : memref<!tpu.dma_semaphore, #tpu.memory_space<semaphore_mem>>) src(%dma_wait3A_46 : memref<30720xf32, #tpu.memory_space<hbm>>) dst(%dma_wait3A_45 : memref<30720xf32, #tpu.memory_space<vmem>>)
    %parallel_loop3A_47 = arith.constant 0 : i32
    %parallel_loop3A_48 = arith.constant 80 : i32
    %parallel_loop3A_49 = arith.constant 1 : i32
    scf.for %parallel_loop3A_310 = %parallel_loop3A_47 to %parallel_loop3A_48 step %parallel_loop3A_49  : i32 {
      %parallel_loop3A_311 = arith.constant 8 : i32
      %parallel_loop3A_312 = arith.divsi %parallel_loop3A_310, %parallel_loop3A_311 : i32
      %parallel_loop3A_313 = arith.constant 0 : i32
      %parallel_loop3A_314 = arith.cmpi sgt, %parallel_loop3A_310, %parallel_loop3A_313 : i32
      %parallel_loop3A_315 = arith.extui %parallel_loop3A_314 : i1 to i32
      %parallel_loop3A_316 = arith.constant 0 : i32
      %parallel_loop3A_317 = arith.cmpi slt, %parallel_loop3A_310, %parallel_loop3A_316 : i32
      %parallel_loop3A_318 = arith.extui %parallel_loop3A_317 : i1 to i32
      %parallel_loop3A_319 = arith.subi %parallel_loop3A_315, %parallel_loop3A_318 : i32
      %parallel_loop3A_320 = arith.constant 0 : i32
      %parallel_loop3A_321 = arith.cmpi sgt, %parallel_loop3A_311, %parallel_loop3A_320 : i32
      %parallel_loop3A_322 = arith.extui %parallel_loop3A_321 : i1 to i32
      %parallel_loop3A_323 = arith.constant 0 : i32
      %parallel_loop3A_324 = arith.cmpi slt, %parallel_loop3A_311, %parallel_loop3A_323 : i32
      %parallel_loop3A_325 = arith.extui %parallel_loop3A_324 : i1 to i32
      %parallel_loop3A_326 = arith.subi %parallel_loop3A_322, %parallel_loop3A_325 : i32
      %parallel_loop3A_327 = arith.cmpi ne, %parallel_loop3A_319, %parallel_loop3A_326 : i32
      %parallel_loop3A_328 = arith.remsi %parallel_loop3A_310, %parallel_loop3A_311 : i32
      %parallel_loop3A_329 = arith.constant 0 : i32
      %parallel_loop3A_330 = arith.cmpi ne, %parallel_loop3A_328, %parallel_loop3A_329 : i32
      %parallel_loop3A_331 = arith.andi %parallel_loop3A_327, %parallel_loop3A_330 : i1
      %parallel_loop3A_332 = arith.constant 1 : i32
      %parallel_loop3A_333 = arith.subi %parallel_loop3A_312, %parallel_loop3A_332 : i32
      %parallel_loop3A_334 = arith.select %parallel_loop3A_331, %parallel_loop3A_333, %parallel_loop3A_312 : i32
      %parallel_loop3A_335 = arith.constant 3072 : i32
      %parallel_loop3A_336 = arith.muli %parallel_loop3A_334, %parallel_loop3A_335 : i32
      %parallel_loop3A_337 = arith.constant 8 : i32
      %parallel_loop3A_338 = arith.constant 0 : i32
      %parallel_loop3A_339 = arith.cmpi eq, %parallel_loop3A_337, %parallel_loop3A_338 : i32
      %parallel_loop3A_340 = arith.constant 1 : i32
      %parallel_loop3A_341 = arith.select %parallel_loop3A_339, %parallel_loop3A_340, %parallel_loop3A_337 : i32
      %parallel_loop3A_342 = arith.remsi %parallel_loop3A_310, %parallel_loop3A_341 : i32
      %parallel_loop3A_343 = arith.constant 0 : i32
      %parallel_loop3A_344 = arith.cmpi ne, %parallel_loop3A_342, %parallel_loop3A_343 : i32
      %parallel_loop3A_345 = arith.constant 0 : i32
      %parallel_loop3A_346 = arith.cmpi slt, %parallel_loop3A_342, %parallel_loop3A_345 : i32
      %parallel_loop3A_347 = arith.constant 0 : i32
      %parallel_loop3A_348 = arith.cmpi slt, %parallel_loop3A_341, %parallel_loop3A_347 : i32
      %parallel_loop3A_349 = arith.xori %parallel_loop3A_346, %parallel_loop3A_348 : i1
      %parallel_loop3A_350 = arith.andi %parallel_loop3A_349, %parallel_loop3A_344 : i1
      %parallel_loop3A_351 = arith.addi %parallel_loop3A_342, %parallel_loop3A_341 : i32
      %parallel_loop3A_352 = arith.select %parallel_loop3A_350, %parallel_loop3A_351, %parallel_loop3A_342 : i32
      %parallel_loop3A_353 = arith.constant 128 : i32
      %parallel_loop3A_354 = arith.muli %parallel_loop3A_352, %parallel_loop3A_353 : i32
      %parallel_loop3A_355 = arith.addi %parallel_loop3A_336, %parallel_loop3A_354 : i32
      %parallel_loop3A_356 = arith.constant 0 : i32
      %parallel_loop3A_357 = arith.addi %parallel_loop3A_355, %parallel_loop3A_356 : i32
      %parallel_loop3A_358 = arith.constant 96 : i32
      %parallel_loop3A_359 = arith.addi %parallel_loop3A_355, %parallel_loop3A_358 : i32
      %parallel_loop3A_360 = arith.constant 1088 : i32
      %parallel_loop3A_361 = arith.addi %parallel_loop3A_355, %parallel_loop3A_360 : i32
      %parallel_loop3A_362 = arith.constant 2080 : i32
      %parallel_loop3A_363 = arith.addi %parallel_loop3A_355, %parallel_loop3A_362 : i32
      %parallel_loop3A_364 = arith.index_cast %parallel_loop3A_357 : i32 to index
      %parallel_loop3A_365 = tpu.vector_load %arg5[%parallel_loop3A_364] {strides = array<i32>} : memref<30720xf32, #tpu.memory_space<vmem>>, vector<16xf32>,
      %parallel_loop3A_366 = vector.shape_cast %parallel_loop3A_365 : vector<16xf32> to vector<16xf32>
      %parallel_loop3A_367 = arith.index_cast %parallel_loop3A_359 : i32 to index
      %parallel_loop3A_368 = tpu.vector_load %arg5[%parallel_loop3A_367] {strides = array<i32>} : memref<30720xf32, #tpu.memory_space<vmem>>, vector<16xf32>,
      %parallel_loop3A_369 = vector.shape_cast %parallel_loop3A_368 : vector<16xf32> to vector<16xf32>
      %parallel_loop3A_370 = arith.index_cast %parallel_loop3A_361 : i32 to index
      %parallel_loop3A_371 = tpu.vector_load %arg5[%parallel_loop3A_370] {strides = array<i32>} : memref<30720xf32, #tpu.memory_space<vmem>>, vector<16xf32>,
      %parallel_loop3A_372 = vector.shape_cast %parallel_loop3A_371 : vector<16xf32> to vector<16xf32>
      %parallel_loop3A_373 = arith.index_cast %parallel_loop3A_363 : i32 to index
      %parallel_loop3A_374 = tpu.vector_load %arg5[%parallel_loop3A_373] {strides = array<i32>} : memref<30720xf32, #tpu.memory_space<vmem>>, vector<16xf32>,
      %parallel_loop3A_375 = vector.shape_cast %parallel_loop3A_374 : vector<16xf32> to vector<16xf32>
      %parallel_loop3A_376 = arith.minimumf %parallel_loop3A_366, %parallel_loop3A_369 : vector<16xf32>
      %parallel_loop3A_377 = arith.maximumf %parallel_loop3A_366, %parallel_loop3A_369 : vector<16xf32>
      %parallel_loop3A_378 = arith.minimumf %parallel_loop3A_372, %parallel_loop3A_375 : vector<16xf32>
      %parallel_loop3A_379 = arith.maximumf %parallel_loop3A_372, %parallel_loop3A_375 : vector<16xf32>
      %parallel_loop3A_380 = arith.minimumf %parallel_loop3A_377, %parallel_loop3A_379 : vector<16xf32>
      %parallel_loop3A_381 = arith.maximumf %parallel_loop3A_376, %parallel_loop3A_378 : vector<16xf32>
      %parallel_loop3A_382 = arith.maximumf %parallel_loop3A_377, %parallel_loop3A_379 : vector<16xf32>
      %parallel_loop3A_383 = arith.index_cast %parallel_loop3A_357 : i32 to index
      %parallel_loop3A_384 = tpu.vector_load %arg5[%parallel_loop3A_383] {strides = array<i32>} : memref<30720xf32, #tpu.memory_space<vmem>>, vector<16xf32>,
      %parallel_loop3A_385 = vector.shape_cast %parallel_loop3A_384 : vector<16xf32> to vector<16xf32>
      %parallel_loop3A_386 = vector.shape_cast %parallel_loop3A_382 : vector<16xf32> to vector<16xf32>
      tpu.vector_store %arg5[%parallel_loop3A_383], %parallel_loop3A_386 {strides = array<i32>} : memref<30720xf32, #tpu.memory_space<vmem>>, vector<16xf32>,
      %parallel_loop3A_387 = arith.maximumf %parallel_loop3A_380, %parallel_loop3A_381 : vector<16xf32>
      %parallel_loop3A_388 = arith.index_cast %parallel_loop3A_359 : i32 to index
      %parallel_loop3A_389 = tpu.vector_load %arg5[%parallel_loop3A_388] {strides = array<i32>} : memref<30720xf32, #tpu.memory_space<vmem>>, vector<16xf32>,
      %parallel_loop3A_390 = vector.shape_cast %parallel_loop3A_389 : vector<16xf32> to vector<16xf32>
      %parallel_loop3A_391 = vector.shape_cast %parallel_loop3A_387 : vector<16xf32> to vector<16xf32>
      tpu.vector_store %arg5[%parallel_loop3A_388], %parallel_loop3A_391 {strides = array<i32>} : memref<30720xf32, #tpu.memory_space<vmem>>, vector<16xf32>,
      %parallel_loop3A_392 = arith.minimumf %parallel_loop3A_380, %parallel_loop3A_381 : vector<16xf32>
      %parallel_loop3A_393 = arith.index_cast %parallel_loop3A_361 : i32 to index
      %parallel_loop3A_394 = tpu.vector_load %arg5[%parallel_loop3A_393] {strides = array<i32>} : memref<30720xf32, #tpu.memory_space<vmem>>, vector<16xf32>,
      %parallel_loop3A_395 = vector.shape_cast %parallel_loop3A_394 : vector<16xf32> to vector<16xf32>
      %parallel_loop3A_396 = vector.shape_cast %parallel_loop3A_392 : vector<16xf32> to vector<16xf32>
      tpu.vector_store %arg5[%parallel_loop3A_393], %parallel_loop3A_396 {strides = array<i32>} : memref<30720xf32, #tpu.memory_space<vmem>>, vector<16xf32>,
      %parallel_loop3A_397 = arith.minimumf %parallel_loop3A_376, %parallel_loop3A_378 : vector<16xf32>
      %parallel_loop3A_398 = arith.index_cast %parallel_loop3A_363 : i32 to index
      %parallel_loop3A_399 = tpu.vector_load %arg5[%parallel_loop3A_398] {strides = array<i32>} : memref<30720xf32, #tpu.memory_space<vmem>>, vector<16xf32>,
      %parallel_loop3A_400 = vector.shape_cast %parallel_loop3A_399 : vector<16xf32> to vector<16xf32>
      %parallel_loop3A_401 = vector.shape_cast %parallel_loop3A_397 : vector<16xf32> to vector<16xf32>
      tpu.vector_store %arg5[%parallel_loop3A_398], %parallel_loop3A_401 {strides = array<i32>} : memref<30720xf32, #tpu.memory_space<vmem>>, vector<16xf32>,
      %parallel_loop3A_402 = arith.constant 16 : i32
      %parallel_loop3A_403 = arith.addi %parallel_loop3A_355, %parallel_loop3A_402 : i32
      %parallel_loop3A_404 = arith.constant 112 : i32
      %parallel_loop3A_405 = arith.addi %parallel_loop3A_355, %parallel_loop3A_404 : i32
      %parallel_loop3A_406 = arith.constant 1104 : i32
      %parallel_loop3A_407 = arith.addi %parallel_loop3A_355, %parallel_loop3A_406 : i32
      %parallel_loop3A_408 = arith.constant 2096 : i32
      %parallel_loop3A_409 = arith.addi %parallel_loop3A_355, %parallel_loop3A_408 : i32
      %parallel_loop3A_410 = arith.index_cast %parallel_loop3A_403 : i32 to index
      %parallel_loop3A_411 = tpu.vector_load %arg5[%parallel_loop3A_410] {strides = array<i32>} : memref<30720xf32, #tpu.memory_space<vmem>>, vector<16xf32>,
      %parallel_loop3A_412 = vector.shape_cast %parallel_loop3A_411 : vector<16xf32> to vector<16xf32>
      %parallel_loop3A_413 = arith.index_cast %parallel_loop3A_405 : i32 to index
      %parallel_loop3A_414 = tpu.vector_load %arg5[%parallel_loop3A_413] {strides = array<i32>} : memref<30720xf32, #tpu.memory_space<vmem>>, vector<16xf32>,
      %parallel_loop3A_415 = vector.shape_cast %parallel_loop3A_414 : vector<16xf32> to vector<16xf32>
      %parallel_loop3A_416 = arith.index_cast %parallel_loop3A_407 : i32 to index
      %parallel_loop3A_417 = tpu.vector_load %arg5[%parallel_loop3A_416] {strides = array<i32>} : memref<30720xf32, #tpu.memory_space<vmem>>, vector<16xf32>,
      %parallel_loop3A_418 = vector.shape_cast %parallel_loop3A_417 : vector<16xf32> to vector<16xf32>
      %parallel_loop3A_419 = arith.index_cast %parallel_loop3A_409 : i32 to index
      %parallel_loop3A_420 = tpu.vector_load %arg5[%parallel_loop3A_419] {strides = array<i32>} : memref<30720xf32, #tpu.memory_space<vmem>>, vector<16xf32>,
      %parallel_loop3A_421 = vector.shape_cast %parallel_loop3A_420 : vector<16xf32> to vector<16xf32>
      %parallel_loop3A_422 = arith.minimumf %parallel_loop3A_412, %parallel_loop3A_415 : vector<16xf32>
      %parallel_loop3A_423 = arith.maximumf %parallel_loop3A_412, %parallel_loop3A_415 : vector<16xf32>
      %parallel_loop3A_424 = arith.minimumf %parallel_loop3A_418, %parallel_loop3A_421 : vector<16xf32>
      %parallel_loop3A_425 = arith.maximumf %parallel_loop3A_418, %parallel_loop3A_421 : vector<16xf32>
      %parallel_loop3A_426 = arith.minimumf %parallel_loop3A_423, %parallel_loop3A_425 : vector<16xf32>
      %parallel_loop3A_427 = arith.maximumf %parallel_loop3A_422, %parallel_loop3A_424 : vector<16xf32>
      %parallel_loop3A_428 = arith.maximumf %parallel_loop3A_423, %parallel_loop3A_425 : vector<16xf32>
      %parallel_loop3A_429 = arith.index_cast %parallel_loop3A_403 : i32 to index
      %parallel_loop3A_430 = tpu.vector_load %arg5[%parallel_loop3A_429] {strides = array<i32>} : memref<30720xf32, #tpu.memory_space<vmem>>, vector<16xf32>,
      %parallel_loop3A_431 = vector.shape_cast %parallel_loop3A_430 : vector<16xf32> to vector<16xf32>
      %parallel_loop3A_432 = vector.shape_cast %parallel_loop3A_428 : vector<16xf32> to vector<16xf32>
      tpu.vector_store %arg5[%parallel_loop3A_429], %parallel_loop3A_432 {strides = array<i32>} : memref<30720xf32, #tpu.memory_space<vmem>>, vector<16xf32>,
      %parallel_loop3A_433 = arith.maximumf %parallel_loop3A_426, %parallel_loop3A_427 : vector<16xf32>
      %parallel_loop3A_434 = arith.index_cast %parallel_loop3A_405 : i32 to index
      %parallel_loop3A_435 = tpu.vector_load %arg5[%parallel_loop3A_434] {strides = array<i32>} : memref<30720xf32, #tpu.memory_space<vmem>>, vector<16xf32>,
      %parallel_loop3A_436 = vector.shape_cast %parallel_loop3A_435 : vector<16xf32> to vector<16xf32>
      %parallel_loop3A_437 = vector.shape_cast %parallel_loop3A_433 : vector<16xf32> to vector<16xf32>
      tpu.vector_store %arg5[%parallel_loop3A_434], %parallel_loop3A_437 {strides = array<i32>} : memref<30720xf32, #tpu.memory_space<vmem>>, vector<16xf32>,
      %parallel_loop3A_438 = arith.minimumf %parallel_loop3A_426, %parallel_loop3A_427 : vector<16xf32>
      %parallel_loop3A_439 = arith.index_cast %parallel_loop3A_407 : i32 to index
      %parallel_loop3A_440 = tpu.vector_load %arg5[%parallel_loop3A_439] {strides = array<i32>} : memref<30720xf32, #tpu.memory_space<vmem>>, vector<16xf32>,
      %parallel_loop3A_441 = vector.shape_cast %parallel_loop3A_440 : vector<16xf32> to vector<16xf32>
      %parallel_loop3A_442 = vector.shape_cast %parallel_loop3A_438 : vector<16xf32> to vector<16xf32>
      tpu.vector_store %arg5[%parallel_loop3A_439], %parallel_loop3A_442 {strides = array<i32>} : memref<30720xf32, #tpu.memory_space<vmem>>, vector<16xf32>,
      %parallel_loop3A_443 = arith.minimumf %parallel_loop3A_422, %parallel_loop3A_424 : vector<16xf32>
      %parallel_loop3A_444 = arith.index_cast %parallel_loop3A_409 : i32 to index
      %parallel_loop3A_445 = tpu.vector_load %arg5[%parallel_loop3A_444] {strides = array<i32>} : memref<30720xf32, #tpu.memory_space<vmem>>, vector<16xf32>,
      %parallel_loop3A_446 = vector.shape_cast %parallel_loop3A_445 : vector<16xf32> to vector<16xf32>
      %parallel_loop3A_447 = vector.shape_cast %parallel_loop3A_443 : vector<16xf32> to vector<16xf32>
      tpu.vector_store %arg5[%parallel_loop3A_444], %parallel_loop3A_447 {strides = array<i32>} : memref<30720xf32, #tpu.memory_space<vmem>>, vector<16xf32>,
      %parallel_loop3A_448 = arith.constant 32 : i32
      %parallel_loop3A_449 = arith.addi %parallel_loop3A_355, %parallel_loop3A_448 : i32
      %parallel_loop3A_450 = arith.constant 1024 : i32
      %parallel_loop3A_451 = arith.addi %parallel_loop3A_355, %parallel_loop3A_450 : i32
      %parallel_loop3A_452 = arith.constant 1120 : i32
      %parallel_loop3A_453 = arith.addi %parallel_loop3A_355, %parallel_loop3A_452 : i32
      %parallel_loop3A_454 = arith.constant 2112 : i32
      %parallel_loop3A_455 = arith.addi %parallel_loop3A_355, %parallel_loop3A_454 : i32
      %parallel_loop3A_456 = arith.index_cast %parallel_loop3A_449 : i32 to index
      %parallel_loop3A_457 = tpu.vector_load %arg5[%parallel_loop3A_456] {strides = array<i32>} : memref<30720xf32, #tpu.memory_space<vmem>>, vector<16xf32>,
      %parallel_loop3A_458 = vector.shape_cast %parallel_loop3A_457 : vector<16xf32> to vector<16xf32>
      %parallel_loop3A_459 = arith.index_cast %parallel_loop3A_451 : i32 to index
      %parallel_loop3A_460 = tpu.vector_load %arg5[%parallel_loop3A_459] {strides = array<i32>} : memref<30720xf32, #tpu.memory_space<vmem>>, vector<16xf32>,
      %parallel_loop3A_461 = vector.shape_cast %parallel_loop3A_460 : vector<16xf32> to vector<16xf32>
      %parallel_loop3A_462 = arith.index_cast %parallel_loop3A_453 : i32 to index
      %parallel_loop3A_463 = tpu.vector_load %arg5[%parallel_loop3A_462] {strides = array<i32>} : memref<30720xf32, #tpu.memory_space<vmem>>, vector<16xf32>,
      %parallel_loop3A_464 = vector.shape_cast %parallel_loop3A_463 : vector<16xf32> to vector<16xf32>
      %parallel_loop3A_465 = arith.index_cast %parallel_loop3A_455 : i32 to index
      %parallel_loop3A_466 = tpu.vector_load %arg5[%parallel_loop3A_465] {strides = array<i32>} : memref<30720xf32, #tpu.memory_space<vmem>>, vector<16xf32>,
      %parallel_loop3A_467 = vector.shape_cast %parallel_loop3A_466 : vector<16xf32> to vector<16xf32>
      %parallel_loop3A_468 = arith.minimumf %parallel_loop3A_458, %parallel_loop3A_461 : vector<16xf32>
      %parallel_loop3A_469 = arith.maximumf %parallel_loop3A_458, %parallel_loop3A_461 : vector<16xf32>
      %parallel_loop3A_470 = arith.minimumf %parallel_loop3A_464, %parallel_loop3A_467 : vector<16xf32>
      %parallel_loop3A_471 = arith.maximumf %parallel_loop3A_464, %parallel_loop3A_467 : vector<16xf32>
      %parallel_loop3A_472 = arith.minimumf %parallel_loop3A_469, %parallel_loop3A_471 : vector<16xf32>
      %parallel_loop3A_473 = arith.maximumf %parallel_loop3A_468, %parallel_loop3A_470 : vector<16xf32>
      %parallel_loop3A_474 = arith.maximumf %parallel_loop3A_469, %parallel_loop3A_471 : vector<16xf32>
      %parallel_loop3A_475 = arith.index_cast %parallel_loop3A_449 : i32 to index
      %parallel_loop3A_476 = tpu.vector_load %arg5[%parallel_loop3A_475] {strides = array<i32>} : memref<30720xf32, #tpu.memory_space<vmem>>, vector<16xf32>,
      %parallel_loop3A_477 = vector.shape_cast %parallel_loop3A_476 : vector<16xf32> to vector<16xf32>
      %parallel_loop3A_478 = vector.shape_cast %parallel_loop3A_474 : vector<16xf32> to vector<16xf32>
      tpu.vector_store %arg5[%parallel_loop3A_475], %parallel_loop3A_478 {strides = array<i32>} : memref<30720xf32, #tpu.memory_space<vmem>>, vector<16xf32>,
      %parallel_loop3A_479 = arith.maximumf %parallel_loop3A_472, %parallel_loop3A_473 : vector<16xf32>
      %parallel_loop3A_480 = arith.index_cast %parallel_loop3A_451 : i32 to index
      %parallel_loop3A_481 = tpu.vector_load %arg5[%parallel_loop3A_480] {strides = array<i32>} : memref<30720xf32, #tpu.memory_space<vmem>>, vector<16xf32>,
      %parallel_loop3A_482 = vector.shape_cast %parallel_loop3A_481 : vector<16xf32> to vector<16xf32>
      %parallel_loop3A_483 = vector.shape_cast %parallel_loop3A_479 : vector<16xf32> to vector<16xf32>
      tpu.vector_store %arg5[%parallel_loop3A_480], %parallel_loop3A_483 {strides = array<i32>} : memref<30720xf32, #tpu.memory_space<vmem>>, vector<16xf32>,
      %parallel_loop3A_484 = arith.minimumf %parallel_loop3A_472, %parallel_loop3A_473 : vector<16xf32>
      %parallel_loop3A_485 = arith.index_cast %parallel_loop3A_453 : i32 to index
      %parallel_loop3A_486 = tpu.vector_load %arg5[%parallel_loop3A_485] {strides = array<i32>} : memref<30720xf32, #tpu.memory_space<vmem>>, vector<16xf32>,
      %parallel_loop3A_487 = vector.shape_cast %parallel_loop3A_486 : vector<16xf32> to vector<16xf32>
      %parallel_loop3A_488 = vector.shape_cast %parallel_loop3A_484 : vector<16xf32> to vector<16xf32>
      tpu.vector_store %arg5[%parallel_loop3A_485], %parallel_loop3A_488 {strides = array<i32>} : memref<30720xf32, #tpu.memory_space<vmem>>, vector<16xf32>,
      %parallel_loop3A_489 = arith.minimumf %parallel_loop3A_468, %parallel_loop3A_470 : vector<16xf32>
      %parallel_loop3A_490 = arith.index_cast %parallel_loop3A_455 : i32 to index
      %parallel_loop3A_491 = tpu.vector_load %arg5[%parallel_loop3A_490] {strides = array<i32>} : memref<30720xf32, #tpu.memory_space<vmem>>, vector<16xf32>,
      %parallel_loop3A_492 = vector.shape_cast %parallel_loop3A_491 : vector<16xf32> to vector<16xf32>
      %parallel_loop3A_493 = vector.shape_cast %parallel_loop3A_489 : vector<16xf32> to vector<16xf32>
      tpu.vector_store %arg5[%parallel_loop3A_490], %parallel_loop3A_493 {strides = array<i32>} : memref<30720xf32, #tpu.memory_space<vmem>>, vector<16xf32>,
      %parallel_loop3A_494 = arith.constant 48 : i32
      %parallel_loop3A_495 = arith.addi %parallel_loop3A_355, %parallel_loop3A_494 : i32
      %parallel_loop3A_496 = arith.constant 1040 : i32
      %parallel_loop3A_497 = arith.addi %parallel_loop3A_355, %parallel_loop3A_496 : i32
      %parallel_loop3A_498 = arith.constant 1136 : i32
      %parallel_loop3A_499 = arith.addi %parallel_loop3A_355, %parallel_loop3A_498 : i32
      %parallel_loop3A_500 = arith.constant 2128 : i32
      %parallel_loop3A_501 = arith.addi %parallel_loop3A_355, %parallel_loop3A_500 : i32
      %parallel_loop3A_502 = arith.index_cast %parallel_loop3A_495 : i32 to index
      %parallel_loop3A_503 = tpu.vector_load %arg5[%parallel_loop3A_502] {strides = array<i32>} : memref<30720xf32, #tpu.memory_space<vmem>>, vector<16xf32>,
      %parallel_loop3A_504 = vector.shape_cast %parallel_loop3A_503 : vector<16xf32> to vector<16xf32>
      %parallel_loop3A_505 = arith.index_cast %parallel_loop3A_497 : i32 to index
      %parallel_loop3A_506 = tpu.vector_load %arg5[%parallel_loop3A_505] {strides = array<i32>} : memref<30720xf32, #tpu.memory_space<vmem>>, vector<16xf32>,
      %parallel_loop3A_507 = vector.shape_cast %parallel_loop3A_506 : vector<16xf32> to vector<16xf32>
      %parallel_loop3A_508 = arith.index_cast %parallel_loop3A_499 : i32 to index
      %parallel_loop3A_509 = tpu.vector_load %arg5[%parallel_loop3A_508] {strides = array<i32>} : memref<30720xf32, #tpu.memory_space<vmem>>, vector<16xf32>,
      %parallel_loop3A_510 = vector.shape_cast %parallel_loop3A_509 : vector<16xf32> to vector<16xf32>
      %parallel_loop3A_511 = arith.index_cast %parallel_loop3A_501 : i32 to index
      %parallel_loop3A_512 = tpu.vector_load %arg5[%parallel_loop3A_511] {strides = array<i32>} : memref<30720xf32, #tpu.memory_space<vmem>>, vector<16xf32>,
      %parallel_loop3A_513 = vector.shape_cast %parallel_loop3A_512 : vector<16xf32> to vector<16xf32>
      %parallel_loop3A_514 = arith.minimumf %parallel_loop3A_504, %parallel_loop3A_507 : vector<16xf32>
      %parallel_loop3A_515 = arith.maximumf %parallel_loop3A_504, %parallel_loop3A_507 : vector<16xf32>
      %parallel_loop3A_516 = arith.minimumf %parallel_loop3A_510, %parallel_loop3A_513 : vector<16xf32>
      %parallel_loop3A_517 = arith.maximumf %parallel_loop3A_510, %parallel_loop3A_513 : vector<16xf32>
      %parallel_loop3A_518 = arith.minimumf %parallel_loop3A_515, %parallel_loop3A_517 : vector<16xf32>
      %parallel_loop3A_519 = arith.maximumf %parallel_loop3A_514, %parallel_loop3A_516 : vector<16xf32>
      %parallel_loop3A_520 = arith.maximumf %parallel_loop3A_515, %parallel_loop3A_517 : vector<16xf32>
      %parallel_loop3A_521 = arith.index_cast %parallel_loop3A_495 : i32 to index
      %parallel_loop3A_522 = tpu.vector_load %arg5[%parallel_loop3A_521] {strides = array<i32>} : memref<30720xf32, #tpu.memory_space<vmem>>, vector<16xf32>,
      %parallel_loop3A_523 = vector.shape_cast %parallel_loop3A_522 : vector<16xf32> to vector<16xf32>
      %parallel_loop3A_524 = vector.shape_cast %parallel_loop3A_520 : vector<16xf32> to vector<16xf32>
      tpu.vector_store %arg5[%parallel_loop3A_521], %parallel_loop3A_524 {strides = array<i32>} : memref<30720xf32, #tpu.memory_space<vmem>>, vector<16xf32>,
      %parallel_loop3A_525 = arith.maximumf %parallel_loop3A_518, %parallel_loop3A_519 : vector<16xf32>
      %parallel_loop3A_526 = arith.index_cast %parallel_loop3A_497 : i32 to index
      %parallel_loop3A_527 = tpu.vector_load %arg5[%parallel_loop3A_526] {strides = array<i32>} : memref<30720xf32, #tpu.memory_space<vmem>>, vector<16xf32>,
      %parallel_loop3A_528 = vector.shape_cast %parallel_loop3A_527 : vector<16xf32> to vector<16xf32>
      %parallel_loop3A_529 = vector.shape_cast %parallel_loop3A_525 : vector<16xf32> to vector<16xf32>
      tpu.vector_store %arg5[%parallel_loop3A_526], %parallel_loop3A_529 {strides = array<i32>} : memref<30720xf32, #tpu.memory_space<vmem>>, vector<16xf32>,
      %parallel_loop3A_530 = arith.minimumf %parallel_loop3A_518, %parallel_loop3A_519 : vector<16xf32>
      %parallel_loop3A_531 = arith.index_cast %parallel_loop3A_499 : i32 to index
      %parallel_loop3A_532 = tpu.vector_load %arg5[%parallel_loop3A_531] {strides = array<i32>} : memref<30720xf32, #tpu.memory_space<vmem>>, vector<16xf32>,
      %parallel_loop3A_533 = vector.shape_cast %parallel_loop3A_532 : vector<16xf32> to vector<16xf32>
      %parallel_loop3A_534 = vector.shape_cast %parallel_loop3A_530 : vector<16xf32> to vector<16xf32>
      tpu.vector_store %arg5[%parallel_loop3A_531], %parallel_loop3A_534 {strides = array<i32>} : memref<30720xf32, #tpu.memory_space<vmem>>, vector<16xf32>,
      %parallel_loop3A_535 = arith.minimumf %parallel_loop3A_514, %parallel_loop3A_516 : vector<16xf32>
      %parallel_loop3A_536 = arith.index_cast %parallel_loop3A_501 : i32 to index
      %parallel_loop3A_537 = tpu.vector_load %arg5[%parallel_loop3A_536] {strides = array<i32>} : memref<30720xf32, #tpu.memory_space<vmem>>, vector<16xf32>,
      %parallel_loop3A_538 = vector.shape_cast %parallel_loop3A_537 : vector<16xf32> to vector<16xf32>
      %parallel_loop3A_539 = vector.shape_cast %parallel_loop3A_535 : vector<16xf32> to vector<16xf32>
      tpu.vector_store %arg5[%parallel_loop3A_536], %parallel_loop3A_539 {strides = array<i32>} : memref<30720xf32, #tpu.memory_space<vmem>>, vector<16xf32>,
      %parallel_loop3A_540 = arith.constant 64 : i32
      %parallel_loop3A_541 = arith.addi %parallel_loop3A_355, %parallel_loop3A_540 : i32
      %parallel_loop3A_542 = arith.constant 1056 : i32
      %parallel_loop3A_543 = arith.addi %parallel_loop3A_355, %parallel_loop3A_542 : i32
      %parallel_loop3A_544 = arith.constant 2048 : i32
      %parallel_loop3A_545 = arith.addi %parallel_loop3A_355, %parallel_loop3A_544 : i32
      %parallel_loop3A_546 = arith.constant 2144 : i32
      %parallel_loop3A_547 = arith.addi %parallel_loop3A_355, %parallel_loop3A_546 : i32
      %parallel_loop3A_548 = arith.index_cast %parallel_loop3A_541 : i32 to index
      %parallel_loop3A_549 = tpu.vector_load %arg5[%parallel_loop3A_548] {strides = array<i32>} : memref<30720xf32, #tpu.memory_space<vmem>>, vector<16xf32>,
      %parallel_loop3A_550 = vector.shape_cast %parallel_loop3A_549 : vector<16xf32> to vector<16xf32>
      %parallel_loop3A_551 = arith.index_cast %parallel_loop3A_543 : i32 to index
      %parallel_loop3A_552 = tpu.vector_load %arg5[%parallel_loop3A_551] {strides = array<i32>} : memref<30720xf32, #tpu.memory_space<vmem>>, vector<16xf32>,
      %parallel_loop3A_553 = vector.shape_cast %parallel_loop3A_552 : vector<16xf32> to vector<16xf32>
      %parallel_loop3A_554 = arith.index_cast %parallel_loop3A_545 : i32 to index
      %parallel_loop3A_555 = tpu.vector_load %arg5[%parallel_loop3A_554] {strides = array<i32>} : memref<30720xf32, #tpu.memory_space<vmem>>, vector<16xf32>,
      %parallel_loop3A_556 = vector.shape_cast %parallel_loop3A_555 : vector<16xf32> to vector<16xf32>
      %parallel_loop3A_557 = arith.index_cast %parallel_loop3A_547 : i32 to index
      %parallel_loop3A_558 = tpu.vector_load %arg5[%parallel_loop3A_557] {strides = array<i32>} : memref<30720xf32, #tpu.memory_space<vmem>>, vector<16xf32>,
      %parallel_loop3A_559 = vector.shape_cast %parallel_loop3A_558 : vector<16xf32> to vector<16xf32>
      %parallel_loop3A_560 = arith.minimumf %parallel_loop3A_550, %parallel_loop3A_553 : vector<16xf32>
      %parallel_loop3A_561 = arith.maximumf %parallel_loop3A_550, %parallel_loop3A_553 : vector<16xf32>
      %parallel_loop3A_562 = arith.minimumf %parallel_loop3A_556, %parallel_loop3A_559 : vector<16xf32>
      %parallel_loop3A_563 = arith.maximumf %parallel_loop3A_556, %parallel_loop3A_559 : vector<16xf32>
      %parallel_loop3A_564 = arith.minimumf %parallel_loop3A_561, %parallel_loop3A_563 : vector<16xf32>
      %parallel_loop3A_565 = arith.maximumf %parallel_loop3A_560, %parallel_loop3A_562 : vector<16xf32>
      %parallel_loop3A_566 = arith.maximumf %parallel_loop3A_561, %parallel_loop3A_563 : vector<16xf32>
      %parallel_loop3A_567 = arith.index_cast %parallel_loop3A_541 : i32 to index
      %parallel_loop3A_568 = tpu.vector_load %arg5[%parallel_loop3A_567] {strides = array<i32>} : memref<30720xf32, #tpu.memory_space<vmem>>, vector<16xf32>,
      %parallel_loop3A_569 = vector.shape_cast %parallel_loop3A_568 : vector<16xf32> to vector<16xf32>
      %parallel_loop3A_570 = vector.shape_cast %parallel_loop3A_566 : vector<16xf32> to vector<16xf32>
      tpu.vector_store %arg5[%parallel_loop3A_567], %parallel_loop3A_570 {strides = array<i32>} : memref<30720xf32, #tpu.memory_space<vmem>>, vector<16xf32>,
      %parallel_loop3A_571 = arith.maximumf %parallel_loop3A_564, %parallel_loop3A_565 : vector<16xf32>
      %parallel_loop3A_572 = arith.index_cast %parallel_loop3A_543 : i32 to index
      %parallel_loop3A_573 = tpu.vector_load %arg5[%parallel_loop3A_572] {strides = array<i32>} : memref<30720xf32, #tpu.memory_space<vmem>>, vector<16xf32>,
      %parallel_loop3A_574 = vector.shape_cast %parallel_loop3A_573 : vector<16xf32> to vector<16xf32>
      %parallel_loop3A_575 = vector.shape_cast %parallel_loop3A_571 : vector<16xf32> to vector<16xf32>
      tpu.vector_store %arg5[%parallel_loop3A_572], %parallel_loop3A_575 {strides = array<i32>} : memref<30720xf32, #tpu.memory_space<vmem>>, vector<16xf32>,
      %parallel_loop3A_576 = arith.minimumf %parallel_loop3A_564, %parallel_loop3A_565 : vector<16xf32>
      %parallel_loop3A_577 = arith.index_cast %parallel_loop3A_545 : i32 to index
      %parallel_loop3A_578 = tpu.vector_load %arg5[%parallel_loop3A_577] {strides = array<i32>} : memref<30720xf32, #tpu.memory_space<vmem>>, vector<16xf32>,
      %parallel_loop3A_579 = vector.shape_cast %parallel_loop3A_578 : vector<16xf32> to vector<16xf32>
      %parallel_loop3A_580 = vector.shape_cast %parallel_loop3A_576 : vector<16xf32> to vector<16xf32>
      tpu.vector_store %arg5[%parallel_loop3A_577], %parallel_loop3A_580 {strides = array<i32>} : memref<30720xf32, #tpu.memory_space<vmem>>, vector<16xf32>,
      %parallel_loop3A_581 = arith.minimumf %parallel_loop3A_560, %parallel_loop3A_562 : vector<16xf32>
      %parallel_loop3A_582 = arith.index_cast %parallel_loop3A_547 : i32 to index
      %parallel_loop3A_583 = tpu.vector_load %arg5[%parallel_loop3A_582] {strides = array<i32>} : memref<30720xf32, #tpu.memory_space<vmem>>, vector<16xf32>,
      %parallel_loop3A_584 = vector.shape_cast %parallel_loop3A_583 : vector<16xf32> to vector<16xf32>
      %parallel_loop3A_585 = vector.shape_cast %parallel_loop3A_581 : vector<16xf32> to vector<16xf32>
      tpu.vector_store %arg5[%parallel_loop3A_582], %parallel_loop3A_585 {strides = array<i32>} : memref<30720xf32, #tpu.memory_space<vmem>>, vector<16xf32>,
      %parallel_loop3A_586 = arith.constant 80 : i32
      %parallel_loop3A_587 = arith.addi %parallel_loop3A_355, %parallel_loop3A_586 : i32
      %parallel_loop3A_588 = arith.constant 1072 : i32
      %parallel_loop3A_589 = arith.addi %parallel_loop3A_355, %parallel_loop3A_588 : i32
      %parallel_loop3A_590 = arith.constant 2064 : i32
      %parallel_loop3A_591 = arith.addi %parallel_loop3A_355, %parallel_loop3A_590 : i32
      %parallel_loop3A_592 = arith.constant 2160 : i32
      %parallel_loop3A_593 = arith.addi %parallel_loop3A_355, %parallel_loop3A_592 : i32
      %parallel_loop3A_594 = arith.index_cast %parallel_loop3A_587 : i32 to index
      %parallel_loop3A_595 = tpu.vector_load %arg5[%parallel_loop3A_594] {strides = array<i32>} : memref<30720xf32, #tpu.memory_space<vmem>>, vector<16xf32>,
      %parallel_loop3A_596 = vector.shape_cast %parallel_loop3A_595 : vector<16xf32> to vector<16xf32>
      %parallel_loop3A_597 = arith.index_cast %parallel_loop3A_589 : i32 to index
      %parallel_loop3A_598 = tpu.vector_load %arg5[%parallel_loop3A_597] {strides = array<i32>} : memref<30720xf32, #tpu.memory_space<vmem>>, vector<16xf32>,
      %parallel_loop3A_599 = vector.shape_cast %parallel_loop3A_598 : vector<16xf32> to vector<16xf32>
      %parallel_loop3A_600 = arith.index_cast %parallel_loop3A_591 : i32 to index
      %parallel_loop3A_601 = tpu.vector_load %arg5[%parallel_loop3A_600] {strides = array<i32>} : memref<30720xf32, #tpu.memory_space<vmem>>, vector<16xf32>,
      %parallel_loop3A_602 = vector.shape_cast %parallel_loop3A_601 : vector<16xf32> to vector<16xf32>
      %parallel_loop3A_603 = arith.index_cast %parallel_loop3A_593 : i32 to index
      %parallel_loop3A_604 = tpu.vector_load %arg5[%parallel_loop3A_603] {strides = array<i32>} : memref<30720xf32, #tpu.memory_space<vmem>>, vector<16xf32>,
      %parallel_loop3A_605 = vector.shape_cast %parallel_loop3A_604 : vector<16xf32> to vector<16xf32>
      %parallel_loop3A_606 = arith.minimumf %parallel_loop3A_596, %parallel_loop3A_599 : vector<16xf32>
      %parallel_loop3A_607 = arith.maximumf %parallel_loop3A_596, %parallel_loop3A_599 : vector<16xf32>
      %parallel_loop3A_608 = arith.minimumf %parallel_loop3A_602, %parallel_loop3A_605 : vector<16xf32>
      %parallel_loop3A_609 = arith.maximumf %parallel_loop3A_602, %parallel_loop3A_605 : vector<16xf32>
      %parallel_loop3A_610 = arith.minimumf %parallel_loop3A_607, %parallel_loop3A_609 : vector<16xf32>
      %parallel_loop3A_611 = arith.maximumf %parallel_loop3A_606, %parallel_loop3A_608 : vector<16xf32>
      %parallel_loop3A_612 = arith.maximumf %parallel_loop3A_607, %parallel_loop3A_609 : vector<16xf32>
      %parallel_loop3A_613 = arith.index_cast %parallel_loop3A_587 : i32 to index
      %parallel_loop3A_614 = tpu.vector_load %arg5[%parallel_loop3A_613] {strides = array<i32>} : memref<30720xf32, #tpu.memory_space<vmem>>, vector<16xf32>,
      %parallel_loop3A_615 = vector.shape_cast %parallel_loop3A_614 : vector<16xf32> to vector<16xf32>
      %parallel_loop3A_616 = vector.shape_cast %parallel_loop3A_612 : vector<16xf32> to vector<16xf32>
      tpu.vector_store %arg5[%parallel_loop3A_613], %parallel_loop3A_616 {strides = array<i32>} : memref<30720xf32, #tpu.memory_space<vmem>>, vector<16xf32>,
      %parallel_loop3A_617 = arith.maximumf %parallel_loop3A_610, %parallel_loop3A_611 : vector<16xf32>
      %parallel_loop3A_618 = arith.index_cast %parallel_loop3A_589 : i32 to index
      %parallel_loop3A_619 = tpu.vector_load %arg5[%parallel_loop3A_618] {strides = array<i32>} : memref<30720xf32, #tpu.memory_space<vmem>>, vector<16xf32>,
      %parallel_loop3A_620 = vector.shape_cast %parallel_loop3A_619 : vector<16xf32> to vector<16xf32>
      %parallel_loop3A_621 = vector.shape_cast %parallel_loop3A_617 : vector<16xf32> to vector<16xf32>
      tpu.vector_store %arg5[%parallel_loop3A_618], %parallel_loop3A_621 {strides = array<i32>} : memref<30720xf32, #tpu.memory_space<vmem>>, vector<16xf32>,
      %parallel_loop3A_622 = arith.minimumf %parallel_loop3A_610, %parallel_loop3A_611 : vector<16xf32>
      %parallel_loop3A_623 = arith.index_cast %parallel_loop3A_591 : i32 to index
      %parallel_loop3A_624 = tpu.vector_load %arg5[%parallel_loop3A_623] {strides = array<i32>} : memref<30720xf32, #tpu.memory_space<vmem>>, vector<16xf32>,
      %parallel_loop3A_625 = vector.shape_cast %parallel_loop3A_624 : vector<16xf32> to vector<16xf32>
      %parallel_loop3A_626 = vector.shape_cast %parallel_loop3A_622 : vector<16xf32> to vector<16xf32>
      tpu.vector_store %arg5[%parallel_loop3A_623], %parallel_loop3A_626 {strides = array<i32>} : memref<30720xf32, #tpu.memory_space<vmem>>, vector<16xf32>,
      %parallel_loop3A_627 = arith.minimumf %parallel_loop3A_606, %parallel_loop3A_608 : vector<16xf32>
      %parallel_loop3A_628 = arith.index_cast %parallel_loop3A_593 : i32 to index
      %parallel_loop3A_629 = tpu.vector_load %arg5[%parallel_loop3A_628] {strides = array<i32>} : memref<30720xf32, #tpu.memory_space<vmem>>, vector<16xf32>,
      %parallel_loop3A_630 = vector.shape_cast %parallel_loop3A_629 : vector<16xf32> to vector<16xf32>
      %parallel_loop3A_631 = vector.shape_cast %parallel_loop3A_627 : vector<16xf32> to vector<16xf32>
      tpu.vector_store %arg5[%parallel_loop3A_628], %parallel_loop3A_631 {strides = array<i32>} : memref<30720xf32, #tpu.memory_space<vmem>>, vector<16xf32>,
    } {sc.loop_unroll_factor = 1 : i64, sc.parallel_access}
    %add3A_50 = arith.constant 30720 : i32
    %add3A_51 = arith.addi %mul3A_2, %add3A_50 : i32
    %dma_start3A_52 = arith.constant 0 : i32
    %dma_start3A_53 = tpu.memref_slice %arg5[%dma_start3A_52] : memref<30720xf32, #tpu.memory_space<vmem>> -> memref<30720xf32, #tpu.memory_space<vmem>>
    %dma_start3A_54 = tpu.memref_slice %arg3[%add3A_51] : memref<9633792xf32, #tpu.memory_space<hbm>> -> memref<30720xf32, #tpu.memory_space<hbm>>
    %dma_start3A_55 = tpu.memref_slice %arg3[%add3A_51] : memref<9633792xf32, #tpu.memory_space<hbm>> -> memref<30720xf32, #tpu.memory_space<hbm>>
    %dma_start3A_56 = arith.constant 0 : i32
    %dma_start3A_57 = tpu.memref_slice %arg5[%dma_start3A_56] : memref<30720xf32, #tpu.memory_space<vmem>> -> memref<30720xf32, #tpu.memory_space<vmem>>
    tpu.enqueue_dma source(%dma_start3A_57 : memref<30720xf32, #tpu.memory_space<vmem>>) target(%dma_start3A_55 : memref<30720xf32, #tpu.memory_space<hbm>>) target_semaphore(%arg11 : memref<!tpu.dma_semaphore, #tpu.memory_space<semaphore_mem>>)
    %dma_wait3A_58 = arith.constant 0 : i32
    %dma_wait3A_59 = tpu.memref_slice %arg4[%dma_wait3A_58] : memref<30720xf32, #tpu.memory_space<vmem>> -> memref<30720xf32, #tpu.memory_space<vmem>>
    %dma_wait3A_60 = tpu.memref_slice %arg3[%add3A_26] : memref<9633792xf32, #tpu.memory_space<hbm>> -> memref<30720xf32, #tpu.memory_space<hbm>>
    %dma_wait3A_61 = tpu.memref_slice %arg3[%add3A_26] : memref<9633792xf32, #tpu.memory_space<hbm>> -> memref<30720xf32, #tpu.memory_space<hbm>>
    %dma_wait3A_62 = arith.constant 0 : i32
    %dma_wait3A_63 = tpu.memref_slice %arg4[%dma_wait3A_62] : memref<30720xf32, #tpu.memory_space<vmem>> -> memref<30720xf32, #tpu.memory_space<vmem>>
    tpu.wait_dma2 semaphore(%arg10 : memref<!tpu.dma_semaphore, #tpu.memory_space<semaphore_mem>>) src(%dma_wait3A_63 : memref<30720xf32, #tpu.memory_space<vmem>>) dst(%dma_wait3A_61 : memref<30720xf32, #tpu.memory_space<hbm>>)
    %add3A_64 = arith.constant 92160 : i32
    %add3A_65 = arith.addi %mul3A_2, %add3A_64 : i32
    %dma_start3A_66 = arith.constant 0 : i32
    %dma_start3A_67 = tpu.memref_slice %arg4[%dma_start3A_66] : memref<30720xf32, #tpu.memory_space<vmem>> -> memref<30720xf32, #tpu.memory_space<vmem>>
    %dma_start3A_68 = tpu.memref_slice %arg2[%add3A_65] : memref<9633792xf32, #tpu.memory_space<hbm>> -> memref<30720xf32, #tpu.memory_space<hbm>>
    %dma_start3A_69 = arith.constant 0 : i32
    %dma_start3A_70 = tpu.memref_slice %arg4[%dma_start3A_69] : memref<30720xf32, #tpu.memory_space<vmem>> -> memref<30720xf32, #tpu.memory_space<vmem>>
    %dma_start3A_71 = tpu.memref_slice %arg2[%add3A_65] : memref<9633792xf32, #tpu.memory_space<hbm>> -> memref<30720xf32, #tpu.memory_space<hbm>>
    tpu.enqueue_dma source(%dma_start3A_71 : memref<30720xf32, #tpu.memory_space<hbm>>) target(%dma_start3A_70 : memref<30720xf32, #tpu.memory_space<vmem>>) target_semaphore(%arg7 : memref<!tpu.dma_semaphore, #tpu.memory_space<semaphore_mem>>)
    %dma_wait3A_72 = arith.constant 0 : i32
    %dma_wait3A_73 = tpu.memref_slice %arg6[%dma_wait3A_72] : memref<30720xf32, #tpu.memory_space<vmem>> -> memref<30720xf32, #tpu.memory_space<vmem>>
    %dma_wait3A_74 = tpu.memref_slice %arg2[%add3A_34] : memref<9633792xf32, #tpu.memory_space<hbm>> -> memref<30720xf32, #tpu.memory_space<hbm>>
    %dma_wait3A_75 = arith.constant 0 : i32
    %dma_wait3A_76 = tpu.memref_slice %arg6[%dma_wait3A_75] : memref<30720xf32, #tpu.memory_space<vmem>> -> memref<30720xf32, #tpu.memory_space<vmem>>
    %dma_wait3A_77 = tpu.memref_slice %arg2[%add3A_34] : memref<9633792xf32, #tpu.memory_space<hbm>> -> memref<30720xf32, #tpu.memory_space<hbm>>
    tpu.wait_dma2 semaphore(%arg9 : memref<!tpu.dma_semaphore, #tpu.memory_space<semaphore_mem>>) src(%dma_wait3A_77 : memref<30720xf32, #tpu.memory_space<hbm>>) dst(%dma_wait3A_76 : memref<30720xf32, #tpu.memory_space<vmem>>)
    %parallel_loop3A_78 = arith.constant 0 : i32
    %parallel_loop3A_79 = arith.constant 80 : i32
    %parallel_loop3A_80 = arith.constant 1 : i32
    scf.for %parallel_loop3A_310 = %parallel_loop3A_78 to %parallel_loop3A_79 step %parallel_loop3A_80  : i32 {
      %parallel_loop3A_311 = arith.constant 8 : i32
      %parallel_loop3A_312 = arith.divsi %parallel_loop3A_310, %parallel_loop3A_311 : i32
      %parallel_loop3A_313 = arith.constant 0 : i32
      %parallel_loop3A_314 = arith.cmpi sgt, %parallel_loop3A_310, %parallel_loop3A_313 : i32
      %parallel_loop3A_315 = arith.extui %parallel_loop3A_314 : i1 to i32
      %parallel_loop3A_316 = arith.constant 0 : i32
      %parallel_loop3A_317 = arith.cmpi slt, %parallel_loop3A_310, %parallel_loop3A_316 : i32
      %parallel_loop3A_318 = arith.extui %parallel_loop3A_317 : i1 to i32
      %parallel_loop3A_319 = arith.subi %parallel_loop3A_315, %parallel_loop3A_318 : i32
      %parallel_loop3A_320 = arith.constant 0 : i32
      %parallel_loop3A_321 = arith.cmpi sgt, %parallel_loop3A_311, %parallel_loop3A_320 : i32
      %parallel_loop3A_322 = arith.extui %parallel_loop3A_321 : i1 to i32
      %parallel_loop3A_323 = arith.constant 0 : i32
      %parallel_loop3A_324 = arith.cmpi slt, %parallel_loop3A_311, %parallel_loop3A_323 : i32
      %parallel_loop3A_325 = arith.extui %parallel_loop3A_324 : i1 to i32
      %parallel_loop3A_326 = arith.subi %parallel_loop3A_322, %parallel_loop3A_325 : i32
      %parallel_loop3A_327 = arith.cmpi ne, %parallel_loop3A_319, %parallel_loop3A_326 : i32
      %parallel_loop3A_328 = arith.remsi %parallel_loop3A_310, %parallel_loop3A_311 : i32
      %parallel_loop3A_329 = arith.constant 0 : i32
      %parallel_loop3A_330 = arith.cmpi ne, %parallel_loop3A_328, %parallel_loop3A_329 : i32
      %parallel_loop3A_331 = arith.andi %parallel_loop3A_327, %parallel_loop3A_330 : i1
      %parallel_loop3A_332 = arith.constant 1 : i32
      %parallel_loop3A_333 = arith.subi %parallel_loop3A_312, %parallel_loop3A_332 : i32
      %parallel_loop3A_334 = arith.select %parallel_loop3A_331, %parallel_loop3A_333, %parallel_loop3A_312 : i32
      %parallel_loop3A_335 = arith.constant 3072 : i32
      %parallel_loop3A_336 = arith.muli %parallel_loop3A_334, %parallel_loop3A_335 : i32
      %parallel_loop3A_337 = arith.constant 8 : i32
      %parallel_loop3A_338 = arith.constant 0 : i32
      %parallel_loop3A_339 = arith.cmpi eq, %parallel_loop3A_337, %parallel_loop3A_338 : i32
      %parallel_loop3A_340 = arith.constant 1 : i32
      %parallel_loop3A_341 = arith.select %parallel_loop3A_339, %parallel_loop3A_340, %parallel_loop3A_337 : i32
      %parallel_loop3A_342 = arith.remsi %parallel_loop3A_310, %parallel_loop3A_341 : i32
      %parallel_loop3A_343 = arith.constant 0 : i32
      %parallel_loop3A_344 = arith.cmpi ne, %parallel_loop3A_342, %parallel_loop3A_343 : i32
      %parallel_loop3A_345 = arith.constant 0 : i32
      %parallel_loop3A_346 = arith.cmpi slt, %parallel_loop3A_342, %parallel_loop3A_345 : i32
      %parallel_loop3A_347 = arith.constant 0 : i32
      %parallel_loop3A_348 = arith.cmpi slt, %parallel_loop3A_341, %parallel_loop3A_347 : i32
      %parallel_loop3A_349 = arith.xori %parallel_loop3A_346, %parallel_loop3A_348 : i1
      %parallel_loop3A_350 = arith.andi %parallel_loop3A_349, %parallel_loop3A_344 : i1
      %parallel_loop3A_351 = arith.addi %parallel_loop3A_342, %parallel_loop3A_341 : i32
      %parallel_loop3A_352 = arith.select %parallel_loop3A_350, %parallel_loop3A_351, %parallel_loop3A_342 : i32
      %parallel_loop3A_353 = arith.constant 128 : i32
      %parallel_loop3A_354 = arith.muli %parallel_loop3A_352, %parallel_loop3A_353 : i32
      %parallel_loop3A_355 = arith.addi %parallel_loop3A_336, %parallel_loop3A_354 : i32
      %parallel_loop3A_356 = arith.constant 0 : i32
      %parallel_loop3A_357 = arith.addi %parallel_loop3A_355, %parallel_loop3A_356 : i32
      %parallel_loop3A_358 = arith.constant 96 : i32
      %parallel_loop3A_359 = arith.addi %parallel_loop3A_355, %parallel_loop3A_358 : i32
      %parallel_loop3A_360 = arith.constant 1088 : i32
      %parallel_loop3A_361 = arith.addi %parallel_loop3A_355, %parallel_loop3A_360 : i32
      %parallel_loop3A_362 = arith.constant 2080 : i32
      %parallel_loop3A_363 = arith.addi %parallel_loop3A_355, %parallel_loop3A_362 : i32
      %parallel_loop3A_364 = arith.index_cast %parallel_loop3A_357 : i32 to index
      %parallel_loop3A_365 = tpu.vector_load %arg6[%parallel_loop3A_364] {strides = array<i32>} : memref<30720xf32, #tpu.memory_space<vmem>>, vector<16xf32>,
      %parallel_loop3A_366 = vector.shape_cast %parallel_loop3A_365 : vector<16xf32> to vector<16xf32>
      %parallel_loop3A_367 = arith.index_cast %parallel_loop3A_359 : i32 to index
      %parallel_loop3A_368 = tpu.vector_load %arg6[%parallel_loop3A_367] {strides = array<i32>} : memref<30720xf32, #tpu.memory_space<vmem>>, vector<16xf32>,
      %parallel_loop3A_369 = vector.shape_cast %parallel_loop3A_368 : vector<16xf32> to vector<16xf32>
      %parallel_loop3A_370 = arith.index_cast %parallel_loop3A_361 : i32 to index
      %parallel_loop3A_371 = tpu.vector_load %arg6[%parallel_loop3A_370] {strides = array<i32>} : memref<30720xf32, #tpu.memory_space<vmem>>, vector<16xf32>,
      %parallel_loop3A_372 = vector.shape_cast %parallel_loop3A_371 : vector<16xf32> to vector<16xf32>
      %parallel_loop3A_373 = arith.index_cast %parallel_loop3A_363 : i32 to index
      %parallel_loop3A_374 = tpu.vector_load %arg6[%parallel_loop3A_373] {strides = array<i32>} : memref<30720xf32, #tpu.memory_space<vmem>>, vector<16xf32>,
      %parallel_loop3A_375 = vector.shape_cast %parallel_loop3A_374 : vector<16xf32> to vector<16xf32>
      %parallel_loop3A_376 = arith.minimumf %parallel_loop3A_366, %parallel_loop3A_369 : vector<16xf32>
      %parallel_loop3A_377 = arith.maximumf %parallel_loop3A_366, %parallel_loop3A_369 : vector<16xf32>
      %parallel_loop3A_378 = arith.minimumf %parallel_loop3A_372, %parallel_loop3A_375 : vector<16xf32>
      %parallel_loop3A_379 = arith.maximumf %parallel_loop3A_372, %parallel_loop3A_375 : vector<16xf32>
      %parallel_loop3A_380 = arith.minimumf %parallel_loop3A_377, %parallel_loop3A_379 : vector<16xf32>
      %parallel_loop3A_381 = arith.maximumf %parallel_loop3A_376, %parallel_loop3A_378 : vector<16xf32>
      %parallel_loop3A_382 = arith.maximumf %parallel_loop3A_377, %parallel_loop3A_379 : vector<16xf32>
      %parallel_loop3A_383 = arith.index_cast %parallel_loop3A_357 : i32 to index
      %parallel_loop3A_384 = tpu.vector_load %arg6[%parallel_loop3A_383] {strides = array<i32>} : memref<30720xf32, #tpu.memory_space<vmem>>, vector<16xf32>,
      %parallel_loop3A_385 = vector.shape_cast %parallel_loop3A_384 : vector<16xf32> to vector<16xf32>
      %parallel_loop3A_386 = vector.shape_cast %parallel_loop3A_382 : vector<16xf32> to vector<16xf32>
      tpu.vector_store %arg6[%parallel_loop3A_383], %parallel_loop3A_386 {strides = array<i32>} : memref<30720xf32, #tpu.memory_space<vmem>>, vector<16xf32>,
      %parallel_loop3A_387 = arith.maximumf %parallel_loop3A_380, %parallel_loop3A_381 : vector<16xf32>
      %parallel_loop3A_388 = arith.index_cast %parallel_loop3A_359 : i32 to index
      %parallel_loop3A_389 = tpu.vector_load %arg6[%parallel_loop3A_388] {strides = array<i32>} : memref<30720xf32, #tpu.memory_space<vmem>>, vector<16xf32>,
      %parallel_loop3A_390 = vector.shape_cast %parallel_loop3A_389 : vector<16xf32> to vector<16xf32>
      %parallel_loop3A_391 = vector.shape_cast %parallel_loop3A_387 : vector<16xf32> to vector<16xf32>
      tpu.vector_store %arg6[%parallel_loop3A_388], %parallel_loop3A_391 {strides = array<i32>} : memref<30720xf32, #tpu.memory_space<vmem>>, vector<16xf32>,
      %parallel_loop3A_392 = arith.minimumf %parallel_loop3A_380, %parallel_loop3A_381 : vector<16xf32>
      %parallel_loop3A_393 = arith.index_cast %parallel_loop3A_361 : i32 to index
      %parallel_loop3A_394 = tpu.vector_load %arg6[%parallel_loop3A_393] {strides = array<i32>} : memref<30720xf32, #tpu.memory_space<vmem>>, vector<16xf32>,
      %parallel_loop3A_395 = vector.shape_cast %parallel_loop3A_394 : vector<16xf32> to vector<16xf32>
      %parallel_loop3A_396 = vector.shape_cast %parallel_loop3A_392 : vector<16xf32> to vector<16xf32>
      tpu.vector_store %arg6[%parallel_loop3A_393], %parallel_loop3A_396 {strides = array<i32>} : memref<30720xf32, #tpu.memory_space<vmem>>, vector<16xf32>,
      %parallel_loop3A_397 = arith.minimumf %parallel_loop3A_376, %parallel_loop3A_378 : vector<16xf32>
      %parallel_loop3A_398 = arith.index_cast %parallel_loop3A_363 : i32 to index
      %parallel_loop3A_399 = tpu.vector_load %arg6[%parallel_loop3A_398] {strides = array<i32>} : memref<30720xf32, #tpu.memory_space<vmem>>, vector<16xf32>,
      %parallel_loop3A_400 = vector.shape_cast %parallel_loop3A_399 : vector<16xf32> to vector<16xf32>
      %parallel_loop3A_401 = vector.shape_cast %parallel_loop3A_397 : vector<16xf32> to vector<16xf32>
      tpu.vector_store %arg6[%parallel_loop3A_398], %parallel_loop3A_401 {strides = array<i32>} : memref<30720xf32, #tpu.memory_space<vmem>>, vector<16xf32>,
      %parallel_loop3A_402 = arith.constant 16 : i32
      %parallel_loop3A_403 = arith.addi %parallel_loop3A_355, %parallel_loop3A_402 : i32
      %parallel_loop3A_404 = arith.constant 112 : i32
      %parallel_loop3A_405 = arith.addi %parallel_loop3A_355, %parallel_loop3A_404 : i32
      %parallel_loop3A_406 = arith.constant 1104 : i32
      %parallel_loop3A_407 = arith.addi %parallel_loop3A_355, %parallel_loop3A_406 : i32
      %parallel_loop3A_408 = arith.constant 2096 : i32
      %parallel_loop3A_409 = arith.addi %parallel_loop3A_355, %parallel_loop3A_408 : i32
      %parallel_loop3A_410 = arith.index_cast %parallel_loop3A_403 : i32 to index
      %parallel_loop3A_411 = tpu.vector_load %arg6[%parallel_loop3A_410] {strides = array<i32>} : memref<30720xf32, #tpu.memory_space<vmem>>, vector<16xf32>,
      %parallel_loop3A_412 = vector.shape_cast %parallel_loop3A_411 : vector<16xf32> to vector<16xf32>
      %parallel_loop3A_413 = arith.index_cast %parallel_loop3A_405 : i32 to index
      %parallel_loop3A_414 = tpu.vector_load %arg6[%parallel_loop3A_413] {strides = array<i32>} : memref<30720xf32, #tpu.memory_space<vmem>>, vector<16xf32>,
      %parallel_loop3A_415 = vector.shape_cast %parallel_loop3A_414 : vector<16xf32> to vector<16xf32>
      %parallel_loop3A_416 = arith.index_cast %parallel_loop3A_407 : i32 to index
      %parallel_loop3A_417 = tpu.vector_load %arg6[%parallel_loop3A_416] {strides = array<i32>} : memref<30720xf32, #tpu.memory_space<vmem>>, vector<16xf32>,
      %parallel_loop3A_418 = vector.shape_cast %parallel_loop3A_417 : vector<16xf32> to vector<16xf32>
      %parallel_loop3A_419 = arith.index_cast %parallel_loop3A_409 : i32 to index
      %parallel_loop3A_420 = tpu.vector_load %arg6[%parallel_loop3A_419] {strides = array<i32>} : memref<30720xf32, #tpu.memory_space<vmem>>, vector<16xf32>,
      %parallel_loop3A_421 = vector.shape_cast %parallel_loop3A_420 : vector<16xf32> to vector<16xf32>
      %parallel_loop3A_422 = arith.minimumf %parallel_loop3A_412, %parallel_loop3A_415 : vector<16xf32>
      %parallel_loop3A_423 = arith.maximumf %parallel_loop3A_412, %parallel_loop3A_415 : vector<16xf32>
      %parallel_loop3A_424 = arith.minimumf %parallel_loop3A_418, %parallel_loop3A_421 : vector<16xf32>
      %parallel_loop3A_425 = arith.maximumf %parallel_loop3A_418, %parallel_loop3A_421 : vector<16xf32>
      %parallel_loop3A_426 = arith.minimumf %parallel_loop3A_423, %parallel_loop3A_425 : vector<16xf32>
      %parallel_loop3A_427 = arith.maximumf %parallel_loop3A_422, %parallel_loop3A_424 : vector<16xf32>
      %parallel_loop3A_428 = arith.maximumf %parallel_loop3A_423, %parallel_loop3A_425 : vector<16xf32>
      %parallel_loop3A_429 = arith.index_cast %parallel_loop3A_403 : i32 to index
      %parallel_loop3A_430 = tpu.vector_load %arg6[%parallel_loop3A_429] {strides = array<i32>} : memref<30720xf32, #tpu.memory_space<vmem>>, vector<16xf32>,
      %parallel_loop3A_431 = vector.shape_cast %parallel_loop3A_430 : vector<16xf32> to vector<16xf32>
      %parallel_loop3A_432 = vector.shape_cast %parallel_loop3A_428 : vector<16xf32> to vector<16xf32>
      tpu.vector_store %arg6[%parallel_loop3A_429], %parallel_loop3A_432 {strides = array<i32>} : memref<30720xf32, #tpu.memory_space<vmem>>, vector<16xf32>,
      %parallel_loop3A_433 = arith.maximumf %parallel_loop3A_426, %parallel_loop3A_427 : vector<16xf32>
      %parallel_loop3A_434 = arith.index_cast %parallel_loop3A_405 : i32 to index
      %parallel_loop3A_435 = tpu.vector_load %arg6[%parallel_loop3A_434] {strides = array<i32>} : memref<30720xf32, #tpu.memory_space<vmem>>, vector<16xf32>,
      %parallel_loop3A_436 = vector.shape_cast %parallel_loop3A_435 : vector<16xf32> to vector<16xf32>
      %parallel_loop3A_437 = vector.shape_cast %parallel_loop3A_433 : vector<16xf32> to vector<16xf32>
      tpu.vector_store %arg6[%parallel_loop3A_434], %parallel_loop3A_437 {strides = array<i32>} : memref<30720xf32, #tpu.memory_space<vmem>>, vector<16xf32>,
      %parallel_loop3A_438 = arith.minimumf %parallel_loop3A_426, %parallel_loop3A_427 : vector<16xf32>
      %parallel_loop3A_439 = arith.index_cast %parallel_loop3A_407 : i32 to index
      %parallel_loop3A_440 = tpu.vector_load %arg6[%parallel_loop3A_439] {strides = array<i32>} : memref<30720xf32, #tpu.memory_space<vmem>>, vector<16xf32>,
      %parallel_loop3A_441 = vector.shape_cast %parallel_loop3A_440 : vector<16xf32> to vector<16xf32>
      %parallel_loop3A_442 = vector.shape_cast %parallel_loop3A_438 : vector<16xf32> to vector<16xf32>
      tpu.vector_store %arg6[%parallel_loop3A_439], %parallel_loop3A_442 {strides = array<i32>} : memref<30720xf32, #tpu.memory_space<vmem>>, vector<16xf32>,
      %parallel_loop3A_443 = arith.minimumf %parallel_loop3A_422, %parallel_loop3A_424 : vector<16xf32>
      %parallel_loop3A_444 = arith.index_cast %parallel_loop3A_409 : i32 to index
      %parallel_loop3A_445 = tpu.vector_load %arg6[%parallel_loop3A_444] {strides = array<i32>} : memref<30720xf32, #tpu.memory_space<vmem>>, vector<16xf32>,
      %parallel_loop3A_446 = vector.shape_cast %parallel_loop3A_445 : vector<16xf32> to vector<16xf32>
      %parallel_loop3A_447 = vector.shape_cast %parallel_loop3A_443 : vector<16xf32> to vector<16xf32>
      tpu.vector_store %arg6[%parallel_loop3A_444], %parallel_loop3A_447 {strides = array<i32>} : memref<30720xf32, #tpu.memory_space<vmem>>, vector<16xf32>,
      %parallel_loop3A_448 = arith.constant 32 : i32
      %parallel_loop3A_449 = arith.addi %parallel_loop3A_355, %parallel_loop3A_448 : i32
      %parallel_loop3A_450 = arith.constant 1024 : i32
      %parallel_loop3A_451 = arith.addi %parallel_loop3A_355, %parallel_loop3A_450 : i32
      %parallel_loop3A_452 = arith.constant 1120 : i32
      %parallel_loop3A_453 = arith.addi %parallel_loop3A_355, %parallel_loop3A_452 : i32
      %parallel_loop3A_454 = arith.constant 2112 : i32
      %parallel_loop3A_455 = arith.addi %parallel_loop3A_355, %parallel_loop3A_454 : i32
      %parallel_loop3A_456 = arith.index_cast %parallel_loop3A_449 : i32 to index
      %parallel_loop3A_457 = tpu.vector_load %arg6[%parallel_loop3A_456] {strides = array<i32>} : memref<30720xf32, #tpu.memory_space<vmem>>, vector<16xf32>,
      %parallel_loop3A_458 = vector.shape_cast %parallel_loop3A_457 : vector<16xf32> to vector<16xf32>
      %parallel_loop3A_459 = arith.index_cast %parallel_loop3A_451 : i32 to index
      %parallel_loop3A_460 = tpu.vector_load %arg6[%parallel_loop3A_459] {strides = array<i32>} : memref<30720xf32, #tpu.memory_space<vmem>>, vector<16xf32>,
      %parallel_loop3A_461 = vector.shape_cast %parallel_loop3A_460 : vector<16xf32> to vector<16xf32>
      %parallel_loop3A_462 = arith.index_cast %parallel_loop3A_453 : i32 to index
      %parallel_loop3A_463 = tpu.vector_load %arg6[%parallel_loop3A_462] {strides = array<i32>} : memref<30720xf32, #tpu.memory_space<vmem>>, vector<16xf32>,
      %parallel_loop3A_464 = vector.shape_cast %parallel_loop3A_463 : vector<16xf32> to vector<16xf32>
      %parallel_loop3A_465 = arith.index_cast %parallel_loop3A_455 : i32 to index
      %parallel_loop3A_466 = tpu.vector_load %arg6[%parallel_loop3A_465] {strides = array<i32>} : memref<30720xf32, #tpu.memory_space<vmem>>, vector<16xf32>,
      %parallel_loop3A_467 = vector.shape_cast %parallel_loop3A_466 : vector<16xf32> to vector<16xf32>
      %parallel_loop3A_468 = arith.minimumf %parallel_loop3A_458, %parallel_loop3A_461 : vector<16xf32>
      %parallel_loop3A_469 = arith.maximumf %parallel_loop3A_458, %parallel_loop3A_461 : vector<16xf32>
      %parallel_loop3A_470 = arith.minimumf %parallel_loop3A_464, %parallel_loop3A_467 : vector<16xf32>
      %parallel_loop3A_471 = arith.maximumf %parallel_loop3A_464, %parallel_loop3A_467 : vector<16xf32>
      %parallel_loop3A_472 = arith.minimumf %parallel_loop3A_469, %parallel_loop3A_471 : vector<16xf32>
      %parallel_loop3A_473 = arith.maximumf %parallel_loop3A_468, %parallel_loop3A_470 : vector<16xf32>
      %parallel_loop3A_474 = arith.maximumf %parallel_loop3A_469, %parallel_loop3A_471 : vector<16xf32>
      %parallel_loop3A_475 = arith.index_cast %parallel_loop3A_449 : i32 to index
      %parallel_loop3A_476 = tpu.vector_load %arg6[%parallel_loop3A_475] {strides = array<i32>} : memref<30720xf32, #tpu.memory_space<vmem>>, vector<16xf32>,
      %parallel_loop3A_477 = vector.shape_cast %parallel_loop3A_476 : vector<16xf32> to vector<16xf32>
      %parallel_loop3A_478 = vector.shape_cast %parallel_loop3A_474 : vector<16xf32> to vector<16xf32>
      tpu.vector_store %arg6[%parallel_loop3A_475], %parallel_loop3A_478 {strides = array<i32>} : memref<30720xf32, #tpu.memory_space<vmem>>, vector<16xf32>,
      %parallel_loop3A_479 = arith.maximumf %parallel_loop3A_472, %parallel_loop3A_473 : vector<16xf32>
      %parallel_loop3A_480 = arith.index_cast %parallel_loop3A_451 : i32 to index
      %parallel_loop3A_481 = tpu.vector_load %arg6[%parallel_loop3A_480] {strides = array<i32>} : memref<30720xf32, #tpu.memory_space<vmem>>, vector<16xf32>,
      %parallel_loop3A_482 = vector.shape_cast %parallel_loop3A_481 : vector<16xf32> to vector<16xf32>
      %parallel_loop3A_483 = vector.shape_cast %parallel_loop3A_479 : vector<16xf32> to vector<16xf32>
      tpu.vector_store %arg6[%parallel_loop3A_480], %parallel_loop3A_483 {strides = array<i32>} : memref<30720xf32, #tpu.memory_space<vmem>>, vector<16xf32>,
      %parallel_loop3A_484 = arith.minimumf %parallel_loop3A_472, %parallel_loop3A_473 : vector<16xf32>
      %parallel_loop3A_485 = arith.index_cast %parallel_loop3A_453 : i32 to index
      %parallel_loop3A_486 = tpu.vector_load %arg6[%parallel_loop3A_485] {strides = array<i32>} : memref<30720xf32, #tpu.memory_space<vmem>>, vector<16xf32>,
      %parallel_loop3A_487 = vector.shape_cast %parallel_loop3A_486 : vector<16xf32> to vector<16xf32>
      %parallel_loop3A_488 = vector.shape_cast %parallel_loop3A_484 : vector<16xf32> to vector<16xf32>
      tpu.vector_store %arg6[%parallel_loop3A_485], %parallel_loop3A_488 {strides = array<i32>} : memref<30720xf32, #tpu.memory_space<vmem>>, vector<16xf32>,
      %parallel_loop3A_489 = arith.minimumf %parallel_loop3A_468, %parallel_loop3A_470 : vector<16xf32>
      %parallel_loop3A_490 = arith.index_cast %parallel_loop3A_455 : i32 to index
      %parallel_loop3A_491 = tpu.vector_load %arg6[%parallel_loop3A_490] {strides = array<i32>} : memref<30720xf32, #tpu.memory_space<vmem>>, vector<16xf32>,
      %parallel_loop3A_492 = vector.shape_cast %parallel_loop3A_491 : vector<16xf32> to vector<16xf32>
      %parallel_loop3A_493 = vector.shape_cast %parallel_loop3A_489 : vector<16xf32> to vector<16xf32>
      tpu.vector_store %arg6[%parallel_loop3A_490], %parallel_loop3A_493 {strides = array<i32>} : memref<30720xf32, #tpu.memory_space<vmem>>, vector<16xf32>,
      %parallel_loop3A_494 = arith.constant 48 : i32
      %parallel_loop3A_495 = arith.addi %parallel_loop3A_355, %parallel_loop3A_494 : i32
      %parallel_loop3A_496 = arith.constant 1040 : i32
      %parallel_loop3A_497 = arith.addi %parallel_loop3A_355, %parallel_loop3A_496 : i32
      %parallel_loop3A_498 = arith.constant 1136 : i32
      %parallel_loop3A_499 = arith.addi %parallel_loop3A_355, %parallel_loop3A_498 : i32
      %parallel_loop3A_500 = arith.constant 2128 : i32
      %parallel_loop3A_501 = arith.addi %parallel_loop3A_355, %parallel_loop3A_500 : i32
      %parallel_loop3A_502 = arith.index_cast %parallel_loop3A_495 : i32 to index
      %parallel_loop3A_503 = tpu.vector_load %arg6[%parallel_loop3A_502] {strides = array<i32>} : memref<30720xf32, #tpu.memory_space<vmem>>, vector<16xf32>,
      %parallel_loop3A_504 = vector.shape_cast %parallel_loop3A_503 : vector<16xf32> to vector<16xf32>
      %parallel_loop3A_505 = arith.index_cast %parallel_loop3A_497 : i32 to index
      %parallel_loop3A_506 = tpu.vector_load %arg6[%parallel_loop3A_505] {strides = array<i32>} : memref<30720xf32, #tpu.memory_space<vmem>>, vector<16xf32>,
      %parallel_loop3A_507 = vector.shape_cast %parallel_loop3A_506 : vector<16xf32> to vector<16xf32>
      %parallel_loop3A_508 = arith.index_cast %parallel_loop3A_499 : i32 to index
      %parallel_loop3A_509 = tpu.vector_load %arg6[%parallel_loop3A_508] {strides = array<i32>} : memref<30720xf32, #tpu.memory_space<vmem>>, vector<16xf32>,
      %parallel_loop3A_510 = vector.shape_cast %parallel_loop3A_509 : vector<16xf32> to vector<16xf32>
      %parallel_loop3A_511 = arith.index_cast %parallel_loop3A_501 : i32 to index
      %parallel_loop3A_512 = tpu.vector_load %arg6[%parallel_loop3A_511] {strides = array<i32>} : memref<30720xf32, #tpu.memory_space<vmem>>, vector<16xf32>,
      %parallel_loop3A_513 = vector.shape_cast %parallel_loop3A_512 : vector<16xf32> to vector<16xf32>
      %parallel_loop3A_514 = arith.minimumf %parallel_loop3A_504, %parallel_loop3A_507 : vector<16xf32>
      %parallel_loop3A_515 = arith.maximumf %parallel_loop3A_504, %parallel_loop3A_507 : vector<16xf32>
      %parallel_loop3A_516 = arith.minimumf %parallel_loop3A_510, %parallel_loop3A_513 : vector<16xf32>
      %parallel_loop3A_517 = arith.maximumf %parallel_loop3A_510, %parallel_loop3A_513 : vector<16xf32>
      %parallel_loop3A_518 = arith.minimumf %parallel_loop3A_515, %parallel_loop3A_517 : vector<16xf32>
      %parallel_loop3A_519 = arith.maximumf %parallel_loop3A_514, %parallel_loop3A_516 : vector<16xf32>
      %parallel_loop3A_520 = arith.maximumf %parallel_loop3A_515, %parallel_loop3A_517 : vector<16xf32>
      %parallel_loop3A_521 = arith.index_cast %parallel_loop3A_495 : i32 to index
      %parallel_loop3A_522 = tpu.vector_load %arg6[%parallel_loop3A_521] {strides = array<i32>} : memref<30720xf32, #tpu.memory_space<vmem>>, vector<16xf32>,
      %parallel_loop3A_523 = vector.shape_cast %parallel_loop3A_522 : vector<16xf32> to vector<16xf32>
      %parallel_loop3A_524 = vector.shape_cast %parallel_loop3A_520 : vector<16xf32> to vector<16xf32>
      tpu.vector_store %arg6[%parallel_loop3A_521], %parallel_loop3A_524 {strides = array<i32>} : memref<30720xf32, #tpu.memory_space<vmem>>, vector<16xf32>,
      %parallel_loop3A_525 = arith.maximumf %parallel_loop3A_518, %parallel_loop3A_519 : vector<16xf32>
      %parallel_loop3A_526 = arith.index_cast %parallel_loop3A_497 : i32 to index
      %parallel_loop3A_527 = tpu.vector_load %arg6[%parallel_loop3A_526] {strides = array<i32>} : memref<30720xf32, #tpu.memory_space<vmem>>, vector<16xf32>,
      %parallel_loop3A_528 = vector.shape_cast %parallel_loop3A_527 : vector<16xf32> to vector<16xf32>
      %parallel_loop3A_529 = vector.shape_cast %parallel_loop3A_525 : vector<16xf32> to vector<16xf32>
      tpu.vector_store %arg6[%parallel_loop3A_526], %parallel_loop3A_529 {strides = array<i32>} : memref<30720xf32, #tpu.memory_space<vmem>>, vector<16xf32>,
      %parallel_loop3A_530 = arith.minimumf %parallel_loop3A_518, %parallel_loop3A_519 : vector<16xf32>
      %parallel_loop3A_531 = arith.index_cast %parallel_loop3A_499 : i32 to index
      %parallel_loop3A_532 = tpu.vector_load %arg6[%parallel_loop3A_531] {strides = array<i32>} : memref<30720xf32, #tpu.memory_space<vmem>>, vector<16xf32>,
      %parallel_loop3A_533 = vector.shape_cast %parallel_loop3A_532 : vector<16xf32> to vector<16xf32>
      %parallel_loop3A_534 = vector.shape_cast %parallel_loop3A_530 : vector<16xf32> to vector<16xf32>
      tpu.vector_store %arg6[%parallel_loop3A_531], %parallel_loop3A_534 {strides = array<i32>} : memref<30720xf32, #tpu.memory_space<vmem>>, vector<16xf32>,
      %parallel_loop3A_535 = arith.minimumf %parallel_loop3A_514, %parallel_loop3A_516 : vector<16xf32>
      %parallel_loop3A_536 = arith.index_cast %parallel_loop3A_501 : i32 to index
      %parallel_loop3A_537 = tpu.vector_load %arg6[%parallel_loop3A_536] {strides = array<i32>} : memref<30720xf32, #tpu.memory_space<vmem>>, vector<16xf32>,
      %parallel_loop3A_538 = vector.shape_cast %parallel_loop3A_537 : vector<16xf32> to vector<16xf32>
      %parallel_loop3A_539 = vector.shape_cast %parallel_loop3A_535 : vector<16xf32> to vector<16xf32>
      tpu.vector_store %arg6[%parallel_loop3A_536], %parallel_loop3A_539 {strides = array<i32>} : memref<30720xf32, #tpu.memory_space<vmem>>, vector<16xf32>,
      %parallel_loop3A_540 = arith.constant 64 : i32
      %parallel_loop3A_541 = arith.addi %parallel_loop3A_355, %parallel_loop3A_540 : i32
      %parallel_loop3A_542 = arith.constant 1056 : i32
      %parallel_loop3A_543 = arith.addi %parallel_loop3A_355, %parallel_loop3A_542 : i32
      %parallel_loop3A_544 = arith.constant 2048 : i32
      %parallel_loop3A_545 = arith.addi %parallel_loop3A_355, %parallel_loop3A_544 : i32
      %parallel_loop3A_546 = arith.constant 2144 : i32
      %parallel_loop3A_547 = arith.addi %parallel_loop3A_355, %parallel_loop3A_546 : i32
      %parallel_loop3A_548 = arith.index_cast %parallel_loop3A_541 : i32 to index
      %parallel_loop3A_549 = tpu.vector_load %arg6[%parallel_loop3A_548] {strides = array<i32>} : memref<30720xf32, #tpu.memory_space<vmem>>, vector<16xf32>,
      %parallel_loop3A_550 = vector.shape_cast %parallel_loop3A_549 : vector<16xf32> to vector<16xf32>
      %parallel_loop3A_551 = arith.index_cast %parallel_loop3A_543 : i32 to index
      %parallel_loop3A_552 = tpu.vector_load %arg6[%parallel_loop3A_551] {strides = array<i32>} : memref<30720xf32, #tpu.memory_space<vmem>>, vector<16xf32>,
      %parallel_loop3A_553 = vector.shape_cast %parallel_loop3A_552 : vector<16xf32> to vector<16xf32>
      %parallel_loop3A_554 = arith.index_cast %parallel_loop3A_545 : i32 to index
      %parallel_loop3A_555 = tpu.vector_load %arg6[%parallel_loop3A_554] {strides = array<i32>} : memref<30720xf32, #tpu.memory_space<vmem>>, vector<16xf32>,
      %parallel_loop3A_556 = vector.shape_cast %parallel_loop3A_555 : vector<16xf32> to vector<16xf32>
      %parallel_loop3A_557 = arith.index_cast %parallel_loop3A_547 : i32 to index
      %parallel_loop3A_558 = tpu.vector_load %arg6[%parallel_loop3A_557] {strides = array<i32>} : memref<30720xf32, #tpu.memory_space<vmem>>, vector<16xf32>,
      %parallel_loop3A_559 = vector.shape_cast %parallel_loop3A_558 : vector<16xf32> to vector<16xf32>
      %parallel_loop3A_560 = arith.minimumf %parallel_loop3A_550, %parallel_loop3A_553 : vector<16xf32>
      %parallel_loop3A_561 = arith.maximumf %parallel_loop3A_550, %parallel_loop3A_553 : vector<16xf32>
      %parallel_loop3A_562 = arith.minimumf %parallel_loop3A_556, %parallel_loop3A_559 : vector<16xf32>
      %parallel_loop3A_563 = arith.maximumf %parallel_loop3A_556, %parallel_loop3A_559 : vector<16xf32>
      %parallel_loop3A_564 = arith.minimumf %parallel_loop3A_561, %parallel_loop3A_563 : vector<16xf32>
      %parallel_loop3A_565 = arith.maximumf %parallel_loop3A_560, %parallel_loop3A_562 : vector<16xf32>
      %parallel_loop3A_566 = arith.maximumf %parallel_loop3A_561, %parallel_loop3A_563 : vector<16xf32>
      %parallel_loop3A_567 = arith.index_cast %parallel_loop3A_541 : i32 to index
      %parallel_loop3A_568 = tpu.vector_load %arg6[%parallel_loop3A_567] {strides = array<i32>} : memref<30720xf32, #tpu.memory_space<vmem>>, vector<16xf32>,
      %parallel_loop3A_569 = vector.shape_cast %parallel_loop3A_568 : vector<16xf32> to vector<16xf32>
      %parallel_loop3A_570 = vector.shape_cast %parallel_loop3A_566 : vector<16xf32> to vector<16xf32>
      tpu.vector_store %arg6[%parallel_loop3A_567], %parallel_loop3A_570 {strides = array<i32>} : memref<30720xf32, #tpu.memory_space<vmem>>, vector<16xf32>,
      %parallel_loop3A_571 = arith.maximumf %parallel_loop3A_564, %parallel_loop3A_565 : vector<16xf32>
      %parallel_loop3A_572 = arith.index_cast %parallel_loop3A_543 : i32 to index
      %parallel_loop3A_573 = tpu.vector_load %arg6[%parallel_loop3A_572] {strides = array<i32>} : memref<30720xf32, #tpu.memory_space<vmem>>, vector<16xf32>,
      %parallel_loop3A_574 = vector.shape_cast %parallel_loop3A_573 : vector<16xf32> to vector<16xf32>
      %parallel_loop3A_575 = vector.shape_cast %parallel_loop3A_571 : vector<16xf32> to vector<16xf32>
      tpu.vector_store %arg6[%parallel_loop3A_572], %parallel_loop3A_575 {strides = array<i32>} : memref<30720xf32, #tpu.memory_space<vmem>>, vector<16xf32>,
      %parallel_loop3A_576 = arith.minimumf %parallel_loop3A_564, %parallel_loop3A_565 : vector<16xf32>
      %parallel_loop3A_577 = arith.index_cast %parallel_loop3A_545 : i32 to index
      %parallel_loop3A_578 = tpu.vector_load %arg6[%parallel_loop3A_577] {strides = array<i32>} : memref<30720xf32, #tpu.memory_space<vmem>>, vector<16xf32>,
      %parallel_loop3A_579 = vector.shape_cast %parallel_loop3A_578 : vector<16xf32> to vector<16xf32>
      %parallel_loop3A_580 = vector.shape_cast %parallel_loop3A_576 : vector<16xf32> to vector<16xf32>
      tpu.vector_store %arg6[%parallel_loop3A_577], %parallel_loop3A_580 {strides = array<i32>} : memref<30720xf32, #tpu.memory_space<vmem>>, vector<16xf32>,
      %parallel_loop3A_581 = arith.minimumf %parallel_loop3A_560, %parallel_loop3A_562 : vector<16xf32>
      %parallel_loop3A_582 = arith.index_cast %parallel_loop3A_547 : i32 to index
      %parallel_loop3A_583 = tpu.vector_load %arg6[%parallel_loop3A_582] {strides = array<i32>} : memref<30720xf32, #tpu.memory_space<vmem>>, vector<16xf32>,
      %parallel_loop3A_584 = vector.shape_cast %parallel_loop3A_583 : vector<16xf32> to vector<16xf32>
      %parallel_loop3A_585 = vector.shape_cast %parallel_loop3A_581 : vector<16xf32> to vector<16xf32>
      tpu.vector_store %arg6[%parallel_loop3A_582], %parallel_loop3A_585 {strides = array<i32>} : memref<30720xf32, #tpu.memory_space<vmem>>, vector<16xf32>,
      %parallel_loop3A_586 = arith.constant 80 : i32
      %parallel_loop3A_587 = arith.addi %parallel_loop3A_355, %parallel_loop3A_586 : i32
      %parallel_loop3A_588 = arith.constant 1072 : i32
      %parallel_loop3A_589 = arith.addi %parallel_loop3A_355, %parallel_loop3A_588 : i32
      %parallel_loop3A_590 = arith.constant 2064 : i32
      %parallel_loop3A_591 = arith.addi %parallel_loop3A_355, %parallel_loop3A_590 : i32
      %parallel_loop3A_592 = arith.constant 2160 : i32
      %parallel_loop3A_593 = arith.addi %parallel_loop3A_355, %parallel_loop3A_592 : i32
      %parallel_loop3A_594 = arith.index_cast %parallel_loop3A_587 : i32 to index
      %parallel_loop3A_595 = tpu.vector_load %arg6[%parallel_loop3A_594] {strides = array<i32>} : memref<30720xf32, #tpu.memory_space<vmem>>, vector<16xf32>,
      %parallel_loop3A_596 = vector.shape_cast %parallel_loop3A_595 : vector<16xf32> to vector<16xf32>
      %parallel_loop3A_597 = arith.index_cast %parallel_loop3A_589 : i32 to index
      %parallel_loop3A_598 = tpu.vector_load %arg6[%parallel_loop3A_597] {strides = array<i32>} : memref<30720xf32, #tpu.memory_space<vmem>>, vector<16xf32>,
      %parallel_loop3A_599 = vector.shape_cast %parallel_loop3A_598 : vector<16xf32> to vector<16xf32>
      %parallel_loop3A_600 = arith.index_cast %parallel_loop3A_591 : i32 to index
      %parallel_loop3A_601 = tpu.vector_load %arg6[%parallel_loop3A_600] {strides = array<i32>} : memref<30720xf32, #tpu.memory_space<vmem>>, vector<16xf32>,
      %parallel_loop3A_602 = vector.shape_cast %parallel_loop3A_601 : vector<16xf32> to vector<16xf32>
      %parallel_loop3A_603 = arith.index_cast %parallel_loop3A_593 : i32 to index
      %parallel_loop3A_604 = tpu.vector_load %arg6[%parallel_loop3A_603] {strides = array<i32>} : memref<30720xf32, #tpu.memory_space<vmem>>, vector<16xf32>,
      %parallel_loop3A_605 = vector.shape_cast %parallel_loop3A_604 : vector<16xf32> to vector<16xf32>
      %parallel_loop3A_606 = arith.minimumf %parallel_loop3A_596, %parallel_loop3A_599 : vector<16xf32>
      %parallel_loop3A_607 = arith.maximumf %parallel_loop3A_596, %parallel_loop3A_599 : vector<16xf32>
      %parallel_loop3A_608 = arith.minimumf %parallel_loop3A_602, %parallel_loop3A_605 : vector<16xf32>
      %parallel_loop3A_609 = arith.maximumf %parallel_loop3A_602, %parallel_loop3A_605 : vector<16xf32>
      %parallel_loop3A_610 = arith.minimumf %parallel_loop3A_607, %parallel_loop3A_609 : vector<16xf32>
      %parallel_loop3A_611 = arith.maximumf %parallel_loop3A_606, %parallel_loop3A_608 : vector<16xf32>
      %parallel_loop3A_612 = arith.maximumf %parallel_loop3A_607, %parallel_loop3A_609 : vector<16xf32>
      %parallel_loop3A_613 = arith.index_cast %parallel_loop3A_587 : i32 to index
      %parallel_loop3A_614 = tpu.vector_load %arg6[%parallel_loop3A_613] {strides = array<i32>} : memref<30720xf32, #tpu.memory_space<vmem>>, vector<16xf32>,
      %parallel_loop3A_615 = vector.shape_cast %parallel_loop3A_614 : vector<16xf32> to vector<16xf32>
      %parallel_loop3A_616 = vector.shape_cast %parallel_loop3A_612 : vector<16xf32> to vector<16xf32>
      tpu.vector_store %arg6[%parallel_loop3A_613], %parallel_loop3A_616 {strides = array<i32>} : memref<30720xf32, #tpu.memory_space<vmem>>, vector<16xf32>,
      %parallel_loop3A_617 = arith.maximumf %parallel_loop3A_610, %parallel_loop3A_611 : vector<16xf32>
      %parallel_loop3A_618 = arith.index_cast %parallel_loop3A_589 : i32 to index
      %parallel_loop3A_619 = tpu.vector_load %arg6[%parallel_loop3A_618] {strides = array<i32>} : memref<30720xf32, #tpu.memory_space<vmem>>, vector<16xf32>,
      %parallel_loop3A_620 = vector.shape_cast %parallel_loop3A_619 : vector<16xf32> to vector<16xf32>
      %parallel_loop3A_621 = vector.shape_cast %parallel_loop3A_617 : vector<16xf32> to vector<16xf32>
      tpu.vector_store %arg6[%parallel_loop3A_618], %parallel_loop3A_621 {strides = array<i32>} : memref<30720xf32, #tpu.memory_space<vmem>>, vector<16xf32>,
      %parallel_loop3A_622 = arith.minimumf %parallel_loop3A_610, %parallel_loop3A_611 : vector<16xf32>
      %parallel_loop3A_623 = arith.index_cast %parallel_loop3A_591 : i32 to index
      %parallel_loop3A_624 = tpu.vector_load %arg6[%parallel_loop3A_623] {strides = array<i32>} : memref<30720xf32, #tpu.memory_space<vmem>>, vector<16xf32>,
      %parallel_loop3A_625 = vector.shape_cast %parallel_loop3A_624 : vector<16xf32> to vector<16xf32>
      %parallel_loop3A_626 = vector.shape_cast %parallel_loop3A_622 : vector<16xf32> to vector<16xf32>
      tpu.vector_store %arg6[%parallel_loop3A_623], %parallel_loop3A_626 {strides = array<i32>} : memref<30720xf32, #tpu.memory_space<vmem>>, vector<16xf32>,
      %parallel_loop3A_627 = arith.minimumf %parallel_loop3A_606, %parallel_loop3A_608 : vector<16xf32>
      %parallel_loop3A_628 = arith.index_cast %parallel_loop3A_593 : i32 to index
      %parallel_loop3A_629 = tpu.vector_load %arg6[%parallel_loop3A_628] {strides = array<i32>} : memref<30720xf32, #tpu.memory_space<vmem>>, vector<16xf32>,
      %parallel_loop3A_630 = vector.shape_cast %parallel_loop3A_629 : vector<16xf32> to vector<16xf32>
      %parallel_loop3A_631 = vector.shape_cast %parallel_loop3A_627 : vector<16xf32> to vector<16xf32>
      tpu.vector_store %arg6[%parallel_loop3A_628], %parallel_loop3A_631 {strides = array<i32>} : memref<30720xf32, #tpu.memory_space<vmem>>, vector<16xf32>,
    } {sc.loop_unroll_factor = 1 : i64, sc.parallel_access}
    %add3A_81 = arith.constant 61440 : i32
    %add3A_82 = arith.addi %mul3A_2, %add3A_81 : i32
    %dma_start3A_83 = arith.constant 0 : i32
    %dma_start3A_84 = tpu.memref_slice %arg6[%dma_start3A_83] : memref<30720xf32, #tpu.memory_space<vmem>> -> memref<30720xf32, #tpu.memory_space<vmem>>
    %dma_start3A_85 = tpu.memref_slice %arg3[%add3A_82] : memref<9633792xf32, #tpu.memory_space<hbm>> -> memref<30720xf32, #tpu.memory_space<hbm>>
    %dma_start3A_86 = tpu.memref_slice %arg3[%add3A_82] : memref<9633792xf32, #tpu.memory_space<hbm>> -> memref<30720xf32, #tpu.memory_space<hbm>>
    %dma_start3A_87 = arith.constant 0 : i32
    %dma_start3A_88 = tpu.memref_slice %arg6[%dma_start3A_87] : memref<30720xf32, #tpu.memory_space<vmem>> -> memref<30720xf32, #tpu.memory_space<vmem>>
    tpu.enqueue_dma source(%dma_start3A_88 : memref<30720xf32, #tpu.memory_space<vmem>>) target(%dma_start3A_86 : memref<30720xf32, #tpu.memory_space<hbm>>) target_semaphore(%arg12 : memref<!tpu.dma_semaphore, #tpu.memory_space<semaphore_mem>>)
    %dma_wait3A_89 = arith.constant 0 : i32
    %dma_wait3A_90 = tpu.memref_slice %arg5[%dma_wait3A_89] : memref<30720xf32, #tpu.memory_space<vmem>> -> memref<30720xf32, #tpu.memory_space<vmem>>
    %dma_wait3A_91 = tpu.memref_slice %arg3[%add3A_51] : memref<9633792xf32, #tpu.memory_space<hbm>> -> memref<30720xf32, #tpu.memory_space<hbm>>
    %dma_wait3A_92 = tpu.memref_slice %arg3[%add3A_51] : memref<9633792xf32, #tpu.memory_space<hbm>> -> memref<30720xf32, #tpu.memory_space<hbm>>
    %dma_wait3A_93 = arith.constant 0 : i32
    %dma_wait3A_94 = tpu.memref_slice %arg5[%dma_wait3A_93] : memref<30720xf32, #tpu.memory_space<vmem>> -> memref<30720xf32, #tpu.memory_space<vmem>>
    tpu.wait_dma2 semaphore(%arg11 : memref<!tpu.dma_semaphore, #tpu.memory_space<semaphore_mem>>) src(%dma_wait3A_94 : memref<30720xf32, #tpu.memory_space<vmem>>) dst(%dma_wait3A_92 : memref<30720xf32, #tpu.memory_space<hbm>>)
    %add3A_95 = arith.constant 122880 : i32
    %add3A_96 = arith.addi %mul3A_2, %add3A_95 : i32
    %dma_start3A_97 = arith.constant 0 : i32
    %dma_start3A_98 = tpu.memref_slice %arg5[%dma_start3A_97] : memref<30720xf32, #tpu.memory_space<vmem>> -> memref<30720xf32, #tpu.memory_space<vmem>>
    %dma_start3A_99 = tpu.memref_slice %arg2[%add3A_96] : memref<9633792xf32, #tpu.memory_space<hbm>> -> memref<30720xf32, #tpu.memory_space<hbm>>
    %dma_start3A_100 = arith.constant 0 : i32
    %dma_start3A_101 = tpu.memref_slice %arg5[%dma_start3A_100] : memref<30720xf32, #tpu.memory_space<vmem>> -> memref<30720xf32, #tpu.memory_space<vmem>>
    %dma_start3A_102 = tpu.memref_slice %arg2[%add3A_96] : memref<9633792xf32, #tpu.memory_space<hbm>> -> memref<30720xf32, #tpu.memory_space<hbm>>
    tpu.enqueue_dma source(%dma_start3A_102 : memref<30720xf32, #tpu.memory_space<hbm>>) target(%dma_start3A_101 : memref<30720xf32, #tpu.memory_space<vmem>>) target_semaphore(%arg8 : memref<!tpu.dma_semaphore, #tpu.memory_space<semaphore_mem>>)
    %dma_wait3A_103 = arith.constant 0 : i32
    %dma_wait3A_104 = tpu.memref_slice %arg4[%dma_wait3A_103] : memref<30720xf32, #tpu.memory_space<vmem>> -> memref<30720xf32, #tpu.memory_space<vmem>>
    %dma_wait3A_105 = tpu.memref_slice %arg2[%add3A_65] : memref<9633792xf32, #tpu.memory_space<hbm>> -> memref<30720xf32, #tpu.memory_space<hbm>>
    %dma_wait3A_106 = arith.constant 0 : i32
    %dma_wait3A_107 = tpu.memref_slice %arg4[%dma_wait3A_106] : memref<30720xf32, #tpu.memory_space<vmem>> -> memref<30720xf32, #tpu.memory_space<vmem>>
    %dma_wait3A_108 = tpu.memref_slice %arg2[%add3A_65] : memref<9633792xf32, #tpu.memory_space<hbm>> -> memref<30720xf32, #tpu.memory_space<hbm>>
    tpu.wait_dma2 semaphore(%arg7 : memref<!tpu.dma_semaphore, #tpu.memory_space<semaphore_mem>>) src(%dma_wait3A_108 : memref<30720xf32, #tpu.memory_space<hbm>>) dst(%dma_wait3A_107 : memref<30720xf32, #tpu.memory_space<vmem>>)
    %parallel_loop3A_109 = arith.constant 0 : i32
    %parallel_loop3A_110 = arith.constant 80 : i32
    %parallel_loop3A_111 = arith.constant 1 : i32
    scf.for %parallel_loop3A_310 = %parallel_loop3A_109 to %parallel_loop3A_110 step %parallel_loop3A_111  : i32 {
      %parallel_loop3A_311 = arith.constant 8 : i32
      %parallel_loop3A_312 = arith.divsi %parallel_loop3A_310, %parallel_loop3A_311 : i32
      %parallel_loop3A_313 = arith.constant 0 : i32
      %parallel_loop3A_314 = arith.cmpi sgt, %parallel_loop3A_310, %parallel_loop3A_313 : i32
      %parallel_loop3A_315 = arith.extui %parallel_loop3A_314 : i1 to i32
      %parallel_loop3A_316 = arith.constant 0 : i32
      %parallel_loop3A_317 = arith.cmpi slt, %parallel_loop3A_310, %parallel_loop3A_316 : i32
      %parallel_loop3A_318 = arith.extui %parallel_loop3A_317 : i1 to i32
      %parallel_loop3A_319 = arith.subi %parallel_loop3A_315, %parallel_loop3A_318 : i32
      %parallel_loop3A_320 = arith.constant 0 : i32
      %parallel_loop3A_321 = arith.cmpi sgt, %parallel_loop3A_311, %parallel_loop3A_320 : i32
      %parallel_loop3A_322 = arith.extui %parallel_loop3A_321 : i1 to i32
      %parallel_loop3A_323 = arith.constant 0 : i32
      %parallel_loop3A_324 = arith.cmpi slt, %parallel_loop3A_311, %parallel_loop3A_323 : i32
      %parallel_loop3A_325 = arith.extui %parallel_loop3A_324 : i1 to i32
      %parallel_loop3A_326 = arith.subi %parallel_loop3A_322, %parallel_loop3A_325 : i32
      %parallel_loop3A_327 = arith.cmpi ne, %parallel_loop3A_319, %parallel_loop3A_326 : i32
      %parallel_loop3A_328 = arith.remsi %parallel_loop3A_310, %parallel_loop3A_311 : i32
      %parallel_loop3A_329 = arith.constant 0 : i32
      %parallel_loop3A_330 = arith.cmpi ne, %parallel_loop3A_328, %parallel_loop3A_329 : i32
      %parallel_loop3A_331 = arith.andi %parallel_loop3A_327, %parallel_loop3A_330 : i1
      %parallel_loop3A_332 = arith.constant 1 : i32
      %parallel_loop3A_333 = arith.subi %parallel_loop3A_312, %parallel_loop3A_332 : i32
      %parallel_loop3A_334 = arith.select %parallel_loop3A_331, %parallel_loop3A_333, %parallel_loop3A_312 : i32
      %parallel_loop3A_335 = arith.constant 3072 : i32
      %parallel_loop3A_336 = arith.muli %parallel_loop3A_334, %parallel_loop3A_335 : i32
      %parallel_loop3A_337 = arith.constant 8 : i32
      %parallel_loop3A_338 = arith.constant 0 : i32
      %parallel_loop3A_339 = arith.cmpi eq, %parallel_loop3A_337, %parallel_loop3A_338 : i32
      %parallel_loop3A_340 = arith.constant 1 : i32
      %parallel_loop3A_341 = arith.select %parallel_loop3A_339, %parallel_loop3A_340, %parallel_loop3A_337 : i32
      %parallel_loop3A_342 = arith.remsi %parallel_loop3A_310, %parallel_loop3A_341 : i32
      %parallel_loop3A_343 = arith.constant 0 : i32
      %parallel_loop3A_344 = arith.cmpi ne, %parallel_loop3A_342, %parallel_loop3A_343 : i32
      %parallel_loop3A_345 = arith.constant 0 : i32
      %parallel_loop3A_346 = arith.cmpi slt, %parallel_loop3A_342, %parallel_loop3A_345 : i32
      %parallel_loop3A_347 = arith.constant 0 : i32
      %parallel_loop3A_348 = arith.cmpi slt, %parallel_loop3A_341, %parallel_loop3A_347 : i32
      %parallel_loop3A_349 = arith.xori %parallel_loop3A_346, %parallel_loop3A_348 : i1
      %parallel_loop3A_350 = arith.andi %parallel_loop3A_349, %parallel_loop3A_344 : i1
      %parallel_loop3A_351 = arith.addi %parallel_loop3A_342, %parallel_loop3A_341 : i32
      %parallel_loop3A_352 = arith.select %parallel_loop3A_350, %parallel_loop3A_351, %parallel_loop3A_342 : i32
      %parallel_loop3A_353 = arith.constant 128 : i32
      %parallel_loop3A_354 = arith.muli %parallel_loop3A_352, %parallel_loop3A_353 : i32
      %parallel_loop3A_355 = arith.addi %parallel_loop3A_336, %parallel_loop3A_354 : i32
      %parallel_loop3A_356 = arith.constant 0 : i32
      %parallel_loop3A_357 = arith.addi %parallel_loop3A_355, %parallel_loop3A_356 : i32
      %parallel_loop3A_358 = arith.constant 96 : i32
      %parallel_loop3A_359 = arith.addi %parallel_loop3A_355, %parallel_loop3A_358 : i32
      %parallel_loop3A_360 = arith.constant 1088 : i32
      %parallel_loop3A_361 = arith.addi %parallel_loop3A_355, %parallel_loop3A_360 : i32
      %parallel_loop3A_362 = arith.constant 2080 : i32
      %parallel_loop3A_363 = arith.addi %parallel_loop3A_355, %parallel_loop3A_362 : i32
      %parallel_loop3A_364 = arith.index_cast %parallel_loop3A_357 : i32 to index
      %parallel_loop3A_365 = tpu.vector_load %arg4[%parallel_loop3A_364] {strides = array<i32>} : memref<30720xf32, #tpu.memory_space<vmem>>, vector<16xf32>,
      %parallel_loop3A_366 = vector.shape_cast %parallel_loop3A_365 : vector<16xf32> to vector<16xf32>
      %parallel_loop3A_367 = arith.index_cast %parallel_loop3A_359 : i32 to index
      %parallel_loop3A_368 = tpu.vector_load %arg4[%parallel_loop3A_367] {strides = array<i32>} : memref<30720xf32, #tpu.memory_space<vmem>>, vector<16xf32>,
      %parallel_loop3A_369 = vector.shape_cast %parallel_loop3A_368 : vector<16xf32> to vector<16xf32>
      %parallel_loop3A_370 = arith.index_cast %parallel_loop3A_361 : i32 to index
      %parallel_loop3A_371 = tpu.vector_load %arg4[%parallel_loop3A_370] {strides = array<i32>} : memref<30720xf32, #tpu.memory_space<vmem>>, vector<16xf32>,
      %parallel_loop3A_372 = vector.shape_cast %parallel_loop3A_371 : vector<16xf32> to vector<16xf32>
      %parallel_loop3A_373 = arith.index_cast %parallel_loop3A_363 : i32 to index
      %parallel_loop3A_374 = tpu.vector_load %arg4[%parallel_loop3A_373] {strides = array<i32>} : memref<30720xf32, #tpu.memory_space<vmem>>, vector<16xf32>,
      %parallel_loop3A_375 = vector.shape_cast %parallel_loop3A_374 : vector<16xf32> to vector<16xf32>
      %parallel_loop3A_376 = arith.minimumf %parallel_loop3A_366, %parallel_loop3A_369 : vector<16xf32>
      %parallel_loop3A_377 = arith.maximumf %parallel_loop3A_366, %parallel_loop3A_369 : vector<16xf32>
      %parallel_loop3A_378 = arith.minimumf %parallel_loop3A_372, %parallel_loop3A_375 : vector<16xf32>
      %parallel_loop3A_379 = arith.maximumf %parallel_loop3A_372, %parallel_loop3A_375 : vector<16xf32>
      %parallel_loop3A_380 = arith.minimumf %parallel_loop3A_377, %parallel_loop3A_379 : vector<16xf32>
      %parallel_loop3A_381 = arith.maximumf %parallel_loop3A_376, %parallel_loop3A_378 : vector<16xf32>
      %parallel_loop3A_382 = arith.maximumf %parallel_loop3A_377, %parallel_loop3A_379 : vector<16xf32>
      %parallel_loop3A_383 = arith.index_cast %parallel_loop3A_357 : i32 to index
      %parallel_loop3A_384 = tpu.vector_load %arg4[%parallel_loop3A_383] {strides = array<i32>} : memref<30720xf32, #tpu.memory_space<vmem>>, vector<16xf32>,
      %parallel_loop3A_385 = vector.shape_cast %parallel_loop3A_384 : vector<16xf32> to vector<16xf32>
      %parallel_loop3A_386 = vector.shape_cast %parallel_loop3A_382 : vector<16xf32> to vector<16xf32>
      tpu.vector_store %arg4[%parallel_loop3A_383], %parallel_loop3A_386 {strides = array<i32>} : memref<30720xf32, #tpu.memory_space<vmem>>, vector<16xf32>,
      %parallel_loop3A_387 = arith.maximumf %parallel_loop3A_380, %parallel_loop3A_381 : vector<16xf32>
      %parallel_loop3A_388 = arith.index_cast %parallel_loop3A_359 : i32 to index
      %parallel_loop3A_389 = tpu.vector_load %arg4[%parallel_loop3A_388] {strides = array<i32>} : memref<30720xf32, #tpu.memory_space<vmem>>, vector<16xf32>,
      %parallel_loop3A_390 = vector.shape_cast %parallel_loop3A_389 : vector<16xf32> to vector<16xf32>
      %parallel_loop3A_391 = vector.shape_cast %parallel_loop3A_387 : vector<16xf32> to vector<16xf32>
      tpu.vector_store %arg4[%parallel_loop3A_388], %parallel_loop3A_391 {strides = array<i32>} : memref<30720xf32, #tpu.memory_space<vmem>>, vector<16xf32>,
      %parallel_loop3A_392 = arith.minimumf %parallel_loop3A_380, %parallel_loop3A_381 : vector<16xf32>
      %parallel_loop3A_393 = arith.index_cast %parallel_loop3A_361 : i32 to index
      %parallel_loop3A_394 = tpu.vector_load %arg4[%parallel_loop3A_393] {strides = array<i32>} : memref<30720xf32, #tpu.memory_space<vmem>>, vector<16xf32>,
      %parallel_loop3A_395 = vector.shape_cast %parallel_loop3A_394 : vector<16xf32> to vector<16xf32>
      %parallel_loop3A_396 = vector.shape_cast %parallel_loop3A_392 : vector<16xf32> to vector<16xf32>
      tpu.vector_store %arg4[%parallel_loop3A_393], %parallel_loop3A_396 {strides = array<i32>} : memref<30720xf32, #tpu.memory_space<vmem>>, vector<16xf32>,
      %parallel_loop3A_397 = arith.minimumf %parallel_loop3A_376, %parallel_loop3A_378 : vector<16xf32>
      %parallel_loop3A_398 = arith.index_cast %parallel_loop3A_363 : i32 to index
      %parallel_loop3A_399 = tpu.vector_load %arg4[%parallel_loop3A_398] {strides = array<i32>} : memref<30720xf32, #tpu.memory_space<vmem>>, vector<16xf32>,
      %parallel_loop3A_400 = vector.shape_cast %parallel_loop3A_399 : vector<16xf32> to vector<16xf32>
      %parallel_loop3A_401 = vector.shape_cast %parallel_loop3A_397 : vector<16xf32> to vector<16xf32>
      tpu.vector_store %arg4[%parallel_loop3A_398], %parallel_loop3A_401 {strides = array<i32>} : memref<30720xf32, #tpu.memory_space<vmem>>, vector<16xf32>,
      %parallel_loop3A_402 = arith.constant 16 : i32
      %parallel_loop3A_403 = arith.addi %parallel_loop3A_355, %parallel_loop3A_402 : i32
      %parallel_loop3A_404 = arith.constant 112 : i32
      %parallel_loop3A_405 = arith.addi %parallel_loop3A_355, %parallel_loop3A_404 : i32
      %parallel_loop3A_406 = arith.constant 1104 : i32
      %parallel_loop3A_407 = arith.addi %parallel_loop3A_355, %parallel_loop3A_406 : i32
      %parallel_loop3A_408 = arith.constant 2096 : i32
      %parallel_loop3A_409 = arith.addi %parallel_loop3A_355, %parallel_loop3A_408 : i32
      %parallel_loop3A_410 = arith.index_cast %parallel_loop3A_403 : i32 to index
      %parallel_loop3A_411 = tpu.vector_load %arg4[%parallel_loop3A_410] {strides = array<i32>} : memref<30720xf32, #tpu.memory_space<vmem>>, vector<16xf32>,
      %parallel_loop3A_412 = vector.shape_cast %parallel_loop3A_411 : vector<16xf32> to vector<16xf32>
      %parallel_loop3A_413 = arith.index_cast %parallel_loop3A_405 : i32 to index
      %parallel_loop3A_414 = tpu.vector_load %arg4[%parallel_loop3A_413] {strides = array<i32>} : memref<30720xf32, #tpu.memory_space<vmem>>, vector<16xf32>,
      %parallel_loop3A_415 = vector.shape_cast %parallel_loop3A_414 : vector<16xf32> to vector<16xf32>
      %parallel_loop3A_416 = arith.index_cast %parallel_loop3A_407 : i32 to index
      %parallel_loop3A_417 = tpu.vector_load %arg4[%parallel_loop3A_416] {strides = array<i32>} : memref<30720xf32, #tpu.memory_space<vmem>>, vector<16xf32>,
      %parallel_loop3A_418 = vector.shape_cast %parallel_loop3A_417 : vector<16xf32> to vector<16xf32>
      %parallel_loop3A_419 = arith.index_cast %parallel_loop3A_409 : i32 to index
      %parallel_loop3A_420 = tpu.vector_load %arg4[%parallel_loop3A_419] {strides = array<i32>} : memref<30720xf32, #tpu.memory_space<vmem>>, vector<16xf32>,
      %parallel_loop3A_421 = vector.shape_cast %parallel_loop3A_420 : vector<16xf32> to vector<16xf32>
      %parallel_loop3A_422 = arith.minimumf %parallel_loop3A_412, %parallel_loop3A_415 : vector<16xf32>
      %parallel_loop3A_423 = arith.maximumf %parallel_loop3A_412, %parallel_loop3A_415 : vector<16xf32>
      %parallel_loop3A_424 = arith.minimumf %parallel_loop3A_418, %parallel_loop3A_421 : vector<16xf32>
      %parallel_loop3A_425 = arith.maximumf %parallel_loop3A_418, %parallel_loop3A_421 : vector<16xf32>
      %parallel_loop3A_426 = arith.minimumf %parallel_loop3A_423, %parallel_loop3A_425 : vector<16xf32>
      %parallel_loop3A_427 = arith.maximumf %parallel_loop3A_422, %parallel_loop3A_424 : vector<16xf32>
      %parallel_loop3A_428 = arith.maximumf %parallel_loop3A_423, %parallel_loop3A_425 : vector<16xf32>
      %parallel_loop3A_429 = arith.index_cast %parallel_loop3A_403 : i32 to index
      %parallel_loop3A_430 = tpu.vector_load %arg4[%parallel_loop3A_429] {strides = array<i32>} : memref<30720xf32, #tpu.memory_space<vmem>>, vector<16xf32>,
      %parallel_loop3A_431 = vector.shape_cast %parallel_loop3A_430 : vector<16xf32> to vector<16xf32>
      %parallel_loop3A_432 = vector.shape_cast %parallel_loop3A_428 : vector<16xf32> to vector<16xf32>
      tpu.vector_store %arg4[%parallel_loop3A_429], %parallel_loop3A_432 {strides = array<i32>} : memref<30720xf32, #tpu.memory_space<vmem>>, vector<16xf32>,
      %parallel_loop3A_433 = arith.maximumf %parallel_loop3A_426, %parallel_loop3A_427 : vector<16xf32>
      %parallel_loop3A_434 = arith.index_cast %parallel_loop3A_405 : i32 to index
      %parallel_loop3A_435 = tpu.vector_load %arg4[%parallel_loop3A_434] {strides = array<i32>} : memref<30720xf32, #tpu.memory_space<vmem>>, vector<16xf32>,
      %parallel_loop3A_436 = vector.shape_cast %parallel_loop3A_435 : vector<16xf32> to vector<16xf32>
      %parallel_loop3A_437 = vector.shape_cast %parallel_loop3A_433 : vector<16xf32> to vector<16xf32>
      tpu.vector_store %arg4[%parallel_loop3A_434], %parallel_loop3A_437 {strides = array<i32>} : memref<30720xf32, #tpu.memory_space<vmem>>, vector<16xf32>,
      %parallel_loop3A_438 = arith.minimumf %parallel_loop3A_426, %parallel_loop3A_427 : vector<16xf32>
      %parallel_loop3A_439 = arith.index_cast %parallel_loop3A_407 : i32 to index
      %parallel_loop3A_440 = tpu.vector_load %arg4[%parallel_loop3A_439] {strides = array<i32>} : memref<30720xf32, #tpu.memory_space<vmem>>, vector<16xf32>,
      %parallel_loop3A_441 = vector.shape_cast %parallel_loop3A_440 : vector<16xf32> to vector<16xf32>
      %parallel_loop3A_442 = vector.shape_cast %parallel_loop3A_438 : vector<16xf32> to vector<16xf32>
      tpu.vector_store %arg4[%parallel_loop3A_439], %parallel_loop3A_442 {strides = array<i32>} : memref<30720xf32, #tpu.memory_space<vmem>>, vector<16xf32>,
      %parallel_loop3A_443 = arith.minimumf %parallel_loop3A_422, %parallel_loop3A_424 : vector<16xf32>
      %parallel_loop3A_444 = arith.index_cast %parallel_loop3A_409 : i32 to index
      %parallel_loop3A_445 = tpu.vector_load %arg4[%parallel_loop3A_444] {strides = array<i32>} : memref<30720xf32, #tpu.memory_space<vmem>>, vector<16xf32>,
      %parallel_loop3A_446 = vector.shape_cast %parallel_loop3A_445 : vector<16xf32> to vector<16xf32>
      %parallel_loop3A_447 = vector.shape_cast %parallel_loop3A_443 : vector<16xf32> to vector<16xf32>
      tpu.vector_store %arg4[%parallel_loop3A_444], %parallel_loop3A_447 {strides = array<i32>} : memref<30720xf32, #tpu.memory_space<vmem>>, vector<16xf32>,
      %parallel_loop3A_448 = arith.constant 32 : i32
      %parallel_loop3A_449 = arith.addi %parallel_loop3A_355, %parallel_loop3A_448 : i32
      %parallel_loop3A_450 = arith.constant 1024 : i32
      %parallel_loop3A_451 = arith.addi %parallel_loop3A_355, %parallel_loop3A_450 : i32
      %parallel_loop3A_452 = arith.constant 1120 : i32
      %parallel_loop3A_453 = arith.addi %parallel_loop3A_355, %parallel_loop3A_452 : i32
      %parallel_loop3A_454 = arith.constant 2112 : i32
      %parallel_loop3A_455 = arith.addi %parallel_loop3A_355, %parallel_loop3A_454 : i32
      %parallel_loop3A_456 = arith.index_cast %parallel_loop3A_449 : i32 to index
      %parallel_loop3A_457 = tpu.vector_load %arg4[%parallel_loop3A_456] {strides = array<i32>} : memref<30720xf32, #tpu.memory_space<vmem>>, vector<16xf32>,
      %parallel_loop3A_458 = vector.shape_cast %parallel_loop3A_457 : vector<16xf32> to vector<16xf32>
      %parallel_loop3A_459 = arith.index_cast %parallel_loop3A_451 : i32 to index
      %parallel_loop3A_460 = tpu.vector_load %arg4[%parallel_loop3A_459] {strides = array<i32>} : memref<30720xf32, #tpu.memory_space<vmem>>, vector<16xf32>,
      %parallel_loop3A_461 = vector.shape_cast %parallel_loop3A_460 : vector<16xf32> to vector<16xf32>
      %parallel_loop3A_462 = arith.index_cast %parallel_loop3A_453 : i32 to index
      %parallel_loop3A_463 = tpu.vector_load %arg4[%parallel_loop3A_462] {strides = array<i32>} : memref<30720xf32, #tpu.memory_space<vmem>>, vector<16xf32>,
      %parallel_loop3A_464 = vector.shape_cast %parallel_loop3A_463 : vector<16xf32> to vector<16xf32>
      %parallel_loop3A_465 = arith.index_cast %parallel_loop3A_455 : i32 to index
      %parallel_loop3A_466 = tpu.vector_load %arg4[%parallel_loop3A_465] {strides = array<i32>} : memref<30720xf32, #tpu.memory_space<vmem>>, vector<16xf32>,
      %parallel_loop3A_467 = vector.shape_cast %parallel_loop3A_466 : vector<16xf32> to vector<16xf32>
      %parallel_loop3A_468 = arith.minimumf %parallel_loop3A_458, %parallel_loop3A_461 : vector<16xf32>
      %parallel_loop3A_469 = arith.maximumf %parallel_loop3A_458, %parallel_loop3A_461 : vector<16xf32>
      %parallel_loop3A_470 = arith.minimumf %parallel_loop3A_464, %parallel_loop3A_467 : vector<16xf32>
      %parallel_loop3A_471 = arith.maximumf %parallel_loop3A_464, %parallel_loop3A_467 : vector<16xf32>
      %parallel_loop3A_472 = arith.minimumf %parallel_loop3A_469, %parallel_loop3A_471 : vector<16xf32>
      %parallel_loop3A_473 = arith.maximumf %parallel_loop3A_468, %parallel_loop3A_470 : vector<16xf32>
      %parallel_loop3A_474 = arith.maximumf %parallel_loop3A_469, %parallel_loop3A_471 : vector<16xf32>
      %parallel_loop3A_475 = arith.index_cast %parallel_loop3A_449 : i32 to index
      %parallel_loop3A_476 = tpu.vector_load %arg4[%parallel_loop3A_475] {strides = array<i32>} : memref<30720xf32, #tpu.memory_space<vmem>>, vector<16xf32>,
      %parallel_loop3A_477 = vector.shape_cast %parallel_loop3A_476 : vector<16xf32> to vector<16xf32>
      %parallel_loop3A_478 = vector.shape_cast %parallel_loop3A_474 : vector<16xf32> to vector<16xf32>
      tpu.vector_store %arg4[%parallel_loop3A_475], %parallel_loop3A_478 {strides = array<i32>} : memref<30720xf32, #tpu.memory_space<vmem>>, vector<16xf32>,
      %parallel_loop3A_479 = arith.maximumf %parallel_loop3A_472, %parallel_loop3A_473 : vector<16xf32>
      %parallel_loop3A_480 = arith.index_cast %parallel_loop3A_451 : i32 to index
      %parallel_loop3A_481 = tpu.vector_load %arg4[%parallel_loop3A_480] {strides = array<i32>} : memref<30720xf32, #tpu.memory_space<vmem>>, vector<16xf32>,
      %parallel_loop3A_482 = vector.shape_cast %parallel_loop3A_481 : vector<16xf32> to vector<16xf32>
      %parallel_loop3A_483 = vector.shape_cast %parallel_loop3A_479 : vector<16xf32> to vector<16xf32>
      tpu.vector_store %arg4[%parallel_loop3A_480], %parallel_loop3A_483 {strides = array<i32>} : memref<30720xf32, #tpu.memory_space<vmem>>, vector<16xf32>,
      %parallel_loop3A_484 = arith.minimumf %parallel_loop3A_472, %parallel_loop3A_473 : vector<16xf32>
      %parallel_loop3A_485 = arith.index_cast %parallel_loop3A_453 : i32 to index
      %parallel_loop3A_486 = tpu.vector_load %arg4[%parallel_loop3A_485] {strides = array<i32>} : memref<30720xf32, #tpu.memory_space<vmem>>, vector<16xf32>,
      %parallel_loop3A_487 = vector.shape_cast %parallel_loop3A_486 : vector<16xf32> to vector<16xf32>
      %parallel_loop3A_488 = vector.shape_cast %parallel_loop3A_484 : vector<16xf32> to vector<16xf32>
      tpu.vector_store %arg4[%parallel_loop3A_485], %parallel_loop3A_488 {strides = array<i32>} : memref<30720xf32, #tpu.memory_space<vmem>>, vector<16xf32>,
      %parallel_loop3A_489 = arith.minimumf %parallel_loop3A_468, %parallel_loop3A_470 : vector<16xf32>
      %parallel_loop3A_490 = arith.index_cast %parallel_loop3A_455 : i32 to index
      %parallel_loop3A_491 = tpu.vector_load %arg4[%parallel_loop3A_490] {strides = array<i32>} : memref<30720xf32, #tpu.memory_space<vmem>>, vector<16xf32>,
      %parallel_loop3A_492 = vector.shape_cast %parallel_loop3A_491 : vector<16xf32> to vector<16xf32>
      %parallel_loop3A_493 = vector.shape_cast %parallel_loop3A_489 : vector<16xf32> to vector<16xf32>
      tpu.vector_store %arg4[%parallel_loop3A_490], %parallel_loop3A_493 {strides = array<i32>} : memref<30720xf32, #tpu.memory_space<vmem>>, vector<16xf32>,
      %parallel_loop3A_494 = arith.constant 48 : i32
      %parallel_loop3A_495 = arith.addi %parallel_loop3A_355, %parallel_loop3A_494 : i32
      %parallel_loop3A_496 = arith.constant 1040 : i32
      %parallel_loop3A_497 = arith.addi %parallel_loop3A_355, %parallel_loop3A_496 : i32
      %parallel_loop3A_498 = arith.constant 1136 : i32
      %parallel_loop3A_499 = arith.addi %parallel_loop3A_355, %parallel_loop3A_498 : i32
      %parallel_loop3A_500 = arith.constant 2128 : i32
      %parallel_loop3A_501 = arith.addi %parallel_loop3A_355, %parallel_loop3A_500 : i32
      %parallel_loop3A_502 = arith.index_cast %parallel_loop3A_495 : i32 to index
      %parallel_loop3A_503 = tpu.vector_load %arg4[%parallel_loop3A_502] {strides = array<i32>} : memref<30720xf32, #tpu.memory_space<vmem>>, vector<16xf32>,
      %parallel_loop3A_504 = vector.shape_cast %parallel_loop3A_503 : vector<16xf32> to vector<16xf32>
      %parallel_loop3A_505 = arith.index_cast %parallel_loop3A_497 : i32 to index
      %parallel_loop3A_506 = tpu.vector_load %arg4[%parallel_loop3A_505] {strides = array<i32>} : memref<30720xf32, #tpu.memory_space<vmem>>, vector<16xf32>,
      %parallel_loop3A_507 = vector.shape_cast %parallel_loop3A_506 : vector<16xf32> to vector<16xf32>
      %parallel_loop3A_508 = arith.index_cast %parallel_loop3A_499 : i32 to index
      %parallel_loop3A_509 = tpu.vector_load %arg4[%parallel_loop3A_508] {strides = array<i32>} : memref<30720xf32, #tpu.memory_space<vmem>>, vector<16xf32>,
      %parallel_loop3A_510 = vector.shape_cast %parallel_loop3A_509 : vector<16xf32> to vector<16xf32>
      %parallel_loop3A_511 = arith.index_cast %parallel_loop3A_501 : i32 to index
      %parallel_loop3A_512 = tpu.vector_load %arg4[%parallel_loop3A_511] {strides = array<i32>} : memref<30720xf32, #tpu.memory_space<vmem>>, vector<16xf32>,
      %parallel_loop3A_513 = vector.shape_cast %parallel_loop3A_512 : vector<16xf32> to vector<16xf32>
      %parallel_loop3A_514 = arith.minimumf %parallel_loop3A_504, %parallel_loop3A_507 : vector<16xf32>
      %parallel_loop3A_515 = arith.maximumf %parallel_loop3A_504, %parallel_loop3A_507 : vector<16xf32>
      %parallel_loop3A_516 = arith.minimumf %parallel_loop3A_510, %parallel_loop3A_513 : vector<16xf32>
      %parallel_loop3A_517 = arith.maximumf %parallel_loop3A_510, %parallel_loop3A_513 : vector<16xf32>
      %parallel_loop3A_518 = arith.minimumf %parallel_loop3A_515, %parallel_loop3A_517 : vector<16xf32>
      %parallel_loop3A_519 = arith.maximumf %parallel_loop3A_514, %parallel_loop3A_516 : vector<16xf32>
      %parallel_loop3A_520 = arith.maximumf %parallel_loop3A_515, %parallel_loop3A_517 : vector<16xf32>
      %parallel_loop3A_521 = arith.index_cast %parallel_loop3A_495 : i32 to index
      %parallel_loop3A_522 = tpu.vector_load %arg4[%parallel_loop3A_521] {strides = array<i32>} : memref<30720xf32, #tpu.memory_space<vmem>>, vector<16xf32>,
      %parallel_loop3A_523 = vector.shape_cast %parallel_loop3A_522 : vector<16xf32> to vector<16xf32>
      %parallel_loop3A_524 = vector.shape_cast %parallel_loop3A_520 : vector<16xf32> to vector<16xf32>
      tpu.vector_store %arg4[%parallel_loop3A_521], %parallel_loop3A_524 {strides = array<i32>} : memref<30720xf32, #tpu.memory_space<vmem>>, vector<16xf32>,
      %parallel_loop3A_525 = arith.maximumf %parallel_loop3A_518, %parallel_loop3A_519 : vector<16xf32>
      %parallel_loop3A_526 = arith.index_cast %parallel_loop3A_497 : i32 to index
      %parallel_loop3A_527 = tpu.vector_load %arg4[%parallel_loop3A_526] {strides = array<i32>} : memref<30720xf32, #tpu.memory_space<vmem>>, vector<16xf32>,
      %parallel_loop3A_528 = vector.shape_cast %parallel_loop3A_527 : vector<16xf32> to vector<16xf32>
      %parallel_loop3A_529 = vector.shape_cast %parallel_loop3A_525 : vector<16xf32> to vector<16xf32>
      tpu.vector_store %arg4[%parallel_loop3A_526], %parallel_loop3A_529 {strides = array<i32>} : memref<30720xf32, #tpu.memory_space<vmem>>, vector<16xf32>,
      %parallel_loop3A_530 = arith.minimumf %parallel_loop3A_518, %parallel_loop3A_519 : vector<16xf32>
      %parallel_loop3A_531 = arith.index_cast %parallel_loop3A_499 : i32 to index
      %parallel_loop3A_532 = tpu.vector_load %arg4[%parallel_loop3A_531] {strides = array<i32>} : memref<30720xf32, #tpu.memory_space<vmem>>, vector<16xf32>,
      %parallel_loop3A_533 = vector.shape_cast %parallel_loop3A_532 : vector<16xf32> to vector<16xf32>
      %parallel_loop3A_534 = vector.shape_cast %parallel_loop3A_530 : vector<16xf32> to vector<16xf32>
      tpu.vector_store %arg4[%parallel_loop3A_531], %parallel_loop3A_534 {strides = array<i32>} : memref<30720xf32, #tpu.memory_space<vmem>>, vector<16xf32>,
      %parallel_loop3A_535 = arith.minimumf %parallel_loop3A_514, %parallel_loop3A_516 : vector<16xf32>
      %parallel_loop3A_536 = arith.index_cast %parallel_loop3A_501 : i32 to index
      %parallel_loop3A_537 = tpu.vector_load %arg4[%parallel_loop3A_536] {strides = array<i32>} : memref<30720xf32, #tpu.memory_space<vmem>>, vector<16xf32>,
      %parallel_loop3A_538 = vector.shape_cast %parallel_loop3A_537 : vector<16xf32> to vector<16xf32>
      %parallel_loop3A_539 = vector.shape_cast %parallel_loop3A_535 : vector<16xf32> to vector<16xf32>
      tpu.vector_store %arg4[%parallel_loop3A_536], %parallel_loop3A_539 {strides = array<i32>} : memref<30720xf32, #tpu.memory_space<vmem>>, vector<16xf32>,
      %parallel_loop3A_540 = arith.constant 64 : i32
      %parallel_loop3A_541 = arith.addi %parallel_loop3A_355, %parallel_loop3A_540 : i32
      %parallel_loop3A_542 = arith.constant 1056 : i32
      %parallel_loop3A_543 = arith.addi %parallel_loop3A_355, %parallel_loop3A_542 : i32
      %parallel_loop3A_544 = arith.constant 2048 : i32
      %parallel_loop3A_545 = arith.addi %parallel_loop3A_355, %parallel_loop3A_544 : i32
      %parallel_loop3A_546 = arith.constant 2144 : i32
      %parallel_loop3A_547 = arith.addi %parallel_loop3A_355, %parallel_loop3A_546 : i32
      %parallel_loop3A_548 = arith.index_cast %parallel_loop3A_541 : i32 to index
      %parallel_loop3A_549 = tpu.vector_load %arg4[%parallel_loop3A_548] {strides = array<i32>} : memref<30720xf32, #tpu.memory_space<vmem>>, vector<16xf32>,
      %parallel_loop3A_550 = vector.shape_cast %parallel_loop3A_549 : vector<16xf32> to vector<16xf32>
      %parallel_loop3A_551 = arith.index_cast %parallel_loop3A_543 : i32 to index
      %parallel_loop3A_552 = tpu.vector_load %arg4[%parallel_loop3A_551] {strides = array<i32>} : memref<30720xf32, #tpu.memory_space<vmem>>, vector<16xf32>,
      %parallel_loop3A_553 = vector.shape_cast %parallel_loop3A_552 : vector<16xf32> to vector<16xf32>
      %parallel_loop3A_554 = arith.index_cast %parallel_loop3A_545 : i32 to index
      %parallel_loop3A_555 = tpu.vector_load %arg4[%parallel_loop3A_554] {strides = array<i32>} : memref<30720xf32, #tpu.memory_space<vmem>>, vector<16xf32>,
      %parallel_loop3A_556 = vector.shape_cast %parallel_loop3A_555 : vector<16xf32> to vector<16xf32>
      %parallel_loop3A_557 = arith.index_cast %parallel_loop3A_547 : i32 to index
      %parallel_loop3A_558 = tpu.vector_load %arg4[%parallel_loop3A_557] {strides = array<i32>} : memref<30720xf32, #tpu.memory_space<vmem>>, vector<16xf32>,
      %parallel_loop3A_559 = vector.shape_cast %parallel_loop3A_558 : vector<16xf32> to vector<16xf32>
      %parallel_loop3A_560 = arith.minimumf %parallel_loop3A_550, %parallel_loop3A_553 : vector<16xf32>
      %parallel_loop3A_561 = arith.maximumf %parallel_loop3A_550, %parallel_loop3A_553 : vector<16xf32>
      %parallel_loop3A_562 = arith.minimumf %parallel_loop3A_556, %parallel_loop3A_559 : vector<16xf32>
      %parallel_loop3A_563 = arith.maximumf %parallel_loop3A_556, %parallel_loop3A_559 : vector<16xf32>
      %parallel_loop3A_564 = arith.minimumf %parallel_loop3A_561, %parallel_loop3A_563 : vector<16xf32>
      %parallel_loop3A_565 = arith.maximumf %parallel_loop3A_560, %parallel_loop3A_562 : vector<16xf32>
      %parallel_loop3A_566 = arith.maximumf %parallel_loop3A_561, %parallel_loop3A_563 : vector<16xf32>
      %parallel_loop3A_567 = arith.index_cast %parallel_loop3A_541 : i32 to index
      %parallel_loop3A_568 = tpu.vector_load %arg4[%parallel_loop3A_567] {strides = array<i32>} : memref<30720xf32, #tpu.memory_space<vmem>>, vector<16xf32>,
      %parallel_loop3A_569 = vector.shape_cast %parallel_loop3A_568 : vector<16xf32> to vector<16xf32>
      %parallel_loop3A_570 = vector.shape_cast %parallel_loop3A_566 : vector<16xf32> to vector<16xf32>
      tpu.vector_store %arg4[%parallel_loop3A_567], %parallel_loop3A_570 {strides = array<i32>} : memref<30720xf32, #tpu.memory_space<vmem>>, vector<16xf32>,
      %parallel_loop3A_571 = arith.maximumf %parallel_loop3A_564, %parallel_loop3A_565 : vector<16xf32>
      %parallel_loop3A_572 = arith.index_cast %parallel_loop3A_543 : i32 to index
      %parallel_loop3A_573 = tpu.vector_load %arg4[%parallel_loop3A_572] {strides = array<i32>} : memref<30720xf32, #tpu.memory_space<vmem>>, vector<16xf32>,
      %parallel_loop3A_574 = vector.shape_cast %parallel_loop3A_573 : vector<16xf32> to vector<16xf32>
      %parallel_loop3A_575 = vector.shape_cast %parallel_loop3A_571 : vector<16xf32> to vector<16xf32>
      tpu.vector_store %arg4[%parallel_loop3A_572], %parallel_loop3A_575 {strides = array<i32>} : memref<30720xf32, #tpu.memory_space<vmem>>, vector<16xf32>,
      %parallel_loop3A_576 = arith.minimumf %parallel_loop3A_564, %parallel_loop3A_565 : vector<16xf32>
      %parallel_loop3A_577 = arith.index_cast %parallel_loop3A_545 : i32 to index
      %parallel_loop3A_578 = tpu.vector_load %arg4[%parallel_loop3A_577] {strides = array<i32>} : memref<30720xf32, #tpu.memory_space<vmem>>, vector<16xf32>,
      %parallel_loop3A_579 = vector.shape_cast %parallel_loop3A_578 : vector<16xf32> to vector<16xf32>
      %parallel_loop3A_580 = vector.shape_cast %parallel_loop3A_576 : vector<16xf32> to vector<16xf32>
      tpu.vector_store %arg4[%parallel_loop3A_577], %parallel_loop3A_580 {strides = array<i32>} : memref<30720xf32, #tpu.memory_space<vmem>>, vector<16xf32>,
      %parallel_loop3A_581 = arith.minimumf %parallel_loop3A_560, %parallel_loop3A_562 : vector<16xf32>
      %parallel_loop3A_582 = arith.index_cast %parallel_loop3A_547 : i32 to index
      %parallel_loop3A_583 = tpu.vector_load %arg4[%parallel_loop3A_582] {strides = array<i32>} : memref<30720xf32, #tpu.memory_space<vmem>>, vector<16xf32>,
      %parallel_loop3A_584 = vector.shape_cast %parallel_loop3A_583 : vector<16xf32> to vector<16xf32>
      %parallel_loop3A_585 = vector.shape_cast %parallel_loop3A_581 : vector<16xf32> to vector<16xf32>
      tpu.vector_store %arg4[%parallel_loop3A_582], %parallel_loop3A_585 {strides = array<i32>} : memref<30720xf32, #tpu.memory_space<vmem>>, vector<16xf32>,
      %parallel_loop3A_586 = arith.constant 80 : i32
      %parallel_loop3A_587 = arith.addi %parallel_loop3A_355, %parallel_loop3A_586 : i32
      %parallel_loop3A_588 = arith.constant 1072 : i32
      %parallel_loop3A_589 = arith.addi %parallel_loop3A_355, %parallel_loop3A_588 : i32
      %parallel_loop3A_590 = arith.constant 2064 : i32
      %parallel_loop3A_591 = arith.addi %parallel_loop3A_355, %parallel_loop3A_590 : i32
      %parallel_loop3A_592 = arith.constant 2160 : i32
      %parallel_loop3A_593 = arith.addi %parallel_loop3A_355, %parallel_loop3A_592 : i32
      %parallel_loop3A_594 = arith.index_cast %parallel_loop3A_587 : i32 to index
      %parallel_loop3A_595 = tpu.vector_load %arg4[%parallel_loop3A_594] {strides = array<i32>} : memref<30720xf32, #tpu.memory_space<vmem>>, vector<16xf32>,
      %parallel_loop3A_596 = vector.shape_cast %parallel_loop3A_595 : vector<16xf32> to vector<16xf32>
      %parallel_loop3A_597 = arith.index_cast %parallel_loop3A_589 : i32 to index
      %parallel_loop3A_598 = tpu.vector_load %arg4[%parallel_loop3A_597] {strides = array<i32>} : memref<30720xf32, #tpu.memory_space<vmem>>, vector<16xf32>,
      %parallel_loop3A_599 = vector.shape_cast %parallel_loop3A_598 : vector<16xf32> to vector<16xf32>
      %parallel_loop3A_600 = arith.index_cast %parallel_loop3A_591 : i32 to index
      %parallel_loop3A_601 = tpu.vector_load %arg4[%parallel_loop3A_600] {strides = array<i32>} : memref<30720xf32, #tpu.memory_space<vmem>>, vector<16xf32>,
      %parallel_loop3A_602 = vector.shape_cast %parallel_loop3A_601 : vector<16xf32> to vector<16xf32>
      %parallel_loop3A_603 = arith.index_cast %parallel_loop3A_593 : i32 to index
      %parallel_loop3A_604 = tpu.vector_load %arg4[%parallel_loop3A_603] {strides = array<i32>} : memref<30720xf32, #tpu.memory_space<vmem>>, vector<16xf32>,
      %parallel_loop3A_605 = vector.shape_cast %parallel_loop3A_604 : vector<16xf32> to vector<16xf32>
      %parallel_loop3A_606 = arith.minimumf %parallel_loop3A_596, %parallel_loop3A_599 : vector<16xf32>
      %parallel_loop3A_607 = arith.maximumf %parallel_loop3A_596, %parallel_loop3A_599 : vector<16xf32>
      %parallel_loop3A_608 = arith.minimumf %parallel_loop3A_602, %parallel_loop3A_605 : vector<16xf32>
      %parallel_loop3A_609 = arith.maximumf %parallel_loop3A_602, %parallel_loop3A_605 : vector<16xf32>
      %parallel_loop3A_610 = arith.minimumf %parallel_loop3A_607, %parallel_loop3A_609 : vector<16xf32>
      %parallel_loop3A_611 = arith.maximumf %parallel_loop3A_606, %parallel_loop3A_608 : vector<16xf32>
      %parallel_loop3A_612 = arith.maximumf %parallel_loop3A_607, %parallel_loop3A_609 : vector<16xf32>
      %parallel_loop3A_613 = arith.index_cast %parallel_loop3A_587 : i32 to index
      %parallel_loop3A_614 = tpu.vector_load %arg4[%parallel_loop3A_613] {strides = array<i32>} : memref<30720xf32, #tpu.memory_space<vmem>>, vector<16xf32>,
      %parallel_loop3A_615 = vector.shape_cast %parallel_loop3A_614 : vector<16xf32> to vector<16xf32>
      %parallel_loop3A_616 = vector.shape_cast %parallel_loop3A_612 : vector<16xf32> to vector<16xf32>
      tpu.vector_store %arg4[%parallel_loop3A_613], %parallel_loop3A_616 {strides = array<i32>} : memref<30720xf32, #tpu.memory_space<vmem>>, vector<16xf32>,
      %parallel_loop3A_617 = arith.maximumf %parallel_loop3A_610, %parallel_loop3A_611 : vector<16xf32>
      %parallel_loop3A_618 = arith.index_cast %parallel_loop3A_589 : i32 to index
      %parallel_loop3A_619 = tpu.vector_load %arg4[%parallel_loop3A_618] {strides = array<i32>} : memref<30720xf32, #tpu.memory_space<vmem>>, vector<16xf32>,
      %parallel_loop3A_620 = vector.shape_cast %parallel_loop3A_619 : vector<16xf32> to vector<16xf32>
      %parallel_loop3A_621 = vector.shape_cast %parallel_loop3A_617 : vector<16xf32> to vector<16xf32>
      tpu.vector_store %arg4[%parallel_loop3A_618], %parallel_loop3A_621 {strides = array<i32>} : memref<30720xf32, #tpu.memory_space<vmem>>, vector<16xf32>,
      %parallel_loop3A_622 = arith.minimumf %parallel_loop3A_610, %parallel_loop3A_611 : vector<16xf32>
      %parallel_loop3A_623 = arith.index_cast %parallel_loop3A_591 : i32 to index
      %parallel_loop3A_624 = tpu.vector_load %arg4[%parallel_loop3A_623] {strides = array<i32>} : memref<30720xf32, #tpu.memory_space<vmem>>, vector<16xf32>,
      %parallel_loop3A_625 = vector.shape_cast %parallel_loop3A_624 : vector<16xf32> to vector<16xf32>
      %parallel_loop3A_626 = vector.shape_cast %parallel_loop3A_622 : vector<16xf32> to vector<16xf32>
      tpu.vector_store %arg4[%parallel_loop3A_623], %parallel_loop3A_626 {strides = array<i32>} : memref<30720xf32, #tpu.memory_space<vmem>>, vector<16xf32>,
      %parallel_loop3A_627 = arith.minimumf %parallel_loop3A_606, %parallel_loop3A_608 : vector<16xf32>
      %parallel_loop3A_628 = arith.index_cast %parallel_loop3A_593 : i32 to index
      %parallel_loop3A_629 = tpu.vector_load %arg4[%parallel_loop3A_628] {strides = array<i32>} : memref<30720xf32, #tpu.memory_space<vmem>>, vector<16xf32>,
      %parallel_loop3A_630 = vector.shape_cast %parallel_loop3A_629 : vector<16xf32> to vector<16xf32>
      %parallel_loop3A_631 = vector.shape_cast %parallel_loop3A_627 : vector<16xf32> to vector<16xf32>
      tpu.vector_store %arg4[%parallel_loop3A_628], %parallel_loop3A_631 {strides = array<i32>} : memref<30720xf32, #tpu.memory_space<vmem>>, vector<16xf32>,
    } {sc.loop_unroll_factor = 1 : i64, sc.parallel_access}
    %add3A_112 = arith.constant 92160 : i32
    %add3A_113 = arith.addi %mul3A_2, %add3A_112 : i32
    %dma_start3A_114 = arith.constant 0 : i32
    %dma_start3A_115 = tpu.memref_slice %arg4[%dma_start3A_114] : memref<30720xf32, #tpu.memory_space<vmem>> -> memref<30720xf32, #tpu.memory_space<vmem>>
    %dma_start3A_116 = tpu.memref_slice %arg3[%add3A_113] : memref<9633792xf32, #tpu.memory_space<hbm>> -> memref<30720xf32, #tpu.memory_space<hbm>>
    %dma_start3A_117 = tpu.memref_slice %arg3[%add3A_113] : memref<9633792xf32, #tpu.memory_space<hbm>> -> memref<30720xf32, #tpu.memory_space<hbm>>
    %dma_start3A_118 = arith.constant 0 : i32
    %dma_start3A_119 = tpu.memref_slice %arg4[%dma_start3A_118] : memref<30720xf32, #tpu.memory_space<vmem>> -> memref<30720xf32, #tpu.memory_space<vmem>>
    tpu.enqueue_dma source(%dma_start3A_119 : memref<30720xf32, #tpu.memory_space<vmem>>) target(%dma_start3A_117 : memref<30720xf32, #tpu.memory_space<hbm>>) target_semaphore(%arg10 : memref<!tpu.dma_semaphore, #tpu.memory_space<semaphore_mem>>)
    %dma_wait3A_120 = arith.constant 0 : i32
    %dma_wait3A_121 = tpu.memref_slice %arg6[%dma_wait3A_120] : memref<30720xf32, #tpu.memory_space<vmem>> -> memref<30720xf32, #tpu.memory_space<vmem>>
    %dma_wait3A_122 = tpu.memref_slice %arg3[%add3A_82] : memref<9633792xf32, #tpu.memory_space<hbm>> -> memref<30720xf32, #tpu.memory_space<hbm>>
    %dma_wait3A_123 = tpu.memref_slice %arg3[%add3A_82] : memref<9633792xf32, #tpu.memory_space<hbm>> -> memref<30720xf32, #tpu.memory_space<hbm>>
    %dma_wait3A_124 = arith.constant 0 : i32
    %dma_wait3A_125 = tpu.memref_slice %arg6[%dma_wait3A_124] : memref<30720xf32, #tpu.memory_space<vmem>> -> memref<30720xf32, #tpu.memory_space<vmem>>
    tpu.wait_dma2 semaphore(%arg12 : memref<!tpu.dma_semaphore, #tpu.memory_space<semaphore_mem>>) src(%dma_wait3A_125 : memref<30720xf32, #tpu.memory_space<vmem>>) dst(%dma_wait3A_123 : memref<30720xf32, #tpu.memory_space<hbm>>)
    %add3A_126 = arith.constant 153600 : i32
    %add3A_127 = arith.addi %mul3A_2, %add3A_126 : i32
    %dma_start3A_128 = arith.constant 0 : i32
    %dma_start3A_129 = tpu.memref_slice %arg6[%dma_start3A_128] : memref<30720xf32, #tpu.memory_space<vmem>> -> memref<30720xf32, #tpu.memory_space<vmem>>
    %dma_start3A_130 = tpu.memref_slice %arg2[%add3A_127] : memref<9633792xf32, #tpu.memory_space<hbm>> -> memref<30720xf32, #tpu.memory_space<hbm>>
    %dma_start3A_131 = arith.constant 0 : i32
    %dma_start3A_132 = tpu.memref_slice %arg6[%dma_start3A_131] : memref<30720xf32, #tpu.memory_space<vmem>> -> memref<30720xf32, #tpu.memory_space<vmem>>
    %dma_start3A_133 = tpu.memref_slice %arg2[%add3A_127] : memref<9633792xf32, #tpu.memory_space<hbm>> -> memref<30720xf32, #tpu.memory_space<hbm>>
    tpu.enqueue_dma source(%dma_start3A_133 : memref<30720xf32, #tpu.memory_space<hbm>>) target(%dma_start3A_132 : memref<30720xf32, #tpu.memory_space<vmem>>) target_semaphore(%arg9 : memref<!tpu.dma_semaphore, #tpu.memory_space<semaphore_mem>>)
    %dma_wait3A_134 = arith.constant 0 : i32
    %dma_wait3A_135 = tpu.memref_slice %arg5[%dma_wait3A_134] : memref<30720xf32, #tpu.memory_space<vmem>> -> memref<30720xf32, #tpu.memory_space<vmem>>
    %dma_wait3A_136 = tpu.memref_slice %arg2[%add3A_96] : memref<9633792xf32, #tpu.memory_space<hbm>> -> memref<30720xf32, #tpu.memory_space<hbm>>
    %dma_wait3A_137 = arith.constant 0 : i32
    %dma_wait3A_138 = tpu.memref_slice %arg5[%dma_wait3A_137] : memref<30720xf32, #tpu.memory_space<vmem>> -> memref<30720xf32, #tpu.memory_space<vmem>>
    %dma_wait3A_139 = tpu.memref_slice %arg2[%add3A_96] : memref<9633792xf32, #tpu.memory_space<hbm>> -> memref<30720xf32, #tpu.memory_space<hbm>>
    tpu.wait_dma2 semaphore(%arg8 : memref<!tpu.dma_semaphore, #tpu.memory_space<semaphore_mem>>) src(%dma_wait3A_139 : memref<30720xf32, #tpu.memory_space<hbm>>) dst(%dma_wait3A_138 : memref<30720xf32, #tpu.memory_space<vmem>>)
    %parallel_loop3A_140 = arith.constant 0 : i32
    %parallel_loop3A_141 = arith.constant 80 : i32
    %parallel_loop3A_142 = arith.constant 1 : i32
    scf.for %parallel_loop3A_310 = %parallel_loop3A_140 to %parallel_loop3A_141 step %parallel_loop3A_142  : i32 {
      %parallel_loop3A_311 = arith.constant 8 : i32
      %parallel_loop3A_312 = arith.divsi %parallel_loop3A_310, %parallel_loop3A_311 : i32
      %parallel_loop3A_313 = arith.constant 0 : i32
      %parallel_loop3A_314 = arith.cmpi sgt, %parallel_loop3A_310, %parallel_loop3A_313 : i32
      %parallel_loop3A_315 = arith.extui %parallel_loop3A_314 : i1 to i32
      %parallel_loop3A_316 = arith.constant 0 : i32
      %parallel_loop3A_317 = arith.cmpi slt, %parallel_loop3A_310, %parallel_loop3A_316 : i32
      %parallel_loop3A_318 = arith.extui %parallel_loop3A_317 : i1 to i32
      %parallel_loop3A_319 = arith.subi %parallel_loop3A_315, %parallel_loop3A_318 : i32
      %parallel_loop3A_320 = arith.constant 0 : i32
      %parallel_loop3A_321 = arith.cmpi sgt, %parallel_loop3A_311, %parallel_loop3A_320 : i32
      %parallel_loop3A_322 = arith.extui %parallel_loop3A_321 : i1 to i32
      %parallel_loop3A_323 = arith.constant 0 : i32
      %parallel_loop3A_324 = arith.cmpi slt, %parallel_loop3A_311, %parallel_loop3A_323 : i32
      %parallel_loop3A_325 = arith.extui %parallel_loop3A_324 : i1 to i32
      %parallel_loop3A_326 = arith.subi %parallel_loop3A_322, %parallel_loop3A_325 : i32
      %parallel_loop3A_327 = arith.cmpi ne, %parallel_loop3A_319, %parallel_loop3A_326 : i32
      %parallel_loop3A_328 = arith.remsi %parallel_loop3A_310, %parallel_loop3A_311 : i32
      %parallel_loop3A_329 = arith.constant 0 : i32
      %parallel_loop3A_330 = arith.cmpi ne, %parallel_loop3A_328, %parallel_loop3A_329 : i32
      %parallel_loop3A_331 = arith.andi %parallel_loop3A_327, %parallel_loop3A_330 : i1
      %parallel_loop3A_332 = arith.constant 1 : i32
      %parallel_loop3A_333 = arith.subi %parallel_loop3A_312, %parallel_loop3A_332 : i32
      %parallel_loop3A_334 = arith.select %parallel_loop3A_331, %parallel_loop3A_333, %parallel_loop3A_312 : i32
      %parallel_loop3A_335 = arith.constant 3072 : i32
      %parallel_loop3A_336 = arith.muli %parallel_loop3A_334, %parallel_loop3A_335 : i32
      %parallel_loop3A_337 = arith.constant 8 : i32
      %parallel_loop3A_338 = arith.constant 0 : i32
      %parallel_loop3A_339 = arith.cmpi eq, %parallel_loop3A_337, %parallel_loop3A_338 : i32
      %parallel_loop3A_340 = arith.constant 1 : i32
      %parallel_loop3A_341 = arith.select %parallel_loop3A_339, %parallel_loop3A_340, %parallel_loop3A_337 : i32
      %parallel_loop3A_342 = arith.remsi %parallel_loop3A_310, %parallel_loop3A_341 : i32
      %parallel_loop3A_343 = arith.constant 0 : i32
      %parallel_loop3A_344 = arith.cmpi ne, %parallel_loop3A_342, %parallel_loop3A_343 : i32
      %parallel_loop3A_345 = arith.constant 0 : i32
      %parallel_loop3A_346 = arith.cmpi slt, %parallel_loop3A_342, %parallel_loop3A_345 : i32
      %parallel_loop3A_347 = arith.constant 0 : i32
      %parallel_loop3A_348 = arith.cmpi slt, %parallel_loop3A_341, %parallel_loop3A_347 : i32
      %parallel_loop3A_349 = arith.xori %parallel_loop3A_346, %parallel_loop3A_348 : i1
      %parallel_loop3A_350 = arith.andi %parallel_loop3A_349, %parallel_loop3A_344 : i1
      %parallel_loop3A_351 = arith.addi %parallel_loop3A_342, %parallel_loop3A_341 : i32
      %parallel_loop3A_352 = arith.select %parallel_loop3A_350, %parallel_loop3A_351, %parallel_loop3A_342 : i32
      %parallel_loop3A_353 = arith.constant 128 : i32
      %parallel_loop3A_354 = arith.muli %parallel_loop3A_352, %parallel_loop3A_353 : i32
      %parallel_loop3A_355 = arith.addi %parallel_loop3A_336, %parallel_loop3A_354 : i32
      %parallel_loop3A_356 = arith.constant 0 : i32
      %parallel_loop3A_357 = arith.addi %parallel_loop3A_355, %parallel_loop3A_356 : i32
      %parallel_loop3A_358 = arith.constant 96 : i32
      %parallel_loop3A_359 = arith.addi %parallel_loop3A_355, %parallel_loop3A_358 : i32
      %parallel_loop3A_360 = arith.constant 1088 : i32
      %parallel_loop3A_361 = arith.addi %parallel_loop3A_355, %parallel_loop3A_360 : i32
      %parallel_loop3A_362 = arith.constant 2080 : i32
      %parallel_loop3A_363 = arith.addi %parallel_loop3A_355, %parallel_loop3A_362 : i32
      %parallel_loop3A_364 = arith.index_cast %parallel_loop3A_357 : i32 to index
      %parallel_loop3A_365 = tpu.vector_load %arg5[%parallel_loop3A_364] {strides = array<i32>} : memref<30720xf32, #tpu.memory_space<vmem>>, vector<16xf32>,
      %parallel_loop3A_366 = vector.shape_cast %parallel_loop3A_365 : vector<16xf32> to vector<16xf32>
      %parallel_loop3A_367 = arith.index_cast %parallel_loop3A_359 : i32 to index
      %parallel_loop3A_368 = tpu.vector_load %arg5[%parallel_loop3A_367] {strides = array<i32>} : memref<30720xf32, #tpu.memory_space<vmem>>, vector<16xf32>,
      %parallel_loop3A_369 = vector.shape_cast %parallel_loop3A_368 : vector<16xf32> to vector<16xf32>
      %parallel_loop3A_370 = arith.index_cast %parallel_loop3A_361 : i32 to index
      %parallel_loop3A_371 = tpu.vector_load %arg5[%parallel_loop3A_370] {strides = array<i32>} : memref<30720xf32, #tpu.memory_space<vmem>>, vector<16xf32>,
      %parallel_loop3A_372 = vector.shape_cast %parallel_loop3A_371 : vector<16xf32> to vector<16xf32>
      %parallel_loop3A_373 = arith.index_cast %parallel_loop3A_363 : i32 to index
      %parallel_loop3A_374 = tpu.vector_load %arg5[%parallel_loop3A_373] {strides = array<i32>} : memref<30720xf32, #tpu.memory_space<vmem>>, vector<16xf32>,
      %parallel_loop3A_375 = vector.shape_cast %parallel_loop3A_374 : vector<16xf32> to vector<16xf32>
      %parallel_loop3A_376 = arith.minimumf %parallel_loop3A_366, %parallel_loop3A_369 : vector<16xf32>
      %parallel_loop3A_377 = arith.maximumf %parallel_loop3A_366, %parallel_loop3A_369 : vector<16xf32>
      %parallel_loop3A_378 = arith.minimumf %parallel_loop3A_372, %parallel_loop3A_375 : vector<16xf32>
      %parallel_loop3A_379 = arith.maximumf %parallel_loop3A_372, %parallel_loop3A_375 : vector<16xf32>
      %parallel_loop3A_380 = arith.minimumf %parallel_loop3A_377, %parallel_loop3A_379 : vector<16xf32>
      %parallel_loop3A_381 = arith.maximumf %parallel_loop3A_376, %parallel_loop3A_378 : vector<16xf32>
      %parallel_loop3A_382 = arith.maximumf %parallel_loop3A_377, %parallel_loop3A_379 : vector<16xf32>
      %parallel_loop3A_383 = arith.index_cast %parallel_loop3A_357 : i32 to index
      %parallel_loop3A_384 = tpu.vector_load %arg5[%parallel_loop3A_383] {strides = array<i32>} : memref<30720xf32, #tpu.memory_space<vmem>>, vector<16xf32>,
      %parallel_loop3A_385 = vector.shape_cast %parallel_loop3A_384 : vector<16xf32> to vector<16xf32>
      %parallel_loop3A_386 = vector.shape_cast %parallel_loop3A_382 : vector<16xf32> to vector<16xf32>
      tpu.vector_store %arg5[%parallel_loop3A_383], %parallel_loop3A_386 {strides = array<i32>} : memref<30720xf32, #tpu.memory_space<vmem>>, vector<16xf32>,
      %parallel_loop3A_387 = arith.maximumf %parallel_loop3A_380, %parallel_loop3A_381 : vector<16xf32>
      %parallel_loop3A_388 = arith.index_cast %parallel_loop3A_359 : i32 to index
      %parallel_loop3A_389 = tpu.vector_load %arg5[%parallel_loop3A_388] {strides = array<i32>} : memref<30720xf32, #tpu.memory_space<vmem>>, vector<16xf32>,
      %parallel_loop3A_390 = vector.shape_cast %parallel_loop3A_389 : vector<16xf32> to vector<16xf32>
      %parallel_loop3A_391 = vector.shape_cast %parallel_loop3A_387 : vector<16xf32> to vector<16xf32>
      tpu.vector_store %arg5[%parallel_loop3A_388], %parallel_loop3A_391 {strides = array<i32>} : memref<30720xf32, #tpu.memory_space<vmem>>, vector<16xf32>,
      %parallel_loop3A_392 = arith.minimumf %parallel_loop3A_380, %parallel_loop3A_381 : vector<16xf32>
      %parallel_loop3A_393 = arith.index_cast %parallel_loop3A_361 : i32 to index
      %parallel_loop3A_394 = tpu.vector_load %arg5[%parallel_loop3A_393] {strides = array<i32>} : memref<30720xf32, #tpu.memory_space<vmem>>, vector<16xf32>,
      %parallel_loop3A_395 = vector.shape_cast %parallel_loop3A_394 : vector<16xf32> to vector<16xf32>
      %parallel_loop3A_396 = vector.shape_cast %parallel_loop3A_392 : vector<16xf32> to vector<16xf32>
      tpu.vector_store %arg5[%parallel_loop3A_393], %parallel_loop3A_396 {strides = array<i32>} : memref<30720xf32, #tpu.memory_space<vmem>>, vector<16xf32>,
      %parallel_loop3A_397 = arith.minimumf %parallel_loop3A_376, %parallel_loop3A_378 : vector<16xf32>
      %parallel_loop3A_398 = arith.index_cast %parallel_loop3A_363 : i32 to index
      %parallel_loop3A_399 = tpu.vector_load %arg5[%parallel_loop3A_398] {strides = array<i32>} : memref<30720xf32, #tpu.memory_space<vmem>>, vector<16xf32>,
      %parallel_loop3A_400 = vector.shape_cast %parallel_loop3A_399 : vector<16xf32> to vector<16xf32>
      %parallel_loop3A_401 = vector.shape_cast %parallel_loop3A_397 : vector<16xf32> to vector<16xf32>
      tpu.vector_store %arg5[%parallel_loop3A_398], %parallel_loop3A_401 {strides = array<i32>} : memref<30720xf32, #tpu.memory_space<vmem>>, vector<16xf32>,
      %parallel_loop3A_402 = arith.constant 16 : i32
      %parallel_loop3A_403 = arith.addi %parallel_loop3A_355, %parallel_loop3A_402 : i32
      %parallel_loop3A_404 = arith.constant 112 : i32
      %parallel_loop3A_405 = arith.addi %parallel_loop3A_355, %parallel_loop3A_404 : i32
      %parallel_loop3A_406 = arith.constant 1104 : i32
      %parallel_loop3A_407 = arith.addi %parallel_loop3A_355, %parallel_loop3A_406 : i32
      %parallel_loop3A_408 = arith.constant 2096 : i32
      %parallel_loop3A_409 = arith.addi %parallel_loop3A_355, %parallel_loop3A_408 : i32
      %parallel_loop3A_410 = arith.index_cast %parallel_loop3A_403 : i32 to index
      %parallel_loop3A_411 = tpu.vector_load %arg5[%parallel_loop3A_410] {strides = array<i32>} : memref<30720xf32, #tpu.memory_space<vmem>>, vector<16xf32>,
      %parallel_loop3A_412 = vector.shape_cast %parallel_loop3A_411 : vector<16xf32> to vector<16xf32>
      %parallel_loop3A_413 = arith.index_cast %parallel_loop3A_405 : i32 to index
      %parallel_loop3A_414 = tpu.vector_load %arg5[%parallel_loop3A_413] {strides = array<i32>} : memref<30720xf32, #tpu.memory_space<vmem>>, vector<16xf32>,
      %parallel_loop3A_415 = vector.shape_cast %parallel_loop3A_414 : vector<16xf32> to vector<16xf32>
      %parallel_loop3A_416 = arith.index_cast %parallel_loop3A_407 : i32 to index
      %parallel_loop3A_417 = tpu.vector_load %arg5[%parallel_loop3A_416] {strides = array<i32>} : memref<30720xf32, #tpu.memory_space<vmem>>, vector<16xf32>,
      %parallel_loop3A_418 = vector.shape_cast %parallel_loop3A_417 : vector<16xf32> to vector<16xf32>
      %parallel_loop3A_419 = arith.index_cast %parallel_loop3A_409 : i32 to index
      %parallel_loop3A_420 = tpu.vector_load %arg5[%parallel_loop3A_419] {strides = array<i32>} : memref<30720xf32, #tpu.memory_space<vmem>>, vector<16xf32>,
      %parallel_loop3A_421 = vector.shape_cast %parallel_loop3A_420 : vector<16xf32> to vector<16xf32>
      %parallel_loop3A_422 = arith.minimumf %parallel_loop3A_412, %parallel_loop3A_415 : vector<16xf32>
      %parallel_loop3A_423 = arith.maximumf %parallel_loop3A_412, %parallel_loop3A_415 : vector<16xf32>
      %parallel_loop3A_424 = arith.minimumf %parallel_loop3A_418, %parallel_loop3A_421 : vector<16xf32>
      %parallel_loop3A_425 = arith.maximumf %parallel_loop3A_418, %parallel_loop3A_421 : vector<16xf32>
      %parallel_loop3A_426 = arith.minimumf %parallel_loop3A_423, %parallel_loop3A_425 : vector<16xf32>
      %parallel_loop3A_427 = arith.maximumf %parallel_loop3A_422, %parallel_loop3A_424 : vector<16xf32>
      %parallel_loop3A_428 = arith.maximumf %parallel_loop3A_423, %parallel_loop3A_425 : vector<16xf32>
      %parallel_loop3A_429 = arith.index_cast %parallel_loop3A_403 : i32 to index
      %parallel_loop3A_430 = tpu.vector_load %arg5[%parallel_loop3A_429] {strides = array<i32>} : memref<30720xf32, #tpu.memory_space<vmem>>, vector<16xf32>,
      %parallel_loop3A_431 = vector.shape_cast %parallel_loop3A_430 : vector<16xf32> to vector<16xf32>
      %parallel_loop3A_432 = vector.shape_cast %parallel_loop3A_428 : vector<16xf32> to vector<16xf32>
      tpu.vector_store %arg5[%parallel_loop3A_429], %parallel_loop3A_432 {strides = array<i32>} : memref<30720xf32, #tpu.memory_space<vmem>>, vector<16xf32>,
      %parallel_loop3A_433 = arith.maximumf %parallel_loop3A_426, %parallel_loop3A_427 : vector<16xf32>
      %parallel_loop3A_434 = arith.index_cast %parallel_loop3A_405 : i32 to index
      %parallel_loop3A_435 = tpu.vector_load %arg5[%parallel_loop3A_434] {strides = array<i32>} : memref<30720xf32, #tpu.memory_space<vmem>>, vector<16xf32>,
      %parallel_loop3A_436 = vector.shape_cast %parallel_loop3A_435 : vector<16xf32> to vector<16xf32>
      %parallel_loop3A_437 = vector.shape_cast %parallel_loop3A_433 : vector<16xf32> to vector<16xf32>
      tpu.vector_store %arg5[%parallel_loop3A_434], %parallel_loop3A_437 {strides = array<i32>} : memref<30720xf32, #tpu.memory_space<vmem>>, vector<16xf32>,
      %parallel_loop3A_438 = arith.minimumf %parallel_loop3A_426, %parallel_loop3A_427 : vector<16xf32>
      %parallel_loop3A_439 = arith.index_cast %parallel_loop3A_407 : i32 to index
      %parallel_loop3A_440 = tpu.vector_load %arg5[%parallel_loop3A_439] {strides = array<i32>} : memref<30720xf32, #tpu.memory_space<vmem>>, vector<16xf32>,
      %parallel_loop3A_441 = vector.shape_cast %parallel_loop3A_440 : vector<16xf32> to vector<16xf32>
      %parallel_loop3A_442 = vector.shape_cast %parallel_loop3A_438 : vector<16xf32> to vector<16xf32>
      tpu.vector_store %arg5[%parallel_loop3A_439], %parallel_loop3A_442 {strides = array<i32>} : memref<30720xf32, #tpu.memory_space<vmem>>, vector<16xf32>,
      %parallel_loop3A_443 = arith.minimumf %parallel_loop3A_422, %parallel_loop3A_424 : vector<16xf32>
      %parallel_loop3A_444 = arith.index_cast %parallel_loop3A_409 : i32 to index
      %parallel_loop3A_445 = tpu.vector_load %arg5[%parallel_loop3A_444] {strides = array<i32>} : memref<30720xf32, #tpu.memory_space<vmem>>, vector<16xf32>,
      %parallel_loop3A_446 = vector.shape_cast %parallel_loop3A_445 : vector<16xf32> to vector<16xf32>
      %parallel_loop3A_447 = vector.shape_cast %parallel_loop3A_443 : vector<16xf32> to vector<16xf32>
      tpu.vector_store %arg5[%parallel_loop3A_444], %parallel_loop3A_447 {strides = array<i32>} : memref<30720xf32, #tpu.memory_space<vmem>>, vector<16xf32>,
      %parallel_loop3A_448 = arith.constant 32 : i32
      %parallel_loop3A_449 = arith.addi %parallel_loop3A_355, %parallel_loop3A_448 : i32
      %parallel_loop3A_450 = arith.constant 1024 : i32
      %parallel_loop3A_451 = arith.addi %parallel_loop3A_355, %parallel_loop3A_450 : i32
      %parallel_loop3A_452 = arith.constant 1120 : i32
      %parallel_loop3A_453 = arith.addi %parallel_loop3A_355, %parallel_loop3A_452 : i32
      %parallel_loop3A_454 = arith.constant 2112 : i32
      %parallel_loop3A_455 = arith.addi %parallel_loop3A_355, %parallel_loop3A_454 : i32
      %parallel_loop3A_456 = arith.index_cast %parallel_loop3A_449 : i32 to index
      %parallel_loop3A_457 = tpu.vector_load %arg5[%parallel_loop3A_456] {strides = array<i32>} : memref<30720xf32, #tpu.memory_space<vmem>>, vector<16xf32>,
      %parallel_loop3A_458 = vector.shape_cast %parallel_loop3A_457 : vector<16xf32> to vector<16xf32>
      %parallel_loop3A_459 = arith.index_cast %parallel_loop3A_451 : i32 to index
      %parallel_loop3A_460 = tpu.vector_load %arg5[%parallel_loop3A_459] {strides = array<i32>} : memref<30720xf32, #tpu.memory_space<vmem>>, vector<16xf32>,
      %parallel_loop3A_461 = vector.shape_cast %parallel_loop3A_460 : vector<16xf32> to vector<16xf32>
      %parallel_loop3A_462 = arith.index_cast %parallel_loop3A_453 : i32 to index
      %parallel_loop3A_463 = tpu.vector_load %arg5[%parallel_loop3A_462] {strides = array<i32>} : memref<30720xf32, #tpu.memory_space<vmem>>, vector<16xf32>,
      %parallel_loop3A_464 = vector.shape_cast %parallel_loop3A_463 : vector<16xf32> to vector<16xf32>
      %parallel_loop3A_465 = arith.index_cast %parallel_loop3A_455 : i32 to index
      %parallel_loop3A_466 = tpu.vector_load %arg5[%parallel_loop3A_465] {strides = array<i32>} : memref<30720xf32, #tpu.memory_space<vmem>>, vector<16xf32>,
      %parallel_loop3A_467 = vector.shape_cast %parallel_loop3A_466 : vector<16xf32> to vector<16xf32>
      %parallel_loop3A_468 = arith.minimumf %parallel_loop3A_458, %parallel_loop3A_461 : vector<16xf32>
      %parallel_loop3A_469 = arith.maximumf %parallel_loop3A_458, %parallel_loop3A_461 : vector<16xf32>
      %parallel_loop3A_470 = arith.minimumf %parallel_loop3A_464, %parallel_loop3A_467 : vector<16xf32>
      %parallel_loop3A_471 = arith.maximumf %parallel_loop3A_464, %parallel_loop3A_467 : vector<16xf32>
      %parallel_loop3A_472 = arith.minimumf %parallel_loop3A_469, %parallel_loop3A_471 : vector<16xf32>
      %parallel_loop3A_473 = arith.maximumf %parallel_loop3A_468, %parallel_loop3A_470 : vector<16xf32>
      %parallel_loop3A_474 = arith.maximumf %parallel_loop3A_469, %parallel_loop3A_471 : vector<16xf32>
      %parallel_loop3A_475 = arith.index_cast %parallel_loop3A_449 : i32 to index
      %parallel_loop3A_476 = tpu.vector_load %arg5[%parallel_loop3A_475] {strides = array<i32>} : memref<30720xf32, #tpu.memory_space<vmem>>, vector<16xf32>,
      %parallel_loop3A_477 = vector.shape_cast %parallel_loop3A_476 : vector<16xf32> to vector<16xf32>
      %parallel_loop3A_478 = vector.shape_cast %parallel_loop3A_474 : vector<16xf32> to vector<16xf32>
      tpu.vector_store %arg5[%parallel_loop3A_475], %parallel_loop3A_478 {strides = array<i32>} : memref<30720xf32, #tpu.memory_space<vmem>>, vector<16xf32>,
      %parallel_loop3A_479 = arith.maximumf %parallel_loop3A_472, %parallel_loop3A_473 : vector<16xf32>
      %parallel_loop3A_480 = arith.index_cast %parallel_loop3A_451 : i32 to index
      %parallel_loop3A_481 = tpu.vector_load %arg5[%parallel_loop3A_480] {strides = array<i32>} : memref<30720xf32, #tpu.memory_space<vmem>>, vector<16xf32>,
      %parallel_loop3A_482 = vector.shape_cast %parallel_loop3A_481 : vector<16xf32> to vector<16xf32>
      %parallel_loop3A_483 = vector.shape_cast %parallel_loop3A_479 : vector<16xf32> to vector<16xf32>
      tpu.vector_store %arg5[%parallel_loop3A_480], %parallel_loop3A_483 {strides = array<i32>} : memref<30720xf32, #tpu.memory_space<vmem>>, vector<16xf32>,
      %parallel_loop3A_484 = arith.minimumf %parallel_loop3A_472, %parallel_loop3A_473 : vector<16xf32>
      %parallel_loop3A_485 = arith.index_cast %parallel_loop3A_453 : i32 to index
      %parallel_loop3A_486 = tpu.vector_load %arg5[%parallel_loop3A_485] {strides = array<i32>} : memref<30720xf32, #tpu.memory_space<vmem>>, vector<16xf32>,
      %parallel_loop3A_487 = vector.shape_cast %parallel_loop3A_486 : vector<16xf32> to vector<16xf32>
      %parallel_loop3A_488 = vector.shape_cast %parallel_loop3A_484 : vector<16xf32> to vector<16xf32>
      tpu.vector_store %arg5[%parallel_loop3A_485], %parallel_loop3A_488 {strides = array<i32>} : memref<30720xf32, #tpu.memory_space<vmem>>, vector<16xf32>,
      %parallel_loop3A_489 = arith.minimumf %parallel_loop3A_468, %parallel_loop3A_470 : vector<16xf32>
      %parallel_loop3A_490 = arith.index_cast %parallel_loop3A_455 : i32 to index
      %parallel_loop3A_491 = tpu.vector_load %arg5[%parallel_loop3A_490] {strides = array<i32>} : memref<30720xf32, #tpu.memory_space<vmem>>, vector<16xf32>,
      %parallel_loop3A_492 = vector.shape_cast %parallel_loop3A_491 : vector<16xf32> to vector<16xf32>
      %parallel_loop3A_493 = vector.shape_cast %parallel_loop3A_489 : vector<16xf32> to vector<16xf32>
      tpu.vector_store %arg5[%parallel_loop3A_490], %parallel_loop3A_493 {strides = array<i32>} : memref<30720xf32, #tpu.memory_space<vmem>>, vector<16xf32>,
      %parallel_loop3A_494 = arith.constant 48 : i32
      %parallel_loop3A_495 = arith.addi %parallel_loop3A_355, %parallel_loop3A_494 : i32
      %parallel_loop3A_496 = arith.constant 1040 : i32
      %parallel_loop3A_497 = arith.addi %parallel_loop3A_355, %parallel_loop3A_496 : i32
      %parallel_loop3A_498 = arith.constant 1136 : i32
      %parallel_loop3A_499 = arith.addi %parallel_loop3A_355, %parallel_loop3A_498 : i32
      %parallel_loop3A_500 = arith.constant 2128 : i32
      %parallel_loop3A_501 = arith.addi %parallel_loop3A_355, %parallel_loop3A_500 : i32
      %parallel_loop3A_502 = arith.index_cast %parallel_loop3A_495 : i32 to index
      %parallel_loop3A_503 = tpu.vector_load %arg5[%parallel_loop3A_502] {strides = array<i32>} : memref<30720xf32, #tpu.memory_space<vmem>>, vector<16xf32>,
      %parallel_loop3A_504 = vector.shape_cast %parallel_loop3A_503 : vector<16xf32> to vector<16xf32>
      %parallel_loop3A_505 = arith.index_cast %parallel_loop3A_497 : i32 to index
      %parallel_loop3A_506 = tpu.vector_load %arg5[%parallel_loop3A_505] {strides = array<i32>} : memref<30720xf32, #tpu.memory_space<vmem>>, vector<16xf32>,
      %parallel_loop3A_507 = vector.shape_cast %parallel_loop3A_506 : vector<16xf32> to vector<16xf32>
      %parallel_loop3A_508 = arith.index_cast %parallel_loop3A_499 : i32 to index
      %parallel_loop3A_509 = tpu.vector_load %arg5[%parallel_loop3A_508] {strides = array<i32>} : memref<30720xf32, #tpu.memory_space<vmem>>, vector<16xf32>,
      %parallel_loop3A_510 = vector.shape_cast %parallel_loop3A_509 : vector<16xf32> to vector<16xf32>
      %parallel_loop3A_511 = arith.index_cast %parallel_loop3A_501 : i32 to index
      %parallel_loop3A_512 = tpu.vector_load %arg5[%parallel_loop3A_511] {strides = array<i32>} : memref<30720xf32, #tpu.memory_space<vmem>>, vector<16xf32>,
      %parallel_loop3A_513 = vector.shape_cast %parallel_loop3A_512 : vector<16xf32> to vector<16xf32>
      %parallel_loop3A_514 = arith.minimumf %parallel_loop3A_504, %parallel_loop3A_507 : vector<16xf32>
      %parallel_loop3A_515 = arith.maximumf %parallel_loop3A_504, %parallel_loop3A_507 : vector<16xf32>
      %parallel_loop3A_516 = arith.minimumf %parallel_loop3A_510, %parallel_loop3A_513 : vector<16xf32>
      %parallel_loop3A_517 = arith.maximumf %parallel_loop3A_510, %parallel_loop3A_513 : vector<16xf32>
      %parallel_loop3A_518 = arith.minimumf %parallel_loop3A_515, %parallel_loop3A_517 : vector<16xf32>
      %parallel_loop3A_519 = arith.maximumf %parallel_loop3A_514, %parallel_loop3A_516 : vector<16xf32>
      %parallel_loop3A_520 = arith.maximumf %parallel_loop3A_515, %parallel_loop3A_517 : vector<16xf32>
      %parallel_loop3A_521 = arith.index_cast %parallel_loop3A_495 : i32 to index
      %parallel_loop3A_522 = tpu.vector_load %arg5[%parallel_loop3A_521] {strides = array<i32>} : memref<30720xf32, #tpu.memory_space<vmem>>, vector<16xf32>,
      %parallel_loop3A_523 = vector.shape_cast %parallel_loop3A_522 : vector<16xf32> to vector<16xf32>
      %parallel_loop3A_524 = vector.shape_cast %parallel_loop3A_520 : vector<16xf32> to vector<16xf32>
      tpu.vector_store %arg5[%parallel_loop3A_521], %parallel_loop3A_524 {strides = array<i32>} : memref<30720xf32, #tpu.memory_space<vmem>>, vector<16xf32>,
      %parallel_loop3A_525 = arith.maximumf %parallel_loop3A_518, %parallel_loop3A_519 : vector<16xf32>
      %parallel_loop3A_526 = arith.index_cast %parallel_loop3A_497 : i32 to index
      %parallel_loop3A_527 = tpu.vector_load %arg5[%parallel_loop3A_526] {strides = array<i32>} : memref<30720xf32, #tpu.memory_space<vmem>>, vector<16xf32>,
      %parallel_loop3A_528 = vector.shape_cast %parallel_loop3A_527 : vector<16xf32> to vector<16xf32>
      %parallel_loop3A_529 = vector.shape_cast %parallel_loop3A_525 : vector<16xf32> to vector<16xf32>
      tpu.vector_store %arg5[%parallel_loop3A_526], %parallel_loop3A_529 {strides = array<i32>} : memref<30720xf32, #tpu.memory_space<vmem>>, vector<16xf32>,
      %parallel_loop3A_530 = arith.minimumf %parallel_loop3A_518, %parallel_loop3A_519 : vector<16xf32>
      %parallel_loop3A_531 = arith.index_cast %parallel_loop3A_499 : i32 to index
      %parallel_loop3A_532 = tpu.vector_load %arg5[%parallel_loop3A_531] {strides = array<i32>} : memref<30720xf32, #tpu.memory_space<vmem>>, vector<16xf32>,
      %parallel_loop3A_533 = vector.shape_cast %parallel_loop3A_532 : vector<16xf32> to vector<16xf32>
      %parallel_loop3A_534 = vector.shape_cast %parallel_loop3A_530 : vector<16xf32> to vector<16xf32>
      tpu.vector_store %arg5[%parallel_loop3A_531], %parallel_loop3A_534 {strides = array<i32>} : memref<30720xf32, #tpu.memory_space<vmem>>, vector<16xf32>,
      %parallel_loop3A_535 = arith.minimumf %parallel_loop3A_514, %parallel_loop3A_516 : vector<16xf32>
      %parallel_loop3A_536 = arith.index_cast %parallel_loop3A_501 : i32 to index
      %parallel_loop3A_537 = tpu.vector_load %arg5[%parallel_loop3A_536] {strides = array<i32>} : memref<30720xf32, #tpu.memory_space<vmem>>, vector<16xf32>,
      %parallel_loop3A_538 = vector.shape_cast %parallel_loop3A_537 : vector<16xf32> to vector<16xf32>
      %parallel_loop3A_539 = vector.shape_cast %parallel_loop3A_535 : vector<16xf32> to vector<16xf32>
      tpu.vector_store %arg5[%parallel_loop3A_536], %parallel_loop3A_539 {strides = array<i32>} : memref<30720xf32, #tpu.memory_space<vmem>>, vector<16xf32>,
      %parallel_loop3A_540 = arith.constant 64 : i32
      %parallel_loop3A_541 = arith.addi %parallel_loop3A_355, %parallel_loop3A_540 : i32
      %parallel_loop3A_542 = arith.constant 1056 : i32
      %parallel_loop3A_543 = arith.addi %parallel_loop3A_355, %parallel_loop3A_542 : i32
      %parallel_loop3A_544 = arith.constant 2048 : i32
      %parallel_loop3A_545 = arith.addi %parallel_loop3A_355, %parallel_loop3A_544 : i32
      %parallel_loop3A_546 = arith.constant 2144 : i32
      %parallel_loop3A_547 = arith.addi %parallel_loop3A_355, %parallel_loop3A_546 : i32
      %parallel_loop3A_548 = arith.index_cast %parallel_loop3A_541 : i32 to index
      %parallel_loop3A_549 = tpu.vector_load %arg5[%parallel_loop3A_548] {strides = array<i32>} : memref<30720xf32, #tpu.memory_space<vmem>>, vector<16xf32>,
      %parallel_loop3A_550 = vector.shape_cast %parallel_loop3A_549 : vector<16xf32> to vector<16xf32>
      %parallel_loop3A_551 = arith.index_cast %parallel_loop3A_543 : i32 to index
      %parallel_loop3A_552 = tpu.vector_load %arg5[%parallel_loop3A_551] {strides = array<i32>} : memref<30720xf32, #tpu.memory_space<vmem>>, vector<16xf32>,
      %parallel_loop3A_553 = vector.shape_cast %parallel_loop3A_552 : vector<16xf32> to vector<16xf32>
      %parallel_loop3A_554 = arith.index_cast %parallel_loop3A_545 : i32 to index
      %parallel_loop3A_555 = tpu.vector_load %arg5[%parallel_loop3A_554] {strides = array<i32>} : memref<30720xf32, #tpu.memory_space<vmem>>, vector<16xf32>,
      %parallel_loop3A_556 = vector.shape_cast %parallel_loop3A_555 : vector<16xf32> to vector<16xf32>
      %parallel_loop3A_557 = arith.index_cast %parallel_loop3A_547 : i32 to index
      %parallel_loop3A_558 = tpu.vector_load %arg5[%parallel_loop3A_557] {strides = array<i32>} : memref<30720xf32, #tpu.memory_space<vmem>>, vector<16xf32>,
      %parallel_loop3A_559 = vector.shape_cast %parallel_loop3A_558 : vector<16xf32> to vector<16xf32>
      %parallel_loop3A_560 = arith.minimumf %parallel_loop3A_550, %parallel_loop3A_553 : vector<16xf32>
      %parallel_loop3A_561 = arith.maximumf %parallel_loop3A_550, %parallel_loop3A_553 : vector<16xf32>
      %parallel_loop3A_562 = arith.minimumf %parallel_loop3A_556, %parallel_loop3A_559 : vector<16xf32>
      %parallel_loop3A_563 = arith.maximumf %parallel_loop3A_556, %parallel_loop3A_559 : vector<16xf32>
      %parallel_loop3A_564 = arith.minimumf %parallel_loop3A_561, %parallel_loop3A_563 : vector<16xf32>
      %parallel_loop3A_565 = arith.maximumf %parallel_loop3A_560, %parallel_loop3A_562 : vector<16xf32>
      %parallel_loop3A_566 = arith.maximumf %parallel_loop3A_561, %parallel_loop3A_563 : vector<16xf32>
      %parallel_loop3A_567 = arith.index_cast %parallel_loop3A_541 : i32 to index
      %parallel_loop3A_568 = tpu.vector_load %arg5[%parallel_loop3A_567] {strides = array<i32>} : memref<30720xf32, #tpu.memory_space<vmem>>, vector<16xf32>,
      %parallel_loop3A_569 = vector.shape_cast %parallel_loop3A_568 : vector<16xf32> to vector<16xf32>
      %parallel_loop3A_570 = vector.shape_cast %parallel_loop3A_566 : vector<16xf32> to vector<16xf32>
      tpu.vector_store %arg5[%parallel_loop3A_567], %parallel_loop3A_570 {strides = array<i32>} : memref<30720xf32, #tpu.memory_space<vmem>>, vector<16xf32>,
      %parallel_loop3A_571 = arith.maximumf %parallel_loop3A_564, %parallel_loop3A_565 : vector<16xf32>
      %parallel_loop3A_572 = arith.index_cast %parallel_loop3A_543 : i32 to index
      %parallel_loop3A_573 = tpu.vector_load %arg5[%parallel_loop3A_572] {strides = array<i32>} : memref<30720xf32, #tpu.memory_space<vmem>>, vector<16xf32>,
      %parallel_loop3A_574 = vector.shape_cast %parallel_loop3A_573 : vector<16xf32> to vector<16xf32>
      %parallel_loop3A_575 = vector.shape_cast %parallel_loop3A_571 : vector<16xf32> to vector<16xf32>
      tpu.vector_store %arg5[%parallel_loop3A_572], %parallel_loop3A_575 {strides = array<i32>} : memref<30720xf32, #tpu.memory_space<vmem>>, vector<16xf32>,
      %parallel_loop3A_576 = arith.minimumf %parallel_loop3A_564, %parallel_loop3A_565 : vector<16xf32>
      %parallel_loop3A_577 = arith.index_cast %parallel_loop3A_545 : i32 to index
      %parallel_loop3A_578 = tpu.vector_load %arg5[%parallel_loop3A_577] {strides = array<i32>} : memref<30720xf32, #tpu.memory_space<vmem>>, vector<16xf32>,
      %parallel_loop3A_579 = vector.shape_cast %parallel_loop3A_578 : vector<16xf32> to vector<16xf32>
      %parallel_loop3A_580 = vector.shape_cast %parallel_loop3A_576 : vector<16xf32> to vector<16xf32>
      tpu.vector_store %arg5[%parallel_loop3A_577], %parallel_loop3A_580 {strides = array<i32>} : memref<30720xf32, #tpu.memory_space<vmem>>, vector<16xf32>,
      %parallel_loop3A_581 = arith.minimumf %parallel_loop3A_560, %parallel_loop3A_562 : vector<16xf32>
      %parallel_loop3A_582 = arith.index_cast %parallel_loop3A_547 : i32 to index
      %parallel_loop3A_583 = tpu.vector_load %arg5[%parallel_loop3A_582] {strides = array<i32>} : memref<30720xf32, #tpu.memory_space<vmem>>, vector<16xf32>,
      %parallel_loop3A_584 = vector.shape_cast %parallel_loop3A_583 : vector<16xf32> to vector<16xf32>
      %parallel_loop3A_585 = vector.shape_cast %parallel_loop3A_581 : vector<16xf32> to vector<16xf32>
      tpu.vector_store %arg5[%parallel_loop3A_582], %parallel_loop3A_585 {strides = array<i32>} : memref<30720xf32, #tpu.memory_space<vmem>>, vector<16xf32>,
      %parallel_loop3A_586 = arith.constant 80 : i32
      %parallel_loop3A_587 = arith.addi %parallel_loop3A_355, %parallel_loop3A_586 : i32
      %parallel_loop3A_588 = arith.constant 1072 : i32
      %parallel_loop3A_589 = arith.addi %parallel_loop3A_355, %parallel_loop3A_588 : i32
      %parallel_loop3A_590 = arith.constant 2064 : i32
      %parallel_loop3A_591 = arith.addi %parallel_loop3A_355, %parallel_loop3A_590 : i32
      %parallel_loop3A_592 = arith.constant 2160 : i32
      %parallel_loop3A_593 = arith.addi %parallel_loop3A_355, %parallel_loop3A_592 : i32
      %parallel_loop3A_594 = arith.index_cast %parallel_loop3A_587 : i32 to index
      %parallel_loop3A_595 = tpu.vector_load %arg5[%parallel_loop3A_594] {strides = array<i32>} : memref<30720xf32, #tpu.memory_space<vmem>>, vector<16xf32>,
      %parallel_loop3A_596 = vector.shape_cast %parallel_loop3A_595 : vector<16xf32> to vector<16xf32>
      %parallel_loop3A_597 = arith.index_cast %parallel_loop3A_589 : i32 to index
      %parallel_loop3A_598 = tpu.vector_load %arg5[%parallel_loop3A_597] {strides = array<i32>} : memref<30720xf32, #tpu.memory_space<vmem>>, vector<16xf32>,
      %parallel_loop3A_599 = vector.shape_cast %parallel_loop3A_598 : vector<16xf32> to vector<16xf32>
      %parallel_loop3A_600 = arith.index_cast %parallel_loop3A_591 : i32 to index
      %parallel_loop3A_601 = tpu.vector_load %arg5[%parallel_loop3A_600] {strides = array<i32>} : memref<30720xf32, #tpu.memory_space<vmem>>, vector<16xf32>,
      %parallel_loop3A_602 = vector.shape_cast %parallel_loop3A_601 : vector<16xf32> to vector<16xf32>
      %parallel_loop3A_603 = arith.index_cast %parallel_loop3A_593 : i32 to index
      %parallel_loop3A_604 = tpu.vector_load %arg5[%parallel_loop3A_603] {strides = array<i32>} : memref<30720xf32, #tpu.memory_space<vmem>>, vector<16xf32>,
      %parallel_loop3A_605 = vector.shape_cast %parallel_loop3A_604 : vector<16xf32> to vector<16xf32>
      %parallel_loop3A_606 = arith.minimumf %parallel_loop3A_596, %parallel_loop3A_599 : vector<16xf32>
      %parallel_loop3A_607 = arith.maximumf %parallel_loop3A_596, %parallel_loop3A_599 : vector<16xf32>
      %parallel_loop3A_608 = arith.minimumf %parallel_loop3A_602, %parallel_loop3A_605 : vector<16xf32>
      %parallel_loop3A_609 = arith.maximumf %parallel_loop3A_602, %parallel_loop3A_605 : vector<16xf32>
      %parallel_loop3A_610 = arith.minimumf %parallel_loop3A_607, %parallel_loop3A_609 : vector<16xf32>
      %parallel_loop3A_611 = arith.maximumf %parallel_loop3A_606, %parallel_loop3A_608 : vector<16xf32>
      %parallel_loop3A_612 = arith.maximumf %parallel_loop3A_607, %parallel_loop3A_609 : vector<16xf32>
      %parallel_loop3A_613 = arith.index_cast %parallel_loop3A_587 : i32 to index
      %parallel_loop3A_614 = tpu.vector_load %arg5[%parallel_loop3A_613] {strides = array<i32>} : memref<30720xf32, #tpu.memory_space<vmem>>, vector<16xf32>,
      %parallel_loop3A_615 = vector.shape_cast %parallel_loop3A_614 : vector<16xf32> to vector<16xf32>
      %parallel_loop3A_616 = vector.shape_cast %parallel_loop3A_612 : vector<16xf32> to vector<16xf32>
      tpu.vector_store %arg5[%parallel_loop3A_613], %parallel_loop3A_616 {strides = array<i32>} : memref<30720xf32, #tpu.memory_space<vmem>>, vector<16xf32>,
      %parallel_loop3A_617 = arith.maximumf %parallel_loop3A_610, %parallel_loop3A_611 : vector<16xf32>
      %parallel_loop3A_618 = arith.index_cast %parallel_loop3A_589 : i32 to index
      %parallel_loop3A_619 = tpu.vector_load %arg5[%parallel_loop3A_618] {strides = array<i32>} : memref<30720xf32, #tpu.memory_space<vmem>>, vector<16xf32>,
      %parallel_loop3A_620 = vector.shape_cast %parallel_loop3A_619 : vector<16xf32> to vector<16xf32>
      %parallel_loop3A_621 = vector.shape_cast %parallel_loop3A_617 : vector<16xf32> to vector<16xf32>
      tpu.vector_store %arg5[%parallel_loop3A_618], %parallel_loop3A_621 {strides = array<i32>} : memref<30720xf32, #tpu.memory_space<vmem>>, vector<16xf32>,
      %parallel_loop3A_622 = arith.minimumf %parallel_loop3A_610, %parallel_loop3A_611 : vector<16xf32>
      %parallel_loop3A_623 = arith.index_cast %parallel_loop3A_591 : i32 to index
      %parallel_loop3A_624 = tpu.vector_load %arg5[%parallel_loop3A_623] {strides = array<i32>} : memref<30720xf32, #tpu.memory_space<vmem>>, vector<16xf32>,
      %parallel_loop3A_625 = vector.shape_cast %parallel_loop3A_624 : vector<16xf32> to vector<16xf32>
      %parallel_loop3A_626 = vector.shape_cast %parallel_loop3A_622 : vector<16xf32> to vector<16xf32>
      tpu.vector_store %arg5[%parallel_loop3A_623], %parallel_loop3A_626 {strides = array<i32>} : memref<30720xf32, #tpu.memory_space<vmem>>, vector<16xf32>,
      %parallel_loop3A_627 = arith.minimumf %parallel_loop3A_606, %parallel_loop3A_608 : vector<16xf32>
      %parallel_loop3A_628 = arith.index_cast %parallel_loop3A_593 : i32 to index
      %parallel_loop3A_629 = tpu.vector_load %arg5[%parallel_loop3A_628] {strides = array<i32>} : memref<30720xf32, #tpu.memory_space<vmem>>, vector<16xf32>,
      %parallel_loop3A_630 = vector.shape_cast %parallel_loop3A_629 : vector<16xf32> to vector<16xf32>
      %parallel_loop3A_631 = vector.shape_cast %parallel_loop3A_627 : vector<16xf32> to vector<16xf32>
      tpu.vector_store %arg5[%parallel_loop3A_628], %parallel_loop3A_631 {strides = array<i32>} : memref<30720xf32, #tpu.memory_space<vmem>>, vector<16xf32>,
    } {sc.loop_unroll_factor = 1 : i64, sc.parallel_access}
    %add3A_143 = arith.constant 122880 : i32
    %add3A_144 = arith.addi %mul3A_2, %add3A_143 : i32
    %dma_start3A_145 = arith.constant 0 : i32
    %dma_start3A_146 = tpu.memref_slice %arg5[%dma_start3A_145] : memref<30720xf32, #tpu.memory_space<vmem>> -> memref<30720xf32, #tpu.memory_space<vmem>>
    %dma_start3A_147 = tpu.memref_slice %arg3[%add3A_144] : memref<9633792xf32, #tpu.memory_space<hbm>> -> memref<30720xf32, #tpu.memory_space<hbm>>
    %dma_start3A_148 = tpu.memref_slice %arg3[%add3A_144] : memref<9633792xf32, #tpu.memory_space<hbm>> -> memref<30720xf32, #tpu.memory_space<hbm>>
    %dma_start3A_149 = arith.constant 0 : i32
    %dma_start3A_150 = tpu.memref_slice %arg5[%dma_start3A_149] : memref<30720xf32, #tpu.memory_space<vmem>> -> memref<30720xf32, #tpu.memory_space<vmem>>
    tpu.enqueue_dma source(%dma_start3A_150 : memref<30720xf32, #tpu.memory_space<vmem>>) target(%dma_start3A_148 : memref<30720xf32, #tpu.memory_space<hbm>>) target_semaphore(%arg11 : memref<!tpu.dma_semaphore, #tpu.memory_space<semaphore_mem>>)
    %dma_wait3A_151 = arith.constant 0 : i32
    %dma_wait3A_152 = tpu.memref_slice %arg4[%dma_wait3A_151] : memref<30720xf32, #tpu.memory_space<vmem>> -> memref<30720xf32, #tpu.memory_space<vmem>>
    %dma_wait3A_153 = tpu.memref_slice %arg3[%add3A_113] : memref<9633792xf32, #tpu.memory_space<hbm>> -> memref<30720xf32, #tpu.memory_space<hbm>>
    %dma_wait3A_154 = tpu.memref_slice %arg3[%add3A_113] : memref<9633792xf32, #tpu.memory_space<hbm>> -> memref<30720xf32, #tpu.memory_space<hbm>>
    %dma_wait3A_155 = arith.constant 0 : i32
    %dma_wait3A_156 = tpu.memref_slice %arg4[%dma_wait3A_155] : memref<30720xf32, #tpu.memory_space<vmem>> -> memref<30720xf32, #tpu.memory_space<vmem>>
    tpu.wait_dma2 semaphore(%arg10 : memref<!tpu.dma_semaphore, #tpu.memory_space<semaphore_mem>>) src(%dma_wait3A_156 : memref<30720xf32, #tpu.memory_space<vmem>>) dst(%dma_wait3A_154 : memref<30720xf32, #tpu.memory_space<hbm>>)
    %add3A_157 = arith.constant 184320 : i32
    %add3A_158 = arith.addi %mul3A_2, %add3A_157 : i32
    %dma_start3A_159 = arith.constant 0 : i32
    %dma_start3A_160 = tpu.memref_slice %arg4[%dma_start3A_159] : memref<30720xf32, #tpu.memory_space<vmem>> -> memref<30720xf32, #tpu.memory_space<vmem>>
    %dma_start3A_161 = tpu.memref_slice %arg2[%add3A_158] : memref<9633792xf32, #tpu.memory_space<hbm>> -> memref<30720xf32, #tpu.memory_space<hbm>>
    %dma_start3A_162 = arith.constant 0 : i32
    %dma_start3A_163 = tpu.memref_slice %arg4[%dma_start3A_162] : memref<30720xf32, #tpu.memory_space<vmem>> -> memref<30720xf32, #tpu.memory_space<vmem>>
    %dma_start3A_164 = tpu.memref_slice %arg2[%add3A_158] : memref<9633792xf32, #tpu.memory_space<hbm>> -> memref<30720xf32, #tpu.memory_space<hbm>>
    tpu.enqueue_dma source(%dma_start3A_164 : memref<30720xf32, #tpu.memory_space<hbm>>) target(%dma_start3A_163 : memref<30720xf32, #tpu.memory_space<vmem>>) target_semaphore(%arg7 : memref<!tpu.dma_semaphore, #tpu.memory_space<semaphore_mem>>)
    %dma_wait3A_165 = arith.constant 0 : i32
    %dma_wait3A_166 = tpu.memref_slice %arg6[%dma_wait3A_165] : memref<30720xf32, #tpu.memory_space<vmem>> -> memref<30720xf32, #tpu.memory_space<vmem>>
    %dma_wait3A_167 = tpu.memref_slice %arg2[%add3A_127] : memref<9633792xf32, #tpu.memory_space<hbm>> -> memref<30720xf32, #tpu.memory_space<hbm>>
    %dma_wait3A_168 = arith.constant 0 : i32
    %dma_wait3A_169 = tpu.memref_slice %arg6[%dma_wait3A_168] : memref<30720xf32, #tpu.memory_space<vmem>> -> memref<30720xf32, #tpu.memory_space<vmem>>
    %dma_wait3A_170 = tpu.memref_slice %arg2[%add3A_127] : memref<9633792xf32, #tpu.memory_space<hbm>> -> memref<30720xf32, #tpu.memory_space<hbm>>
    tpu.wait_dma2 semaphore(%arg9 : memref<!tpu.dma_semaphore, #tpu.memory_space<semaphore_mem>>) src(%dma_wait3A_170 : memref<30720xf32, #tpu.memory_space<hbm>>) dst(%dma_wait3A_169 : memref<30720xf32, #tpu.memory_space<vmem>>)
    %parallel_loop3A_171 = arith.constant 0 : i32
    %parallel_loop3A_172 = arith.constant 80 : i32
    %parallel_loop3A_173 = arith.constant 1 : i32
    scf.for %parallel_loop3A_310 = %parallel_loop3A_171 to %parallel_loop3A_172 step %parallel_loop3A_173  : i32 {
      %parallel_loop3A_311 = arith.constant 8 : i32
      %parallel_loop3A_312 = arith.divsi %parallel_loop3A_310, %parallel_loop3A_311 : i32
      %parallel_loop3A_313 = arith.constant 0 : i32
      %parallel_loop3A_314 = arith.cmpi sgt, %parallel_loop3A_310, %parallel_loop3A_313 : i32
      %parallel_loop3A_315 = arith.extui %parallel_loop3A_314 : i1 to i32
      %parallel_loop3A_316 = arith.constant 0 : i32
      %parallel_loop3A_317 = arith.cmpi slt, %parallel_loop3A_310, %parallel_loop3A_316 : i32
      %parallel_loop3A_318 = arith.extui %parallel_loop3A_317 : i1 to i32
      %parallel_loop3A_319 = arith.subi %parallel_loop3A_315, %parallel_loop3A_318 : i32
      %parallel_loop3A_320 = arith.constant 0 : i32
      %parallel_loop3A_321 = arith.cmpi sgt, %parallel_loop3A_311, %parallel_loop3A_320 : i32
      %parallel_loop3A_322 = arith.extui %parallel_loop3A_321 : i1 to i32
      %parallel_loop3A_323 = arith.constant 0 : i32
      %parallel_loop3A_324 = arith.cmpi slt, %parallel_loop3A_311, %parallel_loop3A_323 : i32
      %parallel_loop3A_325 = arith.extui %parallel_loop3A_324 : i1 to i32
      %parallel_loop3A_326 = arith.subi %parallel_loop3A_322, %parallel_loop3A_325 : i32
      %parallel_loop3A_327 = arith.cmpi ne, %parallel_loop3A_319, %parallel_loop3A_326 : i32
      %parallel_loop3A_328 = arith.remsi %parallel_loop3A_310, %parallel_loop3A_311 : i32
      %parallel_loop3A_329 = arith.constant 0 : i32
      %parallel_loop3A_330 = arith.cmpi ne, %parallel_loop3A_328, %parallel_loop3A_329 : i32
      %parallel_loop3A_331 = arith.andi %parallel_loop3A_327, %parallel_loop3A_330 : i1
      %parallel_loop3A_332 = arith.constant 1 : i32
      %parallel_loop3A_333 = arith.subi %parallel_loop3A_312, %parallel_loop3A_332 : i32
      %parallel_loop3A_334 = arith.select %parallel_loop3A_331, %parallel_loop3A_333, %parallel_loop3A_312 : i32
      %parallel_loop3A_335 = arith.constant 3072 : i32
      %parallel_loop3A_336 = arith.muli %parallel_loop3A_334, %parallel_loop3A_335 : i32
      %parallel_loop3A_337 = arith.constant 8 : i32
      %parallel_loop3A_338 = arith.constant 0 : i32
      %parallel_loop3A_339 = arith.cmpi eq, %parallel_loop3A_337, %parallel_loop3A_338 : i32
      %parallel_loop3A_340 = arith.constant 1 : i32
      %parallel_loop3A_341 = arith.select %parallel_loop3A_339, %parallel_loop3A_340, %parallel_loop3A_337 : i32
      %parallel_loop3A_342 = arith.remsi %parallel_loop3A_310, %parallel_loop3A_341 : i32
      %parallel_loop3A_343 = arith.constant 0 : i32
      %parallel_loop3A_344 = arith.cmpi ne, %parallel_loop3A_342, %parallel_loop3A_343 : i32
      %parallel_loop3A_345 = arith.constant 0 : i32
      %parallel_loop3A_346 = arith.cmpi slt, %parallel_loop3A_342, %parallel_loop3A_345 : i32
      %parallel_loop3A_347 = arith.constant 0 : i32
      %parallel_loop3A_348 = arith.cmpi slt, %parallel_loop3A_341, %parallel_loop3A_347 : i32
      %parallel_loop3A_349 = arith.xori %parallel_loop3A_346, %parallel_loop3A_348 : i1
      %parallel_loop3A_350 = arith.andi %parallel_loop3A_349, %parallel_loop3A_344 : i1
      %parallel_loop3A_351 = arith.addi %parallel_loop3A_342, %parallel_loop3A_341 : i32
      %parallel_loop3A_352 = arith.select %parallel_loop3A_350, %parallel_loop3A_351, %parallel_loop3A_342 : i32
      %parallel_loop3A_353 = arith.constant 128 : i32
      %parallel_loop3A_354 = arith.muli %parallel_loop3A_352, %parallel_loop3A_353 : i32
      %parallel_loop3A_355 = arith.addi %parallel_loop3A_336, %parallel_loop3A_354 : i32
      %parallel_loop3A_356 = arith.constant 0 : i32
      %parallel_loop3A_357 = arith.addi %parallel_loop3A_355, %parallel_loop3A_356 : i32
      %parallel_loop3A_358 = arith.constant 96 : i32
      %parallel_loop3A_359 = arith.addi %parallel_loop3A_355, %parallel_loop3A_358 : i32
      %parallel_loop3A_360 = arith.constant 1088 : i32
      %parallel_loop3A_361 = arith.addi %parallel_loop3A_355, %parallel_loop3A_360 : i32
      %parallel_loop3A_362 = arith.constant 2080 : i32
      %parallel_loop3A_363 = arith.addi %parallel_loop3A_355, %parallel_loop3A_362 : i32
      %parallel_loop3A_364 = arith.index_cast %parallel_loop3A_357 : i32 to index
      %parallel_loop3A_365 = tpu.vector_load %arg6[%parallel_loop3A_364] {strides = array<i32>} : memref<30720xf32, #tpu.memory_space<vmem>>, vector<16xf32>,
      %parallel_loop3A_366 = vector.shape_cast %parallel_loop3A_365 : vector<16xf32> to vector<16xf32>
      %parallel_loop3A_367 = arith.index_cast %parallel_loop3A_359 : i32 to index
      %parallel_loop3A_368 = tpu.vector_load %arg6[%parallel_loop3A_367] {strides = array<i32>} : memref<30720xf32, #tpu.memory_space<vmem>>, vector<16xf32>,
      %parallel_loop3A_369 = vector.shape_cast %parallel_loop3A_368 : vector<16xf32> to vector<16xf32>
      %parallel_loop3A_370 = arith.index_cast %parallel_loop3A_361 : i32 to index
      %parallel_loop3A_371 = tpu.vector_load %arg6[%parallel_loop3A_370] {strides = array<i32>} : memref<30720xf32, #tpu.memory_space<vmem>>, vector<16xf32>,
      %parallel_loop3A_372 = vector.shape_cast %parallel_loop3A_371 : vector<16xf32> to vector<16xf32>
      %parallel_loop3A_373 = arith.index_cast %parallel_loop3A_363 : i32 to index
      %parallel_loop3A_374 = tpu.vector_load %arg6[%parallel_loop3A_373] {strides = array<i32>} : memref<30720xf32, #tpu.memory_space<vmem>>, vector<16xf32>,
      %parallel_loop3A_375 = vector.shape_cast %parallel_loop3A_374 : vector<16xf32> to vector<16xf32>
      %parallel_loop3A_376 = arith.minimumf %parallel_loop3A_366, %parallel_loop3A_369 : vector<16xf32>
      %parallel_loop3A_377 = arith.maximumf %parallel_loop3A_366, %parallel_loop3A_369 : vector<16xf32>
      %parallel_loop3A_378 = arith.minimumf %parallel_loop3A_372, %parallel_loop3A_375 : vector<16xf32>
      %parallel_loop3A_379 = arith.maximumf %parallel_loop3A_372, %parallel_loop3A_375 : vector<16xf32>
      %parallel_loop3A_380 = arith.minimumf %parallel_loop3A_377, %parallel_loop3A_379 : vector<16xf32>
      %parallel_loop3A_381 = arith.maximumf %parallel_loop3A_376, %parallel_loop3A_378 : vector<16xf32>
      %parallel_loop3A_382 = arith.maximumf %parallel_loop3A_377, %parallel_loop3A_379 : vector<16xf32>
      %parallel_loop3A_383 = arith.index_cast %parallel_loop3A_357 : i32 to index
      %parallel_loop3A_384 = tpu.vector_load %arg6[%parallel_loop3A_383] {strides = array<i32>} : memref<30720xf32, #tpu.memory_space<vmem>>, vector<16xf32>,
      %parallel_loop3A_385 = vector.shape_cast %parallel_loop3A_384 : vector<16xf32> to vector<16xf32>
      %parallel_loop3A_386 = vector.shape_cast %parallel_loop3A_382 : vector<16xf32> to vector<16xf32>
      tpu.vector_store %arg6[%parallel_loop3A_383], %parallel_loop3A_386 {strides = array<i32>} : memref<30720xf32, #tpu.memory_space<vmem>>, vector<16xf32>,
      %parallel_loop3A_387 = arith.maximumf %parallel_loop3A_380, %parallel_loop3A_381 : vector<16xf32>
      %parallel_loop3A_388 = arith.index_cast %parallel_loop3A_359 : i32 to index
      %parallel_loop3A_389 = tpu.vector_load %arg6[%parallel_loop3A_388] {strides = array<i32>} : memref<30720xf32, #tpu.memory_space<vmem>>, vector<16xf32>,
      %parallel_loop3A_390 = vector.shape_cast %parallel_loop3A_389 : vector<16xf32> to vector<16xf32>
      %parallel_loop3A_391 = vector.shape_cast %parallel_loop3A_387 : vector<16xf32> to vector<16xf32>
      tpu.vector_store %arg6[%parallel_loop3A_388], %parallel_loop3A_391 {strides = array<i32>} : memref<30720xf32, #tpu.memory_space<vmem>>, vector<16xf32>,
      %parallel_loop3A_392 = arith.minimumf %parallel_loop3A_380, %parallel_loop3A_381 : vector<16xf32>
      %parallel_loop3A_393 = arith.index_cast %parallel_loop3A_361 : i32 to index
      %parallel_loop3A_394 = tpu.vector_load %arg6[%parallel_loop3A_393] {strides = array<i32>} : memref<30720xf32, #tpu.memory_space<vmem>>, vector<16xf32>,
      %parallel_loop3A_395 = vector.shape_cast %parallel_loop3A_394 : vector<16xf32> to vector<16xf32>
      %parallel_loop3A_396 = vector.shape_cast %parallel_loop3A_392 : vector<16xf32> to vector<16xf32>
      tpu.vector_store %arg6[%parallel_loop3A_393], %parallel_loop3A_396 {strides = array<i32>} : memref<30720xf32, #tpu.memory_space<vmem>>, vector<16xf32>,
      %parallel_loop3A_397 = arith.minimumf %parallel_loop3A_376, %parallel_loop3A_378 : vector<16xf32>
      %parallel_loop3A_398 = arith.index_cast %parallel_loop3A_363 : i32 to index
      %parallel_loop3A_399 = tpu.vector_load %arg6[%parallel_loop3A_398] {strides = array<i32>} : memref<30720xf32, #tpu.memory_space<vmem>>, vector<16xf32>,
      %parallel_loop3A_400 = vector.shape_cast %parallel_loop3A_399 : vector<16xf32> to vector<16xf32>
      %parallel_loop3A_401 = vector.shape_cast %parallel_loop3A_397 : vector<16xf32> to vector<16xf32>
      tpu.vector_store %arg6[%parallel_loop3A_398], %parallel_loop3A_401 {strides = array<i32>} : memref<30720xf32, #tpu.memory_space<vmem>>, vector<16xf32>,
      %parallel_loop3A_402 = arith.constant 16 : i32
      %parallel_loop3A_403 = arith.addi %parallel_loop3A_355, %parallel_loop3A_402 : i32
      %parallel_loop3A_404 = arith.constant 112 : i32
      %parallel_loop3A_405 = arith.addi %parallel_loop3A_355, %parallel_loop3A_404 : i32
      %parallel_loop3A_406 = arith.constant 1104 : i32
      %parallel_loop3A_407 = arith.addi %parallel_loop3A_355, %parallel_loop3A_406 : i32
      %parallel_loop3A_408 = arith.constant 2096 : i32
      %parallel_loop3A_409 = arith.addi %parallel_loop3A_355, %parallel_loop3A_408 : i32
      %parallel_loop3A_410 = arith.index_cast %parallel_loop3A_403 : i32 to index
      %parallel_loop3A_411 = tpu.vector_load %arg6[%parallel_loop3A_410] {strides = array<i32>} : memref<30720xf32, #tpu.memory_space<vmem>>, vector<16xf32>,
      %parallel_loop3A_412 = vector.shape_cast %parallel_loop3A_411 : vector<16xf32> to vector<16xf32>
      %parallel_loop3A_413 = arith.index_cast %parallel_loop3A_405 : i32 to index
      %parallel_loop3A_414 = tpu.vector_load %arg6[%parallel_loop3A_413] {strides = array<i32>} : memref<30720xf32, #tpu.memory_space<vmem>>, vector<16xf32>,
      %parallel_loop3A_415 = vector.shape_cast %parallel_loop3A_414 : vector<16xf32> to vector<16xf32>
      %parallel_loop3A_416 = arith.index_cast %parallel_loop3A_407 : i32 to index
      %parallel_loop3A_417 = tpu.vector_load %arg6[%parallel_loop3A_416] {strides = array<i32>} : memref<30720xf32, #tpu.memory_space<vmem>>, vector<16xf32>,
      %parallel_loop3A_418 = vector.shape_cast %parallel_loop3A_417 : vector<16xf32> to vector<16xf32>
      %parallel_loop3A_419 = arith.index_cast %parallel_loop3A_409 : i32 to index
      %parallel_loop3A_420 = tpu.vector_load %arg6[%parallel_loop3A_419] {strides = array<i32>} : memref<30720xf32, #tpu.memory_space<vmem>>, vector<16xf32>,
      %parallel_loop3A_421 = vector.shape_cast %parallel_loop3A_420 : vector<16xf32> to vector<16xf32>
      %parallel_loop3A_422 = arith.minimumf %parallel_loop3A_412, %parallel_loop3A_415 : vector<16xf32>
      %parallel_loop3A_423 = arith.maximumf %parallel_loop3A_412, %parallel_loop3A_415 : vector<16xf32>
      %parallel_loop3A_424 = arith.minimumf %parallel_loop3A_418, %parallel_loop3A_421 : vector<16xf32>
      %parallel_loop3A_425 = arith.maximumf %parallel_loop3A_418, %parallel_loop3A_421 : vector<16xf32>
      %parallel_loop3A_426 = arith.minimumf %parallel_loop3A_423, %parallel_loop3A_425 : vector<16xf32>
      %parallel_loop3A_427 = arith.maximumf %parallel_loop3A_422, %parallel_loop3A_424 : vector<16xf32>
      %parallel_loop3A_428 = arith.maximumf %parallel_loop3A_423, %parallel_loop3A_425 : vector<16xf32>
      %parallel_loop3A_429 = arith.index_cast %parallel_loop3A_403 : i32 to index
      %parallel_loop3A_430 = tpu.vector_load %arg6[%parallel_loop3A_429] {strides = array<i32>} : memref<30720xf32, #tpu.memory_space<vmem>>, vector<16xf32>,
      %parallel_loop3A_431 = vector.shape_cast %parallel_loop3A_430 : vector<16xf32> to vector<16xf32>
      %parallel_loop3A_432 = vector.shape_cast %parallel_loop3A_428 : vector<16xf32> to vector<16xf32>
      tpu.vector_store %arg6[%parallel_loop3A_429], %parallel_loop3A_432 {strides = array<i32>} : memref<30720xf32, #tpu.memory_space<vmem>>, vector<16xf32>,
      %parallel_loop3A_433 = arith.maximumf %parallel_loop3A_426, %parallel_loop3A_427 : vector<16xf32>
      %parallel_loop3A_434 = arith.index_cast %parallel_loop3A_405 : i32 to index
      %parallel_loop3A_435 = tpu.vector_load %arg6[%parallel_loop3A_434] {strides = array<i32>} : memref<30720xf32, #tpu.memory_space<vmem>>, vector<16xf32>,
      %parallel_loop3A_436 = vector.shape_cast %parallel_loop3A_435 : vector<16xf32> to vector<16xf32>
      %parallel_loop3A_437 = vector.shape_cast %parallel_loop3A_433 : vector<16xf32> to vector<16xf32>
      tpu.vector_store %arg6[%parallel_loop3A_434], %parallel_loop3A_437 {strides = array<i32>} : memref<30720xf32, #tpu.memory_space<vmem>>, vector<16xf32>,
      %parallel_loop3A_438 = arith.minimumf %parallel_loop3A_426, %parallel_loop3A_427 : vector<16xf32>
      %parallel_loop3A_439 = arith.index_cast %parallel_loop3A_407 : i32 to index
      %parallel_loop3A_440 = tpu.vector_load %arg6[%parallel_loop3A_439] {strides = array<i32>} : memref<30720xf32, #tpu.memory_space<vmem>>, vector<16xf32>,
      %parallel_loop3A_441 = vector.shape_cast %parallel_loop3A_440 : vector<16xf32> to vector<16xf32>
      %parallel_loop3A_442 = vector.shape_cast %parallel_loop3A_438 : vector<16xf32> to vector<16xf32>
      tpu.vector_store %arg6[%parallel_loop3A_439], %parallel_loop3A_442 {strides = array<i32>} : memref<30720xf32, #tpu.memory_space<vmem>>, vector<16xf32>,
      %parallel_loop3A_443 = arith.minimumf %parallel_loop3A_422, %parallel_loop3A_424 : vector<16xf32>
      %parallel_loop3A_444 = arith.index_cast %parallel_loop3A_409 : i32 to index
      %parallel_loop3A_445 = tpu.vector_load %arg6[%parallel_loop3A_444] {strides = array<i32>} : memref<30720xf32, #tpu.memory_space<vmem>>, vector<16xf32>,
      %parallel_loop3A_446 = vector.shape_cast %parallel_loop3A_445 : vector<16xf32> to vector<16xf32>
      %parallel_loop3A_447 = vector.shape_cast %parallel_loop3A_443 : vector<16xf32> to vector<16xf32>
      tpu.vector_store %arg6[%parallel_loop3A_444], %parallel_loop3A_447 {strides = array<i32>} : memref<30720xf32, #tpu.memory_space<vmem>>, vector<16xf32>,
      %parallel_loop3A_448 = arith.constant 32 : i32
      %parallel_loop3A_449 = arith.addi %parallel_loop3A_355, %parallel_loop3A_448 : i32
      %parallel_loop3A_450 = arith.constant 1024 : i32
      %parallel_loop3A_451 = arith.addi %parallel_loop3A_355, %parallel_loop3A_450 : i32
      %parallel_loop3A_452 = arith.constant 1120 : i32
      %parallel_loop3A_453 = arith.addi %parallel_loop3A_355, %parallel_loop3A_452 : i32
      %parallel_loop3A_454 = arith.constant 2112 : i32
      %parallel_loop3A_455 = arith.addi %parallel_loop3A_355, %parallel_loop3A_454 : i32
      %parallel_loop3A_456 = arith.index_cast %parallel_loop3A_449 : i32 to index
      %parallel_loop3A_457 = tpu.vector_load %arg6[%parallel_loop3A_456] {strides = array<i32>} : memref<30720xf32, #tpu.memory_space<vmem>>, vector<16xf32>,
      %parallel_loop3A_458 = vector.shape_cast %parallel_loop3A_457 : vector<16xf32> to vector<16xf32>
      %parallel_loop3A_459 = arith.index_cast %parallel_loop3A_451 : i32 to index
      %parallel_loop3A_460 = tpu.vector_load %arg6[%parallel_loop3A_459] {strides = array<i32>} : memref<30720xf32, #tpu.memory_space<vmem>>, vector<16xf32>,
      %parallel_loop3A_461 = vector.shape_cast %parallel_loop3A_460 : vector<16xf32> to vector<16xf32>
      %parallel_loop3A_462 = arith.index_cast %parallel_loop3A_453 : i32 to index
      %parallel_loop3A_463 = tpu.vector_load %arg6[%parallel_loop3A_462] {strides = array<i32>} : memref<30720xf32, #tpu.memory_space<vmem>>, vector<16xf32>,
      %parallel_loop3A_464 = vector.shape_cast %parallel_loop3A_463 : vector<16xf32> to vector<16xf32>
      %parallel_loop3A_465 = arith.index_cast %parallel_loop3A_455 : i32 to index
      %parallel_loop3A_466 = tpu.vector_load %arg6[%parallel_loop3A_465] {strides = array<i32>} : memref<30720xf32, #tpu.memory_space<vmem>>, vector<16xf32>,
      %parallel_loop3A_467 = vector.shape_cast %parallel_loop3A_466 : vector<16xf32> to vector<16xf32>
      %parallel_loop3A_468 = arith.minimumf %parallel_loop3A_458, %parallel_loop3A_461 : vector<16xf32>
      %parallel_loop3A_469 = arith.maximumf %parallel_loop3A_458, %parallel_loop3A_461 : vector<16xf32>
      %parallel_loop3A_470 = arith.minimumf %parallel_loop3A_464, %parallel_loop3A_467 : vector<16xf32>
      %parallel_loop3A_471 = arith.maximumf %parallel_loop3A_464, %parallel_loop3A_467 : vector<16xf32>
      %parallel_loop3A_472 = arith.minimumf %parallel_loop3A_469, %parallel_loop3A_471 : vector<16xf32>
      %parallel_loop3A_473 = arith.maximumf %parallel_loop3A_468, %parallel_loop3A_470 : vector<16xf32>
      %parallel_loop3A_474 = arith.maximumf %parallel_loop3A_469, %parallel_loop3A_471 : vector<16xf32>
      %parallel_loop3A_475 = arith.index_cast %parallel_loop3A_449 : i32 to index
      %parallel_loop3A_476 = tpu.vector_load %arg6[%parallel_loop3A_475] {strides = array<i32>} : memref<30720xf32, #tpu.memory_space<vmem>>, vector<16xf32>,
      %parallel_loop3A_477 = vector.shape_cast %parallel_loop3A_476 : vector<16xf32> to vector<16xf32>
      %parallel_loop3A_478 = vector.shape_cast %parallel_loop3A_474 : vector<16xf32> to vector<16xf32>
      tpu.vector_store %arg6[%parallel_loop3A_475], %parallel_loop3A_478 {strides = array<i32>} : memref<30720xf32, #tpu.memory_space<vmem>>, vector<16xf32>,
      %parallel_loop3A_479 = arith.maximumf %parallel_loop3A_472, %parallel_loop3A_473 : vector<16xf32>
      %parallel_loop3A_480 = arith.index_cast %parallel_loop3A_451 : i32 to index
      %parallel_loop3A_481 = tpu.vector_load %arg6[%parallel_loop3A_480] {strides = array<i32>} : memref<30720xf32, #tpu.memory_space<vmem>>, vector<16xf32>,
      %parallel_loop3A_482 = vector.shape_cast %parallel_loop3A_481 : vector<16xf32> to vector<16xf32>
      %parallel_loop3A_483 = vector.shape_cast %parallel_loop3A_479 : vector<16xf32> to vector<16xf32>
      tpu.vector_store %arg6[%parallel_loop3A_480], %parallel_loop3A_483 {strides = array<i32>} : memref<30720xf32, #tpu.memory_space<vmem>>, vector<16xf32>,
      %parallel_loop3A_484 = arith.minimumf %parallel_loop3A_472, %parallel_loop3A_473 : vector<16xf32>
      %parallel_loop3A_485 = arith.index_cast %parallel_loop3A_453 : i32 to index
      %parallel_loop3A_486 = tpu.vector_load %arg6[%parallel_loop3A_485] {strides = array<i32>} : memref<30720xf32, #tpu.memory_space<vmem>>, vector<16xf32>,
      %parallel_loop3A_487 = vector.shape_cast %parallel_loop3A_486 : vector<16xf32> to vector<16xf32>
      %parallel_loop3A_488 = vector.shape_cast %parallel_loop3A_484 : vector<16xf32> to vector<16xf32>
      tpu.vector_store %arg6[%parallel_loop3A_485], %parallel_loop3A_488 {strides = array<i32>} : memref<30720xf32, #tpu.memory_space<vmem>>, vector<16xf32>,
      %parallel_loop3A_489 = arith.minimumf %parallel_loop3A_468, %parallel_loop3A_470 : vector<16xf32>
      %parallel_loop3A_490 = arith.index_cast %parallel_loop3A_455 : i32 to index
      %parallel_loop3A_491 = tpu.vector_load %arg6[%parallel_loop3A_490] {strides = array<i32>} : memref<30720xf32, #tpu.memory_space<vmem>>, vector<16xf32>,
      %parallel_loop3A_492 = vector.shape_cast %parallel_loop3A_491 : vector<16xf32> to vector<16xf32>
      %parallel_loop3A_493 = vector.shape_cast %parallel_loop3A_489 : vector<16xf32> to vector<16xf32>
      tpu.vector_store %arg6[%parallel_loop3A_490], %parallel_loop3A_493 {strides = array<i32>} : memref<30720xf32, #tpu.memory_space<vmem>>, vector<16xf32>,
      %parallel_loop3A_494 = arith.constant 48 : i32
      %parallel_loop3A_495 = arith.addi %parallel_loop3A_355, %parallel_loop3A_494 : i32
      %parallel_loop3A_496 = arith.constant 1040 : i32
      %parallel_loop3A_497 = arith.addi %parallel_loop3A_355, %parallel_loop3A_496 : i32
      %parallel_loop3A_498 = arith.constant 1136 : i32
      %parallel_loop3A_499 = arith.addi %parallel_loop3A_355, %parallel_loop3A_498 : i32
      %parallel_loop3A_500 = arith.constant 2128 : i32
      %parallel_loop3A_501 = arith.addi %parallel_loop3A_355, %parallel_loop3A_500 : i32
      %parallel_loop3A_502 = arith.index_cast %parallel_loop3A_495 : i32 to index
      %parallel_loop3A_503 = tpu.vector_load %arg6[%parallel_loop3A_502] {strides = array<i32>} : memref<30720xf32, #tpu.memory_space<vmem>>, vector<16xf32>,
      %parallel_loop3A_504 = vector.shape_cast %parallel_loop3A_503 : vector<16xf32> to vector<16xf32>
      %parallel_loop3A_505 = arith.index_cast %parallel_loop3A_497 : i32 to index
      %parallel_loop3A_506 = tpu.vector_load %arg6[%parallel_loop3A_505] {strides = array<i32>} : memref<30720xf32, #tpu.memory_space<vmem>>, vector<16xf32>,
      %parallel_loop3A_507 = vector.shape_cast %parallel_loop3A_506 : vector<16xf32> to vector<16xf32>
      %parallel_loop3A_508 = arith.index_cast %parallel_loop3A_499 : i32 to index
      %parallel_loop3A_509 = tpu.vector_load %arg6[%parallel_loop3A_508] {strides = array<i32>} : memref<30720xf32, #tpu.memory_space<vmem>>, vector<16xf32>,
      %parallel_loop3A_510 = vector.shape_cast %parallel_loop3A_509 : vector<16xf32> to vector<16xf32>
      %parallel_loop3A_511 = arith.index_cast %parallel_loop3A_501 : i32 to index
      %parallel_loop3A_512 = tpu.vector_load %arg6[%parallel_loop3A_511] {strides = array<i32>} : memref<30720xf32, #tpu.memory_space<vmem>>, vector<16xf32>,
      %parallel_loop3A_513 = vector.shape_cast %parallel_loop3A_512 : vector<16xf32> to vector<16xf32>
      %parallel_loop3A_514 = arith.minimumf %parallel_loop3A_504, %parallel_loop3A_507 : vector<16xf32>
      %parallel_loop3A_515 = arith.maximumf %parallel_loop3A_504, %parallel_loop3A_507 : vector<16xf32>
      %parallel_loop3A_516 = arith.minimumf %parallel_loop3A_510, %parallel_loop3A_513 : vector<16xf32>
      %parallel_loop3A_517 = arith.maximumf %parallel_loop3A_510, %parallel_loop3A_513 : vector<16xf32>
      %parallel_loop3A_518 = arith.minimumf %parallel_loop3A_515, %parallel_loop3A_517 : vector<16xf32>
      %parallel_loop3A_519 = arith.maximumf %parallel_loop3A_514, %parallel_loop3A_516 : vector<16xf32>
      %parallel_loop3A_520 = arith.maximumf %parallel_loop3A_515, %parallel_loop3A_517 : vector<16xf32>
      %parallel_loop3A_521 = arith.index_cast %parallel_loop3A_495 : i32 to index
      %parallel_loop3A_522 = tpu.vector_load %arg6[%parallel_loop3A_521] {strides = array<i32>} : memref<30720xf32, #tpu.memory_space<vmem>>, vector<16xf32>,
      %parallel_loop3A_523 = vector.shape_cast %parallel_loop3A_522 : vector<16xf32> to vector<16xf32>
      %parallel_loop3A_524 = vector.shape_cast %parallel_loop3A_520 : vector<16xf32> to vector<16xf32>
      tpu.vector_store %arg6[%parallel_loop3A_521], %parallel_loop3A_524 {strides = array<i32>} : memref<30720xf32, #tpu.memory_space<vmem>>, vector<16xf32>,
      %parallel_loop3A_525 = arith.maximumf %parallel_loop3A_518, %parallel_loop3A_519 : vector<16xf32>
      %parallel_loop3A_526 = arith.index_cast %parallel_loop3A_497 : i32 to index
      %parallel_loop3A_527 = tpu.vector_load %arg6[%parallel_loop3A_526] {strides = array<i32>} : memref<30720xf32, #tpu.memory_space<vmem>>, vector<16xf32>,
      %parallel_loop3A_528 = vector.shape_cast %parallel_loop3A_527 : vector<16xf32> to vector<16xf32>
      %parallel_loop3A_529 = vector.shape_cast %parallel_loop3A_525 : vector<16xf32> to vector<16xf32>
      tpu.vector_store %arg6[%parallel_loop3A_526], %parallel_loop3A_529 {strides = array<i32>} : memref<30720xf32, #tpu.memory_space<vmem>>, vector<16xf32>,
      %parallel_loop3A_530 = arith.minimumf %parallel_loop3A_518, %parallel_loop3A_519 : vector<16xf32>
      %parallel_loop3A_531 = arith.index_cast %parallel_loop3A_499 : i32 to index
      %parallel_loop3A_532 = tpu.vector_load %arg6[%parallel_loop3A_531] {strides = array<i32>} : memref<30720xf32, #tpu.memory_space<vmem>>, vector<16xf32>,
      %parallel_loop3A_533 = vector.shape_cast %parallel_loop3A_532 : vector<16xf32> to vector<16xf32>
      %parallel_loop3A_534 = vector.shape_cast %parallel_loop3A_530 : vector<16xf32> to vector<16xf32>
      tpu.vector_store %arg6[%parallel_loop3A_531], %parallel_loop3A_534 {strides = array<i32>} : memref<30720xf32, #tpu.memory_space<vmem>>, vector<16xf32>,
      %parallel_loop3A_535 = arith.minimumf %parallel_loop3A_514, %parallel_loop3A_516 : vector<16xf32>
      %parallel_loop3A_536 = arith.index_cast %parallel_loop3A_501 : i32 to index
      %parallel_loop3A_537 = tpu.vector_load %arg6[%parallel_loop3A_536] {strides = array<i32>} : memref<30720xf32, #tpu.memory_space<vmem>>, vector<16xf32>,
      %parallel_loop3A_538 = vector.shape_cast %parallel_loop3A_537 : vector<16xf32> to vector<16xf32>
      %parallel_loop3A_539 = vector.shape_cast %parallel_loop3A_535 : vector<16xf32> to vector<16xf32>
      tpu.vector_store %arg6[%parallel_loop3A_536], %parallel_loop3A_539 {strides = array<i32>} : memref<30720xf32, #tpu.memory_space<vmem>>, vector<16xf32>,
      %parallel_loop3A_540 = arith.constant 64 : i32
      %parallel_loop3A_541 = arith.addi %parallel_loop3A_355, %parallel_loop3A_540 : i32
      %parallel_loop3A_542 = arith.constant 1056 : i32
      %parallel_loop3A_543 = arith.addi %parallel_loop3A_355, %parallel_loop3A_542 : i32
      %parallel_loop3A_544 = arith.constant 2048 : i32
      %parallel_loop3A_545 = arith.addi %parallel_loop3A_355, %parallel_loop3A_544 : i32
      %parallel_loop3A_546 = arith.constant 2144 : i32
      %parallel_loop3A_547 = arith.addi %parallel_loop3A_355, %parallel_loop3A_546 : i32
      %parallel_loop3A_548 = arith.index_cast %parallel_loop3A_541 : i32 to index
      %parallel_loop3A_549 = tpu.vector_load %arg6[%parallel_loop3A_548] {strides = array<i32>} : memref<30720xf32, #tpu.memory_space<vmem>>, vector<16xf32>,
      %parallel_loop3A_550 = vector.shape_cast %parallel_loop3A_549 : vector<16xf32> to vector<16xf32>
      %parallel_loop3A_551 = arith.index_cast %parallel_loop3A_543 : i32 to index
      %parallel_loop3A_552 = tpu.vector_load %arg6[%parallel_loop3A_551] {strides = array<i32>} : memref<30720xf32, #tpu.memory_space<vmem>>, vector<16xf32>,
      %parallel_loop3A_553 = vector.shape_cast %parallel_loop3A_552 : vector<16xf32> to vector<16xf32>
      %parallel_loop3A_554 = arith.index_cast %parallel_loop3A_545 : i32 to index
      %parallel_loop3A_555 = tpu.vector_load %arg6[%parallel_loop3A_554] {strides = array<i32>} : memref<30720xf32, #tpu.memory_space<vmem>>, vector<16xf32>,
      %parallel_loop3A_556 = vector.shape_cast %parallel_loop3A_555 : vector<16xf32> to vector<16xf32>
      %parallel_loop3A_557 = arith.index_cast %parallel_loop3A_547 : i32 to index
      %parallel_loop3A_558 = tpu.vector_load %arg6[%parallel_loop3A_557] {strides = array<i32>} : memref<30720xf32, #tpu.memory_space<vmem>>, vector<16xf32>,
      %parallel_loop3A_559 = vector.shape_cast %parallel_loop3A_558 : vector<16xf32> to vector<16xf32>
      %parallel_loop3A_560 = arith.minimumf %parallel_loop3A_550, %parallel_loop3A_553 : vector<16xf32>
      %parallel_loop3A_561 = arith.maximumf %parallel_loop3A_550, %parallel_loop3A_553 : vector<16xf32>
      %parallel_loop3A_562 = arith.minimumf %parallel_loop3A_556, %parallel_loop3A_559 : vector<16xf32>
      %parallel_loop3A_563 = arith.maximumf %parallel_loop3A_556, %parallel_loop3A_559 : vector<16xf32>
      %parallel_loop3A_564 = arith.minimumf %parallel_loop3A_561, %parallel_loop3A_563 : vector<16xf32>
      %parallel_loop3A_565 = arith.maximumf %parallel_loop3A_560, %parallel_loop3A_562 : vector<16xf32>
      %parallel_loop3A_566 = arith.maximumf %parallel_loop3A_561, %parallel_loop3A_563 : vector<16xf32>
      %parallel_loop3A_567 = arith.index_cast %parallel_loop3A_541 : i32 to index
      %parallel_loop3A_568 = tpu.vector_load %arg6[%parallel_loop3A_567] {strides = array<i32>} : memref<30720xf32, #tpu.memory_space<vmem>>, vector<16xf32>,
      %parallel_loop3A_569 = vector.shape_cast %parallel_loop3A_568 : vector<16xf32> to vector<16xf32>
      %parallel_loop3A_570 = vector.shape_cast %parallel_loop3A_566 : vector<16xf32> to vector<16xf32>
      tpu.vector_store %arg6[%parallel_loop3A_567], %parallel_loop3A_570 {strides = array<i32>} : memref<30720xf32, #tpu.memory_space<vmem>>, vector<16xf32>,
      %parallel_loop3A_571 = arith.maximumf %parallel_loop3A_564, %parallel_loop3A_565 : vector<16xf32>
      %parallel_loop3A_572 = arith.index_cast %parallel_loop3A_543 : i32 to index
      %parallel_loop3A_573 = tpu.vector_load %arg6[%parallel_loop3A_572] {strides = array<i32>} : memref<30720xf32, #tpu.memory_space<vmem>>, vector<16xf32>,
      %parallel_loop3A_574 = vector.shape_cast %parallel_loop3A_573 : vector<16xf32> to vector<16xf32>
      %parallel_loop3A_575 = vector.shape_cast %parallel_loop3A_571 : vector<16xf32> to vector<16xf32>
      tpu.vector_store %arg6[%parallel_loop3A_572], %parallel_loop3A_575 {strides = array<i32>} : memref<30720xf32, #tpu.memory_space<vmem>>, vector<16xf32>,
      %parallel_loop3A_576 = arith.minimumf %parallel_loop3A_564, %parallel_loop3A_565 : vector<16xf32>
      %parallel_loop3A_577 = arith.index_cast %parallel_loop3A_545 : i32 to index
      %parallel_loop3A_578 = tpu.vector_load %arg6[%parallel_loop3A_577] {strides = array<i32>} : memref<30720xf32, #tpu.memory_space<vmem>>, vector<16xf32>,
      %parallel_loop3A_579 = vector.shape_cast %parallel_loop3A_578 : vector<16xf32> to vector<16xf32>
      %parallel_loop3A_580 = vector.shape_cast %parallel_loop3A_576 : vector<16xf32> to vector<16xf32>
      tpu.vector_store %arg6[%parallel_loop3A_577], %parallel_loop3A_580 {strides = array<i32>} : memref<30720xf32, #tpu.memory_space<vmem>>, vector<16xf32>,
      %parallel_loop3A_581 = arith.minimumf %parallel_loop3A_560, %parallel_loop3A_562 : vector<16xf32>
      %parallel_loop3A_582 = arith.index_cast %parallel_loop3A_547 : i32 to index
      %parallel_loop3A_583 = tpu.vector_load %arg6[%parallel_loop3A_582] {strides = array<i32>} : memref<30720xf32, #tpu.memory_space<vmem>>, vector<16xf32>,
      %parallel_loop3A_584 = vector.shape_cast %parallel_loop3A_583 : vector<16xf32> to vector<16xf32>
      %parallel_loop3A_585 = vector.shape_cast %parallel_loop3A_581 : vector<16xf32> to vector<16xf32>
      tpu.vector_store %arg6[%parallel_loop3A_582], %parallel_loop3A_585 {strides = array<i32>} : memref<30720xf32, #tpu.memory_space<vmem>>, vector<16xf32>,
      %parallel_loop3A_586 = arith.constant 80 : i32
      %parallel_loop3A_587 = arith.addi %parallel_loop3A_355, %parallel_loop3A_586 : i32
      %parallel_loop3A_588 = arith.constant 1072 : i32
      %parallel_loop3A_589 = arith.addi %parallel_loop3A_355, %parallel_loop3A_588 : i32
      %parallel_loop3A_590 = arith.constant 2064 : i32
      %parallel_loop3A_591 = arith.addi %parallel_loop3A_355, %parallel_loop3A_590 : i32
      %parallel_loop3A_592 = arith.constant 2160 : i32
      %parallel_loop3A_593 = arith.addi %parallel_loop3A_355, %parallel_loop3A_592 : i32
      %parallel_loop3A_594 = arith.index_cast %parallel_loop3A_587 : i32 to index
      %parallel_loop3A_595 = tpu.vector_load %arg6[%parallel_loop3A_594] {strides = array<i32>} : memref<30720xf32, #tpu.memory_space<vmem>>, vector<16xf32>,
      %parallel_loop3A_596 = vector.shape_cast %parallel_loop3A_595 : vector<16xf32> to vector<16xf32>
      %parallel_loop3A_597 = arith.index_cast %parallel_loop3A_589 : i32 to index
      %parallel_loop3A_598 = tpu.vector_load %arg6[%parallel_loop3A_597] {strides = array<i32>} : memref<30720xf32, #tpu.memory_space<vmem>>, vector<16xf32>,
      %parallel_loop3A_599 = vector.shape_cast %parallel_loop3A_598 : vector<16xf32> to vector<16xf32>
      %parallel_loop3A_600 = arith.index_cast %parallel_loop3A_591 : i32 to index
      %parallel_loop3A_601 = tpu.vector_load %arg6[%parallel_loop3A_600] {strides = array<i32>} : memref<30720xf32, #tpu.memory_space<vmem>>, vector<16xf32>,
      %parallel_loop3A_602 = vector.shape_cast %parallel_loop3A_601 : vector<16xf32> to vector<16xf32>
      %parallel_loop3A_603 = arith.index_cast %parallel_loop3A_593 : i32 to index
      %parallel_loop3A_604 = tpu.vector_load %arg6[%parallel_loop3A_603] {strides = array<i32>} : memref<30720xf32, #tpu.memory_space<vmem>>, vector<16xf32>,
      %parallel_loop3A_605 = vector.shape_cast %parallel_loop3A_604 : vector<16xf32> to vector<16xf32>
      %parallel_loop3A_606 = arith.minimumf %parallel_loop3A_596, %parallel_loop3A_599 : vector<16xf32>
      %parallel_loop3A_607 = arith.maximumf %parallel_loop3A_596, %parallel_loop3A_599 : vector<16xf32>
      %parallel_loop3A_608 = arith.minimumf %parallel_loop3A_602, %parallel_loop3A_605 : vector<16xf32>
      %parallel_loop3A_609 = arith.maximumf %parallel_loop3A_602, %parallel_loop3A_605 : vector<16xf32>
      %parallel_loop3A_610 = arith.minimumf %parallel_loop3A_607, %parallel_loop3A_609 : vector<16xf32>
      %parallel_loop3A_611 = arith.maximumf %parallel_loop3A_606, %parallel_loop3A_608 : vector<16xf32>
      %parallel_loop3A_612 = arith.maximumf %parallel_loop3A_607, %parallel_loop3A_609 : vector<16xf32>
      %parallel_loop3A_613 = arith.index_cast %parallel_loop3A_587 : i32 to index
      %parallel_loop3A_614 = tpu.vector_load %arg6[%parallel_loop3A_613] {strides = array<i32>} : memref<30720xf32, #tpu.memory_space<vmem>>, vector<16xf32>,
      %parallel_loop3A_615 = vector.shape_cast %parallel_loop3A_614 : vector<16xf32> to vector<16xf32>
      %parallel_loop3A_616 = vector.shape_cast %parallel_loop3A_612 : vector<16xf32> to vector<16xf32>
      tpu.vector_store %arg6[%parallel_loop3A_613], %parallel_loop3A_616 {strides = array<i32>} : memref<30720xf32, #tpu.memory_space<vmem>>, vector<16xf32>,
      %parallel_loop3A_617 = arith.maximumf %parallel_loop3A_610, %parallel_loop3A_611 : vector<16xf32>
      %parallel_loop3A_618 = arith.index_cast %parallel_loop3A_589 : i32 to index
      %parallel_loop3A_619 = tpu.vector_load %arg6[%parallel_loop3A_618] {strides = array<i32>} : memref<30720xf32, #tpu.memory_space<vmem>>, vector<16xf32>,
      %parallel_loop3A_620 = vector.shape_cast %parallel_loop3A_619 : vector<16xf32> to vector<16xf32>
      %parallel_loop3A_621 = vector.shape_cast %parallel_loop3A_617 : vector<16xf32> to vector<16xf32>
      tpu.vector_store %arg6[%parallel_loop3A_618], %parallel_loop3A_621 {strides = array<i32>} : memref<30720xf32, #tpu.memory_space<vmem>>, vector<16xf32>,
      %parallel_loop3A_622 = arith.minimumf %parallel_loop3A_610, %parallel_loop3A_611 : vector<16xf32>
      %parallel_loop3A_623 = arith.index_cast %parallel_loop3A_591 : i32 to index
      %parallel_loop3A_624 = tpu.vector_load %arg6[%parallel_loop3A_623] {strides = array<i32>} : memref<30720xf32, #tpu.memory_space<vmem>>, vector<16xf32>,
      %parallel_loop3A_625 = vector.shape_cast %parallel_loop3A_624 : vector<16xf32> to vector<16xf32>
      %parallel_loop3A_626 = vector.shape_cast %parallel_loop3A_622 : vector<16xf32> to vector<16xf32>
      tpu.vector_store %arg6[%parallel_loop3A_623], %parallel_loop3A_626 {strides = array<i32>} : memref<30720xf32, #tpu.memory_space<vmem>>, vector<16xf32>,
      %parallel_loop3A_627 = arith.minimumf %parallel_loop3A_606, %parallel_loop3A_608 : vector<16xf32>
      %parallel_loop3A_628 = arith.index_cast %parallel_loop3A_593 : i32 to index
      %parallel_loop3A_629 = tpu.vector_load %arg6[%parallel_loop3A_628] {strides = array<i32>} : memref<30720xf32, #tpu.memory_space<vmem>>, vector<16xf32>,
      %parallel_loop3A_630 = vector.shape_cast %parallel_loop3A_629 : vector<16xf32> to vector<16xf32>
      %parallel_loop3A_631 = vector.shape_cast %parallel_loop3A_627 : vector<16xf32> to vector<16xf32>
      tpu.vector_store %arg6[%parallel_loop3A_628], %parallel_loop3A_631 {strides = array<i32>} : memref<30720xf32, #tpu.memory_space<vmem>>, vector<16xf32>,
    } {sc.loop_unroll_factor = 1 : i64, sc.parallel_access}
    %add3A_174 = arith.constant 153600 : i32
    %add3A_175 = arith.addi %mul3A_2, %add3A_174 : i32
    %dma_start3A_176 = arith.constant 0 : i32
    %dma_start3A_177 = tpu.memref_slice %arg6[%dma_start3A_176] : memref<30720xf32, #tpu.memory_space<vmem>> -> memref<30720xf32, #tpu.memory_space<vmem>>
    %dma_start3A_178 = tpu.memref_slice %arg3[%add3A_175] : memref<9633792xf32, #tpu.memory_space<hbm>> -> memref<30720xf32, #tpu.memory_space<hbm>>
    %dma_start3A_179 = tpu.memref_slice %arg3[%add3A_175] : memref<9633792xf32, #tpu.memory_space<hbm>> -> memref<30720xf32, #tpu.memory_space<hbm>>
    %dma_start3A_180 = arith.constant 0 : i32
    %dma_start3A_181 = tpu.memref_slice %arg6[%dma_start3A_180] : memref<30720xf32, #tpu.memory_space<vmem>> -> memref<30720xf32, #tpu.memory_space<vmem>>
    tpu.enqueue_dma source(%dma_start3A_181 : memref<30720xf32, #tpu.memory_space<vmem>>) target(%dma_start3A_179 : memref<30720xf32, #tpu.memory_space<hbm>>) target_semaphore(%arg12 : memref<!tpu.dma_semaphore, #tpu.memory_space<semaphore_mem>>)
    %dma_wait3A_182 = arith.constant 0 : i32
    %dma_wait3A_183 = tpu.memref_slice %arg5[%dma_wait3A_182] : memref<30720xf32, #tpu.memory_space<vmem>> -> memref<30720xf32, #tpu.memory_space<vmem>>
    %dma_wait3A_184 = tpu.memref_slice %arg3[%add3A_144] : memref<9633792xf32, #tpu.memory_space<hbm>> -> memref<30720xf32, #tpu.memory_space<hbm>>
    %dma_wait3A_185 = tpu.memref_slice %arg3[%add3A_144] : memref<9633792xf32, #tpu.memory_space<hbm>> -> memref<30720xf32, #tpu.memory_space<hbm>>
    %dma_wait3A_186 = arith.constant 0 : i32
    %dma_wait3A_187 = tpu.memref_slice %arg5[%dma_wait3A_186] : memref<30720xf32, #tpu.memory_space<vmem>> -> memref<30720xf32, #tpu.memory_space<vmem>>
    tpu.wait_dma2 semaphore(%arg11 : memref<!tpu.dma_semaphore, #tpu.memory_space<semaphore_mem>>) src(%dma_wait3A_187 : memref<30720xf32, #tpu.memory_space<vmem>>) dst(%dma_wait3A_185 : memref<30720xf32, #tpu.memory_space<hbm>>)
    %add3A_188 = arith.constant 215040 : i32
    %add3A_189 = arith.addi %mul3A_2, %add3A_188 : i32
    %dma_start3A_190 = arith.constant 0 : i32
    %dma_start3A_191 = tpu.memref_slice %arg5[%dma_start3A_190] : memref<30720xf32, #tpu.memory_space<vmem>> -> memref<30720xf32, #tpu.memory_space<vmem>>
    %dma_start3A_192 = tpu.memref_slice %arg2[%add3A_189] : memref<9633792xf32, #tpu.memory_space<hbm>> -> memref<30720xf32, #tpu.memory_space<hbm>>
    %dma_start3A_193 = arith.constant 0 : i32
    %dma_start3A_194 = tpu.memref_slice %arg5[%dma_start3A_193] : memref<30720xf32, #tpu.memory_space<vmem>> -> memref<30720xf32, #tpu.memory_space<vmem>>
    %dma_start3A_195 = tpu.memref_slice %arg2[%add3A_189] : memref<9633792xf32, #tpu.memory_space<hbm>> -> memref<30720xf32, #tpu.memory_space<hbm>>
    tpu.enqueue_dma source(%dma_start3A_195 : memref<30720xf32, #tpu.memory_space<hbm>>) target(%dma_start3A_194 : memref<30720xf32, #tpu.memory_space<vmem>>) target_semaphore(%arg8 : memref<!tpu.dma_semaphore, #tpu.memory_space<semaphore_mem>>)
    %dma_wait3A_196 = arith.constant 0 : i32
    %dma_wait3A_197 = tpu.memref_slice %arg4[%dma_wait3A_196] : memref<30720xf32, #tpu.memory_space<vmem>> -> memref<30720xf32, #tpu.memory_space<vmem>>
    %dma_wait3A_198 = tpu.memref_slice %arg2[%add3A_158] : memref<9633792xf32, #tpu.memory_space<hbm>> -> memref<30720xf32, #tpu.memory_space<hbm>>
    %dma_wait3A_199 = arith.constant 0 : i32
    %dma_wait3A_200 = tpu.memref_slice %arg4[%dma_wait3A_199] : memref<30720xf32, #tpu.memory_space<vmem>> -> memref<30720xf32, #tpu.memory_space<vmem>>
    %dma_wait3A_201 = tpu.memref_slice %arg2[%add3A_158] : memref<9633792xf32, #tpu.memory_space<hbm>> -> memref<30720xf32, #tpu.memory_space<hbm>>
    tpu.wait_dma2 semaphore(%arg7 : memref<!tpu.dma_semaphore, #tpu.memory_space<semaphore_mem>>) src(%dma_wait3A_201 : memref<30720xf32, #tpu.memory_space<hbm>>) dst(%dma_wait3A_200 : memref<30720xf32, #tpu.memory_space<vmem>>)
    %parallel_loop3A_202 = arith.constant 0 : i32
    %parallel_loop3A_203 = arith.constant 80 : i32
    %parallel_loop3A_204 = arith.constant 1 : i32
    scf.for %parallel_loop3A_310 = %parallel_loop3A_202 to %parallel_loop3A_203 step %parallel_loop3A_204  : i32 {
      %parallel_loop3A_311 = arith.constant 8 : i32
      %parallel_loop3A_312 = arith.divsi %parallel_loop3A_310, %parallel_loop3A_311 : i32
      %parallel_loop3A_313 = arith.constant 0 : i32
      %parallel_loop3A_314 = arith.cmpi sgt, %parallel_loop3A_310, %parallel_loop3A_313 : i32
      %parallel_loop3A_315 = arith.extui %parallel_loop3A_314 : i1 to i32
      %parallel_loop3A_316 = arith.constant 0 : i32
      %parallel_loop3A_317 = arith.cmpi slt, %parallel_loop3A_310, %parallel_loop3A_316 : i32
      %parallel_loop3A_318 = arith.extui %parallel_loop3A_317 : i1 to i32
      %parallel_loop3A_319 = arith.subi %parallel_loop3A_315, %parallel_loop3A_318 : i32
      %parallel_loop3A_320 = arith.constant 0 : i32
      %parallel_loop3A_321 = arith.cmpi sgt, %parallel_loop3A_311, %parallel_loop3A_320 : i32
      %parallel_loop3A_322 = arith.extui %parallel_loop3A_321 : i1 to i32
      %parallel_loop3A_323 = arith.constant 0 : i32
      %parallel_loop3A_324 = arith.cmpi slt, %parallel_loop3A_311, %parallel_loop3A_323 : i32
      %parallel_loop3A_325 = arith.extui %parallel_loop3A_324 : i1 to i32
      %parallel_loop3A_326 = arith.subi %parallel_loop3A_322, %parallel_loop3A_325 : i32
      %parallel_loop3A_327 = arith.cmpi ne, %parallel_loop3A_319, %parallel_loop3A_326 : i32
      %parallel_loop3A_328 = arith.remsi %parallel_loop3A_310, %parallel_loop3A_311 : i32
      %parallel_loop3A_329 = arith.constant 0 : i32
      %parallel_loop3A_330 = arith.cmpi ne, %parallel_loop3A_328, %parallel_loop3A_329 : i32
      %parallel_loop3A_331 = arith.andi %parallel_loop3A_327, %parallel_loop3A_330 : i1
      %parallel_loop3A_332 = arith.constant 1 : i32
      %parallel_loop3A_333 = arith.subi %parallel_loop3A_312, %parallel_loop3A_332 : i32
      %parallel_loop3A_334 = arith.select %parallel_loop3A_331, %parallel_loop3A_333, %parallel_loop3A_312 : i32
      %parallel_loop3A_335 = arith.constant 3072 : i32
      %parallel_loop3A_336 = arith.muli %parallel_loop3A_334, %parallel_loop3A_335 : i32
      %parallel_loop3A_337 = arith.constant 8 : i32
      %parallel_loop3A_338 = arith.constant 0 : i32
      %parallel_loop3A_339 = arith.cmpi eq, %parallel_loop3A_337, %parallel_loop3A_338 : i32
      %parallel_loop3A_340 = arith.constant 1 : i32
      %parallel_loop3A_341 = arith.select %parallel_loop3A_339, %parallel_loop3A_340, %parallel_loop3A_337 : i32
      %parallel_loop3A_342 = arith.remsi %parallel_loop3A_310, %parallel_loop3A_341 : i32
      %parallel_loop3A_343 = arith.constant 0 : i32
      %parallel_loop3A_344 = arith.cmpi ne, %parallel_loop3A_342, %parallel_loop3A_343 : i32
      %parallel_loop3A_345 = arith.constant 0 : i32
      %parallel_loop3A_346 = arith.cmpi slt, %parallel_loop3A_342, %parallel_loop3A_345 : i32
      %parallel_loop3A_347 = arith.constant 0 : i32
      %parallel_loop3A_348 = arith.cmpi slt, %parallel_loop3A_341, %parallel_loop3A_347 : i32
      %parallel_loop3A_349 = arith.xori %parallel_loop3A_346, %parallel_loop3A_348 : i1
      %parallel_loop3A_350 = arith.andi %parallel_loop3A_349, %parallel_loop3A_344 : i1
      %parallel_loop3A_351 = arith.addi %parallel_loop3A_342, %parallel_loop3A_341 : i32
      %parallel_loop3A_352 = arith.select %parallel_loop3A_350, %parallel_loop3A_351, %parallel_loop3A_342 : i32
      %parallel_loop3A_353 = arith.constant 128 : i32
      %parallel_loop3A_354 = arith.muli %parallel_loop3A_352, %parallel_loop3A_353 : i32
      %parallel_loop3A_355 = arith.addi %parallel_loop3A_336, %parallel_loop3A_354 : i32
      %parallel_loop3A_356 = arith.constant 0 : i32
      %parallel_loop3A_357 = arith.addi %parallel_loop3A_355, %parallel_loop3A_356 : i32
      %parallel_loop3A_358 = arith.constant 96 : i32
      %parallel_loop3A_359 = arith.addi %parallel_loop3A_355, %parallel_loop3A_358 : i32
      %parallel_loop3A_360 = arith.constant 1088 : i32
      %parallel_loop3A_361 = arith.addi %parallel_loop3A_355, %parallel_loop3A_360 : i32
      %parallel_loop3A_362 = arith.constant 2080 : i32
      %parallel_loop3A_363 = arith.addi %parallel_loop3A_355, %parallel_loop3A_362 : i32
      %parallel_loop3A_364 = arith.index_cast %parallel_loop3A_357 : i32 to index
      %parallel_loop3A_365 = tpu.vector_load %arg4[%parallel_loop3A_364] {strides = array<i32>} : memref<30720xf32, #tpu.memory_space<vmem>>, vector<16xf32>,
      %parallel_loop3A_366 = vector.shape_cast %parallel_loop3A_365 : vector<16xf32> to vector<16xf32>
      %parallel_loop3A_367 = arith.index_cast %parallel_loop3A_359 : i32 to index
      %parallel_loop3A_368 = tpu.vector_load %arg4[%parallel_loop3A_367] {strides = array<i32>} : memref<30720xf32, #tpu.memory_space<vmem>>, vector<16xf32>,
      %parallel_loop3A_369 = vector.shape_cast %parallel_loop3A_368 : vector<16xf32> to vector<16xf32>
      %parallel_loop3A_370 = arith.index_cast %parallel_loop3A_361 : i32 to index
      %parallel_loop3A_371 = tpu.vector_load %arg4[%parallel_loop3A_370] {strides = array<i32>} : memref<30720xf32, #tpu.memory_space<vmem>>, vector<16xf32>,
      %parallel_loop3A_372 = vector.shape_cast %parallel_loop3A_371 : vector<16xf32> to vector<16xf32>
      %parallel_loop3A_373 = arith.index_cast %parallel_loop3A_363 : i32 to index
      %parallel_loop3A_374 = tpu.vector_load %arg4[%parallel_loop3A_373] {strides = array<i32>} : memref<30720xf32, #tpu.memory_space<vmem>>, vector<16xf32>,
      %parallel_loop3A_375 = vector.shape_cast %parallel_loop3A_374 : vector<16xf32> to vector<16xf32>
      %parallel_loop3A_376 = arith.minimumf %parallel_loop3A_366, %parallel_loop3A_369 : vector<16xf32>
      %parallel_loop3A_377 = arith.maximumf %parallel_loop3A_366, %parallel_loop3A_369 : vector<16xf32>
      %parallel_loop3A_378 = arith.minimumf %parallel_loop3A_372, %parallel_loop3A_375 : vector<16xf32>
      %parallel_loop3A_379 = arith.maximumf %parallel_loop3A_372, %parallel_loop3A_375 : vector<16xf32>
      %parallel_loop3A_380 = arith.minimumf %parallel_loop3A_377, %parallel_loop3A_379 : vector<16xf32>
      %parallel_loop3A_381 = arith.maximumf %parallel_loop3A_376, %parallel_loop3A_378 : vector<16xf32>
      %parallel_loop3A_382 = arith.maximumf %parallel_loop3A_377, %parallel_loop3A_379 : vector<16xf32>
      %parallel_loop3A_383 = arith.index_cast %parallel_loop3A_357 : i32 to index
      %parallel_loop3A_384 = tpu.vector_load %arg4[%parallel_loop3A_383] {strides = array<i32>} : memref<30720xf32, #tpu.memory_space<vmem>>, vector<16xf32>,
      %parallel_loop3A_385 = vector.shape_cast %parallel_loop3A_384 : vector<16xf32> to vector<16xf32>
      %parallel_loop3A_386 = vector.shape_cast %parallel_loop3A_382 : vector<16xf32> to vector<16xf32>
      tpu.vector_store %arg4[%parallel_loop3A_383], %parallel_loop3A_386 {strides = array<i32>} : memref<30720xf32, #tpu.memory_space<vmem>>, vector<16xf32>,
      %parallel_loop3A_387 = arith.maximumf %parallel_loop3A_380, %parallel_loop3A_381 : vector<16xf32>
      %parallel_loop3A_388 = arith.index_cast %parallel_loop3A_359 : i32 to index
      %parallel_loop3A_389 = tpu.vector_load %arg4[%parallel_loop3A_388] {strides = array<i32>} : memref<30720xf32, #tpu.memory_space<vmem>>, vector<16xf32>,
      %parallel_loop3A_390 = vector.shape_cast %parallel_loop3A_389 : vector<16xf32> to vector<16xf32>
      %parallel_loop3A_391 = vector.shape_cast %parallel_loop3A_387 : vector<16xf32> to vector<16xf32>
      tpu.vector_store %arg4[%parallel_loop3A_388], %parallel_loop3A_391 {strides = array<i32>} : memref<30720xf32, #tpu.memory_space<vmem>>, vector<16xf32>,
      %parallel_loop3A_392 = arith.minimumf %parallel_loop3A_380, %parallel_loop3A_381 : vector<16xf32>
      %parallel_loop3A_393 = arith.index_cast %parallel_loop3A_361 : i32 to index
      %parallel_loop3A_394 = tpu.vector_load %arg4[%parallel_loop3A_393] {strides = array<i32>} : memref<30720xf32, #tpu.memory_space<vmem>>, vector<16xf32>,
      %parallel_loop3A_395 = vector.shape_cast %parallel_loop3A_394 : vector<16xf32> to vector<16xf32>
      %parallel_loop3A_396 = vector.shape_cast %parallel_loop3A_392 : vector<16xf32> to vector<16xf32>
      tpu.vector_store %arg4[%parallel_loop3A_393], %parallel_loop3A_396 {strides = array<i32>} : memref<30720xf32, #tpu.memory_space<vmem>>, vector<16xf32>,
      %parallel_loop3A_397 = arith.minimumf %parallel_loop3A_376, %parallel_loop3A_378 : vector<16xf32>
      %parallel_loop3A_398 = arith.index_cast %parallel_loop3A_363 : i32 to index
      %parallel_loop3A_399 = tpu.vector_load %arg4[%parallel_loop3A_398] {strides = array<i32>} : memref<30720xf32, #tpu.memory_space<vmem>>, vector<16xf32>,
      %parallel_loop3A_400 = vector.shape_cast %parallel_loop3A_399 : vector<16xf32> to vector<16xf32>
      %parallel_loop3A_401 = vector.shape_cast %parallel_loop3A_397 : vector<16xf32> to vector<16xf32>
      tpu.vector_store %arg4[%parallel_loop3A_398], %parallel_loop3A_401 {strides = array<i32>} : memref<30720xf32, #tpu.memory_space<vmem>>, vector<16xf32>,
      %parallel_loop3A_402 = arith.constant 16 : i32
      %parallel_loop3A_403 = arith.addi %parallel_loop3A_355, %parallel_loop3A_402 : i32
      %parallel_loop3A_404 = arith.constant 112 : i32
      %parallel_loop3A_405 = arith.addi %parallel_loop3A_355, %parallel_loop3A_404 : i32
      %parallel_loop3A_406 = arith.constant 1104 : i32
      %parallel_loop3A_407 = arith.addi %parallel_loop3A_355, %parallel_loop3A_406 : i32
      %parallel_loop3A_408 = arith.constant 2096 : i32
      %parallel_loop3A_409 = arith.addi %parallel_loop3A_355, %parallel_loop3A_408 : i32
      %parallel_loop3A_410 = arith.index_cast %parallel_loop3A_403 : i32 to index
      %parallel_loop3A_411 = tpu.vector_load %arg4[%parallel_loop3A_410] {strides = array<i32>} : memref<30720xf32, #tpu.memory_space<vmem>>, vector<16xf32>,
      %parallel_loop3A_412 = vector.shape_cast %parallel_loop3A_411 : vector<16xf32> to vector<16xf32>
      %parallel_loop3A_413 = arith.index_cast %parallel_loop3A_405 : i32 to index
      %parallel_loop3A_414 = tpu.vector_load %arg4[%parallel_loop3A_413] {strides = array<i32>} : memref<30720xf32, #tpu.memory_space<vmem>>, vector<16xf32>,
      %parallel_loop3A_415 = vector.shape_cast %parallel_loop3A_414 : vector<16xf32> to vector<16xf32>
      %parallel_loop3A_416 = arith.index_cast %parallel_loop3A_407 : i32 to index
      %parallel_loop3A_417 = tpu.vector_load %arg4[%parallel_loop3A_416] {strides = array<i32>} : memref<30720xf32, #tpu.memory_space<vmem>>, vector<16xf32>,
      %parallel_loop3A_418 = vector.shape_cast %parallel_loop3A_417 : vector<16xf32> to vector<16xf32>
      %parallel_loop3A_419 = arith.index_cast %parallel_loop3A_409 : i32 to index
      %parallel_loop3A_420 = tpu.vector_load %arg4[%parallel_loop3A_419] {strides = array<i32>} : memref<30720xf32, #tpu.memory_space<vmem>>, vector<16xf32>,
      %parallel_loop3A_421 = vector.shape_cast %parallel_loop3A_420 : vector<16xf32> to vector<16xf32>
      %parallel_loop3A_422 = arith.minimumf %parallel_loop3A_412, %parallel_loop3A_415 : vector<16xf32>
      %parallel_loop3A_423 = arith.maximumf %parallel_loop3A_412, %parallel_loop3A_415 : vector<16xf32>
      %parallel_loop3A_424 = arith.minimumf %parallel_loop3A_418, %parallel_loop3A_421 : vector<16xf32>
      %parallel_loop3A_425 = arith.maximumf %parallel_loop3A_418, %parallel_loop3A_421 : vector<16xf32>
      %parallel_loop3A_426 = arith.minimumf %parallel_loop3A_423, %parallel_loop3A_425 : vector<16xf32>
      %parallel_loop3A_427 = arith.maximumf %parallel_loop3A_422, %parallel_loop3A_424 : vector<16xf32>
      %parallel_loop3A_428 = arith.maximumf %parallel_loop3A_423, %parallel_loop3A_425 : vector<16xf32>
      %parallel_loop3A_429 = arith.index_cast %parallel_loop3A_403 : i32 to index
      %parallel_loop3A_430 = tpu.vector_load %arg4[%parallel_loop3A_429] {strides = array<i32>} : memref<30720xf32, #tpu.memory_space<vmem>>, vector<16xf32>,
      %parallel_loop3A_431 = vector.shape_cast %parallel_loop3A_430 : vector<16xf32> to vector<16xf32>
      %parallel_loop3A_432 = vector.shape_cast %parallel_loop3A_428 : vector<16xf32> to vector<16xf32>
      tpu.vector_store %arg4[%parallel_loop3A_429], %parallel_loop3A_432 {strides = array<i32>} : memref<30720xf32, #tpu.memory_space<vmem>>, vector<16xf32>,
      %parallel_loop3A_433 = arith.maximumf %parallel_loop3A_426, %parallel_loop3A_427 : vector<16xf32>
      %parallel_loop3A_434 = arith.index_cast %parallel_loop3A_405 : i32 to index
      %parallel_loop3A_435 = tpu.vector_load %arg4[%parallel_loop3A_434] {strides = array<i32>} : memref<30720xf32, #tpu.memory_space<vmem>>, vector<16xf32>,
      %parallel_loop3A_436 = vector.shape_cast %parallel_loop3A_435 : vector<16xf32> to vector<16xf32>
      %parallel_loop3A_437 = vector.shape_cast %parallel_loop3A_433 : vector<16xf32> to vector<16xf32>
      tpu.vector_store %arg4[%parallel_loop3A_434], %parallel_loop3A_437 {strides = array<i32>} : memref<30720xf32, #tpu.memory_space<vmem>>, vector<16xf32>,
      %parallel_loop3A_438 = arith.minimumf %parallel_loop3A_426, %parallel_loop3A_427 : vector<16xf32>
      %parallel_loop3A_439 = arith.index_cast %parallel_loop3A_407 : i32 to index
      %parallel_loop3A_440 = tpu.vector_load %arg4[%parallel_loop3A_439] {strides = array<i32>} : memref<30720xf32, #tpu.memory_space<vmem>>, vector<16xf32>,
      %parallel_loop3A_441 = vector.shape_cast %parallel_loop3A_440 : vector<16xf32> to vector<16xf32>
      %parallel_loop3A_442 = vector.shape_cast %parallel_loop3A_438 : vector<16xf32> to vector<16xf32>
      tpu.vector_store %arg4[%parallel_loop3A_439], %parallel_loop3A_442 {strides = array<i32>} : memref<30720xf32, #tpu.memory_space<vmem>>, vector<16xf32>,
      %parallel_loop3A_443 = arith.minimumf %parallel_loop3A_422, %parallel_loop3A_424 : vector<16xf32>
      %parallel_loop3A_444 = arith.index_cast %parallel_loop3A_409 : i32 to index
      %parallel_loop3A_445 = tpu.vector_load %arg4[%parallel_loop3A_444] {strides = array<i32>} : memref<30720xf32, #tpu.memory_space<vmem>>, vector<16xf32>,
      %parallel_loop3A_446 = vector.shape_cast %parallel_loop3A_445 : vector<16xf32> to vector<16xf32>
      %parallel_loop3A_447 = vector.shape_cast %parallel_loop3A_443 : vector<16xf32> to vector<16xf32>
      tpu.vector_store %arg4[%parallel_loop3A_444], %parallel_loop3A_447 {strides = array<i32>} : memref<30720xf32, #tpu.memory_space<vmem>>, vector<16xf32>,
      %parallel_loop3A_448 = arith.constant 32 : i32
      %parallel_loop3A_449 = arith.addi %parallel_loop3A_355, %parallel_loop3A_448 : i32
      %parallel_loop3A_450 = arith.constant 1024 : i32
      %parallel_loop3A_451 = arith.addi %parallel_loop3A_355, %parallel_loop3A_450 : i32
      %parallel_loop3A_452 = arith.constant 1120 : i32
      %parallel_loop3A_453 = arith.addi %parallel_loop3A_355, %parallel_loop3A_452 : i32
      %parallel_loop3A_454 = arith.constant 2112 : i32
      %parallel_loop3A_455 = arith.addi %parallel_loop3A_355, %parallel_loop3A_454 : i32
      %parallel_loop3A_456 = arith.index_cast %parallel_loop3A_449 : i32 to index
      %parallel_loop3A_457 = tpu.vector_load %arg4[%parallel_loop3A_456] {strides = array<i32>} : memref<30720xf32, #tpu.memory_space<vmem>>, vector<16xf32>,
      %parallel_loop3A_458 = vector.shape_cast %parallel_loop3A_457 : vector<16xf32> to vector<16xf32>
      %parallel_loop3A_459 = arith.index_cast %parallel_loop3A_451 : i32 to index
      %parallel_loop3A_460 = tpu.vector_load %arg4[%parallel_loop3A_459] {strides = array<i32>} : memref<30720xf32, #tpu.memory_space<vmem>>, vector<16xf32>,
      %parallel_loop3A_461 = vector.shape_cast %parallel_loop3A_460 : vector<16xf32> to vector<16xf32>
      %parallel_loop3A_462 = arith.index_cast %parallel_loop3A_453 : i32 to index
      %parallel_loop3A_463 = tpu.vector_load %arg4[%parallel_loop3A_462] {strides = array<i32>} : memref<30720xf32, #tpu.memory_space<vmem>>, vector<16xf32>,
      %parallel_loop3A_464 = vector.shape_cast %parallel_loop3A_463 : vector<16xf32> to vector<16xf32>
      %parallel_loop3A_465 = arith.index_cast %parallel_loop3A_455 : i32 to index
      %parallel_loop3A_466 = tpu.vector_load %arg4[%parallel_loop3A_465] {strides = array<i32>} : memref<30720xf32, #tpu.memory_space<vmem>>, vector<16xf32>,
      %parallel_loop3A_467 = vector.shape_cast %parallel_loop3A_466 : vector<16xf32> to vector<16xf32>
      %parallel_loop3A_468 = arith.minimumf %parallel_loop3A_458, %parallel_loop3A_461 : vector<16xf32>
      %parallel_loop3A_469 = arith.maximumf %parallel_loop3A_458, %parallel_loop3A_461 : vector<16xf32>
      %parallel_loop3A_470 = arith.minimumf %parallel_loop3A_464, %parallel_loop3A_467 : vector<16xf32>
      %parallel_loop3A_471 = arith.maximumf %parallel_loop3A_464, %parallel_loop3A_467 : vector<16xf32>
      %parallel_loop3A_472 = arith.minimumf %parallel_loop3A_469, %parallel_loop3A_471 : vector<16xf32>
      %parallel_loop3A_473 = arith.maximumf %parallel_loop3A_468, %parallel_loop3A_470 : vector<16xf32>
      %parallel_loop3A_474 = arith.maximumf %parallel_loop3A_469, %parallel_loop3A_471 : vector<16xf32>
      %parallel_loop3A_475 = arith.index_cast %parallel_loop3A_449 : i32 to index
      %parallel_loop3A_476 = tpu.vector_load %arg4[%parallel_loop3A_475] {strides = array<i32>} : memref<30720xf32, #tpu.memory_space<vmem>>, vector<16xf32>,
      %parallel_loop3A_477 = vector.shape_cast %parallel_loop3A_476 : vector<16xf32> to vector<16xf32>
      %parallel_loop3A_478 = vector.shape_cast %parallel_loop3A_474 : vector<16xf32> to vector<16xf32>
      tpu.vector_store %arg4[%parallel_loop3A_475], %parallel_loop3A_478 {strides = array<i32>} : memref<30720xf32, #tpu.memory_space<vmem>>, vector<16xf32>,
      %parallel_loop3A_479 = arith.maximumf %parallel_loop3A_472, %parallel_loop3A_473 : vector<16xf32>
      %parallel_loop3A_480 = arith.index_cast %parallel_loop3A_451 : i32 to index
      %parallel_loop3A_481 = tpu.vector_load %arg4[%parallel_loop3A_480] {strides = array<i32>} : memref<30720xf32, #tpu.memory_space<vmem>>, vector<16xf32>,
      %parallel_loop3A_482 = vector.shape_cast %parallel_loop3A_481 : vector<16xf32> to vector<16xf32>
      %parallel_loop3A_483 = vector.shape_cast %parallel_loop3A_479 : vector<16xf32> to vector<16xf32>
      tpu.vector_store %arg4[%parallel_loop3A_480], %parallel_loop3A_483 {strides = array<i32>} : memref<30720xf32, #tpu.memory_space<vmem>>, vector<16xf32>,
      %parallel_loop3A_484 = arith.minimumf %parallel_loop3A_472, %parallel_loop3A_473 : vector<16xf32>
      %parallel_loop3A_485 = arith.index_cast %parallel_loop3A_453 : i32 to index
      %parallel_loop3A_486 = tpu.vector_load %arg4[%parallel_loop3A_485] {strides = array<i32>} : memref<30720xf32, #tpu.memory_space<vmem>>, vector<16xf32>,
      %parallel_loop3A_487 = vector.shape_cast %parallel_loop3A_486 : vector<16xf32> to vector<16xf32>
      %parallel_loop3A_488 = vector.shape_cast %parallel_loop3A_484 : vector<16xf32> to vector<16xf32>
      tpu.vector_store %arg4[%parallel_loop3A_485], %parallel_loop3A_488 {strides = array<i32>} : memref<30720xf32, #tpu.memory_space<vmem>>, vector<16xf32>,
      %parallel_loop3A_489 = arith.minimumf %parallel_loop3A_468, %parallel_loop3A_470 : vector<16xf32>
      %parallel_loop3A_490 = arith.index_cast %parallel_loop3A_455 : i32 to index
      %parallel_loop3A_491 = tpu.vector_load %arg4[%parallel_loop3A_490] {strides = array<i32>} : memref<30720xf32, #tpu.memory_space<vmem>>, vector<16xf32>,
      %parallel_loop3A_492 = vector.shape_cast %parallel_loop3A_491 : vector<16xf32> to vector<16xf32>
      %parallel_loop3A_493 = vector.shape_cast %parallel_loop3A_489 : vector<16xf32> to vector<16xf32>
      tpu.vector_store %arg4[%parallel_loop3A_490], %parallel_loop3A_493 {strides = array<i32>} : memref<30720xf32, #tpu.memory_space<vmem>>, vector<16xf32>,
      %parallel_loop3A_494 = arith.constant 48 : i32
      %parallel_loop3A_495 = arith.addi %parallel_loop3A_355, %parallel_loop3A_494 : i32
      %parallel_loop3A_496 = arith.constant 1040 : i32
      %parallel_loop3A_497 = arith.addi %parallel_loop3A_355, %parallel_loop3A_496 : i32
      %parallel_loop3A_498 = arith.constant 1136 : i32
      %parallel_loop3A_499 = arith.addi %parallel_loop3A_355, %parallel_loop3A_498 : i32
      %parallel_loop3A_500 = arith.constant 2128 : i32
      %parallel_loop3A_501 = arith.addi %parallel_loop3A_355, %parallel_loop3A_500 : i32
      %parallel_loop3A_502 = arith.index_cast %parallel_loop3A_495 : i32 to index
      %parallel_loop3A_503 = tpu.vector_load %arg4[%parallel_loop3A_502] {strides = array<i32>} : memref<30720xf32, #tpu.memory_space<vmem>>, vector<16xf32>,
      %parallel_loop3A_504 = vector.shape_cast %parallel_loop3A_503 : vector<16xf32> to vector<16xf32>
      %parallel_loop3A_505 = arith.index_cast %parallel_loop3A_497 : i32 to index
      %parallel_loop3A_506 = tpu.vector_load %arg4[%parallel_loop3A_505] {strides = array<i32>} : memref<30720xf32, #tpu.memory_space<vmem>>, vector<16xf32>,
      %parallel_loop3A_507 = vector.shape_cast %parallel_loop3A_506 : vector<16xf32> to vector<16xf32>
      %parallel_loop3A_508 = arith.index_cast %parallel_loop3A_499 : i32 to index
      %parallel_loop3A_509 = tpu.vector_load %arg4[%parallel_loop3A_508] {strides = array<i32>} : memref<30720xf32, #tpu.memory_space<vmem>>, vector<16xf32>,
      %parallel_loop3A_510 = vector.shape_cast %parallel_loop3A_509 : vector<16xf32> to vector<16xf32>
      %parallel_loop3A_511 = arith.index_cast %parallel_loop3A_501 : i32 to index
      %parallel_loop3A_512 = tpu.vector_load %arg4[%parallel_loop3A_511] {strides = array<i32>} : memref<30720xf32, #tpu.memory_space<vmem>>, vector<16xf32>,
      %parallel_loop3A_513 = vector.shape_cast %parallel_loop3A_512 : vector<16xf32> to vector<16xf32>
      %parallel_loop3A_514 = arith.minimumf %parallel_loop3A_504, %parallel_loop3A_507 : vector<16xf32>
      %parallel_loop3A_515 = arith.maximumf %parallel_loop3A_504, %parallel_loop3A_507 : vector<16xf32>
      %parallel_loop3A_516 = arith.minimumf %parallel_loop3A_510, %parallel_loop3A_513 : vector<16xf32>
      %parallel_loop3A_517 = arith.maximumf %parallel_loop3A_510, %parallel_loop3A_513 : vector<16xf32>
      %parallel_loop3A_518 = arith.minimumf %parallel_loop3A_515, %parallel_loop3A_517 : vector<16xf32>
      %parallel_loop3A_519 = arith.maximumf %parallel_loop3A_514, %parallel_loop3A_516 : vector<16xf32>
      %parallel_loop3A_520 = arith.maximumf %parallel_loop3A_515, %parallel_loop3A_517 : vector<16xf32>
      %parallel_loop3A_521 = arith.index_cast %parallel_loop3A_495 : i32 to index
      %parallel_loop3A_522 = tpu.vector_load %arg4[%parallel_loop3A_521] {strides = array<i32>} : memref<30720xf32, #tpu.memory_space<vmem>>, vector<16xf32>,
      %parallel_loop3A_523 = vector.shape_cast %parallel_loop3A_522 : vector<16xf32> to vector<16xf32>
      %parallel_loop3A_524 = vector.shape_cast %parallel_loop3A_520 : vector<16xf32> to vector<16xf32>
      tpu.vector_store %arg4[%parallel_loop3A_521], %parallel_loop3A_524 {strides = array<i32>} : memref<30720xf32, #tpu.memory_space<vmem>>, vector<16xf32>,
      %parallel_loop3A_525 = arith.maximumf %parallel_loop3A_518, %parallel_loop3A_519 : vector<16xf32>
      %parallel_loop3A_526 = arith.index_cast %parallel_loop3A_497 : i32 to index
      %parallel_loop3A_527 = tpu.vector_load %arg4[%parallel_loop3A_526] {strides = array<i32>} : memref<30720xf32, #tpu.memory_space<vmem>>, vector<16xf32>,
      %parallel_loop3A_528 = vector.shape_cast %parallel_loop3A_527 : vector<16xf32> to vector<16xf32>
      %parallel_loop3A_529 = vector.shape_cast %parallel_loop3A_525 : vector<16xf32> to vector<16xf32>
      tpu.vector_store %arg4[%parallel_loop3A_526], %parallel_loop3A_529 {strides = array<i32>} : memref<30720xf32, #tpu.memory_space<vmem>>, vector<16xf32>,
      %parallel_loop3A_530 = arith.minimumf %parallel_loop3A_518, %parallel_loop3A_519 : vector<16xf32>
      %parallel_loop3A_531 = arith.index_cast %parallel_loop3A_499 : i32 to index
      %parallel_loop3A_532 = tpu.vector_load %arg4[%parallel_loop3A_531] {strides = array<i32>} : memref<30720xf32, #tpu.memory_space<vmem>>, vector<16xf32>,
      %parallel_loop3A_533 = vector.shape_cast %parallel_loop3A_532 : vector<16xf32> to vector<16xf32>
      %parallel_loop3A_534 = vector.shape_cast %parallel_loop3A_530 : vector<16xf32> to vector<16xf32>
      tpu.vector_store %arg4[%parallel_loop3A_531], %parallel_loop3A_534 {strides = array<i32>} : memref<30720xf32, #tpu.memory_space<vmem>>, vector<16xf32>,
      %parallel_loop3A_535 = arith.minimumf %parallel_loop3A_514, %parallel_loop3A_516 : vector<16xf32>
      %parallel_loop3A_536 = arith.index_cast %parallel_loop3A_501 : i32 to index
      %parallel_loop3A_537 = tpu.vector_load %arg4[%parallel_loop3A_536] {strides = array<i32>} : memref<30720xf32, #tpu.memory_space<vmem>>, vector<16xf32>,
      %parallel_loop3A_538 = vector.shape_cast %parallel_loop3A_537 : vector<16xf32> to vector<16xf32>
      %parallel_loop3A_539 = vector.shape_cast %parallel_loop3A_535 : vector<16xf32> to vector<16xf32>
      tpu.vector_store %arg4[%parallel_loop3A_536], %parallel_loop3A_539 {strides = array<i32>} : memref<30720xf32, #tpu.memory_space<vmem>>, vector<16xf32>,
      %parallel_loop3A_540 = arith.constant 64 : i32
      %parallel_loop3A_541 = arith.addi %parallel_loop3A_355, %parallel_loop3A_540 : i32
      %parallel_loop3A_542 = arith.constant 1056 : i32
      %parallel_loop3A_543 = arith.addi %parallel_loop3A_355, %parallel_loop3A_542 : i32
      %parallel_loop3A_544 = arith.constant 2048 : i32
      %parallel_loop3A_545 = arith.addi %parallel_loop3A_355, %parallel_loop3A_544 : i32
      %parallel_loop3A_546 = arith.constant 2144 : i32
      %parallel_loop3A_547 = arith.addi %parallel_loop3A_355, %parallel_loop3A_546 : i32
      %parallel_loop3A_548 = arith.index_cast %parallel_loop3A_541 : i32 to index
      %parallel_loop3A_549 = tpu.vector_load %arg4[%parallel_loop3A_548] {strides = array<i32>} : memref<30720xf32, #tpu.memory_space<vmem>>, vector<16xf32>,
      %parallel_loop3A_550 = vector.shape_cast %parallel_loop3A_549 : vector<16xf32> to vector<16xf32>
      %parallel_loop3A_551 = arith.index_cast %parallel_loop3A_543 : i32 to index
      %parallel_loop3A_552 = tpu.vector_load %arg4[%parallel_loop3A_551] {strides = array<i32>} : memref<30720xf32, #tpu.memory_space<vmem>>, vector<16xf32>,
      %parallel_loop3A_553 = vector.shape_cast %parallel_loop3A_552 : vector<16xf32> to vector<16xf32>
      %parallel_loop3A_554 = arith.index_cast %parallel_loop3A_545 : i32 to index
      %parallel_loop3A_555 = tpu.vector_load %arg4[%parallel_loop3A_554] {strides = array<i32>} : memref<30720xf32, #tpu.memory_space<vmem>>, vector<16xf32>,
      %parallel_loop3A_556 = vector.shape_cast %parallel_loop3A_555 : vector<16xf32> to vector<16xf32>
      %parallel_loop3A_557 = arith.index_cast %parallel_loop3A_547 : i32 to index
      %parallel_loop3A_558 = tpu.vector_load %arg4[%parallel_loop3A_557] {strides = array<i32>} : memref<30720xf32, #tpu.memory_space<vmem>>, vector<16xf32>,
      %parallel_loop3A_559 = vector.shape_cast %parallel_loop3A_558 : vector<16xf32> to vector<16xf32>
      %parallel_loop3A_560 = arith.minimumf %parallel_loop3A_550, %parallel_loop3A_553 : vector<16xf32>
      %parallel_loop3A_561 = arith.maximumf %parallel_loop3A_550, %parallel_loop3A_553 : vector<16xf32>
      %parallel_loop3A_562 = arith.minimumf %parallel_loop3A_556, %parallel_loop3A_559 : vector<16xf32>
      %parallel_loop3A_563 = arith.maximumf %parallel_loop3A_556, %parallel_loop3A_559 : vector<16xf32>
      %parallel_loop3A_564 = arith.minimumf %parallel_loop3A_561, %parallel_loop3A_563 : vector<16xf32>
      %parallel_loop3A_565 = arith.maximumf %parallel_loop3A_560, %parallel_loop3A_562 : vector<16xf32>
      %parallel_loop3A_566 = arith.maximumf %parallel_loop3A_561, %parallel_loop3A_563 : vector<16xf32>
      %parallel_loop3A_567 = arith.index_cast %parallel_loop3A_541 : i32 to index
      %parallel_loop3A_568 = tpu.vector_load %arg4[%parallel_loop3A_567] {strides = array<i32>} : memref<30720xf32, #tpu.memory_space<vmem>>, vector<16xf32>,
      %parallel_loop3A_569 = vector.shape_cast %parallel_loop3A_568 : vector<16xf32> to vector<16xf32>
      %parallel_loop3A_570 = vector.shape_cast %parallel_loop3A_566 : vector<16xf32> to vector<16xf32>
      tpu.vector_store %arg4[%parallel_loop3A_567], %parallel_loop3A_570 {strides = array<i32>} : memref<30720xf32, #tpu.memory_space<vmem>>, vector<16xf32>,
      %parallel_loop3A_571 = arith.maximumf %parallel_loop3A_564, %parallel_loop3A_565 : vector<16xf32>
      %parallel_loop3A_572 = arith.index_cast %parallel_loop3A_543 : i32 to index
      %parallel_loop3A_573 = tpu.vector_load %arg4[%parallel_loop3A_572] {strides = array<i32>} : memref<30720xf32, #tpu.memory_space<vmem>>, vector<16xf32>,
      %parallel_loop3A_574 = vector.shape_cast %parallel_loop3A_573 : vector<16xf32> to vector<16xf32>
      %parallel_loop3A_575 = vector.shape_cast %parallel_loop3A_571 : vector<16xf32> to vector<16xf32>
      tpu.vector_store %arg4[%parallel_loop3A_572], %parallel_loop3A_575 {strides = array<i32>} : memref<30720xf32, #tpu.memory_space<vmem>>, vector<16xf32>,
      %parallel_loop3A_576 = arith.minimumf %parallel_loop3A_564, %parallel_loop3A_565 : vector<16xf32>
      %parallel_loop3A_577 = arith.index_cast %parallel_loop3A_545 : i32 to index
      %parallel_loop3A_578 = tpu.vector_load %arg4[%parallel_loop3A_577] {strides = array<i32>} : memref<30720xf32, #tpu.memory_space<vmem>>, vector<16xf32>,
      %parallel_loop3A_579 = vector.shape_cast %parallel_loop3A_578 : vector<16xf32> to vector<16xf32>
      %parallel_loop3A_580 = vector.shape_cast %parallel_loop3A_576 : vector<16xf32> to vector<16xf32>
      tpu.vector_store %arg4[%parallel_loop3A_577], %parallel_loop3A_580 {strides = array<i32>} : memref<30720xf32, #tpu.memory_space<vmem>>, vector<16xf32>,
      %parallel_loop3A_581 = arith.minimumf %parallel_loop3A_560, %parallel_loop3A_562 : vector<16xf32>
      %parallel_loop3A_582 = arith.index_cast %parallel_loop3A_547 : i32 to index
      %parallel_loop3A_583 = tpu.vector_load %arg4[%parallel_loop3A_582] {strides = array<i32>} : memref<30720xf32, #tpu.memory_space<vmem>>, vector<16xf32>,
      %parallel_loop3A_584 = vector.shape_cast %parallel_loop3A_583 : vector<16xf32> to vector<16xf32>
      %parallel_loop3A_585 = vector.shape_cast %parallel_loop3A_581 : vector<16xf32> to vector<16xf32>
      tpu.vector_store %arg4[%parallel_loop3A_582], %parallel_loop3A_585 {strides = array<i32>} : memref<30720xf32, #tpu.memory_space<vmem>>, vector<16xf32>,
      %parallel_loop3A_586 = arith.constant 80 : i32
      %parallel_loop3A_587 = arith.addi %parallel_loop3A_355, %parallel_loop3A_586 : i32
      %parallel_loop3A_588 = arith.constant 1072 : i32
      %parallel_loop3A_589 = arith.addi %parallel_loop3A_355, %parallel_loop3A_588 : i32
      %parallel_loop3A_590 = arith.constant 2064 : i32
      %parallel_loop3A_591 = arith.addi %parallel_loop3A_355, %parallel_loop3A_590 : i32
      %parallel_loop3A_592 = arith.constant 2160 : i32
      %parallel_loop3A_593 = arith.addi %parallel_loop3A_355, %parallel_loop3A_592 : i32
      %parallel_loop3A_594 = arith.index_cast %parallel_loop3A_587 : i32 to index
      %parallel_loop3A_595 = tpu.vector_load %arg4[%parallel_loop3A_594] {strides = array<i32>} : memref<30720xf32, #tpu.memory_space<vmem>>, vector<16xf32>,
      %parallel_loop3A_596 = vector.shape_cast %parallel_loop3A_595 : vector<16xf32> to vector<16xf32>
      %parallel_loop3A_597 = arith.index_cast %parallel_loop3A_589 : i32 to index
      %parallel_loop3A_598 = tpu.vector_load %arg4[%parallel_loop3A_597] {strides = array<i32>} : memref<30720xf32, #tpu.memory_space<vmem>>, vector<16xf32>,
      %parallel_loop3A_599 = vector.shape_cast %parallel_loop3A_598 : vector<16xf32> to vector<16xf32>
      %parallel_loop3A_600 = arith.index_cast %parallel_loop3A_591 : i32 to index
      %parallel_loop3A_601 = tpu.vector_load %arg4[%parallel_loop3A_600] {strides = array<i32>} : memref<30720xf32, #tpu.memory_space<vmem>>, vector<16xf32>,
      %parallel_loop3A_602 = vector.shape_cast %parallel_loop3A_601 : vector<16xf32> to vector<16xf32>
      %parallel_loop3A_603 = arith.index_cast %parallel_loop3A_593 : i32 to index
      %parallel_loop3A_604 = tpu.vector_load %arg4[%parallel_loop3A_603] {strides = array<i32>} : memref<30720xf32, #tpu.memory_space<vmem>>, vector<16xf32>,
      %parallel_loop3A_605 = vector.shape_cast %parallel_loop3A_604 : vector<16xf32> to vector<16xf32>
      %parallel_loop3A_606 = arith.minimumf %parallel_loop3A_596, %parallel_loop3A_599 : vector<16xf32>
      %parallel_loop3A_607 = arith.maximumf %parallel_loop3A_596, %parallel_loop3A_599 : vector<16xf32>
      %parallel_loop3A_608 = arith.minimumf %parallel_loop3A_602, %parallel_loop3A_605 : vector<16xf32>
      %parallel_loop3A_609 = arith.maximumf %parallel_loop3A_602, %parallel_loop3A_605 : vector<16xf32>
      %parallel_loop3A_610 = arith.minimumf %parallel_loop3A_607, %parallel_loop3A_609 : vector<16xf32>
      %parallel_loop3A_611 = arith.maximumf %parallel_loop3A_606, %parallel_loop3A_608 : vector<16xf32>
      %parallel_loop3A_612 = arith.maximumf %parallel_loop3A_607, %parallel_loop3A_609 : vector<16xf32>
      %parallel_loop3A_613 = arith.index_cast %parallel_loop3A_587 : i32 to index
      %parallel_loop3A_614 = tpu.vector_load %arg4[%parallel_loop3A_613] {strides = array<i32>} : memref<30720xf32, #tpu.memory_space<vmem>>, vector<16xf32>,
      %parallel_loop3A_615 = vector.shape_cast %parallel_loop3A_614 : vector<16xf32> to vector<16xf32>
      %parallel_loop3A_616 = vector.shape_cast %parallel_loop3A_612 : vector<16xf32> to vector<16xf32>
      tpu.vector_store %arg4[%parallel_loop3A_613], %parallel_loop3A_616 {strides = array<i32>} : memref<30720xf32, #tpu.memory_space<vmem>>, vector<16xf32>,
      %parallel_loop3A_617 = arith.maximumf %parallel_loop3A_610, %parallel_loop3A_611 : vector<16xf32>
      %parallel_loop3A_618 = arith.index_cast %parallel_loop3A_589 : i32 to index
      %parallel_loop3A_619 = tpu.vector_load %arg4[%parallel_loop3A_618] {strides = array<i32>} : memref<30720xf32, #tpu.memory_space<vmem>>, vector<16xf32>,
      %parallel_loop3A_620 = vector.shape_cast %parallel_loop3A_619 : vector<16xf32> to vector<16xf32>
      %parallel_loop3A_621 = vector.shape_cast %parallel_loop3A_617 : vector<16xf32> to vector<16xf32>
      tpu.vector_store %arg4[%parallel_loop3A_618], %parallel_loop3A_621 {strides = array<i32>} : memref<30720xf32, #tpu.memory_space<vmem>>, vector<16xf32>,
      %parallel_loop3A_622 = arith.minimumf %parallel_loop3A_610, %parallel_loop3A_611 : vector<16xf32>
      %parallel_loop3A_623 = arith.index_cast %parallel_loop3A_591 : i32 to index
      %parallel_loop3A_624 = tpu.vector_load %arg4[%parallel_loop3A_623] {strides = array<i32>} : memref<30720xf32, #tpu.memory_space<vmem>>, vector<16xf32>,
      %parallel_loop3A_625 = vector.shape_cast %parallel_loop3A_624 : vector<16xf32> to vector<16xf32>
      %parallel_loop3A_626 = vector.shape_cast %parallel_loop3A_622 : vector<16xf32> to vector<16xf32>
      tpu.vector_store %arg4[%parallel_loop3A_623], %parallel_loop3A_626 {strides = array<i32>} : memref<30720xf32, #tpu.memory_space<vmem>>, vector<16xf32>,
      %parallel_loop3A_627 = arith.minimumf %parallel_loop3A_606, %parallel_loop3A_608 : vector<16xf32>
      %parallel_loop3A_628 = arith.index_cast %parallel_loop3A_593 : i32 to index
      %parallel_loop3A_629 = tpu.vector_load %arg4[%parallel_loop3A_628] {strides = array<i32>} : memref<30720xf32, #tpu.memory_space<vmem>>, vector<16xf32>,
      %parallel_loop3A_630 = vector.shape_cast %parallel_loop3A_629 : vector<16xf32> to vector<16xf32>
      %parallel_loop3A_631 = vector.shape_cast %parallel_loop3A_627 : vector<16xf32> to vector<16xf32>
      tpu.vector_store %arg4[%parallel_loop3A_628], %parallel_loop3A_631 {strides = array<i32>} : memref<30720xf32, #tpu.memory_space<vmem>>, vector<16xf32>,
    } {sc.loop_unroll_factor = 1 : i64, sc.parallel_access}
    %add3A_205 = arith.constant 184320 : i32
    %add3A_206 = arith.addi %mul3A_2, %add3A_205 : i32
    %dma_start3A_207 = arith.constant 0 : i32
    %dma_start3A_208 = tpu.memref_slice %arg4[%dma_start3A_207] : memref<30720xf32, #tpu.memory_space<vmem>> -> memref<30720xf32, #tpu.memory_space<vmem>>
    %dma_start3A_209 = tpu.memref_slice %arg3[%add3A_206] : memref<9633792xf32, #tpu.memory_space<hbm>> -> memref<30720xf32, #tpu.memory_space<hbm>>
    %dma_start3A_210 = tpu.memref_slice %arg3[%add3A_206] : memref<9633792xf32, #tpu.memory_space<hbm>> -> memref<30720xf32, #tpu.memory_space<hbm>>
    %dma_start3A_211 = arith.constant 0 : i32
    %dma_start3A_212 = tpu.memref_slice %arg4[%dma_start3A_211] : memref<30720xf32, #tpu.memory_space<vmem>> -> memref<30720xf32, #tpu.memory_space<vmem>>
    tpu.enqueue_dma source(%dma_start3A_212 : memref<30720xf32, #tpu.memory_space<vmem>>) target(%dma_start3A_210 : memref<30720xf32, #tpu.memory_space<hbm>>) target_semaphore(%arg10 : memref<!tpu.dma_semaphore, #tpu.memory_space<semaphore_mem>>)
    %dma_wait3A_213 = arith.constant 0 : i32
    %dma_wait3A_214 = tpu.memref_slice %arg6[%dma_wait3A_213] : memref<30720xf32, #tpu.memory_space<vmem>> -> memref<30720xf32, #tpu.memory_space<vmem>>
    %dma_wait3A_215 = tpu.memref_slice %arg3[%add3A_175] : memref<9633792xf32, #tpu.memory_space<hbm>> -> memref<30720xf32, #tpu.memory_space<hbm>>
    %dma_wait3A_216 = tpu.memref_slice %arg3[%add3A_175] : memref<9633792xf32, #tpu.memory_space<hbm>> -> memref<30720xf32, #tpu.memory_space<hbm>>
    %dma_wait3A_217 = arith.constant 0 : i32
    %dma_wait3A_218 = tpu.memref_slice %arg6[%dma_wait3A_217] : memref<30720xf32, #tpu.memory_space<vmem>> -> memref<30720xf32, #tpu.memory_space<vmem>>
    tpu.wait_dma2 semaphore(%arg12 : memref<!tpu.dma_semaphore, #tpu.memory_space<semaphore_mem>>) src(%dma_wait3A_218 : memref<30720xf32, #tpu.memory_space<vmem>>) dst(%dma_wait3A_216 : memref<30720xf32, #tpu.memory_space<hbm>>)
    %add3A_219 = arith.constant 245760 : i32
    %add3A_220 = arith.addi %mul3A_2, %add3A_219 : i32
    %dma_start3A_221 = arith.constant 0 : i32
    %dma_start3A_222 = tpu.memref_slice %arg6[%dma_start3A_221] : memref<30720xf32, #tpu.memory_space<vmem>> -> memref<30720xf32, #tpu.memory_space<vmem>>
    %dma_start3A_223 = tpu.memref_slice %arg2[%add3A_220] : memref<9633792xf32, #tpu.memory_space<hbm>> -> memref<30720xf32, #tpu.memory_space<hbm>>
    %dma_start3A_224 = arith.constant 0 : i32
    %dma_start3A_225 = tpu.memref_slice %arg6[%dma_start3A_224] : memref<30720xf32, #tpu.memory_space<vmem>> -> memref<30720xf32, #tpu.memory_space<vmem>>
    %dma_start3A_226 = tpu.memref_slice %arg2[%add3A_220] : memref<9633792xf32, #tpu.memory_space<hbm>> -> memref<30720xf32, #tpu.memory_space<hbm>>
    tpu.enqueue_dma source(%dma_start3A_226 : memref<30720xf32, #tpu.memory_space<hbm>>) target(%dma_start3A_225 : memref<30720xf32, #tpu.memory_space<vmem>>) target_semaphore(%arg9 : memref<!tpu.dma_semaphore, #tpu.memory_space<semaphore_mem>>)
    %dma_wait3A_227 = arith.constant 0 : i32
    %dma_wait3A_228 = tpu.memref_slice %arg5[%dma_wait3A_227] : memref<30720xf32, #tpu.memory_space<vmem>> -> memref<30720xf32, #tpu.memory_space<vmem>>
    %dma_wait3A_229 = tpu.memref_slice %arg2[%add3A_189] : memref<9633792xf32, #tpu.memory_space<hbm>> -> memref<30720xf32, #tpu.memory_space<hbm>>
    %dma_wait3A_230 = arith.constant 0 : i32
    %dma_wait3A_231 = tpu.memref_slice %arg5[%dma_wait3A_230] : memref<30720xf32, #tpu.memory_space<vmem>> -> memref<30720xf32, #tpu.memory_space<vmem>>
    %dma_wait3A_232 = tpu.memref_slice %arg2[%add3A_189] : memref<9633792xf32, #tpu.memory_space<hbm>> -> memref<30720xf32, #tpu.memory_space<hbm>>
    tpu.wait_dma2 semaphore(%arg8 : memref<!tpu.dma_semaphore, #tpu.memory_space<semaphore_mem>>) src(%dma_wait3A_232 : memref<30720xf32, #tpu.memory_space<hbm>>) dst(%dma_wait3A_231 : memref<30720xf32, #tpu.memory_space<vmem>>)
    %parallel_loop3A_233 = arith.constant 0 : i32
    %parallel_loop3A_234 = arith.constant 80 : i32
    %parallel_loop3A_235 = arith.constant 1 : i32
    scf.for %parallel_loop3A_310 = %parallel_loop3A_233 to %parallel_loop3A_234 step %parallel_loop3A_235  : i32 {
      %parallel_loop3A_311 = arith.constant 8 : i32
      %parallel_loop3A_312 = arith.divsi %parallel_loop3A_310, %parallel_loop3A_311 : i32
      %parallel_loop3A_313 = arith.constant 0 : i32
      %parallel_loop3A_314 = arith.cmpi sgt, %parallel_loop3A_310, %parallel_loop3A_313 : i32
      %parallel_loop3A_315 = arith.extui %parallel_loop3A_314 : i1 to i32
      %parallel_loop3A_316 = arith.constant 0 : i32
      %parallel_loop3A_317 = arith.cmpi slt, %parallel_loop3A_310, %parallel_loop3A_316 : i32
      %parallel_loop3A_318 = arith.extui %parallel_loop3A_317 : i1 to i32
      %parallel_loop3A_319 = arith.subi %parallel_loop3A_315, %parallel_loop3A_318 : i32
      %parallel_loop3A_320 = arith.constant 0 : i32
      %parallel_loop3A_321 = arith.cmpi sgt, %parallel_loop3A_311, %parallel_loop3A_320 : i32
      %parallel_loop3A_322 = arith.extui %parallel_loop3A_321 : i1 to i32
      %parallel_loop3A_323 = arith.constant 0 : i32
      %parallel_loop3A_324 = arith.cmpi slt, %parallel_loop3A_311, %parallel_loop3A_323 : i32
      %parallel_loop3A_325 = arith.extui %parallel_loop3A_324 : i1 to i32
      %parallel_loop3A_326 = arith.subi %parallel_loop3A_322, %parallel_loop3A_325 : i32
      %parallel_loop3A_327 = arith.cmpi ne, %parallel_loop3A_319, %parallel_loop3A_326 : i32
      %parallel_loop3A_328 = arith.remsi %parallel_loop3A_310, %parallel_loop3A_311 : i32
      %parallel_loop3A_329 = arith.constant 0 : i32
      %parallel_loop3A_330 = arith.cmpi ne, %parallel_loop3A_328, %parallel_loop3A_329 : i32
      %parallel_loop3A_331 = arith.andi %parallel_loop3A_327, %parallel_loop3A_330 : i1
      %parallel_loop3A_332 = arith.constant 1 : i32
      %parallel_loop3A_333 = arith.subi %parallel_loop3A_312, %parallel_loop3A_332 : i32
      %parallel_loop3A_334 = arith.select %parallel_loop3A_331, %parallel_loop3A_333, %parallel_loop3A_312 : i32
      %parallel_loop3A_335 = arith.constant 3072 : i32
      %parallel_loop3A_336 = arith.muli %parallel_loop3A_334, %parallel_loop3A_335 : i32
      %parallel_loop3A_337 = arith.constant 8 : i32
      %parallel_loop3A_338 = arith.constant 0 : i32
      %parallel_loop3A_339 = arith.cmpi eq, %parallel_loop3A_337, %parallel_loop3A_338 : i32
      %parallel_loop3A_340 = arith.constant 1 : i32
      %parallel_loop3A_341 = arith.select %parallel_loop3A_339, %parallel_loop3A_340, %parallel_loop3A_337 : i32
      %parallel_loop3A_342 = arith.remsi %parallel_loop3A_310, %parallel_loop3A_341 : i32
      %parallel_loop3A_343 = arith.constant 0 : i32
      %parallel_loop3A_344 = arith.cmpi ne, %parallel_loop3A_342, %parallel_loop3A_343 : i32
      %parallel_loop3A_345 = arith.constant 0 : i32
      %parallel_loop3A_346 = arith.cmpi slt, %parallel_loop3A_342, %parallel_loop3A_345 : i32
      %parallel_loop3A_347 = arith.constant 0 : i32
      %parallel_loop3A_348 = arith.cmpi slt, %parallel_loop3A_341, %parallel_loop3A_347 : i32
      %parallel_loop3A_349 = arith.xori %parallel_loop3A_346, %parallel_loop3A_348 : i1
      %parallel_loop3A_350 = arith.andi %parallel_loop3A_349, %parallel_loop3A_344 : i1
      %parallel_loop3A_351 = arith.addi %parallel_loop3A_342, %parallel_loop3A_341 : i32
      %parallel_loop3A_352 = arith.select %parallel_loop3A_350, %parallel_loop3A_351, %parallel_loop3A_342 : i32
      %parallel_loop3A_353 = arith.constant 128 : i32
      %parallel_loop3A_354 = arith.muli %parallel_loop3A_352, %parallel_loop3A_353 : i32
      %parallel_loop3A_355 = arith.addi %parallel_loop3A_336, %parallel_loop3A_354 : i32
      %parallel_loop3A_356 = arith.constant 0 : i32
      %parallel_loop3A_357 = arith.addi %parallel_loop3A_355, %parallel_loop3A_356 : i32
      %parallel_loop3A_358 = arith.constant 96 : i32
      %parallel_loop3A_359 = arith.addi %parallel_loop3A_355, %parallel_loop3A_358 : i32
      %parallel_loop3A_360 = arith.constant 1088 : i32
      %parallel_loop3A_361 = arith.addi %parallel_loop3A_355, %parallel_loop3A_360 : i32
      %parallel_loop3A_362 = arith.constant 2080 : i32
      %parallel_loop3A_363 = arith.addi %parallel_loop3A_355, %parallel_loop3A_362 : i32
      %parallel_loop3A_364 = arith.index_cast %parallel_loop3A_357 : i32 to index
      %parallel_loop3A_365 = tpu.vector_load %arg5[%parallel_loop3A_364] {strides = array<i32>} : memref<30720xf32, #tpu.memory_space<vmem>>, vector<16xf32>,
      %parallel_loop3A_366 = vector.shape_cast %parallel_loop3A_365 : vector<16xf32> to vector<16xf32>
      %parallel_loop3A_367 = arith.index_cast %parallel_loop3A_359 : i32 to index
      %parallel_loop3A_368 = tpu.vector_load %arg5[%parallel_loop3A_367] {strides = array<i32>} : memref<30720xf32, #tpu.memory_space<vmem>>, vector<16xf32>,
      %parallel_loop3A_369 = vector.shape_cast %parallel_loop3A_368 : vector<16xf32> to vector<16xf32>
      %parallel_loop3A_370 = arith.index_cast %parallel_loop3A_361 : i32 to index
      %parallel_loop3A_371 = tpu.vector_load %arg5[%parallel_loop3A_370] {strides = array<i32>} : memref<30720xf32, #tpu.memory_space<vmem>>, vector<16xf32>,
      %parallel_loop3A_372 = vector.shape_cast %parallel_loop3A_371 : vector<16xf32> to vector<16xf32>
      %parallel_loop3A_373 = arith.index_cast %parallel_loop3A_363 : i32 to index
      %parallel_loop3A_374 = tpu.vector_load %arg5[%parallel_loop3A_373] {strides = array<i32>} : memref<30720xf32, #tpu.memory_space<vmem>>, vector<16xf32>,
      %parallel_loop3A_375 = vector.shape_cast %parallel_loop3A_374 : vector<16xf32> to vector<16xf32>
      %parallel_loop3A_376 = arith.minimumf %parallel_loop3A_366, %parallel_loop3A_369 : vector<16xf32>
      %parallel_loop3A_377 = arith.maximumf %parallel_loop3A_366, %parallel_loop3A_369 : vector<16xf32>
      %parallel_loop3A_378 = arith.minimumf %parallel_loop3A_372, %parallel_loop3A_375 : vector<16xf32>
      %parallel_loop3A_379 = arith.maximumf %parallel_loop3A_372, %parallel_loop3A_375 : vector<16xf32>
      %parallel_loop3A_380 = arith.minimumf %parallel_loop3A_377, %parallel_loop3A_379 : vector<16xf32>
      %parallel_loop3A_381 = arith.maximumf %parallel_loop3A_376, %parallel_loop3A_378 : vector<16xf32>
      %parallel_loop3A_382 = arith.maximumf %parallel_loop3A_377, %parallel_loop3A_379 : vector<16xf32>
      %parallel_loop3A_383 = arith.index_cast %parallel_loop3A_357 : i32 to index
      %parallel_loop3A_384 = tpu.vector_load %arg5[%parallel_loop3A_383] {strides = array<i32>} : memref<30720xf32, #tpu.memory_space<vmem>>, vector<16xf32>,
      %parallel_loop3A_385 = vector.shape_cast %parallel_loop3A_384 : vector<16xf32> to vector<16xf32>
      %parallel_loop3A_386 = vector.shape_cast %parallel_loop3A_382 : vector<16xf32> to vector<16xf32>
      tpu.vector_store %arg5[%parallel_loop3A_383], %parallel_loop3A_386 {strides = array<i32>} : memref<30720xf32, #tpu.memory_space<vmem>>, vector<16xf32>,
      %parallel_loop3A_387 = arith.maximumf %parallel_loop3A_380, %parallel_loop3A_381 : vector<16xf32>
      %parallel_loop3A_388 = arith.index_cast %parallel_loop3A_359 : i32 to index
      %parallel_loop3A_389 = tpu.vector_load %arg5[%parallel_loop3A_388] {strides = array<i32>} : memref<30720xf32, #tpu.memory_space<vmem>>, vector<16xf32>,
      %parallel_loop3A_390 = vector.shape_cast %parallel_loop3A_389 : vector<16xf32> to vector<16xf32>
      %parallel_loop3A_391 = vector.shape_cast %parallel_loop3A_387 : vector<16xf32> to vector<16xf32>
      tpu.vector_store %arg5[%parallel_loop3A_388], %parallel_loop3A_391 {strides = array<i32>} : memref<30720xf32, #tpu.memory_space<vmem>>, vector<16xf32>,
      %parallel_loop3A_392 = arith.minimumf %parallel_loop3A_380, %parallel_loop3A_381 : vector<16xf32>
      %parallel_loop3A_393 = arith.index_cast %parallel_loop3A_361 : i32 to index
      %parallel_loop3A_394 = tpu.vector_load %arg5[%parallel_loop3A_393] {strides = array<i32>} : memref<30720xf32, #tpu.memory_space<vmem>>, vector<16xf32>,
      %parallel_loop3A_395 = vector.shape_cast %parallel_loop3A_394 : vector<16xf32> to vector<16xf32>
      %parallel_loop3A_396 = vector.shape_cast %parallel_loop3A_392 : vector<16xf32> to vector<16xf32>
      tpu.vector_store %arg5[%parallel_loop3A_393], %parallel_loop3A_396 {strides = array<i32>} : memref<30720xf32, #tpu.memory_space<vmem>>, vector<16xf32>,
      %parallel_loop3A_397 = arith.minimumf %parallel_loop3A_376, %parallel_loop3A_378 : vector<16xf32>
      %parallel_loop3A_398 = arith.index_cast %parallel_loop3A_363 : i32 to index
      %parallel_loop3A_399 = tpu.vector_load %arg5[%parallel_loop3A_398] {strides = array<i32>} : memref<30720xf32, #tpu.memory_space<vmem>>, vector<16xf32>,
      %parallel_loop3A_400 = vector.shape_cast %parallel_loop3A_399 : vector<16xf32> to vector<16xf32>
      %parallel_loop3A_401 = vector.shape_cast %parallel_loop3A_397 : vector<16xf32> to vector<16xf32>
      tpu.vector_store %arg5[%parallel_loop3A_398], %parallel_loop3A_401 {strides = array<i32>} : memref<30720xf32, #tpu.memory_space<vmem>>, vector<16xf32>,
      %parallel_loop3A_402 = arith.constant 16 : i32
      %parallel_loop3A_403 = arith.addi %parallel_loop3A_355, %parallel_loop3A_402 : i32
      %parallel_loop3A_404 = arith.constant 112 : i32
      %parallel_loop3A_405 = arith.addi %parallel_loop3A_355, %parallel_loop3A_404 : i32
      %parallel_loop3A_406 = arith.constant 1104 : i32
      %parallel_loop3A_407 = arith.addi %parallel_loop3A_355, %parallel_loop3A_406 : i32
      %parallel_loop3A_408 = arith.constant 2096 : i32
      %parallel_loop3A_409 = arith.addi %parallel_loop3A_355, %parallel_loop3A_408 : i32
      %parallel_loop3A_410 = arith.index_cast %parallel_loop3A_403 : i32 to index
      %parallel_loop3A_411 = tpu.vector_load %arg5[%parallel_loop3A_410] {strides = array<i32>} : memref<30720xf32, #tpu.memory_space<vmem>>, vector<16xf32>,
      %parallel_loop3A_412 = vector.shape_cast %parallel_loop3A_411 : vector<16xf32> to vector<16xf32>
      %parallel_loop3A_413 = arith.index_cast %parallel_loop3A_405 : i32 to index
      %parallel_loop3A_414 = tpu.vector_load %arg5[%parallel_loop3A_413] {strides = array<i32>} : memref<30720xf32, #tpu.memory_space<vmem>>, vector<16xf32>,
      %parallel_loop3A_415 = vector.shape_cast %parallel_loop3A_414 : vector<16xf32> to vector<16xf32>
      %parallel_loop3A_416 = arith.index_cast %parallel_loop3A_407 : i32 to index
      %parallel_loop3A_417 = tpu.vector_load %arg5[%parallel_loop3A_416] {strides = array<i32>} : memref<30720xf32, #tpu.memory_space<vmem>>, vector<16xf32>,
      %parallel_loop3A_418 = vector.shape_cast %parallel_loop3A_417 : vector<16xf32> to vector<16xf32>
      %parallel_loop3A_419 = arith.index_cast %parallel_loop3A_409 : i32 to index
      %parallel_loop3A_420 = tpu.vector_load %arg5[%parallel_loop3A_419] {strides = array<i32>} : memref<30720xf32, #tpu.memory_space<vmem>>, vector<16xf32>,
      %parallel_loop3A_421 = vector.shape_cast %parallel_loop3A_420 : vector<16xf32> to vector<16xf32>
      %parallel_loop3A_422 = arith.minimumf %parallel_loop3A_412, %parallel_loop3A_415 : vector<16xf32>
      %parallel_loop3A_423 = arith.maximumf %parallel_loop3A_412, %parallel_loop3A_415 : vector<16xf32>
      %parallel_loop3A_424 = arith.minimumf %parallel_loop3A_418, %parallel_loop3A_421 : vector<16xf32>
      %parallel_loop3A_425 = arith.maximumf %parallel_loop3A_418, %parallel_loop3A_421 : vector<16xf32>
      %parallel_loop3A_426 = arith.minimumf %parallel_loop3A_423, %parallel_loop3A_425 : vector<16xf32>
      %parallel_loop3A_427 = arith.maximumf %parallel_loop3A_422, %parallel_loop3A_424 : vector<16xf32>
      %parallel_loop3A_428 = arith.maximumf %parallel_loop3A_423, %parallel_loop3A_425 : vector<16xf32>
      %parallel_loop3A_429 = arith.index_cast %parallel_loop3A_403 : i32 to index
      %parallel_loop3A_430 = tpu.vector_load %arg5[%parallel_loop3A_429] {strides = array<i32>} : memref<30720xf32, #tpu.memory_space<vmem>>, vector<16xf32>,
      %parallel_loop3A_431 = vector.shape_cast %parallel_loop3A_430 : vector<16xf32> to vector<16xf32>
      %parallel_loop3A_432 = vector.shape_cast %parallel_loop3A_428 : vector<16xf32> to vector<16xf32>
      tpu.vector_store %arg5[%parallel_loop3A_429], %parallel_loop3A_432 {strides = array<i32>} : memref<30720xf32, #tpu.memory_space<vmem>>, vector<16xf32>,
      %parallel_loop3A_433 = arith.maximumf %parallel_loop3A_426, %parallel_loop3A_427 : vector<16xf32>
      %parallel_loop3A_434 = arith.index_cast %parallel_loop3A_405 : i32 to index
      %parallel_loop3A_435 = tpu.vector_load %arg5[%parallel_loop3A_434] {strides = array<i32>} : memref<30720xf32, #tpu.memory_space<vmem>>, vector<16xf32>,
      %parallel_loop3A_436 = vector.shape_cast %parallel_loop3A_435 : vector<16xf32> to vector<16xf32>
      %parallel_loop3A_437 = vector.shape_cast %parallel_loop3A_433 : vector<16xf32> to vector<16xf32>
      tpu.vector_store %arg5[%parallel_loop3A_434], %parallel_loop3A_437 {strides = array<i32>} : memref<30720xf32, #tpu.memory_space<vmem>>, vector<16xf32>,
      %parallel_loop3A_438 = arith.minimumf %parallel_loop3A_426, %parallel_loop3A_427 : vector<16xf32>
      %parallel_loop3A_439 = arith.index_cast %parallel_loop3A_407 : i32 to index
      %parallel_loop3A_440 = tpu.vector_load %arg5[%parallel_loop3A_439] {strides = array<i32>} : memref<30720xf32, #tpu.memory_space<vmem>>, vector<16xf32>,
      %parallel_loop3A_441 = vector.shape_cast %parallel_loop3A_440 : vector<16xf32> to vector<16xf32>
      %parallel_loop3A_442 = vector.shape_cast %parallel_loop3A_438 : vector<16xf32> to vector<16xf32>
      tpu.vector_store %arg5[%parallel_loop3A_439], %parallel_loop3A_442 {strides = array<i32>} : memref<30720xf32, #tpu.memory_space<vmem>>, vector<16xf32>,
      %parallel_loop3A_443 = arith.minimumf %parallel_loop3A_422, %parallel_loop3A_424 : vector<16xf32>
      %parallel_loop3A_444 = arith.index_cast %parallel_loop3A_409 : i32 to index
      %parallel_loop3A_445 = tpu.vector_load %arg5[%parallel_loop3A_444] {strides = array<i32>} : memref<30720xf32, #tpu.memory_space<vmem>>, vector<16xf32>,
      %parallel_loop3A_446 = vector.shape_cast %parallel_loop3A_445 : vector<16xf32> to vector<16xf32>
      %parallel_loop3A_447 = vector.shape_cast %parallel_loop3A_443 : vector<16xf32> to vector<16xf32>
      tpu.vector_store %arg5[%parallel_loop3A_444], %parallel_loop3A_447 {strides = array<i32>} : memref<30720xf32, #tpu.memory_space<vmem>>, vector<16xf32>,
      %parallel_loop3A_448 = arith.constant 32 : i32
      %parallel_loop3A_449 = arith.addi %parallel_loop3A_355, %parallel_loop3A_448 : i32
      %parallel_loop3A_450 = arith.constant 1024 : i32
      %parallel_loop3A_451 = arith.addi %parallel_loop3A_355, %parallel_loop3A_450 : i32
      %parallel_loop3A_452 = arith.constant 1120 : i32
      %parallel_loop3A_453 = arith.addi %parallel_loop3A_355, %parallel_loop3A_452 : i32
      %parallel_loop3A_454 = arith.constant 2112 : i32
      %parallel_loop3A_455 = arith.addi %parallel_loop3A_355, %parallel_loop3A_454 : i32
      %parallel_loop3A_456 = arith.index_cast %parallel_loop3A_449 : i32 to index
      %parallel_loop3A_457 = tpu.vector_load %arg5[%parallel_loop3A_456] {strides = array<i32>} : memref<30720xf32, #tpu.memory_space<vmem>>, vector<16xf32>,
      %parallel_loop3A_458 = vector.shape_cast %parallel_loop3A_457 : vector<16xf32> to vector<16xf32>
      %parallel_loop3A_459 = arith.index_cast %parallel_loop3A_451 : i32 to index
      %parallel_loop3A_460 = tpu.vector_load %arg5[%parallel_loop3A_459] {strides = array<i32>} : memref<30720xf32, #tpu.memory_space<vmem>>, vector<16xf32>,
      %parallel_loop3A_461 = vector.shape_cast %parallel_loop3A_460 : vector<16xf32> to vector<16xf32>
      %parallel_loop3A_462 = arith.index_cast %parallel_loop3A_453 : i32 to index
      %parallel_loop3A_463 = tpu.vector_load %arg5[%parallel_loop3A_462] {strides = array<i32>} : memref<30720xf32, #tpu.memory_space<vmem>>, vector<16xf32>,
      %parallel_loop3A_464 = vector.shape_cast %parallel_loop3A_463 : vector<16xf32> to vector<16xf32>
      %parallel_loop3A_465 = arith.index_cast %parallel_loop3A_455 : i32 to index
      %parallel_loop3A_466 = tpu.vector_load %arg5[%parallel_loop3A_465] {strides = array<i32>} : memref<30720xf32, #tpu.memory_space<vmem>>, vector<16xf32>,
      %parallel_loop3A_467 = vector.shape_cast %parallel_loop3A_466 : vector<16xf32> to vector<16xf32>
      %parallel_loop3A_468 = arith.minimumf %parallel_loop3A_458, %parallel_loop3A_461 : vector<16xf32>
      %parallel_loop3A_469 = arith.maximumf %parallel_loop3A_458, %parallel_loop3A_461 : vector<16xf32>
      %parallel_loop3A_470 = arith.minimumf %parallel_loop3A_464, %parallel_loop3A_467 : vector<16xf32>
      %parallel_loop3A_471 = arith.maximumf %parallel_loop3A_464, %parallel_loop3A_467 : vector<16xf32>
      %parallel_loop3A_472 = arith.minimumf %parallel_loop3A_469, %parallel_loop3A_471 : vector<16xf32>
      %parallel_loop3A_473 = arith.maximumf %parallel_loop3A_468, %parallel_loop3A_470 : vector<16xf32>
      %parallel_loop3A_474 = arith.maximumf %parallel_loop3A_469, %parallel_loop3A_471 : vector<16xf32>
      %parallel_loop3A_475 = arith.index_cast %parallel_loop3A_449 : i32 to index
      %parallel_loop3A_476 = tpu.vector_load %arg5[%parallel_loop3A_475] {strides = array<i32>} : memref<30720xf32, #tpu.memory_space<vmem>>, vector<16xf32>,
      %parallel_loop3A_477 = vector.shape_cast %parallel_loop3A_476 : vector<16xf32> to vector<16xf32>
      %parallel_loop3A_478 = vector.shape_cast %parallel_loop3A_474 : vector<16xf32> to vector<16xf32>
      tpu.vector_store %arg5[%parallel_loop3A_475], %parallel_loop3A_478 {strides = array<i32>} : memref<30720xf32, #tpu.memory_space<vmem>>, vector<16xf32>,
      %parallel_loop3A_479 = arith.maximumf %parallel_loop3A_472, %parallel_loop3A_473 : vector<16xf32>
      %parallel_loop3A_480 = arith.index_cast %parallel_loop3A_451 : i32 to index
      %parallel_loop3A_481 = tpu.vector_load %arg5[%parallel_loop3A_480] {strides = array<i32>} : memref<30720xf32, #tpu.memory_space<vmem>>, vector<16xf32>,
      %parallel_loop3A_482 = vector.shape_cast %parallel_loop3A_481 : vector<16xf32> to vector<16xf32>
      %parallel_loop3A_483 = vector.shape_cast %parallel_loop3A_479 : vector<16xf32> to vector<16xf32>
      tpu.vector_store %arg5[%parallel_loop3A_480], %parallel_loop3A_483 {strides = array<i32>} : memref<30720xf32, #tpu.memory_space<vmem>>, vector<16xf32>,
      %parallel_loop3A_484 = arith.minimumf %parallel_loop3A_472, %parallel_loop3A_473 : vector<16xf32>
      %parallel_loop3A_485 = arith.index_cast %parallel_loop3A_453 : i32 to index
      %parallel_loop3A_486 = tpu.vector_load %arg5[%parallel_loop3A_485] {strides = array<i32>} : memref<30720xf32, #tpu.memory_space<vmem>>, vector<16xf32>,
      %parallel_loop3A_487 = vector.shape_cast %parallel_loop3A_486 : vector<16xf32> to vector<16xf32>
      %parallel_loop3A_488 = vector.shape_cast %parallel_loop3A_484 : vector<16xf32> to vector<16xf32>
      tpu.vector_store %arg5[%parallel_loop3A_485], %parallel_loop3A_488 {strides = array<i32>} : memref<30720xf32, #tpu.memory_space<vmem>>, vector<16xf32>,
      %parallel_loop3A_489 = arith.minimumf %parallel_loop3A_468, %parallel_loop3A_470 : vector<16xf32>
      %parallel_loop3A_490 = arith.index_cast %parallel_loop3A_455 : i32 to index
      %parallel_loop3A_491 = tpu.vector_load %arg5[%parallel_loop3A_490] {strides = array<i32>} : memref<30720xf32, #tpu.memory_space<vmem>>, vector<16xf32>,
      %parallel_loop3A_492 = vector.shape_cast %parallel_loop3A_491 : vector<16xf32> to vector<16xf32>
      %parallel_loop3A_493 = vector.shape_cast %parallel_loop3A_489 : vector<16xf32> to vector<16xf32>
      tpu.vector_store %arg5[%parallel_loop3A_490], %parallel_loop3A_493 {strides = array<i32>} : memref<30720xf32, #tpu.memory_space<vmem>>, vector<16xf32>,
      %parallel_loop3A_494 = arith.constant 48 : i32
      %parallel_loop3A_495 = arith.addi %parallel_loop3A_355, %parallel_loop3A_494 : i32
      %parallel_loop3A_496 = arith.constant 1040 : i32
      %parallel_loop3A_497 = arith.addi %parallel_loop3A_355, %parallel_loop3A_496 : i32
      %parallel_loop3A_498 = arith.constant 1136 : i32
      %parallel_loop3A_499 = arith.addi %parallel_loop3A_355, %parallel_loop3A_498 : i32
      %parallel_loop3A_500 = arith.constant 2128 : i32
      %parallel_loop3A_501 = arith.addi %parallel_loop3A_355, %parallel_loop3A_500 : i32
      %parallel_loop3A_502 = arith.index_cast %parallel_loop3A_495 : i32 to index
      %parallel_loop3A_503 = tpu.vector_load %arg5[%parallel_loop3A_502] {strides = array<i32>} : memref<30720xf32, #tpu.memory_space<vmem>>, vector<16xf32>,
      %parallel_loop3A_504 = vector.shape_cast %parallel_loop3A_503 : vector<16xf32> to vector<16xf32>
      %parallel_loop3A_505 = arith.index_cast %parallel_loop3A_497 : i32 to index
      %parallel_loop3A_506 = tpu.vector_load %arg5[%parallel_loop3A_505] {strides = array<i32>} : memref<30720xf32, #tpu.memory_space<vmem>>, vector<16xf32>,
      %parallel_loop3A_507 = vector.shape_cast %parallel_loop3A_506 : vector<16xf32> to vector<16xf32>
      %parallel_loop3A_508 = arith.index_cast %parallel_loop3A_499 : i32 to index
      %parallel_loop3A_509 = tpu.vector_load %arg5[%parallel_loop3A_508] {strides = array<i32>} : memref<30720xf32, #tpu.memory_space<vmem>>, vector<16xf32>,
      %parallel_loop3A_510 = vector.shape_cast %parallel_loop3A_509 : vector<16xf32> to vector<16xf32>
      %parallel_loop3A_511 = arith.index_cast %parallel_loop3A_501 : i32 to index
      %parallel_loop3A_512 = tpu.vector_load %arg5[%parallel_loop3A_511] {strides = array<i32>} : memref<30720xf32, #tpu.memory_space<vmem>>, vector<16xf32>,
      %parallel_loop3A_513 = vector.shape_cast %parallel_loop3A_512 : vector<16xf32> to vector<16xf32>
      %parallel_loop3A_514 = arith.minimumf %parallel_loop3A_504, %parallel_loop3A_507 : vector<16xf32>
      %parallel_loop3A_515 = arith.maximumf %parallel_loop3A_504, %parallel_loop3A_507 : vector<16xf32>
      %parallel_loop3A_516 = arith.minimumf %parallel_loop3A_510, %parallel_loop3A_513 : vector<16xf32>
      %parallel_loop3A_517 = arith.maximumf %parallel_loop3A_510, %parallel_loop3A_513 : vector<16xf32>
      %parallel_loop3A_518 = arith.minimumf %parallel_loop3A_515, %parallel_loop3A_517 : vector<16xf32>
      %parallel_loop3A_519 = arith.maximumf %parallel_loop3A_514, %parallel_loop3A_516 : vector<16xf32>
      %parallel_loop3A_520 = arith.maximumf %parallel_loop3A_515, %parallel_loop3A_517 : vector<16xf32>
      %parallel_loop3A_521 = arith.index_cast %parallel_loop3A_495 : i32 to index
      %parallel_loop3A_522 = tpu.vector_load %arg5[%parallel_loop3A_521] {strides = array<i32>} : memref<30720xf32, #tpu.memory_space<vmem>>, vector<16xf32>,
      %parallel_loop3A_523 = vector.shape_cast %parallel_loop3A_522 : vector<16xf32> to vector<16xf32>
      %parallel_loop3A_524 = vector.shape_cast %parallel_loop3A_520 : vector<16xf32> to vector<16xf32>
      tpu.vector_store %arg5[%parallel_loop3A_521], %parallel_loop3A_524 {strides = array<i32>} : memref<30720xf32, #tpu.memory_space<vmem>>, vector<16xf32>,
      %parallel_loop3A_525 = arith.maximumf %parallel_loop3A_518, %parallel_loop3A_519 : vector<16xf32>
      %parallel_loop3A_526 = arith.index_cast %parallel_loop3A_497 : i32 to index
      %parallel_loop3A_527 = tpu.vector_load %arg5[%parallel_loop3A_526] {strides = array<i32>} : memref<30720xf32, #tpu.memory_space<vmem>>, vector<16xf32>,
      %parallel_loop3A_528 = vector.shape_cast %parallel_loop3A_527 : vector<16xf32> to vector<16xf32>
      %parallel_loop3A_529 = vector.shape_cast %parallel_loop3A_525 : vector<16xf32> to vector<16xf32>
      tpu.vector_store %arg5[%parallel_loop3A_526], %parallel_loop3A_529 {strides = array<i32>} : memref<30720xf32, #tpu.memory_space<vmem>>, vector<16xf32>,
      %parallel_loop3A_530 = arith.minimumf %parallel_loop3A_518, %parallel_loop3A_519 : vector<16xf32>
      %parallel_loop3A_531 = arith.index_cast %parallel_loop3A_499 : i32 to index
      %parallel_loop3A_532 = tpu.vector_load %arg5[%parallel_loop3A_531] {strides = array<i32>} : memref<30720xf32, #tpu.memory_space<vmem>>, vector<16xf32>,
      %parallel_loop3A_533 = vector.shape_cast %parallel_loop3A_532 : vector<16xf32> to vector<16xf32>
      %parallel_loop3A_534 = vector.shape_cast %parallel_loop3A_530 : vector<16xf32> to vector<16xf32>
      tpu.vector_store %arg5[%parallel_loop3A_531], %parallel_loop3A_534 {strides = array<i32>} : memref<30720xf32, #tpu.memory_space<vmem>>, vector<16xf32>,
      %parallel_loop3A_535 = arith.minimumf %parallel_loop3A_514, %parallel_loop3A_516 : vector<16xf32>
      %parallel_loop3A_536 = arith.index_cast %parallel_loop3A_501 : i32 to index
      %parallel_loop3A_537 = tpu.vector_load %arg5[%parallel_loop3A_536] {strides = array<i32>} : memref<30720xf32, #tpu.memory_space<vmem>>, vector<16xf32>,
      %parallel_loop3A_538 = vector.shape_cast %parallel_loop3A_537 : vector<16xf32> to vector<16xf32>
      %parallel_loop3A_539 = vector.shape_cast %parallel_loop3A_535 : vector<16xf32> to vector<16xf32>
      tpu.vector_store %arg5[%parallel_loop3A_536], %parallel_loop3A_539 {strides = array<i32>} : memref<30720xf32, #tpu.memory_space<vmem>>, vector<16xf32>,
      %parallel_loop3A_540 = arith.constant 64 : i32
      %parallel_loop3A_541 = arith.addi %parallel_loop3A_355, %parallel_loop3A_540 : i32
      %parallel_loop3A_542 = arith.constant 1056 : i32
      %parallel_loop3A_543 = arith.addi %parallel_loop3A_355, %parallel_loop3A_542 : i32
      %parallel_loop3A_544 = arith.constant 2048 : i32
      %parallel_loop3A_545 = arith.addi %parallel_loop3A_355, %parallel_loop3A_544 : i32
      %parallel_loop3A_546 = arith.constant 2144 : i32
      %parallel_loop3A_547 = arith.addi %parallel_loop3A_355, %parallel_loop3A_546 : i32
      %parallel_loop3A_548 = arith.index_cast %parallel_loop3A_541 : i32 to index
      %parallel_loop3A_549 = tpu.vector_load %arg5[%parallel_loop3A_548] {strides = array<i32>} : memref<30720xf32, #tpu.memory_space<vmem>>, vector<16xf32>,
      %parallel_loop3A_550 = vector.shape_cast %parallel_loop3A_549 : vector<16xf32> to vector<16xf32>
      %parallel_loop3A_551 = arith.index_cast %parallel_loop3A_543 : i32 to index
      %parallel_loop3A_552 = tpu.vector_load %arg5[%parallel_loop3A_551] {strides = array<i32>} : memref<30720xf32, #tpu.memory_space<vmem>>, vector<16xf32>,
      %parallel_loop3A_553 = vector.shape_cast %parallel_loop3A_552 : vector<16xf32> to vector<16xf32>
      %parallel_loop3A_554 = arith.index_cast %parallel_loop3A_545 : i32 to index
      %parallel_loop3A_555 = tpu.vector_load %arg5[%parallel_loop3A_554] {strides = array<i32>} : memref<30720xf32, #tpu.memory_space<vmem>>, vector<16xf32>,
      %parallel_loop3A_556 = vector.shape_cast %parallel_loop3A_555 : vector<16xf32> to vector<16xf32>
      %parallel_loop3A_557 = arith.index_cast %parallel_loop3A_547 : i32 to index
      %parallel_loop3A_558 = tpu.vector_load %arg5[%parallel_loop3A_557] {strides = array<i32>} : memref<30720xf32, #tpu.memory_space<vmem>>, vector<16xf32>,
      %parallel_loop3A_559 = vector.shape_cast %parallel_loop3A_558 : vector<16xf32> to vector<16xf32>
      %parallel_loop3A_560 = arith.minimumf %parallel_loop3A_550, %parallel_loop3A_553 : vector<16xf32>
      %parallel_loop3A_561 = arith.maximumf %parallel_loop3A_550, %parallel_loop3A_553 : vector<16xf32>
      %parallel_loop3A_562 = arith.minimumf %parallel_loop3A_556, %parallel_loop3A_559 : vector<16xf32>
      %parallel_loop3A_563 = arith.maximumf %parallel_loop3A_556, %parallel_loop3A_559 : vector<16xf32>
      %parallel_loop3A_564 = arith.minimumf %parallel_loop3A_561, %parallel_loop3A_563 : vector<16xf32>
      %parallel_loop3A_565 = arith.maximumf %parallel_loop3A_560, %parallel_loop3A_562 : vector<16xf32>
      %parallel_loop3A_566 = arith.maximumf %parallel_loop3A_561, %parallel_loop3A_563 : vector<16xf32>
      %parallel_loop3A_567 = arith.index_cast %parallel_loop3A_541 : i32 to index
      %parallel_loop3A_568 = tpu.vector_load %arg5[%parallel_loop3A_567] {strides = array<i32>} : memref<30720xf32, #tpu.memory_space<vmem>>, vector<16xf32>,
      %parallel_loop3A_569 = vector.shape_cast %parallel_loop3A_568 : vector<16xf32> to vector<16xf32>
      %parallel_loop3A_570 = vector.shape_cast %parallel_loop3A_566 : vector<16xf32> to vector<16xf32>
      tpu.vector_store %arg5[%parallel_loop3A_567], %parallel_loop3A_570 {strides = array<i32>} : memref<30720xf32, #tpu.memory_space<vmem>>, vector<16xf32>,
      %parallel_loop3A_571 = arith.maximumf %parallel_loop3A_564, %parallel_loop3A_565 : vector<16xf32>
      %parallel_loop3A_572 = arith.index_cast %parallel_loop3A_543 : i32 to index
      %parallel_loop3A_573 = tpu.vector_load %arg5[%parallel_loop3A_572] {strides = array<i32>} : memref<30720xf32, #tpu.memory_space<vmem>>, vector<16xf32>,
      %parallel_loop3A_574 = vector.shape_cast %parallel_loop3A_573 : vector<16xf32> to vector<16xf32>
      %parallel_loop3A_575 = vector.shape_cast %parallel_loop3A_571 : vector<16xf32> to vector<16xf32>
      tpu.vector_store %arg5[%parallel_loop3A_572], %parallel_loop3A_575 {strides = array<i32>} : memref<30720xf32, #tpu.memory_space<vmem>>, vector<16xf32>,
      %parallel_loop3A_576 = arith.minimumf %parallel_loop3A_564, %parallel_loop3A_565 : vector<16xf32>
      %parallel_loop3A_577 = arith.index_cast %parallel_loop3A_545 : i32 to index
      %parallel_loop3A_578 = tpu.vector_load %arg5[%parallel_loop3A_577] {strides = array<i32>} : memref<30720xf32, #tpu.memory_space<vmem>>, vector<16xf32>,
      %parallel_loop3A_579 = vector.shape_cast %parallel_loop3A_578 : vector<16xf32> to vector<16xf32>
      %parallel_loop3A_580 = vector.shape_cast %parallel_loop3A_576 : vector<16xf32> to vector<16xf32>
      tpu.vector_store %arg5[%parallel_loop3A_577], %parallel_loop3A_580 {strides = array<i32>} : memref<30720xf32, #tpu.memory_space<vmem>>, vector<16xf32>,
      %parallel_loop3A_581 = arith.minimumf %parallel_loop3A_560, %parallel_loop3A_562 : vector<16xf32>
      %parallel_loop3A_582 = arith.index_cast %parallel_loop3A_547 : i32 to index
      %parallel_loop3A_583 = tpu.vector_load %arg5[%parallel_loop3A_582] {strides = array<i32>} : memref<30720xf32, #tpu.memory_space<vmem>>, vector<16xf32>,
      %parallel_loop3A_584 = vector.shape_cast %parallel_loop3A_583 : vector<16xf32> to vector<16xf32>
      %parallel_loop3A_585 = vector.shape_cast %parallel_loop3A_581 : vector<16xf32> to vector<16xf32>
      tpu.vector_store %arg5[%parallel_loop3A_582], %parallel_loop3A_585 {strides = array<i32>} : memref<30720xf32, #tpu.memory_space<vmem>>, vector<16xf32>,
      %parallel_loop3A_586 = arith.constant 80 : i32
      %parallel_loop3A_587 = arith.addi %parallel_loop3A_355, %parallel_loop3A_586 : i32
      %parallel_loop3A_588 = arith.constant 1072 : i32
      %parallel_loop3A_589 = arith.addi %parallel_loop3A_355, %parallel_loop3A_588 : i32
      %parallel_loop3A_590 = arith.constant 2064 : i32
      %parallel_loop3A_591 = arith.addi %parallel_loop3A_355, %parallel_loop3A_590 : i32
      %parallel_loop3A_592 = arith.constant 2160 : i32
      %parallel_loop3A_593 = arith.addi %parallel_loop3A_355, %parallel_loop3A_592 : i32
      %parallel_loop3A_594 = arith.index_cast %parallel_loop3A_587 : i32 to index
      %parallel_loop3A_595 = tpu.vector_load %arg5[%parallel_loop3A_594] {strides = array<i32>} : memref<30720xf32, #tpu.memory_space<vmem>>, vector<16xf32>,
      %parallel_loop3A_596 = vector.shape_cast %parallel_loop3A_595 : vector<16xf32> to vector<16xf32>
      %parallel_loop3A_597 = arith.index_cast %parallel_loop3A_589 : i32 to index
      %parallel_loop3A_598 = tpu.vector_load %arg5[%parallel_loop3A_597] {strides = array<i32>} : memref<30720xf32, #tpu.memory_space<vmem>>, vector<16xf32>,
      %parallel_loop3A_599 = vector.shape_cast %parallel_loop3A_598 : vector<16xf32> to vector<16xf32>
      %parallel_loop3A_600 = arith.index_cast %parallel_loop3A_591 : i32 to index
      %parallel_loop3A_601 = tpu.vector_load %arg5[%parallel_loop3A_600] {strides = array<i32>} : memref<30720xf32, #tpu.memory_space<vmem>>, vector<16xf32>,
      %parallel_loop3A_602 = vector.shape_cast %parallel_loop3A_601 : vector<16xf32> to vector<16xf32>
      %parallel_loop3A_603 = arith.index_cast %parallel_loop3A_593 : i32 to index
      %parallel_loop3A_604 = tpu.vector_load %arg5[%parallel_loop3A_603] {strides = array<i32>} : memref<30720xf32, #tpu.memory_space<vmem>>, vector<16xf32>,
      %parallel_loop3A_605 = vector.shape_cast %parallel_loop3A_604 : vector<16xf32> to vector<16xf32>
      %parallel_loop3A_606 = arith.minimumf %parallel_loop3A_596, %parallel_loop3A_599 : vector<16xf32>
      %parallel_loop3A_607 = arith.maximumf %parallel_loop3A_596, %parallel_loop3A_599 : vector<16xf32>
      %parallel_loop3A_608 = arith.minimumf %parallel_loop3A_602, %parallel_loop3A_605 : vector<16xf32>
      %parallel_loop3A_609 = arith.maximumf %parallel_loop3A_602, %parallel_loop3A_605 : vector<16xf32>
      %parallel_loop3A_610 = arith.minimumf %parallel_loop3A_607, %parallel_loop3A_609 : vector<16xf32>
      %parallel_loop3A_611 = arith.maximumf %parallel_loop3A_606, %parallel_loop3A_608 : vector<16xf32>
      %parallel_loop3A_612 = arith.maximumf %parallel_loop3A_607, %parallel_loop3A_609 : vector<16xf32>
      %parallel_loop3A_613 = arith.index_cast %parallel_loop3A_587 : i32 to index
      %parallel_loop3A_614 = tpu.vector_load %arg5[%parallel_loop3A_613] {strides = array<i32>} : memref<30720xf32, #tpu.memory_space<vmem>>, vector<16xf32>,
      %parallel_loop3A_615 = vector.shape_cast %parallel_loop3A_614 : vector<16xf32> to vector<16xf32>
      %parallel_loop3A_616 = vector.shape_cast %parallel_loop3A_612 : vector<16xf32> to vector<16xf32>
      tpu.vector_store %arg5[%parallel_loop3A_613], %parallel_loop3A_616 {strides = array<i32>} : memref<30720xf32, #tpu.memory_space<vmem>>, vector<16xf32>,
      %parallel_loop3A_617 = arith.maximumf %parallel_loop3A_610, %parallel_loop3A_611 : vector<16xf32>
      %parallel_loop3A_618 = arith.index_cast %parallel_loop3A_589 : i32 to index
      %parallel_loop3A_619 = tpu.vector_load %arg5[%parallel_loop3A_618] {strides = array<i32>} : memref<30720xf32, #tpu.memory_space<vmem>>, vector<16xf32>,
      %parallel_loop3A_620 = vector.shape_cast %parallel_loop3A_619 : vector<16xf32> to vector<16xf32>
      %parallel_loop3A_621 = vector.shape_cast %parallel_loop3A_617 : vector<16xf32> to vector<16xf32>
      tpu.vector_store %arg5[%parallel_loop3A_618], %parallel_loop3A_621 {strides = array<i32>} : memref<30720xf32, #tpu.memory_space<vmem>>, vector<16xf32>,
      %parallel_loop3A_622 = arith.minimumf %parallel_loop3A_610, %parallel_loop3A_611 : vector<16xf32>
      %parallel_loop3A_623 = arith.index_cast %parallel_loop3A_591 : i32 to index
      %parallel_loop3A_624 = tpu.vector_load %arg5[%parallel_loop3A_623] {strides = array<i32>} : memref<30720xf32, #tpu.memory_space<vmem>>, vector<16xf32>,
      %parallel_loop3A_625 = vector.shape_cast %parallel_loop3A_624 : vector<16xf32> to vector<16xf32>
      %parallel_loop3A_626 = vector.shape_cast %parallel_loop3A_622 : vector<16xf32> to vector<16xf32>
      tpu.vector_store %arg5[%parallel_loop3A_623], %parallel_loop3A_626 {strides = array<i32>} : memref<30720xf32, #tpu.memory_space<vmem>>, vector<16xf32>,
      %parallel_loop3A_627 = arith.minimumf %parallel_loop3A_606, %parallel_loop3A_608 : vector<16xf32>
      %parallel_loop3A_628 = arith.index_cast %parallel_loop3A_593 : i32 to index
      %parallel_loop3A_629 = tpu.vector_load %arg5[%parallel_loop3A_628] {strides = array<i32>} : memref<30720xf32, #tpu.memory_space<vmem>>, vector<16xf32>,
      %parallel_loop3A_630 = vector.shape_cast %parallel_loop3A_629 : vector<16xf32> to vector<16xf32>
      %parallel_loop3A_631 = vector.shape_cast %parallel_loop3A_627 : vector<16xf32> to vector<16xf32>
      tpu.vector_store %arg5[%parallel_loop3A_628], %parallel_loop3A_631 {strides = array<i32>} : memref<30720xf32, #tpu.memory_space<vmem>>, vector<16xf32>,
    } {sc.loop_unroll_factor = 1 : i64, sc.parallel_access}
    %add3A_236 = arith.constant 215040 : i32
    %add3A_237 = arith.addi %mul3A_2, %add3A_236 : i32
    %dma_start3A_238 = arith.constant 0 : i32
    %dma_start3A_239 = tpu.memref_slice %arg5[%dma_start3A_238] : memref<30720xf32, #tpu.memory_space<vmem>> -> memref<30720xf32, #tpu.memory_space<vmem>>
    %dma_start3A_240 = tpu.memref_slice %arg3[%add3A_237] : memref<9633792xf32, #tpu.memory_space<hbm>> -> memref<30720xf32, #tpu.memory_space<hbm>>
    %dma_start3A_241 = tpu.memref_slice %arg3[%add3A_237] : memref<9633792xf32, #tpu.memory_space<hbm>> -> memref<30720xf32, #tpu.memory_space<hbm>>
    %dma_start3A_242 = arith.constant 0 : i32
    %dma_start3A_243 = tpu.memref_slice %arg5[%dma_start3A_242] : memref<30720xf32, #tpu.memory_space<vmem>> -> memref<30720xf32, #tpu.memory_space<vmem>>
    tpu.enqueue_dma source(%dma_start3A_243 : memref<30720xf32, #tpu.memory_space<vmem>>) target(%dma_start3A_241 : memref<30720xf32, #tpu.memory_space<hbm>>) target_semaphore(%arg11 : memref<!tpu.dma_semaphore, #tpu.memory_space<semaphore_mem>>)
    %dma_wait3A_244 = arith.constant 0 : i32
    %dma_wait3A_245 = tpu.memref_slice %arg4[%dma_wait3A_244] : memref<30720xf32, #tpu.memory_space<vmem>> -> memref<30720xf32, #tpu.memory_space<vmem>>
    %dma_wait3A_246 = tpu.memref_slice %arg3[%add3A_206] : memref<9633792xf32, #tpu.memory_space<hbm>> -> memref<30720xf32, #tpu.memory_space<hbm>>
    %dma_wait3A_247 = tpu.memref_slice %arg3[%add3A_206] : memref<9633792xf32, #tpu.memory_space<hbm>> -> memref<30720xf32, #tpu.memory_space<hbm>>
    %dma_wait3A_248 = arith.constant 0 : i32
    %dma_wait3A_249 = tpu.memref_slice %arg4[%dma_wait3A_248] : memref<30720xf32, #tpu.memory_space<vmem>> -> memref<30720xf32, #tpu.memory_space<vmem>>
    tpu.wait_dma2 semaphore(%arg10 : memref<!tpu.dma_semaphore, #tpu.memory_space<semaphore_mem>>) src(%dma_wait3A_249 : memref<30720xf32, #tpu.memory_space<vmem>>) dst(%dma_wait3A_247 : memref<30720xf32, #tpu.memory_space<hbm>>)
    %add3A_250 = arith.constant 276480 : i32
    %add3A_251 = arith.addi %mul3A_2, %add3A_250 : i32
    %dma_start3A_252 = arith.constant 0 : i32
    %dma_start3A_253 = tpu.memref_slice %arg4[%dma_start3A_252] : memref<30720xf32, #tpu.memory_space<vmem>> -> memref<24576xf32, #tpu.memory_space<vmem>>
    %dma_start3A_254 = tpu.memref_slice %arg2[%add3A_251] : memref<9633792xf32, #tpu.memory_space<hbm>> -> memref<24576xf32, #tpu.memory_space<hbm>>
    %dma_start3A_255 = arith.constant 0 : i32
    %dma_start3A_256 = tpu.memref_slice %arg4[%dma_start3A_255] : memref<30720xf32, #tpu.memory_space<vmem>> -> memref<24576xf32, #tpu.memory_space<vmem>>
    %dma_start3A_257 = tpu.memref_slice %arg2[%add3A_251] : memref<9633792xf32, #tpu.memory_space<hbm>> -> memref<24576xf32, #tpu.memory_space<hbm>>
    tpu.enqueue_dma source(%dma_start3A_257 : memref<24576xf32, #tpu.memory_space<hbm>>) target(%dma_start3A_256 : memref<24576xf32, #tpu.memory_space<vmem>>) target_semaphore(%arg7 : memref<!tpu.dma_semaphore, #tpu.memory_space<semaphore_mem>>)
    %dma_wait3A_258 = arith.constant 0 : i32
    %dma_wait3A_259 = tpu.memref_slice %arg6[%dma_wait3A_258] : memref<30720xf32, #tpu.memory_space<vmem>> -> memref<30720xf32, #tpu.memory_space<vmem>>
    %dma_wait3A_260 = tpu.memref_slice %arg2[%add3A_220] : memref<9633792xf32, #tpu.memory_space<hbm>> -> memref<30720xf32, #tpu.memory_space<hbm>>
    %dma_wait3A_261 = arith.constant 0 : i32
    %dma_wait3A_262 = tpu.memref_slice %arg6[%dma_wait3A_261] : memref<30720xf32, #tpu.memory_space<vmem>> -> memref<30720xf32, #tpu.memory_space<vmem>>
    %dma_wait3A_263 = tpu.memref_slice %arg2[%add3A_220] : memref<9633792xf32, #tpu.memory_space<hbm>> -> memref<30720xf32, #tpu.memory_space<hbm>>
    tpu.wait_dma2 semaphore(%arg9 : memref<!tpu.dma_semaphore, #tpu.memory_space<semaphore_mem>>) src(%dma_wait3A_263 : memref<30720xf32, #tpu.memory_space<hbm>>) dst(%dma_wait3A_262 : memref<30720xf32, #tpu.memory_space<vmem>>)
    %parallel_loop3A_264 = arith.constant 0 : i32
    %parallel_loop3A_265 = arith.constant 80 : i32
    %parallel_loop3A_266 = arith.constant 1 : i32
    scf.for %parallel_loop3A_310 = %parallel_loop3A_264 to %parallel_loop3A_265 step %parallel_loop3A_266  : i32 {
      %parallel_loop3A_311 = arith.constant 8 : i32
      %parallel_loop3A_312 = arith.divsi %parallel_loop3A_310, %parallel_loop3A_311 : i32
      %parallel_loop3A_313 = arith.constant 0 : i32
      %parallel_loop3A_314 = arith.cmpi sgt, %parallel_loop3A_310, %parallel_loop3A_313 : i32
      %parallel_loop3A_315 = arith.extui %parallel_loop3A_314 : i1 to i32
      %parallel_loop3A_316 = arith.constant 0 : i32
      %parallel_loop3A_317 = arith.cmpi slt, %parallel_loop3A_310, %parallel_loop3A_316 : i32
      %parallel_loop3A_318 = arith.extui %parallel_loop3A_317 : i1 to i32
      %parallel_loop3A_319 = arith.subi %parallel_loop3A_315, %parallel_loop3A_318 : i32
      %parallel_loop3A_320 = arith.constant 0 : i32
      %parallel_loop3A_321 = arith.cmpi sgt, %parallel_loop3A_311, %parallel_loop3A_320 : i32
      %parallel_loop3A_322 = arith.extui %parallel_loop3A_321 : i1 to i32
      %parallel_loop3A_323 = arith.constant 0 : i32
      %parallel_loop3A_324 = arith.cmpi slt, %parallel_loop3A_311, %parallel_loop3A_323 : i32
      %parallel_loop3A_325 = arith.extui %parallel_loop3A_324 : i1 to i32
      %parallel_loop3A_326 = arith.subi %parallel_loop3A_322, %parallel_loop3A_325 : i32
      %parallel_loop3A_327 = arith.cmpi ne, %parallel_loop3A_319, %parallel_loop3A_326 : i32
      %parallel_loop3A_328 = arith.remsi %parallel_loop3A_310, %parallel_loop3A_311 : i32
      %parallel_loop3A_329 = arith.constant 0 : i32
      %parallel_loop3A_330 = arith.cmpi ne, %parallel_loop3A_328, %parallel_loop3A_329 : i32
      %parallel_loop3A_331 = arith.andi %parallel_loop3A_327, %parallel_loop3A_330 : i1
      %parallel_loop3A_332 = arith.constant 1 : i32
      %parallel_loop3A_333 = arith.subi %parallel_loop3A_312, %parallel_loop3A_332 : i32
      %parallel_loop3A_334 = arith.select %parallel_loop3A_331, %parallel_loop3A_333, %parallel_loop3A_312 : i32
      %parallel_loop3A_335 = arith.constant 3072 : i32
      %parallel_loop3A_336 = arith.muli %parallel_loop3A_334, %parallel_loop3A_335 : i32
      %parallel_loop3A_337 = arith.constant 8 : i32
      %parallel_loop3A_338 = arith.constant 0 : i32
      %parallel_loop3A_339 = arith.cmpi eq, %parallel_loop3A_337, %parallel_loop3A_338 : i32
      %parallel_loop3A_340 = arith.constant 1 : i32
      %parallel_loop3A_341 = arith.select %parallel_loop3A_339, %parallel_loop3A_340, %parallel_loop3A_337 : i32
      %parallel_loop3A_342 = arith.remsi %parallel_loop3A_310, %parallel_loop3A_341 : i32
      %parallel_loop3A_343 = arith.constant 0 : i32
      %parallel_loop3A_344 = arith.cmpi ne, %parallel_loop3A_342, %parallel_loop3A_343 : i32
      %parallel_loop3A_345 = arith.constant 0 : i32
      %parallel_loop3A_346 = arith.cmpi slt, %parallel_loop3A_342, %parallel_loop3A_345 : i32
      %parallel_loop3A_347 = arith.constant 0 : i32
      %parallel_loop3A_348 = arith.cmpi slt, %parallel_loop3A_341, %parallel_loop3A_347 : i32
      %parallel_loop3A_349 = arith.xori %parallel_loop3A_346, %parallel_loop3A_348 : i1
      %parallel_loop3A_350 = arith.andi %parallel_loop3A_349, %parallel_loop3A_344 : i1
      %parallel_loop3A_351 = arith.addi %parallel_loop3A_342, %parallel_loop3A_341 : i32
      %parallel_loop3A_352 = arith.select %parallel_loop3A_350, %parallel_loop3A_351, %parallel_loop3A_342 : i32
      %parallel_loop3A_353 = arith.constant 128 : i32
      %parallel_loop3A_354 = arith.muli %parallel_loop3A_352, %parallel_loop3A_353 : i32
      %parallel_loop3A_355 = arith.addi %parallel_loop3A_336, %parallel_loop3A_354 : i32
      %parallel_loop3A_356 = arith.constant 0 : i32
      %parallel_loop3A_357 = arith.addi %parallel_loop3A_355, %parallel_loop3A_356 : i32
      %parallel_loop3A_358 = arith.constant 96 : i32
      %parallel_loop3A_359 = arith.addi %parallel_loop3A_355, %parallel_loop3A_358 : i32
      %parallel_loop3A_360 = arith.constant 1088 : i32
      %parallel_loop3A_361 = arith.addi %parallel_loop3A_355, %parallel_loop3A_360 : i32
      %parallel_loop3A_362 = arith.constant 2080 : i32
      %parallel_loop3A_363 = arith.addi %parallel_loop3A_355, %parallel_loop3A_362 : i32
      %parallel_loop3A_364 = arith.index_cast %parallel_loop3A_357 : i32 to index
      %parallel_loop3A_365 = tpu.vector_load %arg6[%parallel_loop3A_364] {strides = array<i32>} : memref<30720xf32, #tpu.memory_space<vmem>>, vector<16xf32>,
      %parallel_loop3A_366 = vector.shape_cast %parallel_loop3A_365 : vector<16xf32> to vector<16xf32>
      %parallel_loop3A_367 = arith.index_cast %parallel_loop3A_359 : i32 to index
      %parallel_loop3A_368 = tpu.vector_load %arg6[%parallel_loop3A_367] {strides = array<i32>} : memref<30720xf32, #tpu.memory_space<vmem>>, vector<16xf32>,
      %parallel_loop3A_369 = vector.shape_cast %parallel_loop3A_368 : vector<16xf32> to vector<16xf32>
      %parallel_loop3A_370 = arith.index_cast %parallel_loop3A_361 : i32 to index
      %parallel_loop3A_371 = tpu.vector_load %arg6[%parallel_loop3A_370] {strides = array<i32>} : memref<30720xf32, #tpu.memory_space<vmem>>, vector<16xf32>,
      %parallel_loop3A_372 = vector.shape_cast %parallel_loop3A_371 : vector<16xf32> to vector<16xf32>
      %parallel_loop3A_373 = arith.index_cast %parallel_loop3A_363 : i32 to index
      %parallel_loop3A_374 = tpu.vector_load %arg6[%parallel_loop3A_373] {strides = array<i32>} : memref<30720xf32, #tpu.memory_space<vmem>>, vector<16xf32>,
      %parallel_loop3A_375 = vector.shape_cast %parallel_loop3A_374 : vector<16xf32> to vector<16xf32>
      %parallel_loop3A_376 = arith.minimumf %parallel_loop3A_366, %parallel_loop3A_369 : vector<16xf32>
      %parallel_loop3A_377 = arith.maximumf %parallel_loop3A_366, %parallel_loop3A_369 : vector<16xf32>
      %parallel_loop3A_378 = arith.minimumf %parallel_loop3A_372, %parallel_loop3A_375 : vector<16xf32>
      %parallel_loop3A_379 = arith.maximumf %parallel_loop3A_372, %parallel_loop3A_375 : vector<16xf32>
      %parallel_loop3A_380 = arith.minimumf %parallel_loop3A_377, %parallel_loop3A_379 : vector<16xf32>
      %parallel_loop3A_381 = arith.maximumf %parallel_loop3A_376, %parallel_loop3A_378 : vector<16xf32>
      %parallel_loop3A_382 = arith.maximumf %parallel_loop3A_377, %parallel_loop3A_379 : vector<16xf32>
      %parallel_loop3A_383 = arith.index_cast %parallel_loop3A_357 : i32 to index
      %parallel_loop3A_384 = tpu.vector_load %arg6[%parallel_loop3A_383] {strides = array<i32>} : memref<30720xf32, #tpu.memory_space<vmem>>, vector<16xf32>,
      %parallel_loop3A_385 = vector.shape_cast %parallel_loop3A_384 : vector<16xf32> to vector<16xf32>
      %parallel_loop3A_386 = vector.shape_cast %parallel_loop3A_382 : vector<16xf32> to vector<16xf32>
      tpu.vector_store %arg6[%parallel_loop3A_383], %parallel_loop3A_386 {strides = array<i32>} : memref<30720xf32, #tpu.memory_space<vmem>>, vector<16xf32>,
      %parallel_loop3A_387 = arith.maximumf %parallel_loop3A_380, %parallel_loop3A_381 : vector<16xf32>
      %parallel_loop3A_388 = arith.index_cast %parallel_loop3A_359 : i32 to index
      %parallel_loop3A_389 = tpu.vector_load %arg6[%parallel_loop3A_388] {strides = array<i32>} : memref<30720xf32, #tpu.memory_space<vmem>>, vector<16xf32>,
      %parallel_loop3A_390 = vector.shape_cast %parallel_loop3A_389 : vector<16xf32> to vector<16xf32>
      %parallel_loop3A_391 = vector.shape_cast %parallel_loop3A_387 : vector<16xf32> to vector<16xf32>
      tpu.vector_store %arg6[%parallel_loop3A_388], %parallel_loop3A_391 {strides = array<i32>} : memref<30720xf32, #tpu.memory_space<vmem>>, vector<16xf32>,
      %parallel_loop3A_392 = arith.minimumf %parallel_loop3A_380, %parallel_loop3A_381 : vector<16xf32>
      %parallel_loop3A_393 = arith.index_cast %parallel_loop3A_361 : i32 to index
      %parallel_loop3A_394 = tpu.vector_load %arg6[%parallel_loop3A_393] {strides = array<i32>} : memref<30720xf32, #tpu.memory_space<vmem>>, vector<16xf32>,
      %parallel_loop3A_395 = vector.shape_cast %parallel_loop3A_394 : vector<16xf32> to vector<16xf32>
      %parallel_loop3A_396 = vector.shape_cast %parallel_loop3A_392 : vector<16xf32> to vector<16xf32>
      tpu.vector_store %arg6[%parallel_loop3A_393], %parallel_loop3A_396 {strides = array<i32>} : memref<30720xf32, #tpu.memory_space<vmem>>, vector<16xf32>,
      %parallel_loop3A_397 = arith.minimumf %parallel_loop3A_376, %parallel_loop3A_378 : vector<16xf32>
      %parallel_loop3A_398 = arith.index_cast %parallel_loop3A_363 : i32 to index
      %parallel_loop3A_399 = tpu.vector_load %arg6[%parallel_loop3A_398] {strides = array<i32>} : memref<30720xf32, #tpu.memory_space<vmem>>, vector<16xf32>,
      %parallel_loop3A_400 = vector.shape_cast %parallel_loop3A_399 : vector<16xf32> to vector<16xf32>
      %parallel_loop3A_401 = vector.shape_cast %parallel_loop3A_397 : vector<16xf32> to vector<16xf32>
      tpu.vector_store %arg6[%parallel_loop3A_398], %parallel_loop3A_401 {strides = array<i32>} : memref<30720xf32, #tpu.memory_space<vmem>>, vector<16xf32>,
      %parallel_loop3A_402 = arith.constant 16 : i32
      %parallel_loop3A_403 = arith.addi %parallel_loop3A_355, %parallel_loop3A_402 : i32
      %parallel_loop3A_404 = arith.constant 112 : i32
      %parallel_loop3A_405 = arith.addi %parallel_loop3A_355, %parallel_loop3A_404 : i32
      %parallel_loop3A_406 = arith.constant 1104 : i32
      %parallel_loop3A_407 = arith.addi %parallel_loop3A_355, %parallel_loop3A_406 : i32
      %parallel_loop3A_408 = arith.constant 2096 : i32
      %parallel_loop3A_409 = arith.addi %parallel_loop3A_355, %parallel_loop3A_408 : i32
      %parallel_loop3A_410 = arith.index_cast %parallel_loop3A_403 : i32 to index
      %parallel_loop3A_411 = tpu.vector_load %arg6[%parallel_loop3A_410] {strides = array<i32>} : memref<30720xf32, #tpu.memory_space<vmem>>, vector<16xf32>,
      %parallel_loop3A_412 = vector.shape_cast %parallel_loop3A_411 : vector<16xf32> to vector<16xf32>
      %parallel_loop3A_413 = arith.index_cast %parallel_loop3A_405 : i32 to index
      %parallel_loop3A_414 = tpu.vector_load %arg6[%parallel_loop3A_413] {strides = array<i32>} : memref<30720xf32, #tpu.memory_space<vmem>>, vector<16xf32>,
      %parallel_loop3A_415 = vector.shape_cast %parallel_loop3A_414 : vector<16xf32> to vector<16xf32>
      %parallel_loop3A_416 = arith.index_cast %parallel_loop3A_407 : i32 to index
      %parallel_loop3A_417 = tpu.vector_load %arg6[%parallel_loop3A_416] {strides = array<i32>} : memref<30720xf32, #tpu.memory_space<vmem>>, vector<16xf32>,
      %parallel_loop3A_418 = vector.shape_cast %parallel_loop3A_417 : vector<16xf32> to vector<16xf32>
      %parallel_loop3A_419 = arith.index_cast %parallel_loop3A_409 : i32 to index
      %parallel_loop3A_420 = tpu.vector_load %arg6[%parallel_loop3A_419] {strides = array<i32>} : memref<30720xf32, #tpu.memory_space<vmem>>, vector<16xf32>,
      %parallel_loop3A_421 = vector.shape_cast %parallel_loop3A_420 : vector<16xf32> to vector<16xf32>
      %parallel_loop3A_422 = arith.minimumf %parallel_loop3A_412, %parallel_loop3A_415 : vector<16xf32>
      %parallel_loop3A_423 = arith.maximumf %parallel_loop3A_412, %parallel_loop3A_415 : vector<16xf32>
      %parallel_loop3A_424 = arith.minimumf %parallel_loop3A_418, %parallel_loop3A_421 : vector<16xf32>
      %parallel_loop3A_425 = arith.maximumf %parallel_loop3A_418, %parallel_loop3A_421 : vector<16xf32>
      %parallel_loop3A_426 = arith.minimumf %parallel_loop3A_423, %parallel_loop3A_425 : vector<16xf32>
      %parallel_loop3A_427 = arith.maximumf %parallel_loop3A_422, %parallel_loop3A_424 : vector<16xf32>
      %parallel_loop3A_428 = arith.maximumf %parallel_loop3A_423, %parallel_loop3A_425 : vector<16xf32>
      %parallel_loop3A_429 = arith.index_cast %parallel_loop3A_403 : i32 to index
      %parallel_loop3A_430 = tpu.vector_load %arg6[%parallel_loop3A_429] {strides = array<i32>} : memref<30720xf32, #tpu.memory_space<vmem>>, vector<16xf32>,
      %parallel_loop3A_431 = vector.shape_cast %parallel_loop3A_430 : vector<16xf32> to vector<16xf32>
      %parallel_loop3A_432 = vector.shape_cast %parallel_loop3A_428 : vector<16xf32> to vector<16xf32>
      tpu.vector_store %arg6[%parallel_loop3A_429], %parallel_loop3A_432 {strides = array<i32>} : memref<30720xf32, #tpu.memory_space<vmem>>, vector<16xf32>,
      %parallel_loop3A_433 = arith.maximumf %parallel_loop3A_426, %parallel_loop3A_427 : vector<16xf32>
      %parallel_loop3A_434 = arith.index_cast %parallel_loop3A_405 : i32 to index
      %parallel_loop3A_435 = tpu.vector_load %arg6[%parallel_loop3A_434] {strides = array<i32>} : memref<30720xf32, #tpu.memory_space<vmem>>, vector<16xf32>,
      %parallel_loop3A_436 = vector.shape_cast %parallel_loop3A_435 : vector<16xf32> to vector<16xf32>
      %parallel_loop3A_437 = vector.shape_cast %parallel_loop3A_433 : vector<16xf32> to vector<16xf32>
      tpu.vector_store %arg6[%parallel_loop3A_434], %parallel_loop3A_437 {strides = array<i32>} : memref<30720xf32, #tpu.memory_space<vmem>>, vector<16xf32>,
      %parallel_loop3A_438 = arith.minimumf %parallel_loop3A_426, %parallel_loop3A_427 : vector<16xf32>
      %parallel_loop3A_439 = arith.index_cast %parallel_loop3A_407 : i32 to index
      %parallel_loop3A_440 = tpu.vector_load %arg6[%parallel_loop3A_439] {strides = array<i32>} : memref<30720xf32, #tpu.memory_space<vmem>>, vector<16xf32>,
      %parallel_loop3A_441 = vector.shape_cast %parallel_loop3A_440 : vector<16xf32> to vector<16xf32>
      %parallel_loop3A_442 = vector.shape_cast %parallel_loop3A_438 : vector<16xf32> to vector<16xf32>
      tpu.vector_store %arg6[%parallel_loop3A_439], %parallel_loop3A_442 {strides = array<i32>} : memref<30720xf32, #tpu.memory_space<vmem>>, vector<16xf32>,
      %parallel_loop3A_443 = arith.minimumf %parallel_loop3A_422, %parallel_loop3A_424 : vector<16xf32>
      %parallel_loop3A_444 = arith.index_cast %parallel_loop3A_409 : i32 to index
      %parallel_loop3A_445 = tpu.vector_load %arg6[%parallel_loop3A_444] {strides = array<i32>} : memref<30720xf32, #tpu.memory_space<vmem>>, vector<16xf32>,
      %parallel_loop3A_446 = vector.shape_cast %parallel_loop3A_445 : vector<16xf32> to vector<16xf32>
      %parallel_loop3A_447 = vector.shape_cast %parallel_loop3A_443 : vector<16xf32> to vector<16xf32>
      tpu.vector_store %arg6[%parallel_loop3A_444], %parallel_loop3A_447 {strides = array<i32>} : memref<30720xf32, #tpu.memory_space<vmem>>, vector<16xf32>,
      %parallel_loop3A_448 = arith.constant 32 : i32
      %parallel_loop3A_449 = arith.addi %parallel_loop3A_355, %parallel_loop3A_448 : i32
      %parallel_loop3A_450 = arith.constant 1024 : i32
      %parallel_loop3A_451 = arith.addi %parallel_loop3A_355, %parallel_loop3A_450 : i32
      %parallel_loop3A_452 = arith.constant 1120 : i32
      %parallel_loop3A_453 = arith.addi %parallel_loop3A_355, %parallel_loop3A_452 : i32
      %parallel_loop3A_454 = arith.constant 2112 : i32
      %parallel_loop3A_455 = arith.addi %parallel_loop3A_355, %parallel_loop3A_454 : i32
      %parallel_loop3A_456 = arith.index_cast %parallel_loop3A_449 : i32 to index
      %parallel_loop3A_457 = tpu.vector_load %arg6[%parallel_loop3A_456] {strides = array<i32>} : memref<30720xf32, #tpu.memory_space<vmem>>, vector<16xf32>,
      %parallel_loop3A_458 = vector.shape_cast %parallel_loop3A_457 : vector<16xf32> to vector<16xf32>
      %parallel_loop3A_459 = arith.index_cast %parallel_loop3A_451 : i32 to index
      %parallel_loop3A_460 = tpu.vector_load %arg6[%parallel_loop3A_459] {strides = array<i32>} : memref<30720xf32, #tpu.memory_space<vmem>>, vector<16xf32>,
      %parallel_loop3A_461 = vector.shape_cast %parallel_loop3A_460 : vector<16xf32> to vector<16xf32>
      %parallel_loop3A_462 = arith.index_cast %parallel_loop3A_453 : i32 to index
      %parallel_loop3A_463 = tpu.vector_load %arg6[%parallel_loop3A_462] {strides = array<i32>} : memref<30720xf32, #tpu.memory_space<vmem>>, vector<16xf32>,
      %parallel_loop3A_464 = vector.shape_cast %parallel_loop3A_463 : vector<16xf32> to vector<16xf32>
      %parallel_loop3A_465 = arith.index_cast %parallel_loop3A_455 : i32 to index
      %parallel_loop3A_466 = tpu.vector_load %arg6[%parallel_loop3A_465] {strides = array<i32>} : memref<30720xf32, #tpu.memory_space<vmem>>, vector<16xf32>,
      %parallel_loop3A_467 = vector.shape_cast %parallel_loop3A_466 : vector<16xf32> to vector<16xf32>
      %parallel_loop3A_468 = arith.minimumf %parallel_loop3A_458, %parallel_loop3A_461 : vector<16xf32>
      %parallel_loop3A_469 = arith.maximumf %parallel_loop3A_458, %parallel_loop3A_461 : vector<16xf32>
      %parallel_loop3A_470 = arith.minimumf %parallel_loop3A_464, %parallel_loop3A_467 : vector<16xf32>
      %parallel_loop3A_471 = arith.maximumf %parallel_loop3A_464, %parallel_loop3A_467 : vector<16xf32>
      %parallel_loop3A_472 = arith.minimumf %parallel_loop3A_469, %parallel_loop3A_471 : vector<16xf32>
      %parallel_loop3A_473 = arith.maximumf %parallel_loop3A_468, %parallel_loop3A_470 : vector<16xf32>
      %parallel_loop3A_474 = arith.maximumf %parallel_loop3A_469, %parallel_loop3A_471 : vector<16xf32>
      %parallel_loop3A_475 = arith.index_cast %parallel_loop3A_449 : i32 to index
      %parallel_loop3A_476 = tpu.vector_load %arg6[%parallel_loop3A_475] {strides = array<i32>} : memref<30720xf32, #tpu.memory_space<vmem>>, vector<16xf32>,
      %parallel_loop3A_477 = vector.shape_cast %parallel_loop3A_476 : vector<16xf32> to vector<16xf32>
      %parallel_loop3A_478 = vector.shape_cast %parallel_loop3A_474 : vector<16xf32> to vector<16xf32>
      tpu.vector_store %arg6[%parallel_loop3A_475], %parallel_loop3A_478 {strides = array<i32>} : memref<30720xf32, #tpu.memory_space<vmem>>, vector<16xf32>,
      %parallel_loop3A_479 = arith.maximumf %parallel_loop3A_472, %parallel_loop3A_473 : vector<16xf32>
      %parallel_loop3A_480 = arith.index_cast %parallel_loop3A_451 : i32 to index
      %parallel_loop3A_481 = tpu.vector_load %arg6[%parallel_loop3A_480] {strides = array<i32>} : memref<30720xf32, #tpu.memory_space<vmem>>, vector<16xf32>,
      %parallel_loop3A_482 = vector.shape_cast %parallel_loop3A_481 : vector<16xf32> to vector<16xf32>
      %parallel_loop3A_483 = vector.shape_cast %parallel_loop3A_479 : vector<16xf32> to vector<16xf32>
      tpu.vector_store %arg6[%parallel_loop3A_480], %parallel_loop3A_483 {strides = array<i32>} : memref<30720xf32, #tpu.memory_space<vmem>>, vector<16xf32>,
      %parallel_loop3A_484 = arith.minimumf %parallel_loop3A_472, %parallel_loop3A_473 : vector<16xf32>
      %parallel_loop3A_485 = arith.index_cast %parallel_loop3A_453 : i32 to index
      %parallel_loop3A_486 = tpu.vector_load %arg6[%parallel_loop3A_485] {strides = array<i32>} : memref<30720xf32, #tpu.memory_space<vmem>>, vector<16xf32>,
      %parallel_loop3A_487 = vector.shape_cast %parallel_loop3A_486 : vector<16xf32> to vector<16xf32>
      %parallel_loop3A_488 = vector.shape_cast %parallel_loop3A_484 : vector<16xf32> to vector<16xf32>
      tpu.vector_store %arg6[%parallel_loop3A_485], %parallel_loop3A_488 {strides = array<i32>} : memref<30720xf32, #tpu.memory_space<vmem>>, vector<16xf32>,
      %parallel_loop3A_489 = arith.minimumf %parallel_loop3A_468, %parallel_loop3A_470 : vector<16xf32>
      %parallel_loop3A_490 = arith.index_cast %parallel_loop3A_455 : i32 to index
      %parallel_loop3A_491 = tpu.vector_load %arg6[%parallel_loop3A_490] {strides = array<i32>} : memref<30720xf32, #tpu.memory_space<vmem>>, vector<16xf32>,
      %parallel_loop3A_492 = vector.shape_cast %parallel_loop3A_491 : vector<16xf32> to vector<16xf32>
      %parallel_loop3A_493 = vector.shape_cast %parallel_loop3A_489 : vector<16xf32> to vector<16xf32>
      tpu.vector_store %arg6[%parallel_loop3A_490], %parallel_loop3A_493 {strides = array<i32>} : memref<30720xf32, #tpu.memory_space<vmem>>, vector<16xf32>,
      %parallel_loop3A_494 = arith.constant 48 : i32
      %parallel_loop3A_495 = arith.addi %parallel_loop3A_355, %parallel_loop3A_494 : i32
      %parallel_loop3A_496 = arith.constant 1040 : i32
      %parallel_loop3A_497 = arith.addi %parallel_loop3A_355, %parallel_loop3A_496 : i32
      %parallel_loop3A_498 = arith.constant 1136 : i32
      %parallel_loop3A_499 = arith.addi %parallel_loop3A_355, %parallel_loop3A_498 : i32
      %parallel_loop3A_500 = arith.constant 2128 : i32
      %parallel_loop3A_501 = arith.addi %parallel_loop3A_355, %parallel_loop3A_500 : i32
      %parallel_loop3A_502 = arith.index_cast %parallel_loop3A_495 : i32 to index
      %parallel_loop3A_503 = tpu.vector_load %arg6[%parallel_loop3A_502] {strides = array<i32>} : memref<30720xf32, #tpu.memory_space<vmem>>, vector<16xf32>,
      %parallel_loop3A_504 = vector.shape_cast %parallel_loop3A_503 : vector<16xf32> to vector<16xf32>
      %parallel_loop3A_505 = arith.index_cast %parallel_loop3A_497 : i32 to index
      %parallel_loop3A_506 = tpu.vector_load %arg6[%parallel_loop3A_505] {strides = array<i32>} : memref<30720xf32, #tpu.memory_space<vmem>>, vector<16xf32>,
      %parallel_loop3A_507 = vector.shape_cast %parallel_loop3A_506 : vector<16xf32> to vector<16xf32>
      %parallel_loop3A_508 = arith.index_cast %parallel_loop3A_499 : i32 to index
      %parallel_loop3A_509 = tpu.vector_load %arg6[%parallel_loop3A_508] {strides = array<i32>} : memref<30720xf32, #tpu.memory_space<vmem>>, vector<16xf32>,
      %parallel_loop3A_510 = vector.shape_cast %parallel_loop3A_509 : vector<16xf32> to vector<16xf32>
      %parallel_loop3A_511 = arith.index_cast %parallel_loop3A_501 : i32 to index
      %parallel_loop3A_512 = tpu.vector_load %arg6[%parallel_loop3A_511] {strides = array<i32>} : memref<30720xf32, #tpu.memory_space<vmem>>, vector<16xf32>,
      %parallel_loop3A_513 = vector.shape_cast %parallel_loop3A_512 : vector<16xf32> to vector<16xf32>
      %parallel_loop3A_514 = arith.minimumf %parallel_loop3A_504, %parallel_loop3A_507 : vector<16xf32>
      %parallel_loop3A_515 = arith.maximumf %parallel_loop3A_504, %parallel_loop3A_507 : vector<16xf32>
      %parallel_loop3A_516 = arith.minimumf %parallel_loop3A_510, %parallel_loop3A_513 : vector<16xf32>
      %parallel_loop3A_517 = arith.maximumf %parallel_loop3A_510, %parallel_loop3A_513 : vector<16xf32>
      %parallel_loop3A_518 = arith.minimumf %parallel_loop3A_515, %parallel_loop3A_517 : vector<16xf32>
      %parallel_loop3A_519 = arith.maximumf %parallel_loop3A_514, %parallel_loop3A_516 : vector<16xf32>
      %parallel_loop3A_520 = arith.maximumf %parallel_loop3A_515, %parallel_loop3A_517 : vector<16xf32>
      %parallel_loop3A_521 = arith.index_cast %parallel_loop3A_495 : i32 to index
      %parallel_loop3A_522 = tpu.vector_load %arg6[%parallel_loop3A_521] {strides = array<i32>} : memref<30720xf32, #tpu.memory_space<vmem>>, vector<16xf32>,
      %parallel_loop3A_523 = vector.shape_cast %parallel_loop3A_522 : vector<16xf32> to vector<16xf32>
      %parallel_loop3A_524 = vector.shape_cast %parallel_loop3A_520 : vector<16xf32> to vector<16xf32>
      tpu.vector_store %arg6[%parallel_loop3A_521], %parallel_loop3A_524 {strides = array<i32>} : memref<30720xf32, #tpu.memory_space<vmem>>, vector<16xf32>,
      %parallel_loop3A_525 = arith.maximumf %parallel_loop3A_518, %parallel_loop3A_519 : vector<16xf32>
      %parallel_loop3A_526 = arith.index_cast %parallel_loop3A_497 : i32 to index
      %parallel_loop3A_527 = tpu.vector_load %arg6[%parallel_loop3A_526] {strides = array<i32>} : memref<30720xf32, #tpu.memory_space<vmem>>, vector<16xf32>,
      %parallel_loop3A_528 = vector.shape_cast %parallel_loop3A_527 : vector<16xf32> to vector<16xf32>
      %parallel_loop3A_529 = vector.shape_cast %parallel_loop3A_525 : vector<16xf32> to vector<16xf32>
      tpu.vector_store %arg6[%parallel_loop3A_526], %parallel_loop3A_529 {strides = array<i32>} : memref<30720xf32, #tpu.memory_space<vmem>>, vector<16xf32>,
      %parallel_loop3A_530 = arith.minimumf %parallel_loop3A_518, %parallel_loop3A_519 : vector<16xf32>
      %parallel_loop3A_531 = arith.index_cast %parallel_loop3A_499 : i32 to index
      %parallel_loop3A_532 = tpu.vector_load %arg6[%parallel_loop3A_531] {strides = array<i32>} : memref<30720xf32, #tpu.memory_space<vmem>>, vector<16xf32>,
      %parallel_loop3A_533 = vector.shape_cast %parallel_loop3A_532 : vector<16xf32> to vector<16xf32>
      %parallel_loop3A_534 = vector.shape_cast %parallel_loop3A_530 : vector<16xf32> to vector<16xf32>
      tpu.vector_store %arg6[%parallel_loop3A_531], %parallel_loop3A_534 {strides = array<i32>} : memref<30720xf32, #tpu.memory_space<vmem>>, vector<16xf32>,
      %parallel_loop3A_535 = arith.minimumf %parallel_loop3A_514, %parallel_loop3A_516 : vector<16xf32>
      %parallel_loop3A_536 = arith.index_cast %parallel_loop3A_501 : i32 to index
      %parallel_loop3A_537 = tpu.vector_load %arg6[%parallel_loop3A_536] {strides = array<i32>} : memref<30720xf32, #tpu.memory_space<vmem>>, vector<16xf32>,
      %parallel_loop3A_538 = vector.shape_cast %parallel_loop3A_537 : vector<16xf32> to vector<16xf32>
      %parallel_loop3A_539 = vector.shape_cast %parallel_loop3A_535 : vector<16xf32> to vector<16xf32>
      tpu.vector_store %arg6[%parallel_loop3A_536], %parallel_loop3A_539 {strides = array<i32>} : memref<30720xf32, #tpu.memory_space<vmem>>, vector<16xf32>,
      %parallel_loop3A_540 = arith.constant 64 : i32
      %parallel_loop3A_541 = arith.addi %parallel_loop3A_355, %parallel_loop3A_540 : i32
      %parallel_loop3A_542 = arith.constant 1056 : i32
      %parallel_loop3A_543 = arith.addi %parallel_loop3A_355, %parallel_loop3A_542 : i32
      %parallel_loop3A_544 = arith.constant 2048 : i32
      %parallel_loop3A_545 = arith.addi %parallel_loop3A_355, %parallel_loop3A_544 : i32
      %parallel_loop3A_546 = arith.constant 2144 : i32
      %parallel_loop3A_547 = arith.addi %parallel_loop3A_355, %parallel_loop3A_546 : i32
      %parallel_loop3A_548 = arith.index_cast %parallel_loop3A_541 : i32 to index
      %parallel_loop3A_549 = tpu.vector_load %arg6[%parallel_loop3A_548] {strides = array<i32>} : memref<30720xf32, #tpu.memory_space<vmem>>, vector<16xf32>,
      %parallel_loop3A_550 = vector.shape_cast %parallel_loop3A_549 : vector<16xf32> to vector<16xf32>
      %parallel_loop3A_551 = arith.index_cast %parallel_loop3A_543 : i32 to index
      %parallel_loop3A_552 = tpu.vector_load %arg6[%parallel_loop3A_551] {strides = array<i32>} : memref<30720xf32, #tpu.memory_space<vmem>>, vector<16xf32>,
      %parallel_loop3A_553 = vector.shape_cast %parallel_loop3A_552 : vector<16xf32> to vector<16xf32>
      %parallel_loop3A_554 = arith.index_cast %parallel_loop3A_545 : i32 to index
      %parallel_loop3A_555 = tpu.vector_load %arg6[%parallel_loop3A_554] {strides = array<i32>} : memref<30720xf32, #tpu.memory_space<vmem>>, vector<16xf32>,
      %parallel_loop3A_556 = vector.shape_cast %parallel_loop3A_555 : vector<16xf32> to vector<16xf32>
      %parallel_loop3A_557 = arith.index_cast %parallel_loop3A_547 : i32 to index
      %parallel_loop3A_558 = tpu.vector_load %arg6[%parallel_loop3A_557] {strides = array<i32>} : memref<30720xf32, #tpu.memory_space<vmem>>, vector<16xf32>,
      %parallel_loop3A_559 = vector.shape_cast %parallel_loop3A_558 : vector<16xf32> to vector<16xf32>
      %parallel_loop3A_560 = arith.minimumf %parallel_loop3A_550, %parallel_loop3A_553 : vector<16xf32>
      %parallel_loop3A_561 = arith.maximumf %parallel_loop3A_550, %parallel_loop3A_553 : vector<16xf32>
      %parallel_loop3A_562 = arith.minimumf %parallel_loop3A_556, %parallel_loop3A_559 : vector<16xf32>
      %parallel_loop3A_563 = arith.maximumf %parallel_loop3A_556, %parallel_loop3A_559 : vector<16xf32>
      %parallel_loop3A_564 = arith.minimumf %parallel_loop3A_561, %parallel_loop3A_563 : vector<16xf32>
      %parallel_loop3A_565 = arith.maximumf %parallel_loop3A_560, %parallel_loop3A_562 : vector<16xf32>
      %parallel_loop3A_566 = arith.maximumf %parallel_loop3A_561, %parallel_loop3A_563 : vector<16xf32>
      %parallel_loop3A_567 = arith.index_cast %parallel_loop3A_541 : i32 to index
      %parallel_loop3A_568 = tpu.vector_load %arg6[%parallel_loop3A_567] {strides = array<i32>} : memref<30720xf32, #tpu.memory_space<vmem>>, vector<16xf32>,
      %parallel_loop3A_569 = vector.shape_cast %parallel_loop3A_568 : vector<16xf32> to vector<16xf32>
      %parallel_loop3A_570 = vector.shape_cast %parallel_loop3A_566 : vector<16xf32> to vector<16xf32>
      tpu.vector_store %arg6[%parallel_loop3A_567], %parallel_loop3A_570 {strides = array<i32>} : memref<30720xf32, #tpu.memory_space<vmem>>, vector<16xf32>,
      %parallel_loop3A_571 = arith.maximumf %parallel_loop3A_564, %parallel_loop3A_565 : vector<16xf32>
      %parallel_loop3A_572 = arith.index_cast %parallel_loop3A_543 : i32 to index
      %parallel_loop3A_573 = tpu.vector_load %arg6[%parallel_loop3A_572] {strides = array<i32>} : memref<30720xf32, #tpu.memory_space<vmem>>, vector<16xf32>,
      %parallel_loop3A_574 = vector.shape_cast %parallel_loop3A_573 : vector<16xf32> to vector<16xf32>
      %parallel_loop3A_575 = vector.shape_cast %parallel_loop3A_571 : vector<16xf32> to vector<16xf32>
      tpu.vector_store %arg6[%parallel_loop3A_572], %parallel_loop3A_575 {strides = array<i32>} : memref<30720xf32, #tpu.memory_space<vmem>>, vector<16xf32>,
      %parallel_loop3A_576 = arith.minimumf %parallel_loop3A_564, %parallel_loop3A_565 : vector<16xf32>
      %parallel_loop3A_577 = arith.index_cast %parallel_loop3A_545 : i32 to index
      %parallel_loop3A_578 = tpu.vector_load %arg6[%parallel_loop3A_577] {strides = array<i32>} : memref<30720xf32, #tpu.memory_space<vmem>>, vector<16xf32>,
      %parallel_loop3A_579 = vector.shape_cast %parallel_loop3A_578 : vector<16xf32> to vector<16xf32>
      %parallel_loop3A_580 = vector.shape_cast %parallel_loop3A_576 : vector<16xf32> to vector<16xf32>
      tpu.vector_store %arg6[%parallel_loop3A_577], %parallel_loop3A_580 {strides = array<i32>} : memref<30720xf32, #tpu.memory_space<vmem>>, vector<16xf32>,
      %parallel_loop3A_581 = arith.minimumf %parallel_loop3A_560, %parallel_loop3A_562 : vector<16xf32>
      %parallel_loop3A_582 = arith.index_cast %parallel_loop3A_547 : i32 to index
      %parallel_loop3A_583 = tpu.vector_load %arg6[%parallel_loop3A_582] {strides = array<i32>} : memref<30720xf32, #tpu.memory_space<vmem>>, vector<16xf32>,
      %parallel_loop3A_584 = vector.shape_cast %parallel_loop3A_583 : vector<16xf32> to vector<16xf32>
      %parallel_loop3A_585 = vector.shape_cast %parallel_loop3A_581 : vector<16xf32> to vector<16xf32>
      tpu.vector_store %arg6[%parallel_loop3A_582], %parallel_loop3A_585 {strides = array<i32>} : memref<30720xf32, #tpu.memory_space<vmem>>, vector<16xf32>,
      %parallel_loop3A_586 = arith.constant 80 : i32
      %parallel_loop3A_587 = arith.addi %parallel_loop3A_355, %parallel_loop3A_586 : i32
      %parallel_loop3A_588 = arith.constant 1072 : i32
      %parallel_loop3A_589 = arith.addi %parallel_loop3A_355, %parallel_loop3A_588 : i32
      %parallel_loop3A_590 = arith.constant 2064 : i32
      %parallel_loop3A_591 = arith.addi %parallel_loop3A_355, %parallel_loop3A_590 : i32
      %parallel_loop3A_592 = arith.constant 2160 : i32
      %parallel_loop3A_593 = arith.addi %parallel_loop3A_355, %parallel_loop3A_592 : i32
      %parallel_loop3A_594 = arith.index_cast %parallel_loop3A_587 : i32 to index
      %parallel_loop3A_595 = tpu.vector_load %arg6[%parallel_loop3A_594] {strides = array<i32>} : memref<30720xf32, #tpu.memory_space<vmem>>, vector<16xf32>,
      %parallel_loop3A_596 = vector.shape_cast %parallel_loop3A_595 : vector<16xf32> to vector<16xf32>
      %parallel_loop3A_597 = arith.index_cast %parallel_loop3A_589 : i32 to index
      %parallel_loop3A_598 = tpu.vector_load %arg6[%parallel_loop3A_597] {strides = array<i32>} : memref<30720xf32, #tpu.memory_space<vmem>>, vector<16xf32>,
      %parallel_loop3A_599 = vector.shape_cast %parallel_loop3A_598 : vector<16xf32> to vector<16xf32>
      %parallel_loop3A_600 = arith.index_cast %parallel_loop3A_591 : i32 to index
      %parallel_loop3A_601 = tpu.vector_load %arg6[%parallel_loop3A_600] {strides = array<i32>} : memref<30720xf32, #tpu.memory_space<vmem>>, vector<16xf32>,
      %parallel_loop3A_602 = vector.shape_cast %parallel_loop3A_601 : vector<16xf32> to vector<16xf32>
      %parallel_loop3A_603 = arith.index_cast %parallel_loop3A_593 : i32 to index
      %parallel_loop3A_604 = tpu.vector_load %arg6[%parallel_loop3A_603] {strides = array<i32>} : memref<30720xf32, #tpu.memory_space<vmem>>, vector<16xf32>,
      %parallel_loop3A_605 = vector.shape_cast %parallel_loop3A_604 : vector<16xf32> to vector<16xf32>
      %parallel_loop3A_606 = arith.minimumf %parallel_loop3A_596, %parallel_loop3A_599 : vector<16xf32>
      %parallel_loop3A_607 = arith.maximumf %parallel_loop3A_596, %parallel_loop3A_599 : vector<16xf32>
      %parallel_loop3A_608 = arith.minimumf %parallel_loop3A_602, %parallel_loop3A_605 : vector<16xf32>
      %parallel_loop3A_609 = arith.maximumf %parallel_loop3A_602, %parallel_loop3A_605 : vector<16xf32>
      %parallel_loop3A_610 = arith.minimumf %parallel_loop3A_607, %parallel_loop3A_609 : vector<16xf32>
      %parallel_loop3A_611 = arith.maximumf %parallel_loop3A_606, %parallel_loop3A_608 : vector<16xf32>
      %parallel_loop3A_612 = arith.maximumf %parallel_loop3A_607, %parallel_loop3A_609 : vector<16xf32>
      %parallel_loop3A_613 = arith.index_cast %parallel_loop3A_587 : i32 to index
      %parallel_loop3A_614 = tpu.vector_load %arg6[%parallel_loop3A_613] {strides = array<i32>} : memref<30720xf32, #tpu.memory_space<vmem>>, vector<16xf32>,
      %parallel_loop3A_615 = vector.shape_cast %parallel_loop3A_614 : vector<16xf32> to vector<16xf32>
      %parallel_loop3A_616 = vector.shape_cast %parallel_loop3A_612 : vector<16xf32> to vector<16xf32>
      tpu.vector_store %arg6[%parallel_loop3A_613], %parallel_loop3A_616 {strides = array<i32>} : memref<30720xf32, #tpu.memory_space<vmem>>, vector<16xf32>,
      %parallel_loop3A_617 = arith.maximumf %parallel_loop3A_610, %parallel_loop3A_611 : vector<16xf32>
      %parallel_loop3A_618 = arith.index_cast %parallel_loop3A_589 : i32 to index
      %parallel_loop3A_619 = tpu.vector_load %arg6[%parallel_loop3A_618] {strides = array<i32>} : memref<30720xf32, #tpu.memory_space<vmem>>, vector<16xf32>,
      %parallel_loop3A_620 = vector.shape_cast %parallel_loop3A_619 : vector<16xf32> to vector<16xf32>
      %parallel_loop3A_621 = vector.shape_cast %parallel_loop3A_617 : vector<16xf32> to vector<16xf32>
      tpu.vector_store %arg6[%parallel_loop3A_618], %parallel_loop3A_621 {strides = array<i32>} : memref<30720xf32, #tpu.memory_space<vmem>>, vector<16xf32>,
      %parallel_loop3A_622 = arith.minimumf %parallel_loop3A_610, %parallel_loop3A_611 : vector<16xf32>
      %parallel_loop3A_623 = arith.index_cast %parallel_loop3A_591 : i32 to index
      %parallel_loop3A_624 = tpu.vector_load %arg6[%parallel_loop3A_623] {strides = array<i32>} : memref<30720xf32, #tpu.memory_space<vmem>>, vector<16xf32>,
      %parallel_loop3A_625 = vector.shape_cast %parallel_loop3A_624 : vector<16xf32> to vector<16xf32>
      %parallel_loop3A_626 = vector.shape_cast %parallel_loop3A_622 : vector<16xf32> to vector<16xf32>
      tpu.vector_store %arg6[%parallel_loop3A_623], %parallel_loop3A_626 {strides = array<i32>} : memref<30720xf32, #tpu.memory_space<vmem>>, vector<16xf32>,
      %parallel_loop3A_627 = arith.minimumf %parallel_loop3A_606, %parallel_loop3A_608 : vector<16xf32>
      %parallel_loop3A_628 = arith.index_cast %parallel_loop3A_593 : i32 to index
      %parallel_loop3A_629 = tpu.vector_load %arg6[%parallel_loop3A_628] {strides = array<i32>} : memref<30720xf32, #tpu.memory_space<vmem>>, vector<16xf32>,
      %parallel_loop3A_630 = vector.shape_cast %parallel_loop3A_629 : vector<16xf32> to vector<16xf32>
      %parallel_loop3A_631 = vector.shape_cast %parallel_loop3A_627 : vector<16xf32> to vector<16xf32>
      tpu.vector_store %arg6[%parallel_loop3A_628], %parallel_loop3A_631 {strides = array<i32>} : memref<30720xf32, #tpu.memory_space<vmem>>, vector<16xf32>,
    } {sc.loop_unroll_factor = 1 : i64, sc.parallel_access}
    %add3A_267 = arith.constant 245760 : i32
    %add3A_268 = arith.addi %mul3A_2, %add3A_267 : i32
    %dma_start3A_269 = arith.constant 0 : i32
    %dma_start3A_270 = tpu.memref_slice %arg6[%dma_start3A_269] : memref<30720xf32, #tpu.memory_space<vmem>> -> memref<30720xf32, #tpu.memory_space<vmem>>
    %dma_start3A_271 = tpu.memref_slice %arg3[%add3A_268] : memref<9633792xf32, #tpu.memory_space<hbm>> -> memref<30720xf32, #tpu.memory_space<hbm>>
    %dma_start3A_272 = tpu.memref_slice %arg3[%add3A_268] : memref<9633792xf32, #tpu.memory_space<hbm>> -> memref<30720xf32, #tpu.memory_space<hbm>>
    %dma_start3A_273 = arith.constant 0 : i32
    %dma_start3A_274 = tpu.memref_slice %arg6[%dma_start3A_273] : memref<30720xf32, #tpu.memory_space<vmem>> -> memref<30720xf32, #tpu.memory_space<vmem>>
    tpu.enqueue_dma source(%dma_start3A_274 : memref<30720xf32, #tpu.memory_space<vmem>>) target(%dma_start3A_272 : memref<30720xf32, #tpu.memory_space<hbm>>) target_semaphore(%arg12 : memref<!tpu.dma_semaphore, #tpu.memory_space<semaphore_mem>>)
    %dma_wait3A_275 = arith.constant 0 : i32
    %dma_wait3A_276 = tpu.memref_slice %arg4[%dma_wait3A_275] : memref<30720xf32, #tpu.memory_space<vmem>> -> memref<24576xf32, #tpu.memory_space<vmem>>
    %dma_wait3A_277 = tpu.memref_slice %arg2[%add3A_251] : memref<9633792xf32, #tpu.memory_space<hbm>> -> memref<24576xf32, #tpu.memory_space<hbm>>
    %dma_wait3A_278 = arith.constant 0 : i32
    %dma_wait3A_279 = tpu.memref_slice %arg4[%dma_wait3A_278] : memref<30720xf32, #tpu.memory_space<vmem>> -> memref<24576xf32, #tpu.memory_space<vmem>>
    %dma_wait3A_280 = tpu.memref_slice %arg2[%add3A_251] : memref<9633792xf32, #tpu.memory_space<hbm>> -> memref<24576xf32, #tpu.memory_space<hbm>>
    tpu.wait_dma2 semaphore(%arg7 : memref<!tpu.dma_semaphore, #tpu.memory_space<semaphore_mem>>) src(%dma_wait3A_280 : memref<24576xf32, #tpu.memory_space<hbm>>) dst(%dma_wait3A_279 : memref<24576xf32, #tpu.memory_space<vmem>>)
    %parallel_loop3A_281 = arith.constant 0 : i32
    %parallel_loop3A_282 = arith.constant 64 : i32
    %parallel_loop3A_283 = arith.constant 1 : i32
    scf.for %parallel_loop3A_310 = %parallel_loop3A_281 to %parallel_loop3A_282 step %parallel_loop3A_283  : i32 {
      %parallel_loop3A_311 = arith.constant 8 : i32
      %parallel_loop3A_312 = arith.divsi %parallel_loop3A_310, %parallel_loop3A_311 : i32
      %parallel_loop3A_313 = arith.constant 0 : i32
      %parallel_loop3A_314 = arith.cmpi sgt, %parallel_loop3A_310, %parallel_loop3A_313 : i32
      %parallel_loop3A_315 = arith.extui %parallel_loop3A_314 : i1 to i32
      %parallel_loop3A_316 = arith.constant 0 : i32
      %parallel_loop3A_317 = arith.cmpi slt, %parallel_loop3A_310, %parallel_loop3A_316 : i32
      %parallel_loop3A_318 = arith.extui %parallel_loop3A_317 : i1 to i32
      %parallel_loop3A_319 = arith.subi %parallel_loop3A_315, %parallel_loop3A_318 : i32
      %parallel_loop3A_320 = arith.constant 0 : i32
      %parallel_loop3A_321 = arith.cmpi sgt, %parallel_loop3A_311, %parallel_loop3A_320 : i32
      %parallel_loop3A_322 = arith.extui %parallel_loop3A_321 : i1 to i32
      %parallel_loop3A_323 = arith.constant 0 : i32
      %parallel_loop3A_324 = arith.cmpi slt, %parallel_loop3A_311, %parallel_loop3A_323 : i32
      %parallel_loop3A_325 = arith.extui %parallel_loop3A_324 : i1 to i32
      %parallel_loop3A_326 = arith.subi %parallel_loop3A_322, %parallel_loop3A_325 : i32
      %parallel_loop3A_327 = arith.cmpi ne, %parallel_loop3A_319, %parallel_loop3A_326 : i32
      %parallel_loop3A_328 = arith.remsi %parallel_loop3A_310, %parallel_loop3A_311 : i32
      %parallel_loop3A_329 = arith.constant 0 : i32
      %parallel_loop3A_330 = arith.cmpi ne, %parallel_loop3A_328, %parallel_loop3A_329 : i32
      %parallel_loop3A_331 = arith.andi %parallel_loop3A_327, %parallel_loop3A_330 : i1
      %parallel_loop3A_332 = arith.constant 1 : i32
      %parallel_loop3A_333 = arith.subi %parallel_loop3A_312, %parallel_loop3A_332 : i32
      %parallel_loop3A_334 = arith.select %parallel_loop3A_331, %parallel_loop3A_333, %parallel_loop3A_312 : i32
      %parallel_loop3A_335 = arith.constant 3072 : i32
      %parallel_loop3A_336 = arith.muli %parallel_loop3A_334, %parallel_loop3A_335 : i32
      %parallel_loop3A_337 = arith.constant 8 : i32
      %parallel_loop3A_338 = arith.constant 0 : i32
      %parallel_loop3A_339 = arith.cmpi eq, %parallel_loop3A_337, %parallel_loop3A_338 : i32
      %parallel_loop3A_340 = arith.constant 1 : i32
      %parallel_loop3A_341 = arith.select %parallel_loop3A_339, %parallel_loop3A_340, %parallel_loop3A_337 : i32
      %parallel_loop3A_342 = arith.remsi %parallel_loop3A_310, %parallel_loop3A_341 : i32
      %parallel_loop3A_343 = arith.constant 0 : i32
      %parallel_loop3A_344 = arith.cmpi ne, %parallel_loop3A_342, %parallel_loop3A_343 : i32
      %parallel_loop3A_345 = arith.constant 0 : i32
      %parallel_loop3A_346 = arith.cmpi slt, %parallel_loop3A_342, %parallel_loop3A_345 : i32
      %parallel_loop3A_347 = arith.constant 0 : i32
      %parallel_loop3A_348 = arith.cmpi slt, %parallel_loop3A_341, %parallel_loop3A_347 : i32
      %parallel_loop3A_349 = arith.xori %parallel_loop3A_346, %parallel_loop3A_348 : i1
      %parallel_loop3A_350 = arith.andi %parallel_loop3A_349, %parallel_loop3A_344 : i1
      %parallel_loop3A_351 = arith.addi %parallel_loop3A_342, %parallel_loop3A_341 : i32
      %parallel_loop3A_352 = arith.select %parallel_loop3A_350, %parallel_loop3A_351, %parallel_loop3A_342 : i32
      %parallel_loop3A_353 = arith.constant 128 : i32
      %parallel_loop3A_354 = arith.muli %parallel_loop3A_352, %parallel_loop3A_353 : i32
      %parallel_loop3A_355 = arith.addi %parallel_loop3A_336, %parallel_loop3A_354 : i32
      %parallel_loop3A_356 = arith.constant 0 : i32
      %parallel_loop3A_357 = arith.addi %parallel_loop3A_355, %parallel_loop3A_356 : i32
      %parallel_loop3A_358 = arith.constant 96 : i32
      %parallel_loop3A_359 = arith.addi %parallel_loop3A_355, %parallel_loop3A_358 : i32
      %parallel_loop3A_360 = arith.constant 1088 : i32
      %parallel_loop3A_361 = arith.addi %parallel_loop3A_355, %parallel_loop3A_360 : i32
      %parallel_loop3A_362 = arith.constant 2080 : i32
      %parallel_loop3A_363 = arith.addi %parallel_loop3A_355, %parallel_loop3A_362 : i32
      %parallel_loop3A_364 = arith.index_cast %parallel_loop3A_357 : i32 to index
      %parallel_loop3A_365 = tpu.vector_load %arg4[%parallel_loop3A_364] {strides = array<i32>} : memref<30720xf32, #tpu.memory_space<vmem>>, vector<16xf32>,
      %parallel_loop3A_366 = vector.shape_cast %parallel_loop3A_365 : vector<16xf32> to vector<16xf32>
      %parallel_loop3A_367 = arith.index_cast %parallel_loop3A_359 : i32 to index
      %parallel_loop3A_368 = tpu.vector_load %arg4[%parallel_loop3A_367] {strides = array<i32>} : memref<30720xf32, #tpu.memory_space<vmem>>, vector<16xf32>,
      %parallel_loop3A_369 = vector.shape_cast %parallel_loop3A_368 : vector<16xf32> to vector<16xf32>
      %parallel_loop3A_370 = arith.index_cast %parallel_loop3A_361 : i32 to index
      %parallel_loop3A_371 = tpu.vector_load %arg4[%parallel_loop3A_370] {strides = array<i32>} : memref<30720xf32, #tpu.memory_space<vmem>>, vector<16xf32>,
      %parallel_loop3A_372 = vector.shape_cast %parallel_loop3A_371 : vector<16xf32> to vector<16xf32>
      %parallel_loop3A_373 = arith.index_cast %parallel_loop3A_363 : i32 to index
      %parallel_loop3A_374 = tpu.vector_load %arg4[%parallel_loop3A_373] {strides = array<i32>} : memref<30720xf32, #tpu.memory_space<vmem>>, vector<16xf32>,
      %parallel_loop3A_375 = vector.shape_cast %parallel_loop3A_374 : vector<16xf32> to vector<16xf32>
      %parallel_loop3A_376 = arith.minimumf %parallel_loop3A_366, %parallel_loop3A_369 : vector<16xf32>
      %parallel_loop3A_377 = arith.maximumf %parallel_loop3A_366, %parallel_loop3A_369 : vector<16xf32>
      %parallel_loop3A_378 = arith.minimumf %parallel_loop3A_372, %parallel_loop3A_375 : vector<16xf32>
      %parallel_loop3A_379 = arith.maximumf %parallel_loop3A_372, %parallel_loop3A_375 : vector<16xf32>
      %parallel_loop3A_380 = arith.minimumf %parallel_loop3A_377, %parallel_loop3A_379 : vector<16xf32>
      %parallel_loop3A_381 = arith.maximumf %parallel_loop3A_376, %parallel_loop3A_378 : vector<16xf32>
      %parallel_loop3A_382 = arith.maximumf %parallel_loop3A_377, %parallel_loop3A_379 : vector<16xf32>
      %parallel_loop3A_383 = arith.index_cast %parallel_loop3A_357 : i32 to index
      %parallel_loop3A_384 = tpu.vector_load %arg4[%parallel_loop3A_383] {strides = array<i32>} : memref<30720xf32, #tpu.memory_space<vmem>>, vector<16xf32>,
      %parallel_loop3A_385 = vector.shape_cast %parallel_loop3A_384 : vector<16xf32> to vector<16xf32>
      %parallel_loop3A_386 = vector.shape_cast %parallel_loop3A_382 : vector<16xf32> to vector<16xf32>
      tpu.vector_store %arg4[%parallel_loop3A_383], %parallel_loop3A_386 {strides = array<i32>} : memref<30720xf32, #tpu.memory_space<vmem>>, vector<16xf32>,
      %parallel_loop3A_387 = arith.maximumf %parallel_loop3A_380, %parallel_loop3A_381 : vector<16xf32>
      %parallel_loop3A_388 = arith.index_cast %parallel_loop3A_359 : i32 to index
      %parallel_loop3A_389 = tpu.vector_load %arg4[%parallel_loop3A_388] {strides = array<i32>} : memref<30720xf32, #tpu.memory_space<vmem>>, vector<16xf32>,
      %parallel_loop3A_390 = vector.shape_cast %parallel_loop3A_389 : vector<16xf32> to vector<16xf32>
      %parallel_loop3A_391 = vector.shape_cast %parallel_loop3A_387 : vector<16xf32> to vector<16xf32>
      tpu.vector_store %arg4[%parallel_loop3A_388], %parallel_loop3A_391 {strides = array<i32>} : memref<30720xf32, #tpu.memory_space<vmem>>, vector<16xf32>,
      %parallel_loop3A_392 = arith.minimumf %parallel_loop3A_380, %parallel_loop3A_381 : vector<16xf32>
      %parallel_loop3A_393 = arith.index_cast %parallel_loop3A_361 : i32 to index
      %parallel_loop3A_394 = tpu.vector_load %arg4[%parallel_loop3A_393] {strides = array<i32>} : memref<30720xf32, #tpu.memory_space<vmem>>, vector<16xf32>,
      %parallel_loop3A_395 = vector.shape_cast %parallel_loop3A_394 : vector<16xf32> to vector<16xf32>
      %parallel_loop3A_396 = vector.shape_cast %parallel_loop3A_392 : vector<16xf32> to vector<16xf32>
      tpu.vector_store %arg4[%parallel_loop3A_393], %parallel_loop3A_396 {strides = array<i32>} : memref<30720xf32, #tpu.memory_space<vmem>>, vector<16xf32>,
      %parallel_loop3A_397 = arith.minimumf %parallel_loop3A_376, %parallel_loop3A_378 : vector<16xf32>
      %parallel_loop3A_398 = arith.index_cast %parallel_loop3A_363 : i32 to index
      %parallel_loop3A_399 = tpu.vector_load %arg4[%parallel_loop3A_398] {strides = array<i32>} : memref<30720xf32, #tpu.memory_space<vmem>>, vector<16xf32>,
      %parallel_loop3A_400 = vector.shape_cast %parallel_loop3A_399 : vector<16xf32> to vector<16xf32>
      %parallel_loop3A_401 = vector.shape_cast %parallel_loop3A_397 : vector<16xf32> to vector<16xf32>
      tpu.vector_store %arg4[%parallel_loop3A_398], %parallel_loop3A_401 {strides = array<i32>} : memref<30720xf32, #tpu.memory_space<vmem>>, vector<16xf32>,
      %parallel_loop3A_402 = arith.constant 16 : i32
      %parallel_loop3A_403 = arith.addi %parallel_loop3A_355, %parallel_loop3A_402 : i32
      %parallel_loop3A_404 = arith.constant 112 : i32
      %parallel_loop3A_405 = arith.addi %parallel_loop3A_355, %parallel_loop3A_404 : i32
      %parallel_loop3A_406 = arith.constant 1104 : i32
      %parallel_loop3A_407 = arith.addi %parallel_loop3A_355, %parallel_loop3A_406 : i32
      %parallel_loop3A_408 = arith.constant 2096 : i32
      %parallel_loop3A_409 = arith.addi %parallel_loop3A_355, %parallel_loop3A_408 : i32
      %parallel_loop3A_410 = arith.index_cast %parallel_loop3A_403 : i32 to index
      %parallel_loop3A_411 = tpu.vector_load %arg4[%parallel_loop3A_410] {strides = array<i32>} : memref<30720xf32, #tpu.memory_space<vmem>>, vector<16xf32>,
      %parallel_loop3A_412 = vector.shape_cast %parallel_loop3A_411 : vector<16xf32> to vector<16xf32>
      %parallel_loop3A_413 = arith.index_cast %parallel_loop3A_405 : i32 to index
      %parallel_loop3A_414 = tpu.vector_load %arg4[%parallel_loop3A_413] {strides = array<i32>} : memref<30720xf32, #tpu.memory_space<vmem>>, vector<16xf32>,
      %parallel_loop3A_415 = vector.shape_cast %parallel_loop3A_414 : vector<16xf32> to vector<16xf32>
      %parallel_loop3A_416 = arith.index_cast %parallel_loop3A_407 : i32 to index
      %parallel_loop3A_417 = tpu.vector_load %arg4[%parallel_loop3A_416] {strides = array<i32>} : memref<30720xf32, #tpu.memory_space<vmem>>, vector<16xf32>,
      %parallel_loop3A_418 = vector.shape_cast %parallel_loop3A_417 : vector<16xf32> to vector<16xf32>
      %parallel_loop3A_419 = arith.index_cast %parallel_loop3A_409 : i32 to index
      %parallel_loop3A_420 = tpu.vector_load %arg4[%parallel_loop3A_419] {strides = array<i32>} : memref<30720xf32, #tpu.memory_space<vmem>>, vector<16xf32>,
      %parallel_loop3A_421 = vector.shape_cast %parallel_loop3A_420 : vector<16xf32> to vector<16xf32>
      %parallel_loop3A_422 = arith.minimumf %parallel_loop3A_412, %parallel_loop3A_415 : vector<16xf32>
      %parallel_loop3A_423 = arith.maximumf %parallel_loop3A_412, %parallel_loop3A_415 : vector<16xf32>
      %parallel_loop3A_424 = arith.minimumf %parallel_loop3A_418, %parallel_loop3A_421 : vector<16xf32>
      %parallel_loop3A_425 = arith.maximumf %parallel_loop3A_418, %parallel_loop3A_421 : vector<16xf32>
      %parallel_loop3A_426 = arith.minimumf %parallel_loop3A_423, %parallel_loop3A_425 : vector<16xf32>
      %parallel_loop3A_427 = arith.maximumf %parallel_loop3A_422, %parallel_loop3A_424 : vector<16xf32>
      %parallel_loop3A_428 = arith.maximumf %parallel_loop3A_423, %parallel_loop3A_425 : vector<16xf32>
      %parallel_loop3A_429 = arith.index_cast %parallel_loop3A_403 : i32 to index
      %parallel_loop3A_430 = tpu.vector_load %arg4[%parallel_loop3A_429] {strides = array<i32>} : memref<30720xf32, #tpu.memory_space<vmem>>, vector<16xf32>,
      %parallel_loop3A_431 = vector.shape_cast %parallel_loop3A_430 : vector<16xf32> to vector<16xf32>
      %parallel_loop3A_432 = vector.shape_cast %parallel_loop3A_428 : vector<16xf32> to vector<16xf32>
      tpu.vector_store %arg4[%parallel_loop3A_429], %parallel_loop3A_432 {strides = array<i32>} : memref<30720xf32, #tpu.memory_space<vmem>>, vector<16xf32>,
      %parallel_loop3A_433 = arith.maximumf %parallel_loop3A_426, %parallel_loop3A_427 : vector<16xf32>
      %parallel_loop3A_434 = arith.index_cast %parallel_loop3A_405 : i32 to index
      %parallel_loop3A_435 = tpu.vector_load %arg4[%parallel_loop3A_434] {strides = array<i32>} : memref<30720xf32, #tpu.memory_space<vmem>>, vector<16xf32>,
      %parallel_loop3A_436 = vector.shape_cast %parallel_loop3A_435 : vector<16xf32> to vector<16xf32>
      %parallel_loop3A_437 = vector.shape_cast %parallel_loop3A_433 : vector<16xf32> to vector<16xf32>
      tpu.vector_store %arg4[%parallel_loop3A_434], %parallel_loop3A_437 {strides = array<i32>} : memref<30720xf32, #tpu.memory_space<vmem>>, vector<16xf32>,
      %parallel_loop3A_438 = arith.minimumf %parallel_loop3A_426, %parallel_loop3A_427 : vector<16xf32>
      %parallel_loop3A_439 = arith.index_cast %parallel_loop3A_407 : i32 to index
      %parallel_loop3A_440 = tpu.vector_load %arg4[%parallel_loop3A_439] {strides = array<i32>} : memref<30720xf32, #tpu.memory_space<vmem>>, vector<16xf32>,
      %parallel_loop3A_441 = vector.shape_cast %parallel_loop3A_440 : vector<16xf32> to vector<16xf32>
      %parallel_loop3A_442 = vector.shape_cast %parallel_loop3A_438 : vector<16xf32> to vector<16xf32>
      tpu.vector_store %arg4[%parallel_loop3A_439], %parallel_loop3A_442 {strides = array<i32>} : memref<30720xf32, #tpu.memory_space<vmem>>, vector<16xf32>,
      %parallel_loop3A_443 = arith.minimumf %parallel_loop3A_422, %parallel_loop3A_424 : vector<16xf32>
      %parallel_loop3A_444 = arith.index_cast %parallel_loop3A_409 : i32 to index
      %parallel_loop3A_445 = tpu.vector_load %arg4[%parallel_loop3A_444] {strides = array<i32>} : memref<30720xf32, #tpu.memory_space<vmem>>, vector<16xf32>,
      %parallel_loop3A_446 = vector.shape_cast %parallel_loop3A_445 : vector<16xf32> to vector<16xf32>
      %parallel_loop3A_447 = vector.shape_cast %parallel_loop3A_443 : vector<16xf32> to vector<16xf32>
      tpu.vector_store %arg4[%parallel_loop3A_444], %parallel_loop3A_447 {strides = array<i32>} : memref<30720xf32, #tpu.memory_space<vmem>>, vector<16xf32>,
      %parallel_loop3A_448 = arith.constant 32 : i32
      %parallel_loop3A_449 = arith.addi %parallel_loop3A_355, %parallel_loop3A_448 : i32
      %parallel_loop3A_450 = arith.constant 1024 : i32
      %parallel_loop3A_451 = arith.addi %parallel_loop3A_355, %parallel_loop3A_450 : i32
      %parallel_loop3A_452 = arith.constant 1120 : i32
      %parallel_loop3A_453 = arith.addi %parallel_loop3A_355, %parallel_loop3A_452 : i32
      %parallel_loop3A_454 = arith.constant 2112 : i32
      %parallel_loop3A_455 = arith.addi %parallel_loop3A_355, %parallel_loop3A_454 : i32
      %parallel_loop3A_456 = arith.index_cast %parallel_loop3A_449 : i32 to index
      %parallel_loop3A_457 = tpu.vector_load %arg4[%parallel_loop3A_456] {strides = array<i32>} : memref<30720xf32, #tpu.memory_space<vmem>>, vector<16xf32>,
      %parallel_loop3A_458 = vector.shape_cast %parallel_loop3A_457 : vector<16xf32> to vector<16xf32>
      %parallel_loop3A_459 = arith.index_cast %parallel_loop3A_451 : i32 to index
      %parallel_loop3A_460 = tpu.vector_load %arg4[%parallel_loop3A_459] {strides = array<i32>} : memref<30720xf32, #tpu.memory_space<vmem>>, vector<16xf32>,
      %parallel_loop3A_461 = vector.shape_cast %parallel_loop3A_460 : vector<16xf32> to vector<16xf32>
      %parallel_loop3A_462 = arith.index_cast %parallel_loop3A_453 : i32 to index
      %parallel_loop3A_463 = tpu.vector_load %arg4[%parallel_loop3A_462] {strides = array<i32>} : memref<30720xf32, #tpu.memory_space<vmem>>, vector<16xf32>,
      %parallel_loop3A_464 = vector.shape_cast %parallel_loop3A_463 : vector<16xf32> to vector<16xf32>
      %parallel_loop3A_465 = arith.index_cast %parallel_loop3A_455 : i32 to index
      %parallel_loop3A_466 = tpu.vector_load %arg4[%parallel_loop3A_465] {strides = array<i32>} : memref<30720xf32, #tpu.memory_space<vmem>>, vector<16xf32>,
      %parallel_loop3A_467 = vector.shape_cast %parallel_loop3A_466 : vector<16xf32> to vector<16xf32>
      %parallel_loop3A_468 = arith.minimumf %parallel_loop3A_458, %parallel_loop3A_461 : vector<16xf32>
      %parallel_loop3A_469 = arith.maximumf %parallel_loop3A_458, %parallel_loop3A_461 : vector<16xf32>
      %parallel_loop3A_470 = arith.minimumf %parallel_loop3A_464, %parallel_loop3A_467 : vector<16xf32>
      %parallel_loop3A_471 = arith.maximumf %parallel_loop3A_464, %parallel_loop3A_467 : vector<16xf32>
      %parallel_loop3A_472 = arith.minimumf %parallel_loop3A_469, %parallel_loop3A_471 : vector<16xf32>
      %parallel_loop3A_473 = arith.maximumf %parallel_loop3A_468, %parallel_loop3A_470 : vector<16xf32>
      %parallel_loop3A_474 = arith.maximumf %parallel_loop3A_469, %parallel_loop3A_471 : vector<16xf32>
      %parallel_loop3A_475 = arith.index_cast %parallel_loop3A_449 : i32 to index
      %parallel_loop3A_476 = tpu.vector_load %arg4[%parallel_loop3A_475] {strides = array<i32>} : memref<30720xf32, #tpu.memory_space<vmem>>, vector<16xf32>,
      %parallel_loop3A_477 = vector.shape_cast %parallel_loop3A_476 : vector<16xf32> to vector<16xf32>
      %parallel_loop3A_478 = vector.shape_cast %parallel_loop3A_474 : vector<16xf32> to vector<16xf32>
      tpu.vector_store %arg4[%parallel_loop3A_475], %parallel_loop3A_478 {strides = array<i32>} : memref<30720xf32, #tpu.memory_space<vmem>>, vector<16xf32>,
      %parallel_loop3A_479 = arith.maximumf %parallel_loop3A_472, %parallel_loop3A_473 : vector<16xf32>
      %parallel_loop3A_480 = arith.index_cast %parallel_loop3A_451 : i32 to index
      %parallel_loop3A_481 = tpu.vector_load %arg4[%parallel_loop3A_480] {strides = array<i32>} : memref<30720xf32, #tpu.memory_space<vmem>>, vector<16xf32>,
      %parallel_loop3A_482 = vector.shape_cast %parallel_loop3A_481 : vector<16xf32> to vector<16xf32>
      %parallel_loop3A_483 = vector.shape_cast %parallel_loop3A_479 : vector<16xf32> to vector<16xf32>
      tpu.vector_store %arg4[%parallel_loop3A_480], %parallel_loop3A_483 {strides = array<i32>} : memref<30720xf32, #tpu.memory_space<vmem>>, vector<16xf32>,
      %parallel_loop3A_484 = arith.minimumf %parallel_loop3A_472, %parallel_loop3A_473 : vector<16xf32>
      %parallel_loop3A_485 = arith.index_cast %parallel_loop3A_453 : i32 to index
      %parallel_loop3A_486 = tpu.vector_load %arg4[%parallel_loop3A_485] {strides = array<i32>} : memref<30720xf32, #tpu.memory_space<vmem>>, vector<16xf32>,
      %parallel_loop3A_487 = vector.shape_cast %parallel_loop3A_486 : vector<16xf32> to vector<16xf32>
      %parallel_loop3A_488 = vector.shape_cast %parallel_loop3A_484 : vector<16xf32> to vector<16xf32>
      tpu.vector_store %arg4[%parallel_loop3A_485], %parallel_loop3A_488 {strides = array<i32>} : memref<30720xf32, #tpu.memory_space<vmem>>, vector<16xf32>,
      %parallel_loop3A_489 = arith.minimumf %parallel_loop3A_468, %parallel_loop3A_470 : vector<16xf32>
      %parallel_loop3A_490 = arith.index_cast %parallel_loop3A_455 : i32 to index
      %parallel_loop3A_491 = tpu.vector_load %arg4[%parallel_loop3A_490] {strides = array<i32>} : memref<30720xf32, #tpu.memory_space<vmem>>, vector<16xf32>,
      %parallel_loop3A_492 = vector.shape_cast %parallel_loop3A_491 : vector<16xf32> to vector<16xf32>
      %parallel_loop3A_493 = vector.shape_cast %parallel_loop3A_489 : vector<16xf32> to vector<16xf32>
      tpu.vector_store %arg4[%parallel_loop3A_490], %parallel_loop3A_493 {strides = array<i32>} : memref<30720xf32, #tpu.memory_space<vmem>>, vector<16xf32>,
      %parallel_loop3A_494 = arith.constant 48 : i32
      %parallel_loop3A_495 = arith.addi %parallel_loop3A_355, %parallel_loop3A_494 : i32
      %parallel_loop3A_496 = arith.constant 1040 : i32
      %parallel_loop3A_497 = arith.addi %parallel_loop3A_355, %parallel_loop3A_496 : i32
      %parallel_loop3A_498 = arith.constant 1136 : i32
      %parallel_loop3A_499 = arith.addi %parallel_loop3A_355, %parallel_loop3A_498 : i32
      %parallel_loop3A_500 = arith.constant 2128 : i32
      %parallel_loop3A_501 = arith.addi %parallel_loop3A_355, %parallel_loop3A_500 : i32
      %parallel_loop3A_502 = arith.index_cast %parallel_loop3A_495 : i32 to index
      %parallel_loop3A_503 = tpu.vector_load %arg4[%parallel_loop3A_502] {strides = array<i32>} : memref<30720xf32, #tpu.memory_space<vmem>>, vector<16xf32>,
      %parallel_loop3A_504 = vector.shape_cast %parallel_loop3A_503 : vector<16xf32> to vector<16xf32>
      %parallel_loop3A_505 = arith.index_cast %parallel_loop3A_497 : i32 to index
      %parallel_loop3A_506 = tpu.vector_load %arg4[%parallel_loop3A_505] {strides = array<i32>} : memref<30720xf32, #tpu.memory_space<vmem>>, vector<16xf32>,
      %parallel_loop3A_507 = vector.shape_cast %parallel_loop3A_506 : vector<16xf32> to vector<16xf32>
      %parallel_loop3A_508 = arith.index_cast %parallel_loop3A_499 : i32 to index
      %parallel_loop3A_509 = tpu.vector_load %arg4[%parallel_loop3A_508] {strides = array<i32>} : memref<30720xf32, #tpu.memory_space<vmem>>, vector<16xf32>,
      %parallel_loop3A_510 = vector.shape_cast %parallel_loop3A_509 : vector<16xf32> to vector<16xf32>
      %parallel_loop3A_511 = arith.index_cast %parallel_loop3A_501 : i32 to index
      %parallel_loop3A_512 = tpu.vector_load %arg4[%parallel_loop3A_511] {strides = array<i32>} : memref<30720xf32, #tpu.memory_space<vmem>>, vector<16xf32>,
      %parallel_loop3A_513 = vector.shape_cast %parallel_loop3A_512 : vector<16xf32> to vector<16xf32>
      %parallel_loop3A_514 = arith.minimumf %parallel_loop3A_504, %parallel_loop3A_507 : vector<16xf32>
      %parallel_loop3A_515 = arith.maximumf %parallel_loop3A_504, %parallel_loop3A_507 : vector<16xf32>
      %parallel_loop3A_516 = arith.minimumf %parallel_loop3A_510, %parallel_loop3A_513 : vector<16xf32>
      %parallel_loop3A_517 = arith.maximumf %parallel_loop3A_510, %parallel_loop3A_513 : vector<16xf32>
      %parallel_loop3A_518 = arith.minimumf %parallel_loop3A_515, %parallel_loop3A_517 : vector<16xf32>
      %parallel_loop3A_519 = arith.maximumf %parallel_loop3A_514, %parallel_loop3A_516 : vector<16xf32>
      %parallel_loop3A_520 = arith.maximumf %parallel_loop3A_515, %parallel_loop3A_517 : vector<16xf32>
      %parallel_loop3A_521 = arith.index_cast %parallel_loop3A_495 : i32 to index
      %parallel_loop3A_522 = tpu.vector_load %arg4[%parallel_loop3A_521] {strides = array<i32>} : memref<30720xf32, #tpu.memory_space<vmem>>, vector<16xf32>,
      %parallel_loop3A_523 = vector.shape_cast %parallel_loop3A_522 : vector<16xf32> to vector<16xf32>
      %parallel_loop3A_524 = vector.shape_cast %parallel_loop3A_520 : vector<16xf32> to vector<16xf32>
      tpu.vector_store %arg4[%parallel_loop3A_521], %parallel_loop3A_524 {strides = array<i32>} : memref<30720xf32, #tpu.memory_space<vmem>>, vector<16xf32>,
      %parallel_loop3A_525 = arith.maximumf %parallel_loop3A_518, %parallel_loop3A_519 : vector<16xf32>
      %parallel_loop3A_526 = arith.index_cast %parallel_loop3A_497 : i32 to index
      %parallel_loop3A_527 = tpu.vector_load %arg4[%parallel_loop3A_526] {strides = array<i32>} : memref<30720xf32, #tpu.memory_space<vmem>>, vector<16xf32>,
      %parallel_loop3A_528 = vector.shape_cast %parallel_loop3A_527 : vector<16xf32> to vector<16xf32>
      %parallel_loop3A_529 = vector.shape_cast %parallel_loop3A_525 : vector<16xf32> to vector<16xf32>
      tpu.vector_store %arg4[%parallel_loop3A_526], %parallel_loop3A_529 {strides = array<i32>} : memref<30720xf32, #tpu.memory_space<vmem>>, vector<16xf32>,
      %parallel_loop3A_530 = arith.minimumf %parallel_loop3A_518, %parallel_loop3A_519 : vector<16xf32>
      %parallel_loop3A_531 = arith.index_cast %parallel_loop3A_499 : i32 to index
      %parallel_loop3A_532 = tpu.vector_load %arg4[%parallel_loop3A_531] {strides = array<i32>} : memref<30720xf32, #tpu.memory_space<vmem>>, vector<16xf32>,
      %parallel_loop3A_533 = vector.shape_cast %parallel_loop3A_532 : vector<16xf32> to vector<16xf32>
      %parallel_loop3A_534 = vector.shape_cast %parallel_loop3A_530 : vector<16xf32> to vector<16xf32>
      tpu.vector_store %arg4[%parallel_loop3A_531], %parallel_loop3A_534 {strides = array<i32>} : memref<30720xf32, #tpu.memory_space<vmem>>, vector<16xf32>,
      %parallel_loop3A_535 = arith.minimumf %parallel_loop3A_514, %parallel_loop3A_516 : vector<16xf32>
      %parallel_loop3A_536 = arith.index_cast %parallel_loop3A_501 : i32 to index
      %parallel_loop3A_537 = tpu.vector_load %arg4[%parallel_loop3A_536] {strides = array<i32>} : memref<30720xf32, #tpu.memory_space<vmem>>, vector<16xf32>,
      %parallel_loop3A_538 = vector.shape_cast %parallel_loop3A_537 : vector<16xf32> to vector<16xf32>
      %parallel_loop3A_539 = vector.shape_cast %parallel_loop3A_535 : vector<16xf32> to vector<16xf32>
      tpu.vector_store %arg4[%parallel_loop3A_536], %parallel_loop3A_539 {strides = array<i32>} : memref<30720xf32, #tpu.memory_space<vmem>>, vector<16xf32>,
      %parallel_loop3A_540 = arith.constant 64 : i32
      %parallel_loop3A_541 = arith.addi %parallel_loop3A_355, %parallel_loop3A_540 : i32
      %parallel_loop3A_542 = arith.constant 1056 : i32
      %parallel_loop3A_543 = arith.addi %parallel_loop3A_355, %parallel_loop3A_542 : i32
      %parallel_loop3A_544 = arith.constant 2048 : i32
      %parallel_loop3A_545 = arith.addi %parallel_loop3A_355, %parallel_loop3A_544 : i32
      %parallel_loop3A_546 = arith.constant 2144 : i32
      %parallel_loop3A_547 = arith.addi %parallel_loop3A_355, %parallel_loop3A_546 : i32
      %parallel_loop3A_548 = arith.index_cast %parallel_loop3A_541 : i32 to index
      %parallel_loop3A_549 = tpu.vector_load %arg4[%parallel_loop3A_548] {strides = array<i32>} : memref<30720xf32, #tpu.memory_space<vmem>>, vector<16xf32>,
      %parallel_loop3A_550 = vector.shape_cast %parallel_loop3A_549 : vector<16xf32> to vector<16xf32>
      %parallel_loop3A_551 = arith.index_cast %parallel_loop3A_543 : i32 to index
      %parallel_loop3A_552 = tpu.vector_load %arg4[%parallel_loop3A_551] {strides = array<i32>} : memref<30720xf32, #tpu.memory_space<vmem>>, vector<16xf32>,
      %parallel_loop3A_553 = vector.shape_cast %parallel_loop3A_552 : vector<16xf32> to vector<16xf32>
      %parallel_loop3A_554 = arith.index_cast %parallel_loop3A_545 : i32 to index
      %parallel_loop3A_555 = tpu.vector_load %arg4[%parallel_loop3A_554] {strides = array<i32>} : memref<30720xf32, #tpu.memory_space<vmem>>, vector<16xf32>,
      %parallel_loop3A_556 = vector.shape_cast %parallel_loop3A_555 : vector<16xf32> to vector<16xf32>
      %parallel_loop3A_557 = arith.index_cast %parallel_loop3A_547 : i32 to index
      %parallel_loop3A_558 = tpu.vector_load %arg4[%parallel_loop3A_557] {strides = array<i32>} : memref<30720xf32, #tpu.memory_space<vmem>>, vector<16xf32>,
      %parallel_loop3A_559 = vector.shape_cast %parallel_loop3A_558 : vector<16xf32> to vector<16xf32>
      %parallel_loop3A_560 = arith.minimumf %parallel_loop3A_550, %parallel_loop3A_553 : vector<16xf32>
      %parallel_loop3A_561 = arith.maximumf %parallel_loop3A_550, %parallel_loop3A_553 : vector<16xf32>
      %parallel_loop3A_562 = arith.minimumf %parallel_loop3A_556, %parallel_loop3A_559 : vector<16xf32>
      %parallel_loop3A_563 = arith.maximumf %parallel_loop3A_556, %parallel_loop3A_559 : vector<16xf32>
      %parallel_loop3A_564 = arith.minimumf %parallel_loop3A_561, %parallel_loop3A_563 : vector<16xf32>
      %parallel_loop3A_565 = arith.maximumf %parallel_loop3A_560, %parallel_loop3A_562 : vector<16xf32>
      %parallel_loop3A_566 = arith.maximumf %parallel_loop3A_561, %parallel_loop3A_563 : vector<16xf32>
      %parallel_loop3A_567 = arith.index_cast %parallel_loop3A_541 : i32 to index
      %parallel_loop3A_568 = tpu.vector_load %arg4[%parallel_loop3A_567] {strides = array<i32>} : memref<30720xf32, #tpu.memory_space<vmem>>, vector<16xf32>,
      %parallel_loop3A_569 = vector.shape_cast %parallel_loop3A_568 : vector<16xf32> to vector<16xf32>
      %parallel_loop3A_570 = vector.shape_cast %parallel_loop3A_566 : vector<16xf32> to vector<16xf32>
      tpu.vector_store %arg4[%parallel_loop3A_567], %parallel_loop3A_570 {strides = array<i32>} : memref<30720xf32, #tpu.memory_space<vmem>>, vector<16xf32>,
      %parallel_loop3A_571 = arith.maximumf %parallel_loop3A_564, %parallel_loop3A_565 : vector<16xf32>
      %parallel_loop3A_572 = arith.index_cast %parallel_loop3A_543 : i32 to index
      %parallel_loop3A_573 = tpu.vector_load %arg4[%parallel_loop3A_572] {strides = array<i32>} : memref<30720xf32, #tpu.memory_space<vmem>>, vector<16xf32>,
      %parallel_loop3A_574 = vector.shape_cast %parallel_loop3A_573 : vector<16xf32> to vector<16xf32>
      %parallel_loop3A_575 = vector.shape_cast %parallel_loop3A_571 : vector<16xf32> to vector<16xf32>
      tpu.vector_store %arg4[%parallel_loop3A_572], %parallel_loop3A_575 {strides = array<i32>} : memref<30720xf32, #tpu.memory_space<vmem>>, vector<16xf32>,
      %parallel_loop3A_576 = arith.minimumf %parallel_loop3A_564, %parallel_loop3A_565 : vector<16xf32>
      %parallel_loop3A_577 = arith.index_cast %parallel_loop3A_545 : i32 to index
      %parallel_loop3A_578 = tpu.vector_load %arg4[%parallel_loop3A_577] {strides = array<i32>} : memref<30720xf32, #tpu.memory_space<vmem>>, vector<16xf32>,
      %parallel_loop3A_579 = vector.shape_cast %parallel_loop3A_578 : vector<16xf32> to vector<16xf32>
      %parallel_loop3A_580 = vector.shape_cast %parallel_loop3A_576 : vector<16xf32> to vector<16xf32>
      tpu.vector_store %arg4[%parallel_loop3A_577], %parallel_loop3A_580 {strides = array<i32>} : memref<30720xf32, #tpu.memory_space<vmem>>, vector<16xf32>,
      %parallel_loop3A_581 = arith.minimumf %parallel_loop3A_560, %parallel_loop3A_562 : vector<16xf32>
      %parallel_loop3A_582 = arith.index_cast %parallel_loop3A_547 : i32 to index
      %parallel_loop3A_583 = tpu.vector_load %arg4[%parallel_loop3A_582] {strides = array<i32>} : memref<30720xf32, #tpu.memory_space<vmem>>, vector<16xf32>,
      %parallel_loop3A_584 = vector.shape_cast %parallel_loop3A_583 : vector<16xf32> to vector<16xf32>
      %parallel_loop3A_585 = vector.shape_cast %parallel_loop3A_581 : vector<16xf32> to vector<16xf32>
      tpu.vector_store %arg4[%parallel_loop3A_582], %parallel_loop3A_585 {strides = array<i32>} : memref<30720xf32, #tpu.memory_space<vmem>>, vector<16xf32>,
      %parallel_loop3A_586 = arith.constant 80 : i32
      %parallel_loop3A_587 = arith.addi %parallel_loop3A_355, %parallel_loop3A_586 : i32
      %parallel_loop3A_588 = arith.constant 1072 : i32
      %parallel_loop3A_589 = arith.addi %parallel_loop3A_355, %parallel_loop3A_588 : i32
      %parallel_loop3A_590 = arith.constant 2064 : i32
      %parallel_loop3A_591 = arith.addi %parallel_loop3A_355, %parallel_loop3A_590 : i32
      %parallel_loop3A_592 = arith.constant 2160 : i32
      %parallel_loop3A_593 = arith.addi %parallel_loop3A_355, %parallel_loop3A_592 : i32
      %parallel_loop3A_594 = arith.index_cast %parallel_loop3A_587 : i32 to index
      %parallel_loop3A_595 = tpu.vector_load %arg4[%parallel_loop3A_594] {strides = array<i32>} : memref<30720xf32, #tpu.memory_space<vmem>>, vector<16xf32>,
      %parallel_loop3A_596 = vector.shape_cast %parallel_loop3A_595 : vector<16xf32> to vector<16xf32>
      %parallel_loop3A_597 = arith.index_cast %parallel_loop3A_589 : i32 to index
      %parallel_loop3A_598 = tpu.vector_load %arg4[%parallel_loop3A_597] {strides = array<i32>} : memref<30720xf32, #tpu.memory_space<vmem>>, vector<16xf32>,
      %parallel_loop3A_599 = vector.shape_cast %parallel_loop3A_598 : vector<16xf32> to vector<16xf32>
      %parallel_loop3A_600 = arith.index_cast %parallel_loop3A_591 : i32 to index
      %parallel_loop3A_601 = tpu.vector_load %arg4[%parallel_loop3A_600] {strides = array<i32>} : memref<30720xf32, #tpu.memory_space<vmem>>, vector<16xf32>,
      %parallel_loop3A_602 = vector.shape_cast %parallel_loop3A_601 : vector<16xf32> to vector<16xf32>
      %parallel_loop3A_603 = arith.index_cast %parallel_loop3A_593 : i32 to index
      %parallel_loop3A_604 = tpu.vector_load %arg4[%parallel_loop3A_603] {strides = array<i32>} : memref<30720xf32, #tpu.memory_space<vmem>>, vector<16xf32>,
      %parallel_loop3A_605 = vector.shape_cast %parallel_loop3A_604 : vector<16xf32> to vector<16xf32>
      %parallel_loop3A_606 = arith.minimumf %parallel_loop3A_596, %parallel_loop3A_599 : vector<16xf32>
      %parallel_loop3A_607 = arith.maximumf %parallel_loop3A_596, %parallel_loop3A_599 : vector<16xf32>
      %parallel_loop3A_608 = arith.minimumf %parallel_loop3A_602, %parallel_loop3A_605 : vector<16xf32>
      %parallel_loop3A_609 = arith.maximumf %parallel_loop3A_602, %parallel_loop3A_605 : vector<16xf32>
      %parallel_loop3A_610 = arith.minimumf %parallel_loop3A_607, %parallel_loop3A_609 : vector<16xf32>
      %parallel_loop3A_611 = arith.maximumf %parallel_loop3A_606, %parallel_loop3A_608 : vector<16xf32>
      %parallel_loop3A_612 = arith.maximumf %parallel_loop3A_607, %parallel_loop3A_609 : vector<16xf32>
      %parallel_loop3A_613 = arith.index_cast %parallel_loop3A_587 : i32 to index
      %parallel_loop3A_614 = tpu.vector_load %arg4[%parallel_loop3A_613] {strides = array<i32>} : memref<30720xf32, #tpu.memory_space<vmem>>, vector<16xf32>,
      %parallel_loop3A_615 = vector.shape_cast %parallel_loop3A_614 : vector<16xf32> to vector<16xf32>
      %parallel_loop3A_616 = vector.shape_cast %parallel_loop3A_612 : vector<16xf32> to vector<16xf32>
      tpu.vector_store %arg4[%parallel_loop3A_613], %parallel_loop3A_616 {strides = array<i32>} : memref<30720xf32, #tpu.memory_space<vmem>>, vector<16xf32>,
      %parallel_loop3A_617 = arith.maximumf %parallel_loop3A_610, %parallel_loop3A_611 : vector<16xf32>
      %parallel_loop3A_618 = arith.index_cast %parallel_loop3A_589 : i32 to index
      %parallel_loop3A_619 = tpu.vector_load %arg4[%parallel_loop3A_618] {strides = array<i32>} : memref<30720xf32, #tpu.memory_space<vmem>>, vector<16xf32>,
      %parallel_loop3A_620 = vector.shape_cast %parallel_loop3A_619 : vector<16xf32> to vector<16xf32>
      %parallel_loop3A_621 = vector.shape_cast %parallel_loop3A_617 : vector<16xf32> to vector<16xf32>
      tpu.vector_store %arg4[%parallel_loop3A_618], %parallel_loop3A_621 {strides = array<i32>} : memref<30720xf32, #tpu.memory_space<vmem>>, vector<16xf32>,
      %parallel_loop3A_622 = arith.minimumf %parallel_loop3A_610, %parallel_loop3A_611 : vector<16xf32>
      %parallel_loop3A_623 = arith.index_cast %parallel_loop3A_591 : i32 to index
      %parallel_loop3A_624 = tpu.vector_load %arg4[%parallel_loop3A_623] {strides = array<i32>} : memref<30720xf32, #tpu.memory_space<vmem>>, vector<16xf32>,
      %parallel_loop3A_625 = vector.shape_cast %parallel_loop3A_624 : vector<16xf32> to vector<16xf32>
      %parallel_loop3A_626 = vector.shape_cast %parallel_loop3A_622 : vector<16xf32> to vector<16xf32>
      tpu.vector_store %arg4[%parallel_loop3A_623], %parallel_loop3A_626 {strides = array<i32>} : memref<30720xf32, #tpu.memory_space<vmem>>, vector<16xf32>,
      %parallel_loop3A_627 = arith.minimumf %parallel_loop3A_606, %parallel_loop3A_608 : vector<16xf32>
      %parallel_loop3A_628 = arith.index_cast %parallel_loop3A_593 : i32 to index
      %parallel_loop3A_629 = tpu.vector_load %arg4[%parallel_loop3A_628] {strides = array<i32>} : memref<30720xf32, #tpu.memory_space<vmem>>, vector<16xf32>,
      %parallel_loop3A_630 = vector.shape_cast %parallel_loop3A_629 : vector<16xf32> to vector<16xf32>
      %parallel_loop3A_631 = vector.shape_cast %parallel_loop3A_627 : vector<16xf32> to vector<16xf32>
      tpu.vector_store %arg4[%parallel_loop3A_628], %parallel_loop3A_631 {strides = array<i32>} : memref<30720xf32, #tpu.memory_space<vmem>>, vector<16xf32>,
    } {sc.loop_unroll_factor = 1 : i64, sc.parallel_access}
    %add3A_284 = arith.constant 276480 : i32
    %add3A_285 = arith.addi %mul3A_2, %add3A_284 : i32
    %dma_start3A_286 = arith.constant 0 : i32
    %dma_start3A_287 = tpu.memref_slice %arg4[%dma_start3A_286] : memref<30720xf32, #tpu.memory_space<vmem>> -> memref<24576xf32, #tpu.memory_space<vmem>>
    %dma_start3A_288 = tpu.memref_slice %arg3[%add3A_285] : memref<9633792xf32, #tpu.memory_space<hbm>> -> memref<24576xf32, #tpu.memory_space<hbm>>
    %dma_start3A_289 = tpu.memref_slice %arg3[%add3A_285] : memref<9633792xf32, #tpu.memory_space<hbm>> -> memref<24576xf32, #tpu.memory_space<hbm>>
    %dma_start3A_290 = arith.constant 0 : i32
    %dma_start3A_291 = tpu.memref_slice %arg4[%dma_start3A_290] : memref<30720xf32, #tpu.memory_space<vmem>> -> memref<24576xf32, #tpu.memory_space<vmem>>
    tpu.enqueue_dma source(%dma_start3A_291 : memref<24576xf32, #tpu.memory_space<vmem>>) target(%dma_start3A_289 : memref<24576xf32, #tpu.memory_space<hbm>>) target_semaphore(%arg10 : memref<!tpu.dma_semaphore, #tpu.memory_space<semaphore_mem>>)
    %dma_wait3A_292 = arith.constant 0 : i32
    %dma_wait3A_293 = tpu.memref_slice %arg4[%dma_wait3A_292] : memref<30720xf32, #tpu.memory_space<vmem>> -> memref<24576xf32, #tpu.memory_space<vmem>>
    %dma_wait3A_294 = tpu.memref_slice %arg3[%add3A_285] : memref<9633792xf32, #tpu.memory_space<hbm>> -> memref<24576xf32, #tpu.memory_space<hbm>>
    %dma_wait3A_295 = tpu.memref_slice %arg3[%add3A_285] : memref<9633792xf32, #tpu.memory_space<hbm>> -> memref<24576xf32, #tpu.memory_space<hbm>>
    %dma_wait3A_296 = arith.constant 0 : i32
    %dma_wait3A_297 = tpu.memref_slice %arg4[%dma_wait3A_296] : memref<30720xf32, #tpu.memory_space<vmem>> -> memref<24576xf32, #tpu.memory_space<vmem>>
    tpu.wait_dma2 semaphore(%arg10 : memref<!tpu.dma_semaphore, #tpu.memory_space<semaphore_mem>>) src(%dma_wait3A_297 : memref<24576xf32, #tpu.memory_space<vmem>>) dst(%dma_wait3A_295 : memref<24576xf32, #tpu.memory_space<hbm>>)
    %dma_wait3A_298 = arith.constant 0 : i32
    %dma_wait3A_299 = tpu.memref_slice %arg5[%dma_wait3A_298] : memref<30720xf32, #tpu.memory_space<vmem>> -> memref<30720xf32, #tpu.memory_space<vmem>>
    %dma_wait3A_300 = tpu.memref_slice %arg3[%add3A_237] : memref<9633792xf32, #tpu.memory_space<hbm>> -> memref<30720xf32, #tpu.memory_space<hbm>>
    %dma_wait3A_301 = tpu.memref_slice %arg3[%add3A_237] : memref<9633792xf32, #tpu.memory_space<hbm>> -> memref<30720xf32, #tpu.memory_space<hbm>>
    %dma_wait3A_302 = arith.constant 0 : i32
    %dma_wait3A_303 = tpu.memref_slice %arg5[%dma_wait3A_302] : memref<30720xf32, #tpu.memory_space<vmem>> -> memref<30720xf32, #tpu.memory_space<vmem>>
    tpu.wait_dma2 semaphore(%arg11 : memref<!tpu.dma_semaphore, #tpu.memory_space<semaphore_mem>>) src(%dma_wait3A_303 : memref<30720xf32, #tpu.memory_space<vmem>>) dst(%dma_wait3A_301 : memref<30720xf32, #tpu.memory_space<hbm>>)
    %dma_wait3A_304 = arith.constant 0 : i32
    %dma_wait3A_305 = tpu.memref_slice %arg6[%dma_wait3A_304] : memref<30720xf32, #tpu.memory_space<vmem>> -> memref<30720xf32, #tpu.memory_space<vmem>>
    %dma_wait3A_306 = tpu.memref_slice %arg3[%add3A_268] : memref<9633792xf32, #tpu.memory_space<hbm>> -> memref<30720xf32, #tpu.memory_space<hbm>>
    %dma_wait3A_307 = tpu.memref_slice %arg3[%add3A_268] : memref<9633792xf32, #tpu.memory_space<hbm>> -> memref<30720xf32, #tpu.memory_space<hbm>>
    %dma_wait3A_308 = arith.constant 0 : i32
    %dma_wait3A_309 = tpu.memref_slice %arg6[%dma_wait3A_308] : memref<30720xf32, #tpu.memory_space<vmem>> -> memref<30720xf32, #tpu.memory_space<vmem>>
    tpu.wait_dma2 semaphore(%arg12 : memref<!tpu.dma_semaphore, #tpu.memory_space<semaphore_mem>>) src(%dma_wait3A_309 : memref<30720xf32, #tpu.memory_space<vmem>>) dst(%dma_wait3A_307 : memref<30720xf32, #tpu.memory_space<hbm>>)
    return
  }
}

</mosaic_0001>

<sc_bundles>
// kernel: kernel.3.cloned.1.call-start
scs
__scs_entry_jumppad:
0x0: {  	(pc) =	sbr.rel $0x88, $3  }
0x1: {  	(tag) =	ssettag $0x0;
	lr =	simm.s32 $0x1  }
0x2: {  	[smem:$0x3FA0] =	sst lr;
	_ =	strace $0xD0000000  }
0x3: {  	_ = 	snop  }
0x4: {  	_ = 	snop  }
0x5: {  	_ = 	snop  }
0x6: {  	_ = 	snop  }
0x7: {  	_ = 	snop  }
__scs_overlays_trampoline_lowered:
0x8: {  	[smem:$0x3FAF] =	sst s0  }
0x9: {  	[smem:$0x3FB0] =	sst s1  }
0xa: {  	[smem:$0x3FB1] =	sst s2  }
0xb: {  	[smem:$0x3FB2] =	sst s3  }
0xc: {  	[smem:$0x3FB3] =	sst s4  }
0xd: {  	[smem:$0x3FB4] =	sst s5  }
0xe: {  	[smem:$0x3FB5] =	sst s6  }
0xf: {  	[smem:$0x3FB6] =	sst s7  }
0x10: {  	[smem:$0x3FB7] =	sst s8  }
0x11: {  	[smem:$0x3FB8] =	sst s9;
	s0 =	simm.s32 @!p0 $0x0  }
0x12: {  	s1 =	sld [smem:$0x3F9E];
	s0 =	simm.s32 @p0 $0x1  }
0x13: {  	[smem:$0x3FB9] =	sst s0;
	s0 =	simm.s32 @!p1 $0x0  }
0x14: {  	s2 =	sld [smem:$0x3F9D];
	s0 =	simm.s32 @p1 $0x1  }
0x15: {  	[smem:$0x3FBA] =	sst s0;
	s0 =	simm.s32 @!p2 $0x0  }
0x16: {  	s3 =	sld [smem:$0x3FDB];
	s0 =	simm.s32 @p2 $0x1  }
0x17: {  	s4 =	simm.s32 $0x1BF5;
	[smem:$0x3FBC] =	sst s0  }
0x18: {  	s0 =	sld [smem:$0x3F9F];
	_ =	swait.ge [sflag:s4], $0x0  }
0x19: {  	s7 =	sld [smem:$0x3FA0]  }
0x1a: {  	s8 =	sadd.s32 $0xFFFFE003, lr  }
0x1b: {  	s9 =	sadd.s32 $0xFFFFFEF7, lr;
	s5 =	simm.s32 $0xFFFFFFFF;
	p2 =	slt.u32 s8, $0xFFFFF086  }
0x1c: {  	p1 =	slt.u32 s9, $0xF7A;
	s5 =	simm.s32 @!p2 $0x0  }
0x1d: {  	s5 =	simm.s32 @p1 $0x1;
	p0 =	seq.s32 s7, s2  }
0x1e: {  	s7 =	smul.u32 @!p0 $0xF7A, s2;
	p2 =	seq.s32 @!p0 s5, $0x0  }
0x1f: {  	s9 =	smul.u32 $0xF7A, s1;
	s8 =	simm.s32 @!p0 $0x1BF5;
	p2 =	por !p2, p0  }
0x20: {  	[sflag:s8] =	ssyncset.s32 @!p0 $0xFFFFF086;
	s6 =	sadd.s32 @!p0 s3, s7;
	s7 =	simm.s32 @!p0 $0x108  }
0x21: {  	s3 =	sadd.s32 s3, s9;
	s6 =	sadd.s32 @!p0 $0x88, s6;
	s7 =	simm.s32 @p2 $0x1082  }
0x22: {  	[simem:s7], [sflag:s8] =	dma.local @!p0 [hbm:s6], $0xF7A  }
0x23: {  	s9 =	sor.u32 $0xD0000000, s2;
	s6 =	simm.s32 $0x108;
	_ =	swait.ge @!p0 [sflag:s8], $0x0  }
0x24: {  	s3 =	sadd.s32 $0x88, s3;
	s6 =	simm.s32 @!p1 $0x1082;
	[sflag:s4] =	ssyncset.s32 $0xFFFFF086  }
0x25: {  	[simem:s6], [sflag:s4] =	dma.local [hbm:s3], $0xF7A  }
0x26: {  	[smem:$0x3FA0] =	sst s1;
	(tag) =	ssettag s2;
	_ =	strace s9  }
0x27: {  	s1 =	sld [smem:$0x3FB0]  }
0x28: {  	s2 =	sld [smem:$0x3FB1]  }
0x29: {  	s4 =	sld [smem:$0x3FB3]  }
0x2a: {  	p0 =	seq.s32 s5, $0x0;
	s5 =	sld [smem:$0x3FB4]  }
0x2b: {  	s6 =	sld [smem:$0x3FB5]  }
0x2c: {  	s7 =	sld [smem:$0x3FB6]  }
0x2d: {  	s3 =	simm.s32 $0x108;
	s8 =	sld [smem:$0x3FB7]  }
0x2e: {  	s3 =	simm.s32 @!p0 $0x1082;
	s9 =	sld [smem:$0x3FB8]  }
0x2f: {  	lr =	sadd.s32 s0, s3;
	s0 =	sld [smem:$0x3FAF]  }
0x30: {  	s3 =	sld [smem:$0x3FB2]  }
0x31: {  	[smem:$0x3FBB] =	sst s10  }
0x32: {  	s10 =	sld [smem:$0x3FB9];
	_ =	sdelay $0x3  }
0x33: {  	p0 =	seq.s32 s10, $0x1;
	s10 =	sld [smem:$0x3FBB];
	_ =	sdelay $0x3  }
0x34: {  	[smem:$0x3FBB] =	sst s10  }
0x35: {  	s10 =	sld [smem:$0x3FBA];
	_ =	sdelay $0x3  }
0x36: {  	p1 =	seq.s32 s10, $0x1;
	s10 =	sld [smem:$0x3FBB];
	_ =	sdelay $0x3  }
0x37: {  	[smem:$0x3FBB] =	sst s10  }
0x38: {  	s10 =	sld [smem:$0x3FBC]  }
0x39: {  	_ = 	snop;
	(pc) =	sbr.ind lr, $3  }
0x3a: {  	_ = 	snop  }
0x3b: {  	_ = 	snop  }
0x3c: {  	p2 =	seq.s32 s10, $0x1;
	s10 =	sld [smem:$0x3FBB]  }
0x3d: {  	_ =	shalt  }
0x3e: {  	_ =	shalt  }
0x3f: {  	_ =	shalt  }
0x40: {  	_ =	shalt  }
0x41: {  	_ =	shalt  }
0x42: {  	_ =	shalt  }
0x43: {  	_ =	shalt  }
0x44: {  	_ =	shalt  }
0x45: {  	_ =	shalt  }
0x46: {  	_ =	shalt  }
0x47: {  	_ =	shalt  }
0x48: {  	_ =	shalt  }
0x49: {  	_ =	shalt  }
0x4a: {  	_ =	shalt  }
0x4b: {  	_ =	shalt  }
0x4c: {  	_ =	shalt  }
0x4d: {  	_ =	shalt  }
0x4e: {  	_ =	shalt  }
0x4f: {  	_ =	shalt  }
0x50: {  	_ =	shalt  }
0x51: {  	_ =	shalt  }
0x52: {  	_ =	shalt  }
0x53: {  	_ =	shalt  }
0x54: {  	_ =	shalt  }
0x55: {  	_ =	shalt  }
0x56: {  	_ =	shalt  }
0x57: {  	_ =	shalt  }
0x58: {  	_ =	shalt  }
0x59: {  	_ =	shalt  }
0x5a: {  	_ =	shalt  }
0x5b: {  	_ =	shalt  }
0x5c: {  	_ =	shalt  }
0x5d: {  	_ =	shalt  }
0x5e: {  	_ =	shalt  }
0x5f: {  	_ =	shalt  }
0x60: {  	_ =	shalt  }
0x61: {  	_ =	shalt  }
0x62: {  	_ =	shalt  }
0x63: {  	_ =	shalt  }
0x64: {  	_ =	shalt  }
0x65: {  	_ =	shalt  }
0x66: {  	_ =	shalt  }
0x67: {  	_ =	shalt  }
0x68: {  	_ =	shalt  }
0x69: {  	_ =	shalt  }
0x6a: {  	_ =	shalt  }
0x6b: {  	_ =	shalt  }
0x6c: {  	_ =	shalt  }
0x6d: {  	_ =	shalt  }
0x6e: {  	_ =	shalt  }
0x6f: {  	_ =	shalt  }
0x70: {  	_ =	shalt  }
0x71: {  	_ =	shalt  }
0x72: {  	_ =	shalt  }
0x73: {  	_ =	shalt  }
0x74: {  	_ =	shalt  }
0x75: {  	_ =	shalt  }
0x76: {  	_ =	shalt  }
0x77: {  	_ =	shalt  }
0x78: {  	_ =	shalt  }
0x79: {  	_ =	shalt  }
0x7a: {  	_ =	shalt  }
0x7b: {  	_ =	shalt  }
0x7c: {  	_ =	shalt  }
0x7d: {  	_ =	shalt  }
0x7e: {  	_ =	shalt  }
0x7f: {  	_ =	shalt  }
0x80: {  	_ =	shalt  }
0x81: {  	_ =	shalt  }
0x82: {  	_ =	shalt  }
0x83: {  	_ =	shalt  }
0x84: {  	_ =	shalt  }
0x85: {  	_ =	shalt  }
0x86: {  	_ =	shalt  }
0x87: {  	_ =	shalt  }
.Lfunc_end0:
.L_simem_size_0:
called_computation_lowered:
.L_overlay_start_0:
0x88: {  	s2 =	sld [smem:$0x3FD9]  }
0x89: {  	s3 =	sld [smem:$0x3FFE];
	_ =	sdelay $0x1  }
0x8a: {  	s1 =	srdreg.scid  }
0x8b: {  	s0 =	sand.u32 $0x1, s1  }
0x8c: {  	s18 =	sshll.u32 s0, $0xA;
	s2 =	sadd.s32 s3, s2  }
0x8d: {  	s2 =	sadd.s32 s2, s18  }
0x8e: {  	[smem:$0x3FC7] =	sst s2  }
0x8f: {  	_ = 	snop  }
0x90: {  	s2 =	sld [smem:$0x3FC9]  }
0x91: {  	s19 =	sld [smem:$0x3FD0];
	(tm) =	ssettm $0x1  }
0x92: {  	s4 =	sld [smem:$0x3FFB];
	_ =	sdelay $0x3  }
0x93: {  	_ =	strace s4  }
0x94: {  	s4 =	sld [smem:$0x3FFC];
	_ =	sdelay $0x3  }
0x95: {  	_ =	strace s4  }
0x96: {  	s4 =	sld [smem:$0x3FFD];
	_ =	sdelay $0x3  }
0x97: {  	_ =	strace s4  }
0x98: {  	_ =	strace $0x8FFFFFFF  }
0x99: {  	s20 =	sld [smem:$0x3FDB];
	_ =	sdelay $0x1  }
0x9a: {  	s5 =	simm.s32 $_scs_section_size  }
0x9b: {  	s6 =	simm.s32 $_size__tile_overlayer_lowered;
	s7 =	simm.s32 $_tile_overlayer_lowered  }
0x9c: {  	s23 =	simm.s32 $0x1BFF;
	s22 =	sshll.u32 s7, $0x1;
	s4 =	sadd.s32 s5, s20  }
0x9d: {  	s8 =	simm.s32 $0x0;
	s21 =	sshll.u32 s6, $0x1;
	s6 =	sadd.s32 s22, s4  }
0x9e: {  	[timem:s8], [sflag:s23] =	dma.local [hbm:s6], s21  }
0x9f: {  	_ =	swait.ge [sflag:s23], s21  }
0xa0: {  	s5 =	ssub.s32 $0x0, s21;
	[sflag:s23] =	ssyncset.done $0x0  }
0xa1: {  	[sflag:s23] =	ssyncadd.s32 s5;
	_ =	sdelay $0x1  }
0xa2: {  	s24 =	simm.s32 $0x1B8B  }
0xa3: {  	_ =	swait.ge [sflag:s24], $0x1  }
0xa4: {  	[sflag:s24] =	ssyncset.done $0x0  }
0xa5: {  	s25 =	simm.s32 $0x1B8E;
	[sflag:s24] =	ssyncadd.s32 $0xFFFFFFFF  }
0xa6: {  	s26 =	simm.s32 $execute0_lowered;
	[smem:$0x3FD2] =	sst s25  }
0xa7: {  	s5 =	sshll.u32 s26, $0x1;
	_ =	strace $0x80000046;
	[dreg:$0x1] =	wrdreg $0xFFFFFFFF  }
0xa8: {  	s28 =	simm.s32 $_size_execute0_lowered;
	s4 =	sadd.s32 s4, s5;
	[dreg:$0x0] =	wrdreg $0x0  }
0xa9: {  	s5 =	sshll.u32 s28, $0x1;
	[dreg:$0x2] =	wrdreg s4  }
0xaa: {  	[dreg:$0x3] =	wrdreg s5  }
0xab: {  	[dreg:$0x4] =	wrdreg $0xC0  }
0xac: {  	_ =	task [dreg:s8], $0x5FFFF  }
0xad: {  	[dreg:$0x1] =	wrdreg $0xFFFFFFFF  }
0xae: {  	[dreg:$0x0] =	wrdreg $0x60  }
0xaf: {  	[dreg:$0x2] =	wrdreg s2  }
0xb0: {  	[dreg:$0x3] =	wrdreg s19  }
0xb1: {  	[dreg:$0x4] =	wrdreg $0x9  }
0xb2: {  	_ =	task.clear_ibuf [dreg:s8], $0x5FFFF;
	_ =	strace $0x90000046  }
0xb3: {  	s29 =	simm.s32 $0x9;
	_ =	strace $0x80000048  }
0xb4: {  	_ =	swait.ge [sflag:s29], $0x1  }
0xb5: {  	[sflag:s29] =	ssyncadd.s32 $0xFFFFFFFF  }
0xb6: {  	_ =	strace $0x90000048  }
0xb7: {  	_ =	sfence  }
0xb8: {  	s30 =	sld [smem:$0x0];
	_ =	sdelay $0x2  }
0xb9: {  	s31 =	sshll.u32 s1, $0xD;
	s1 =	sshrl.u32 s1, $0x2  }
0xba: {  	s3 =	sand.u32 $0x4000, s31;
	s1 =	sadd.s32 s1, s30  }
0xbb: {  	s0 =	sor.u32 s3, s0;
	s1 =	sshll.u32 s1, $0x11  }
0xbc: {  	s0 =	sor.u32 s1, s0  }
0xbd: {  	s0 =	sadd.s32 $0x8F2B, s0  }
0xbe: {  	[sflag:s0] =	ssyncadd.remote.s32 $0x1  }
0xbf: {  	_ =	sfence.sel $0xFFFF  }
0xc0: {  	[dreg:$0x0] =	wrdreg $0xFFFFFFFF;
	(pc) =	sbr.abs _section_cstart, $3  }
0xc1: {  	[dreg:$0x1] =	wrdreg $0xFFFFFFFF  }
0xc2: {  	_ =	task.clear_ibuf [dreg:s8], $0x2FFFF;
	_ =	strace $0x9FFFFFFF  }
0xc3: {  	(tm) =	ssettm $0x7FFFFFFF  }
tec
execute0_lowered:
.L_overlay_start_1:
0x0: {  	(tag) =	ssettag $0x1  }
0x1: {  	s0 =	srdreg.scid;
	s1 =	stileid.u32  }
0x2: {  	s3 =	rddreg [dreg:$0x0];
	s0 =	sand.u32 $0x1, s0;
	s1 =	sshll.u32 s1, $0x1  }
0x3: {  	s4 =	rddreg [dreg:$0x1];
	s2 =	simm.s32 $0x0;
	s1 =	sor.u32 s0, s1  }
0x4: {  	s28 =	simm.s32 $0x2;
	s29 =	simm.s32 $0x4;
	s1 =	smul.u32 $0x49800, s1  }
0x5: {  	s30 =	simm.s32 $0x3;
	s31 =	simm.s32 $0x5;
	s0 =	ssub.s32 $0x2, s0  }
0x6: {  	[smem:$0x7FF] =	sst s2;
	s5 =	sshrl.u32 s0, $0x1;
	s1 =	sshrl.u32 s1, $0x3  }
0x7: {  	_ =	strace $0x80000047;
	s0 =	ssub.s32 s0, s5;
	s6 =	sadd.s32 $0xF00, s1  }
0x8: {  	s18 =	sadd.s32 s3, s1;
	s20 =	sadd.s32 s4, s1;
	s21 =	sadd.s32 $0x1E00, s1  }
0x9: {  	s7 =	sadd.s32 $0x2D00, s1;
	s22 =	sadd.s32 $0x3C00, s1;
	s23 =	sadd.s32 $0x4B00, s1  }
0xa: {  	s24 =	sadd.s32 $0x5A00, s1;
	s25 =	sadd.s32 $0x6900, s1;
	s26 =	sadd.s32 $0x7800, s1  }
0xb: {  	s1 =	sadd.s32 $0x8700, s1;
	[dreg:$0x3] =	wrdreg s18;
	s19 =	sadd.s32 s3, s6  }
0xc: {  	[dreg:$0x5] =	wrdreg s20;
	s8 =	sadd.s32 s3, s21;
	s6 =	sadd.s32 s4, s6  }
0xd: {  	s9 =	sadd.s32 s4, s21;
	s10 =	sadd.s32 s3, s22;
	s11 =	sadd.s32 s4, s7  }
0xe: {  	s12 =	sadd.s32 s3, s23;
	s13 =	sadd.s32 s4, s22;
	s14 =	sadd.s32 s3, s24  }
0xf: {  	s15 =	sadd.s32 s4, s23;
	s16 =	sadd.s32 s3, s25;
	s17 =	sadd.s32 s4, s24  }
0x10: {  	s18 =	sadd.s32 s3, s26;
	s20 =	sadd.s32 s3, s1;
	s21 =	sadd.s32 s4, s26  }
0x11: {  	s22 =	sadd.s32 s4, s1;
	s23 =	smax.u32 s0, $0x1;
	[dreg:$0x4] =	wrdreg s19  }
0x12: {  	s24 =	simm.s32 $0x7800;
	s26 =	simm.s32 $0xF000;
	[dreg:$0x6] =	wrdreg s8  }
0x13: {  	s1 =	simm.s32 $0x6;
	s0 =	simm.s32 $0x0;
	[dreg:$0x7] =	wrdreg s6  }
0x14: {  	s8 =	sadd.s32 s3, s7;
	s19 =	sadd.s32 s4, s25;
	s25 =	simm.s32 $0x1  }
.LBB2_1:
0x15: {  	s3 =	rddreg [dreg:$0x3];
	s6 =	simm.s32 $0x0  }
0x16: {  	[tilespmem:s2], [sflag:$0x1] =	stream.linear.gather [hbm4b:s3+s2], $0x7800, $0x38;
	[tilespmem:$0x16800] =	vst v63  }
0x17: {  	s5 =	rddreg [dreg:$0x4];
	s3 =	smul.u32 $0x3000, s6  }
0x18: {  	[tilespmem:s24], [sflag:$0x2] =	stream.linear.gather [hbm4b:s5+s2], $0x7800, $0x38;
	[tilespmem:$0x16800] =	vst v63  }
0x19: {  	_ =	swait.ge [sflag:s25], $0x7800  }
0x1a: {  	s4 =	sand.u32 $0x380, s2;
	s3 =	sshra.s32 s3, $0x2;
	[sflag:s25] =	ssyncset.done $0x0  }
0x1b: {  	s3 =	sor.u32 s4, s3;
	[sflag:s25] =	ssyncadd.s32 $0xFFFF8800  }
0x1c: {  	v0 =	vld [tilespmem:s3+$0x50]  }
0x1d: {  	v1 =	vld [tilespmem:s3+$0x430]  }
0x1e: {  	v2 =	vld [tilespmem:s3+$0x810]  }
0x1f: {  	v3 =	vld [tilespmem:s3+$0x870]  }
0x20: {  	v4 =	vld [tilespmem:s3+$0x0]  }
0x21: {  	v6 =	vld [tilespmem:s3+$0x440]  }
0x22: {  	v7 =	vld [tilespmem:s3+$0x820]  }
0x23: {  	v5 =	vld [tilespmem:s3+$0x60];
	v9 =	vmax.f32 v0, v1  }
0x24: {  	v10 =	vmax.f32 v2, v3;
	v0 =	vmin.f32 v0, v1;
	v1 =	vmin.f32 v2, v3  }
0x25: {  	v8 =	vld [tilespmem:s3+$0x10];
	v2 =	vmax.f32 v9, v10;
	v9 =	vmin.f32 v9, v10;
	v10 =	vmax.f32 v0, v1  }
0x26: {  	v11 =	vld [tilespmem:s3+$0x70];
	[tilespmem:s3+$0x50] =	vst v2;
	v2 =	vmin.f32 v9, v10  }
0x27: {  	v12 =	vld [tilespmem:s3+$0x830];
	v0 =	vmin.f32 v0, v1;
	v1 =	vmax.f32 v6, v7;
	[tilespmem:s3+$0x810] =	vst v2;
	v2 =	vmax.f32 v9, v10  }
0x28: {  	v3 =	vld [tilespmem:s3+$0x450];
	[tilespmem:s3+$0x430] =	vst v2;
	v2 =	vmax.f32 v4, v5;
	v4 =	vmin.f32 v4, v5;
	v5 =	vmin.f32 v6, v7  }
0x29: {  	[tilespmem:s3+$0x870] =	vst v0;
	v9 =	vld [tilespmem:s3+$0x20];
	v6 =	vmax.f32 v2, v1;
	v0 =	vmin.f32 v2, v1;
	v1 =	vmax.f32 v4, v5  }
0x2a: {  	v10 =	vld [tilespmem:s3+$0x400];
	[tilespmem:s3+$0x0] =	vst v6;
	v2 =	vmax.f32 v0, v1  }
0x2b: {  	v7 =	vld [tilespmem:s3+$0x840];
	v0 =	vmin.f32 v0, v1;
	[tilespmem:s3+$0x60] =	vst v2  }
0x2c: {  	v6 =	vld [tilespmem:s3+$0x460];
	v1 =	vmax.f32 v8, v11;
	[tilespmem:s3+$0x440] =	vst v0;
	v0 =	vmin.f32 v4, v5  }
0x2d: {  	v4 =	vld [tilespmem:s3+$0x30];
	v2 =	vmax.f32 v3, v12;
	v3 =	vmin.f32 v3, v12;
	[tilespmem:s3+$0x820] =	vst v0;
	v0 =	vmin.f32 v8, v11  }
0x2e: {  	v5 =	vmax.f32 v1, v2;
	v8 =	vld [tilespmem:s3+$0x410];
	v2 =	vmin.f32 v1, v2;
	v11 =	vmax.f32 v0, v3  }
0x2f: {  	v1 =	vld [tilespmem:s3+$0x470];
	[tilespmem:s3+$0x10] =	vst v5;
	v5 =	vmax.f32 v2, v11  }
0x30: {  	s7 =	simm.s32 $0x0;
	v3 =	vmin.f32 v0, v3;
	[tilespmem:s3+$0x70] =	vst v5;
	v5 =	vmin.f32 v2, v11;
	v2 =	vld [tilespmem:s3+$0x850];
	v11 =	vmax.f32 v9, v10  }
0x31: {  	s5 =	smul.u32 $0x3000, s7;
	v0 =	vld [tilespmem:s3+$0x40];
	v63 =	vmax.f32 v6, v7;
	v7 =	vmin.f32 v6, v7;
	[tilespmem:s3+$0x450] =	vst v5;
	v5 =	vmin.f32 v9, v10  }
0x32: {  	s4 =	simm.s32 $0x80;
	[tilespmem:s3+$0x830] =	vst v3;
	v3 =	vld [tilespmem:s3+$0x420];
	v6 =	vmax.f32 v11, v63;
	v9 =	vmin.f32 v11, v63;
	v10 =	vmax.f32 v5, v7  }
0x33: {  	s6 =	sand.u32 $0x380, s4;
	s7 =	sshra.s32 s5, $0x2;
	s5 =	simm.s32 $0x2;
	[tilespmem:s3+$0x20] =	vst v6;
	v6 =	vmin.f32 v4, v8;
	v8 =	vmax.f32 v4, v8;
	v4 =	vld [tilespmem:s3+$0x800];
	v11 =	vmax.f32 v9, v10  }
.LBB2_2:
0x34: {  	p0 =	sne.s32 s5, $0x4F;
	s6 =	sor.u32 s6, s7;
	[tilespmem:s3+$0x400] =	vst v11;
	v9 =	vmin.f32 v9, v10;
	v5 =	vmin.f32 v5, v7;
	v7 =	vld [tilespmem:s3+$0x860]  }
0x35: {  	v10 =	vld [tilespmem:s6+$0x50];
	[tilespmem:s3+$0x460] =	vst v9;
	v9 =	vmin.f32 v1, v2;
	v1 =	vmax.f32 v1, v2  }
0x36: {  	v2 =	vld [tilespmem:s6+$0x430];
	[tilespmem:s3+$0x840] =	vst v5;
	v5 =	vmin.f32 v8, v1;
	v11 =	vmax.f32 v6, v9;
	v1 =	vmax.f32 v8, v1  }
0x37: {  	v8 =	vld [tilespmem:s6+$0x810];
	[tilespmem:s3+$0x30] =	vst v1;
	v1 =	vmax.f32 v5, v11;
	v12 =	vmin.f32 v0, v3;
	v0 =	vmax.f32 v0, v3  }
0x38: {  	v3 =	vld [tilespmem:s6+$0x870];
	[tilespmem:s3+$0x410] =	vst v1;
	v1 =	vmin.f32 v5, v11;
	v5 =	vmin.f32 v6, v9  }
0x39: {  	v6 =	vld [tilespmem:s6+$0x0];
	[tilespmem:s3+$0x470] =	vst v1;
	v1 =	vmin.f32 v4, v7;
	v4 =	vmax.f32 v4, v7  }
0x3a: {  	v7 =	vld [tilespmem:s6+$0x60];
	[tilespmem:s3+$0x850] =	vst v5;
	v5 =	vmin.f32 v0, v4;
	v9 =	vmax.f32 v12, v1;
	v0 =	vmax.f32 v0, v4  }
0x3b: {  	v1 =	vmin.f32 v12, v1;
	v4 =	vld [tilespmem:s6+$0x440];
	[tilespmem:s3+$0x40] =	vst v0;
	v0 =	vmax.f32 v5, v9;
	v5 =	vmin.f32 v5, v9  }
0x3c: {  	v11 =	vmin.f32 v10, v2;
	v9 =	vld [tilespmem:s6+$0x820];
	[tilespmem:s3+$0x420] =	vst v0  }
0x3d: {  	v2 =	vmax.f32 v10, v2;
	v0 =	vld [tilespmem:s6+$0x10];
	v10 =	vmin.f32 v8, v3;
	v3 =	vmax.f32 v8, v3;
	[tilespmem:s3+$0x800] =	vst v5  }
0x3e: {  	v5 =	vld [tilespmem:s6+$0x70];
	v8 =	vmin.f32 v2, v3;
	v12 =	vmax.f32 v11, v10;
	v2 =	vmax.f32 v2, v3;
	[tilespmem:s3+$0x860] =	vst v1;
	s3 =	smov.u32 s6  }
0x3f: {  	v1 =	vmin.f32 v6, v7;
	v3 =	vmax.f32 v6, v7;
	v6 =	vld [tilespmem:s3+$0x450];
	[tilespmem:s3+$0x50] =	vst v2;
	v2 =	vmin.f32 v8, v12  }
0x40: {  	v8 =	vmax.f32 v8, v12;
	v7 =	vld [tilespmem:s3+$0x830];
	[tilespmem:s3+$0x810] =	vst v2;
	v2 =	vmin.f32 v11, v10  }
0x41: {  	v10 =	vmin.f32 v4, v9;
	v4 =	vmax.f32 v4, v9;
	v9 =	vld [tilespmem:s3+$0x20];
	[tilespmem:s3+$0x430] =	vst v8  }
0x42: {  	v8 =	vmin.f32 v3, v4;
	v11 =	vmax.f32 v1, v10;
	v3 =	vmax.f32 v3, v4;
	v4 =	vld [tilespmem:s3+$0x400];
	[tilespmem:s3+$0x870] =	vst v2  }
0x43: {  	[tilespmem:s3+$0x0] =	vst v3;
	v2 =	vmax.f32 v8, v11;
	v3 =	vmin.f32 v0, v5;
	v0 =	vmax.f32 v0, v5;
	v12 =	vld [tilespmem:s3+$0x460]  }
0x44: {  	v1 =	vmin.f32 v1, v10;
	[tilespmem:s3+$0x60] =	vst v2;
	v2 =	vmin.f32 v8, v11;
	v8 =	vld [tilespmem:s3+$0x840]  }
0x45: {  	[tilespmem:s3+$0x440] =	vst v2;
	v2 =	vmin.f32 v6, v7;
	v5 =	vmax.f32 v6, v7;
	v13 =	vld [tilespmem:s3+$0x30]  }
0x46: {  	[tilespmem:s3+$0x820] =	vst v1;
	v6 =	vmin.f32 v0, v5;
	v7 =	vmax.f32 v3, v2;
	v0 =	vmax.f32 v0, v5;
	v14 =	vld [tilespmem:s3+$0x410]  }
.Ltmp0:
0x47: {  	[tilespmem:s3+$0x10] =	vst v0;
	v0 =	vmax.f32 v6, v7;
	v5 =	vmin.f32 v9, v4;
	v4 =	vmax.f32 v9, v4;
	v1 =	vld [tilespmem:s3+$0x470];
	(pc) =	sbr.rel @p0 .LBB2_2-.Ltmp0, $4  }
0x48: {  	s6 =	sshrl.u32 s5, $0x3;
	v3 =	vmin.f32 v3, v2;
	[tilespmem:s3+$0x70] =	vst v0;
	v0 =	vmin.f32 v6, v7;
	v2 =	vld [tilespmem:s3+$0x850]  }
0x49: {  	s7 =	smul.u32 $0x3000, s6;
	[tilespmem:s3+$0x450] =	vst v0;
	v7 =	vmin.f32 v12, v8;
	v6 =	vmax.f32 v12, v8;
	v0 =	vld [tilespmem:s3+$0x40]  }
0x4a: {  	s4 =	sadd.s32 $0x80, s4;
	[tilespmem:s3+$0x830] =	vst v3;
	v9 =	vmin.f32 v4, v6;
	v10 =	vmax.f32 v5, v7;
	v4 =	vmax.f32 v4, v6;
	v3 =	vld [tilespmem:s3+$0x420]  }
0x4b: {  	s5 =	sadd.s32 $0x1, s5;
	s6 =	sand.u32 $0x380, s4;
	s7 =	sshra.s32 s7, $0x2;
	[tilespmem:s3+$0x20] =	vst v4;
	v11 =	vmax.f32 v9, v10;
	v6 =	vmin.f32 v13, v14;
	v8 =	vmax.f32 v13, v14;
	v4 =	vld [tilespmem:s3+$0x800]  }
0x4c: {  	[tilespmem:s3+$0x400] =	vst v11;
	s4 =	sor.u32 s6, s7;
	v9 =	vmin.f32 v9, v10;
	v10 =	vld [tilespmem:s3+$0x860]  }
0x4d: {  	v5 =	vmin.f32 v5, v7;
	v7 =	vld [tilespmem:s4+$0x50];
	[tilespmem:s3+$0x460] =	vst v9;
	v9 =	vmin.f32 v1, v2;
	v1 =	vmax.f32 v1, v2  }
0x4e: {  	v2 =	vld [tilespmem:s4+$0x430];
	[tilespmem:s3+$0x840] =	vst v5;
	v5 =	vmin.f32 v8, v1;
	v11 =	vmax.f32 v6, v9;
	v1 =	vmax.f32 v8, v1  }
0x4f: {  	v8 =	vld [tilespmem:s4+$0x810];
	[tilespmem:s3+$0x30] =	vst v1;
	v1 =	vmax.f32 v5, v11  }
0x50: {  	v12 =	vmin.f32 v0, v3;
	v0 =	vmax.f32 v0, v3;
	v3 =	vld [tilespmem:s4+$0x870];
	[tilespmem:s3+$0x410] =	vst v1;
	v1 =	vmin.f32 v5, v11  }
0x51: {  	v5 =	vmin.f32 v6, v9;
	v6 =	vld [tilespmem:s4+$0x0];
	[tilespmem:s3+$0x470] =	vst v1;
	v1 =	vmin.f32 v4, v10;
	v4 =	vmax.f32 v4, v10  }
0x52: {  	v9 =	vld [tilespmem:s4+$0x60];
	[tilespmem:s3+$0x850] =	vst v5;
	v5 =	vmin.f32 v0, v4;
	v0 =	vmax.f32 v0, v4  }
0x53: {  	v10 =	vmax.f32 v12, v1;
	v4 =	vld [tilespmem:s4+$0x440];
	v1 =	vmin.f32 v12, v1;
	[tilespmem:s3+$0x40] =	vst v0  }
0x54: {  	v11 =	vmin.f32 v7, v2;
	v0 =	vmax.f32 v5, v10;
	v5 =	vmin.f32 v5, v10;
	v10 =	vld [tilespmem:s4+$0x820];
	[tilespmem:s3+$0x860] =	vst v1  }
0x55: {  	v2 =	vmax.f32 v7, v2;
	[tilespmem:s3+$0x420] =	vst v0;
	v0 =	vld [tilespmem:s4+$0x10];
	v7 =	vmin.f32 v8, v3;
	v3 =	vmax.f32 v8, v3  }
0x56: {  	[tilespmem:s3+$0x800] =	vst v5;
	v5 =	vld [tilespmem:s4+$0x70];
	v8 =	vmin.f32 v2, v3;
	v59 =	vmax.f32 v11, v7;
	v2 =	vmax.f32 v2, v3  }
0x57: {  	v1 =	vld [tilespmem:s4+$0x450];
	[tilespmem:s4+$0x50] =	vst v2;
	v2 =	vmin.f32 v8, v59  }
0x58: {  	v3 =	vmin.f32 v6, v9;
	v6 =	vmax.f32 v6, v9;
	v9 =	vld [tilespmem:s4+$0x830];
	v8 =	vmax.f32 v8, v59;
	[tilespmem:s4+$0x810] =	vst v2  }
0x59: {  	v2 =	vmin.f32 v11, v7;
	[tilespmem:s4+$0x430] =	vst v8;
	v7 =	vmin.f32 v4, v10;
	v4 =	vmax.f32 v4, v10;
	v10 =	vld [tilespmem:s4+$0x20]  }
0x5a: {  	[tilespmem:s4+$0x870] =	vst v2;
	v8 =	vmin.f32 v6, v4;
	v11 =	vmax.f32 v3, v7;
	v4 =	vmax.f32 v6, v4;
	v6 =	vld [tilespmem:s4+$0x400]  }
0x5b: {  	v60 =	vmin.f32 v0, v5;
	v0 =	vmax.f32 v0, v5;
	v5 =	vld [tilespmem:s4+$0x840];
	[tilespmem:s4+$0x0] =	vst v4;
	v2 =	vmax.f32 v8, v11  }
0x5c: {  	v4 =	vld [tilespmem:s4+$0x460];
	[tilespmem:s4+$0x60] =	vst v2;
	v2 =	vmin.f32 v8, v11  }
0x5d: {  	v3 =	vmin.f32 v3, v7;
	v7 =	vld [tilespmem:s4+$0x30];
	[tilespmem:s4+$0x440] =	vst v2;
	v2 =	vmin.f32 v1, v9;
	v1 =	vmax.f32 v1, v9  }
0x5e: {  	[tilespmem:s4+$0x820] =	vst v3;
	v9 =	vld [tilespmem:s4+$0x470];
	v3 =	vmin.f32 v0, v1;
	v8 =	vmax.f32 v60, v2;
	v0 =	vmax.f32 v0, v1  }
0x5f: {  	v1 =	vld [tilespmem:s4+$0x410];
	[tilespmem:s4+$0x10] =	vst v0;
	v0 =	vmax.f32 v3, v8  }
0x60: {  	v2 =	vmin.f32 v60, v2;
	v11 =	vmin.f32 v10, v6;
	[tilespmem:s4+$0x70] =	vst v0;
	v0 =	vmin.f32 v3, v8;
	v3 =	vld [tilespmem:s4+$0x850]  }
0x61: {  	v6 =	vmax.f32 v10, v6;
	v10 =	vld [tilespmem:s4+$0x800];
	[tilespmem:s4+$0x450] =	vst v0;
	v0 =	vmin.f32 v4, v5;
	v4 =	vmax.f32 v4, v5  }
0x62: {  	[tilespmem:s4+$0x830] =	vst v2;
	v5 =	vld [tilespmem:s4+$0x40];
	v2 =	vmin.f32 v6, v4;
	v8 =	vmax.f32 v11, v0;
	v4 =	vmax.f32 v6, v4  }
0x63: {  	v6 =	vld [tilespmem:s4+$0x420];
	[tilespmem:s4+$0x20] =	vst v4;
	v4 =	vmax.f32 v2, v8  }
0x64: {  	v0 =	vmin.f32 v11, v0;
	v61 =	vmin.f32 v7, v1;
	v2 =	vmin.f32 v2, v8;
	[tilespmem:s4+$0x400] =	vst v4;
	v4 =	vld [tilespmem:s4+$0x860]  }
0x65: {  	v1 =	vmax.f32 v7, v1;
	[tilespmem:s4+$0x460] =	vst v2;
	v2 =	vmin.f32 v9, v3;
	v3 =	vmax.f32 v9, v3  }
0x66: {  	[tilespmem:s4+$0x840] =	vst v0;
	v0 =	vmin.f32 v1, v3;
	v7 =	vmax.f32 v61, v2;
	v1 =	vmax.f32 v1, v3  }
0x67: {  	[tilespmem:s4+$0x30] =	vst v1;
	v1 =	vmax.f32 v0, v7  }
0x68: {  	v3 =	vmin.f32 v5, v6;
	v0 =	vmin.f32 v0, v7;
	[tilespmem:s4+$0x410] =	vst v1  }
0x69: {  	v5 =	vmax.f32 v5, v6;
	v1 =	vmin.f32 v61, v2;
	[tilespmem:s4+$0x470] =	vst v0;
	v2 =	vmax.f32 v10, v4  }
0x6a: {  	v0 =	vmin.f32 v10, v4;
	[tilespmem:s4+$0x850] =	vst v1;
	v1 =	vmin.f32 v5, v2;
	v2 =	vmax.f32 v5, v2  }
0x6b: {  	v4 =	vmax.f32 v3, v0;
	v0 =	vmin.f32 v3, v0;
	[tilespmem:s4+$0x40] =	vst v2  }
0x6c: {  	v2 =	vmax.f32 v1, v4;
	[tilespmem:s4+$0x860] =	vst v0  }
0x6d: {  	v1 =	vmin.f32 v1, v4;
	[tilespmem:s4+$0x420] =	vst v2  }
0x6e: {  	[tilespmem:s4+$0x800] =	vst v1  }
0x6f: {  	s7 =	simm.s32 $0x0;
	s6 =	simm.s32 $0x0;
	s4 =	rddreg [dreg:$0x5]  }
0x70: {  	[hbm4b:s4+s7] =	stream.linear.scatter [tilespmem:s7], [sflag:$0x4], $0x7800, $0x38;
	[tilespmem:$0x16800] =	vst v63  }
0x71: {  	s5 =	rddreg [dreg:$0x6];
	s4 =	smul.u32 $0x3000, s6  }
0x72: {  	[tilespmem:s26], [sflag:$0x3] =	stream.linear.gather [hbm4b:s5+s7], $0x7800, $0x38;
	[tilespmem:$0x16800] =	vst v63  }
0x73: {  	_ =	swait.ge [sflag:s28], $0x7800  }
0x74: {  	s3 =	sand.u32 $0x380, s7;
	s4 =	sshra.s32 s4, $0x2;
	[sflag:s28] =	ssyncset.done $0x0  }
0x75: {  	s3 =	sor.u32 s3, s4;
	[sflag:s28] =	ssyncadd.s32 $0xFFFF8800  }
0x76: {  	v0 =	vld [tilespmem:s3+$0x7850]  }
0x77: {  	v1 =	vld [tilespmem:s3+$0x7C30]  }
0x78: {  	v2 =	vld [tilespmem:s3+$0x8010]  }
0x79: {  	v3 =	vld [tilespmem:s3+$0x8070]  }
0x7a: {  	v4 =	vld [tilespmem:s3+$0x7800]  }
0x7b: {  	v6 =	vld [tilespmem:s3+$0x7C40]  }
0x7c: {  	v7 =	vld [tilespmem:s3+$0x8020]  }
0x7d: {  	v5 =	vld [tilespmem:s3+$0x7860];
	v9 =	vmax.f32 v0, v1  }
0x7e: {  	v10 =	vmax.f32 v2, v3;
	v0 =	vmin.f32 v0, v1;
	v1 =	vmin.f32 v2, v3  }
0x7f: {  	v8 =	vld [tilespmem:s3+$0x7810];
	v2 =	vmax.f32 v9, v10;
	v9 =	vmin.f32 v9, v10;
	v10 =	vmax.f32 v0, v1  }
0x80: {  	v11 =	vld [tilespmem:s3+$0x7870];
	[tilespmem:s3+$0x7850] =	vst v2;
	v2 =	vmin.f32 v9, v10  }
0x81: {  	v62 =	vld [tilespmem:s3+$0x8030];
	v0 =	vmin.f32 v0, v1;
	v1 =	vmax.f32 v6, v7;
	[tilespmem:s3+$0x8010] =	vst v2;
	v2 =	vmax.f32 v9, v10  }
0x82: {  	v3 =	vld [tilespmem:s3+$0x7C50];
	[tilespmem:s3+$0x7C30] =	vst v2;
	v2 =	vmax.f32 v4, v5;
	v4 =	vmin.f32 v4, v5;
	v5 =	vmin.f32 v6, v7  }
0x83: {  	[tilespmem:s3+$0x8070] =	vst v0;
	v9 =	vld [tilespmem:s3+$0x7820];
	v6 =	vmax.f32 v2, v1;
	v0 =	vmin.f32 v2, v1;
	v1 =	vmax.f32 v4, v5  }
0x84: {  	v10 =	vld [tilespmem:s3+$0x7C00];
	[tilespmem:s3+$0x7800] =	vst v6;
	v2 =	vmax.f32 v0, v1  }
0x85: {  	v7 =	vld [tilespmem:s3+$0x8040];
	v0 =	vmin.f32 v0, v1;
	[tilespmem:s3+$0x7860] =	vst v2  }
0x86: {  	v6 =	vld [tilespmem:s3+$0x7C60];
	v1 =	vmax.f32 v8, v11;
	[tilespmem:s3+$0x7C40] =	vst v0;
	v0 =	vmin.f32 v4, v5  }
0x87: {  	v4 =	vld [tilespmem:s3+$0x7830];
	v2 =	vmax.f32 v3, v62;
	v3 =	vmin.f32 v3, v62;
	[tilespmem:s3+$0x8020] =	vst v0;
	v0 =	vmin.f32 v8, v11  }
0x88: {  	v5 =	vmax.f32 v1, v2;
	v8 =	vld [tilespmem:s3+$0x7C10];
	v2 =	vmin.f32 v1, v2;
	v11 =	vmax.f32 v0, v3  }
0x89: {  	v1 =	vld [tilespmem:s3+$0x7C70];
	[tilespmem:s3+$0x7810] =	vst v5;
	v5 =	vmax.f32 v2, v11  }
0x8a: {  	s7 =	simm.s32 $0x0;
	v3 =	vmin.f32 v0, v3;
	[tilespmem:s3+$0x7870] =	vst v5;
	v5 =	vmin.f32 v2, v11;
	v2 =	vld [tilespmem:s3+$0x8050];
	v11 =	vmax.f32 v9, v10  }
0x8b: {  	s5 =	smul.u32 $0x3000, s7;
	v0 =	vld [tilespmem:s3+$0x7840];
	v63 =	vmax.f32 v6, v7;
	v7 =	vmin.f32 v6, v7;
	[tilespmem:s3+$0x7C50] =	vst v5;
	v5 =	vmin.f32 v9, v10  }
0x8c: {  	s4 =	simm.s32 $0x80;
	[tilespmem:s3+$0x8030] =	vst v3;
	v3 =	vld [tilespmem:s3+$0x7C20];
	v6 =	vmax.f32 v11, v63;
	v9 =	vmin.f32 v11, v63;
	v10 =	vmax.f32 v5, v7  }
0x8d: {  	s6 =	sand.u32 $0x380, s4;
	s7 =	sshra.s32 s5, $0x2;
	s5 =	simm.s32 $0x2;
	[tilespmem:s3+$0x7820] =	vst v6;
	v6 =	vmin.f32 v4, v8;
	v8 =	vmax.f32 v4, v8;
	v4 =	vld [tilespmem:s3+$0x8000];
	v11 =	vmax.f32 v9, v10  }
.LBB2_4:
0x8e: {  	p0 =	sne.s32 s5, $0x4F;
	s6 =	sor.u32 s6, s7;
	[tilespmem:s3+$0x7C00] =	vst v11;
	v9 =	vmin.f32 v9, v10;
	v5 =	vmin.f32 v5, v7;
	v7 =	vld [tilespmem:s3+$0x8060]  }
0x8f: {  	v10 =	vld [tilespmem:s6+$0x7850];
	[tilespmem:s3+$0x7C60] =	vst v9;
	v9 =	vmin.f32 v1, v2;
	v1 =	vmax.f32 v1, v2  }
0x90: {  	v2 =	vld [tilespmem:s6+$0x7C30];
	[tilespmem:s3+$0x8040] =	vst v5;
	v5 =	vmin.f32 v8, v1;
	v11 =	vmax.f32 v6, v9;
	v1 =	vmax.f32 v8, v1  }
0x91: {  	v8 =	vld [tilespmem:s6+$0x8010];
	[tilespmem:s3+$0x7830] =	vst v1;
	v1 =	vmax.f32 v5, v11;
	v12 =	vmin.f32 v0, v3;
	v0 =	vmax.f32 v0, v3  }
0x92: {  	v3 =	vld [tilespmem:s6+$0x8070];
	[tilespmem:s3+$0x7C10] =	vst v1;
	v1 =	vmin.f32 v5, v11;
	v5 =	vmin.f32 v6, v9  }
0x93: {  	v6 =	vld [tilespmem:s6+$0x7800];
	[tilespmem:s3+$0x7C70] =	vst v1;
	v1 =	vmin.f32 v4, v7;
	v4 =	vmax.f32 v4, v7  }
0x94: {  	v7 =	vld [tilespmem:s6+$0x7860];
	[tilespmem:s3+$0x8050] =	vst v5;
	v5 =	vmin.f32 v0, v4;
	v9 =	vmax.f32 v12, v1;
	v0 =	vmax.f32 v0, v4  }
0x95: {  	v1 =	vmin.f32 v12, v1;
	v4 =	vld [tilespmem:s6+$0x7C40];
	[tilespmem:s3+$0x7840] =	vst v0;
	v0 =	vmax.f32 v5, v9;
	v5 =	vmin.f32 v5, v9  }
0x96: {  	v11 =	vmin.f32 v10, v2;
	v9 =	vld [tilespmem:s6+$0x8020];
	[tilespmem:s3+$0x7C20] =	vst v0  }
0x97: {  	v2 =	vmax.f32 v10, v2;
	v0 =	vld [tilespmem:s6+$0x7810];
	v10 =	vmin.f32 v8, v3;
	v3 =	vmax.f32 v8, v3;
	[tilespmem:s3+$0x8000] =	vst v5  }
0x98: {  	v5 =	vld [tilespmem:s6+$0x7870];
	v8 =	vmin.f32 v2, v3;
	v12 =	vmax.f32 v11, v10;
	v2 =	vmax.f32 v2, v3;
	[tilespmem:s3+$0x8060] =	vst v1;
	s3 =	smov.u32 s6  }
0x99: {  	v1 =	vmin.f32 v6, v7;
	v3 =	vmax.f32 v6, v7;
	v6 =	vld [tilespmem:s3+$0x7C50];
	[tilespmem:s3+$0x7850] =	vst v2;
	v2 =	vmin.f32 v8, v12  }
0x9a: {  	v8 =	vmax.f32 v8, v12;
	v7 =	vld [tilespmem:s3+$0x8030];
	[tilespmem:s3+$0x8010] =	vst v2;
	v2 =	vmin.f32 v11, v10  }
0x9b: {  	v10 =	vmin.f32 v4, v9;
	v4 =	vmax.f32 v4, v9;
	v9 =	vld [tilespmem:s3+$0x7820];
	[tilespmem:s3+$0x7C30] =	vst v8  }
0x9c: {  	v8 =	vmin.f32 v3, v4;
	v11 =	vmax.f32 v1, v10;
	v3 =	vmax.f32 v3, v4;
	v4 =	vld [tilespmem:s3+$0x7C00];
	[tilespmem:s3+$0x8070] =	vst v2  }
0x9d: {  	[tilespmem:s3+$0x7800] =	vst v3;
	v2 =	vmax.f32 v8, v11;
	v3 =	vmin.f32 v0, v5;
	v0 =	vmax.f32 v0, v5;
	v12 =	vld [tilespmem:s3+$0x7C60]  }
0x9e: {  	v1 =	vmin.f32 v1, v10;
	[tilespmem:s3+$0x7860] =	vst v2;
	v2 =	vmin.f32 v8, v11;
	v8 =	vld [tilespmem:s3+$0x8040]  }
0x9f: {  	[tilespmem:s3+$0x7C40] =	vst v2;
	v2 =	vmin.f32 v6, v7;
	v5 =	vmax.f32 v6, v7;
	v13 =	vld [tilespmem:s3+$0x7830]  }
0xa0: {  	[tilespmem:s3+$0x8020] =	vst v1;
	v6 =	vmin.f32 v0, v5;
	v7 =	vmax.f32 v3, v2;
	v0 =	vmax.f32 v0, v5;
	v14 =	vld [tilespmem:s3+$0x7C10]  }
.Ltmp1:
0xa1: {  	[tilespmem:s3+$0x7810] =	vst v0;
	v0 =	vmax.f32 v6, v7;
	v5 =	vmin.f32 v9, v4;
	v4 =	vmax.f32 v9, v4;
	v1 =	vld [tilespmem:s3+$0x7C70];
	(pc) =	sbr.rel @p0 .LBB2_4-.Ltmp1, $4  }
0xa2: {  	s6 =	sshrl.u32 s5, $0x3;
	v3 =	vmin.f32 v3, v2;
	[tilespmem:s3+$0x7870] =	vst v0;
	v0 =	vmin.f32 v6, v7;
	v2 =	vld [tilespmem:s3+$0x8050]  }
0xa3: {  	s7 =	smul.u32 $0x3000, s6;
	[tilespmem:s3+$0x7C50] =	vst v0;
	v7 =	vmin.f32 v12, v8;
	v6 =	vmax.f32 v12, v8;
	v0 =	vld [tilespmem:s3+$0x7840]  }
0xa4: {  	s4 =	sadd.s32 $0x80, s4;
	[tilespmem:s3+$0x8030] =	vst v3;
	v9 =	vmin.f32 v4, v6;
	v10 =	vmax.f32 v5, v7;
	v4 =	vmax.f32 v4, v6;
	v3 =	vld [tilespmem:s3+$0x7C20]  }
0xa5: {  	s5 =	sadd.s32 $0x1, s5;
	s6 =	sand.u32 $0x380, s4;
	s7 =	sshra.s32 s7, $0x2;
	[tilespmem:s3+$0x7820] =	vst v4;
	v11 =	vmax.f32 v9, v10;
	v6 =	vmin.f32 v13, v14;
	v8 =	vmax.f32 v13, v14;
	v4 =	vld [tilespmem:s3+$0x8000]  }
0xa6: {  	[tilespmem:s3+$0x7C00] =	vst v11;
	s4 =	sor.u32 s6, s7;
	v9 =	vmin.f32 v9, v10;
	v10 =	vld [tilespmem:s3+$0x8060]  }
0xa7: {  	v5 =	vmin.f32 v5, v7;
	v7 =	vld [tilespmem:s4+$0x7850];
	[tilespmem:s3+$0x7C60] =	vst v9;
	v9 =	vmin.f32 v1, v2;
	v1 =	vmax.f32 v1, v2  }
0xa8: {  	v2 =	vld [tilespmem:s4+$0x7C30];
	[tilespmem:s3+$0x8040] =	vst v5;
	v5 =	vmin.f32 v8, v1;
	v11 =	vmax.f32 v6, v9;
	v1 =	vmax.f32 v8, v1  }
0xa9: {  	v8 =	vld [tilespmem:s4+$0x8010];
	[tilespmem:s3+$0x7830] =	vst v1;
	v1 =	vmax.f32 v5, v11  }
0xaa: {  	v12 =	vmin.f32 v0, v3;
	v0 =	vmax.f32 v0, v3;
	v3 =	vld [tilespmem:s4+$0x8070];
	[tilespmem:s3+$0x7C10] =	vst v1;
	v1 =	vmin.f32 v5, v11  }
0xab: {  	v5 =	vmin.f32 v6, v9;
	v6 =	vld [tilespmem:s4+$0x7800];
	[tilespmem:s3+$0x7C70] =	vst v1;
	v1 =	vmin.f32 v4, v10;
	v4 =	vmax.f32 v4, v10  }
0xac: {  	v9 =	vld [tilespmem:s4+$0x7860];
	[tilespmem:s3+$0x8050] =	vst v5;
	v5 =	vmin.f32 v0, v4;
	v0 =	vmax.f32 v0, v4  }
0xad: {  	v10 =	vmax.f32 v12, v1;
	v4 =	vld [tilespmem:s4+$0x7C40];
	v1 =	vmin.f32 v12, v1;
	[tilespmem:s3+$0x7840] =	vst v0  }
0xae: {  	v11 =	vmin.f32 v7, v2;
	v0 =	vmax.f32 v5, v10;
	v5 =	vmin.f32 v5, v10;
	v10 =	vld [tilespmem:s4+$0x8020];
	[tilespmem:s3+$0x8060] =	vst v1  }
0xaf: {  	v2 =	vmax.f32 v7, v2;
	[tilespmem:s3+$0x7C20] =	vst v0;
	v0 =	vld [tilespmem:s4+$0x7810];
	v7 =	vmin.f32 v8, v3;
	v3 =	vmax.f32 v8, v3  }
0xb0: {  	[tilespmem:s3+$0x8000] =	vst v5;
	v5 =	vld [tilespmem:s4+$0x7870];
	v8 =	vmin.f32 v2, v3;
	v59 =	vmax.f32 v11, v7;
	v2 =	vmax.f32 v2, v3  }
0xb1: {  	v1 =	vld [tilespmem:s4+$0x7C50];
	[tilespmem:s4+$0x7850] =	vst v2;
	v2 =	vmin.f32 v8, v59  }
0xb2: {  	v3 =	vmin.f32 v6, v9;
	v6 =	vmax.f32 v6, v9;
	v9 =	vld [tilespmem:s4+$0x8030];
	v8 =	vmax.f32 v8, v59;
	[tilespmem:s4+$0x8010] =	vst v2  }
0xb3: {  	v2 =	vmin.f32 v11, v7;
	[tilespmem:s4+$0x7C30] =	vst v8;
	v7 =	vmin.f32 v4, v10;
	v4 =	vmax.f32 v4, v10;
	v10 =	vld [tilespmem:s4+$0x7820]  }
0xb4: {  	[tilespmem:s4+$0x8070] =	vst v2;
	v8 =	vmin.f32 v6, v4;
	v11 =	vmax.f32 v3, v7;
	v4 =	vmax.f32 v6, v4;
	v6 =	vld [tilespmem:s4+$0x7C00]  }
0xb5: {  	v60 =	vmin.f32 v0, v5;
	v0 =	vmax.f32 v0, v5;
	v5 =	vld [tilespmem:s4+$0x8040];
	[tilespmem:s4+$0x7800] =	vst v4;
	v2 =	vmax.f32 v8, v11  }
0xb6: {  	v4 =	vld [tilespmem:s4+$0x7C60];
	[tilespmem:s4+$0x7860] =	vst v2;
	v2 =	vmin.f32 v8, v11  }
0xb7: {  	v3 =	vmin.f32 v3, v7;
	v7 =	vld [tilespmem:s4+$0x7830];
	[tilespmem:s4+$0x7C40] =	vst v2;
	v2 =	vmin.f32 v1, v9;
	v1 =	vmax.f32 v1, v9  }
0xb8: {  	[tilespmem:s4+$0x8020] =	vst v3;
	v9 =	vld [tilespmem:s4+$0x7C70];
	v3 =	vmin.f32 v0, v1;
	v8 =	vmax.f32 v60, v2;
	v0 =	vmax.f32 v0, v1  }
0xb9: {  	v1 =	vld [tilespmem:s4+$0x7C10];
	[tilespmem:s4+$0x7810] =	vst v0;
	v0 =	vmax.f32 v3, v8  }
0xba: {  	v2 =	vmin.f32 v60, v2;
	v11 =	vmin.f32 v10, v6;
	[tilespmem:s4+$0x7870] =	vst v0;
	v0 =	vmin.f32 v3, v8;
	v3 =	vld [tilespmem:s4+$0x8050]  }
0xbb: {  	v6 =	vmax.f32 v10, v6;
	v10 =	vld [tilespmem:s4+$0x8000];
	[tilespmem:s4+$0x7C50] =	vst v0;
	v0 =	vmin.f32 v4, v5;
	v4 =	vmax.f32 v4, v5  }
0xbc: {  	[tilespmem:s4+$0x8030] =	vst v2;
	v5 =	vld [tilespmem:s4+$0x7840];
	v2 =	vmin.f32 v6, v4;
	v8 =	vmax.f32 v11, v0;
	v4 =	vmax.f32 v6, v4  }
0xbd: {  	v6 =	vld [tilespmem:s4+$0x7C20];
	[tilespmem:s4+$0x7820] =	vst v4;
	v4 =	vmax.f32 v2, v8  }
0xbe: {  	v0 =	vmin.f32 v11, v0;
	v61 =	vmin.f32 v7, v1;
	v2 =	vmin.f32 v2, v8;
	[tilespmem:s4+$0x7C00] =	vst v4;
	v4 =	vld [tilespmem:s4+$0x8060]  }
0xbf: {  	v1 =	vmax.f32 v7, v1;
	[tilespmem:s4+$0x7C60] =	vst v2;
	v2 =	vmin.f32 v9, v3;
	v3 =	vmax.f32 v9, v3  }
0xc0: {  	[tilespmem:s4+$0x8040] =	vst v0;
	v0 =	vmin.f32 v1, v3;
	v7 =	vmax.f32 v61, v2;
	v1 =	vmax.f32 v1, v3  }
0xc1: {  	[tilespmem:s4+$0x7830] =	vst v1;
	v1 =	vmax.f32 v0, v7  }
0xc2: {  	v3 =	vmin.f32 v5, v6;
	v0 =	vmin.f32 v0, v7;
	[tilespmem:s4+$0x7C10] =	vst v1  }
0xc3: {  	v5 =	vmax.f32 v5, v6;
	v1 =	vmin.f32 v61, v2;
	[tilespmem:s4+$0x7C70] =	vst v0;
	v2 =	vmax.f32 v10, v4  }
0xc4: {  	v0 =	vmin.f32 v10, v4;
	[tilespmem:s4+$0x8050] =	vst v1;
	v1 =	vmin.f32 v5, v2;
	v2 =	vmax.f32 v5, v2  }
0xc5: {  	v4 =	vmax.f32 v3, v0;
	v0 =	vmin.f32 v3, v0;
	[tilespmem:s4+$0x7840] =	vst v2  }
0xc6: {  	v2 =	vmax.f32 v1, v4;
	[tilespmem:s4+$0x8060] =	vst v0  }
0xc7: {  	v1 =	vmin.f32 v1, v4;
	[tilespmem:s4+$0x7C20] =	vst v2  }
0xc8: {  	[tilespmem:s4+$0x8000] =	vst v1  }
0xc9: {  	s5 =	simm.s32 $0x0;
	s4 =	rddreg [dreg:$0x7]  }
0xca: {  	[hbm4b:s4+s5] =	stream.linear.scatter [tilespmem:s24], [sflag:$0x5], $0x7800, $0x38;
	[tilespmem:$0x16800] =	vst v63  }
0xcb: {  	_ =	swait.ge [sflag:s29], $0x7800  }
0xcc: {  	s6 =	simm.s32 $0x0;
	[sflag:s29] =	ssyncset.done $0x0  }
0xcd: {  	s4 =	smul.u32 $0x3000, s6;
	[sflag:s29] =	ssyncadd.s32 $0xFFFF8800  }
0xce: {  	[tilespmem:s5], [sflag:$0x1] =	stream.linear.gather [hbm4b:s8+s5], $0x7800, $0x38;
	[tilespmem:$0x16800] =	vst v63  }
0xcf: {  	_ =	swait.ge [sflag:s30], $0x7800  }
0xd0: {  	s3 =	sand.u32 $0x380, s5;
	s4 =	sshra.s32 s4, $0x2;
	[sflag:s30] =	ssyncset.done $0x0  }
0xd1: {  	s3 =	sor.u32 s3, s4;
	[sflag:s30] =	ssyncadd.s32 $0xFFFF8800  }
0xd2: {  	v0 =	vld [tilespmem:s3+$0xF050]  }
0xd3: {  	v1 =	vld [tilespmem:s3+$0xF430]  }
0xd4: {  	v2 =	vld [tilespmem:s3+$0xF810]  }
0xd5: {  	v3 =	vld [tilespmem:s3+$0xF870]  }
0xd6: {  	v4 =	vld [tilespmem:s3+$0xF000]  }
0xd7: {  	v6 =	vld [tilespmem:s3+$0xF440]  }
0xd8: {  	v7 =	vld [tilespmem:s3+$0xF820]  }
0xd9: {  	v5 =	vld [tilespmem:s3+$0xF060];
	v9 =	vmax.f32 v0, v1  }
0xda: {  	v10 =	vmax.f32 v2, v3;
	v0 =	vmin.f32 v0, v1;
	v1 =	vmin.f32 v2, v3  }
0xdb: {  	v8 =	vld [tilespmem:s3+$0xF010];
	v2 =	vmax.f32 v9, v10;
	v9 =	vmin.f32 v9, v10;
	v10 =	vmax.f32 v0, v1  }
0xdc: {  	v11 =	vld [tilespmem:s3+$0xF070];
	[tilespmem:s3+$0xF050] =	vst v2;
	v2 =	vmin.f32 v9, v10  }
0xdd: {  	v62 =	vld [tilespmem:s3+$0xF830];
	v0 =	vmin.f32 v0, v1;
	v1 =	vmax.f32 v6, v7;
	[tilespmem:s3+$0xF810] =	vst v2;
	v2 =	vmax.f32 v9, v10  }
0xde: {  	v3 =	vld [tilespmem:s3+$0xF450];
	[tilespmem:s3+$0xF430] =	vst v2;
	v2 =	vmax.f32 v4, v5;
	v4 =	vmin.f32 v4, v5;
	v5 =	vmin.f32 v6, v7  }
0xdf: {  	[tilespmem:s3+$0xF870] =	vst v0;
	v9 =	vld [tilespmem:s3+$0xF020];
	v6 =	vmax.f32 v2, v1;
	v0 =	vmin.f32 v2, v1;
	v1 =	vmax.f32 v4, v5  }
0xe0: {  	v10 =	vld [tilespmem:s3+$0xF400];
	[tilespmem:s3+$0xF000] =	vst v6;
	v2 =	vmax.f32 v0, v1  }
0xe1: {  	v7 =	vld [tilespmem:s3+$0xF840];
	v0 =	vmin.f32 v0, v1;
	[tilespmem:s3+$0xF060] =	vst v2  }
0xe2: {  	v6 =	vld [tilespmem:s3+$0xF460];
	v1 =	vmax.f32 v8, v11;
	[tilespmem:s3+$0xF440] =	vst v0;
	v0 =	vmin.f32 v4, v5  }
0xe3: {  	v4 =	vld [tilespmem:s3+$0xF030];
	v2 =	vmax.f32 v3, v62;
	v3 =	vmin.f32 v3, v62;
	[tilespmem:s3+$0xF820] =	vst v0;
	v0 =	vmin.f32 v8, v11  }
0xe4: {  	v5 =	vmax.f32 v1, v2;
	v8 =	vld [tilespmem:s3+$0xF410];
	v2 =	vmin.f32 v1, v2;
	v11 =	vmax.f32 v0, v3  }
0xe5: {  	v1 =	vld [tilespmem:s3+$0xF470];
	[tilespmem:s3+$0xF010] =	vst v5;
	v5 =	vmax.f32 v2, v11  }
0xe6: {  	s7 =	simm.s32 $0x0;
	v3 =	vmin.f32 v0, v3;
	[tilespmem:s3+$0xF070] =	vst v5;
	v5 =	vmin.f32 v2, v11;
	v2 =	vld [tilespmem:s3+$0xF850];
	v11 =	vmax.f32 v9, v10  }
0xe7: {  	s5 =	smul.u32 $0x3000, s7;
	v0 =	vld [tilespmem:s3+$0xF040];
	v63 =	vmax.f32 v6, v7;
	v7 =	vmin.f32 v6, v7;
	[tilespmem:s3+$0xF450] =	vst v5;
	v5 =	vmin.f32 v9, v10  }
0xe8: {  	s4 =	simm.s32 $0x80;
	[tilespmem:s3+$0xF830] =	vst v3;
	v3 =	vld [tilespmem:s3+$0xF420];
	v6 =	vmax.f32 v11, v63;
	v9 =	vmin.f32 v11, v63;
	v10 =	vmax.f32 v5, v7  }
0xe9: {  	s6 =	sand.u32 $0x380, s4;
	s7 =	sshra.s32 s5, $0x2;
	s5 =	simm.s32 $0x2;
	[tilespmem:s3+$0xF020] =	vst v6;
	v6 =	vmin.f32 v4, v8;
	v8 =	vmax.f32 v4, v8;
	v4 =	vld [tilespmem:s3+$0xF800];
	v11 =	vmax.f32 v9, v10  }
.LBB2_6:
0xea: {  	p0 =	sne.s32 s5, $0x4F;
	s6 =	sor.u32 s6, s7;
	[tilespmem:s3+$0xF400] =	vst v11;
	v9 =	vmin.f32 v9, v10;
	v5 =	vmin.f32 v5, v7;
	v7 =	vld [tilespmem:s3+$0xF860]  }
0xeb: {  	v10 =	vld [tilespmem:s6+$0xF050];
	[tilespmem:s3+$0xF460] =	vst v9;
	v9 =	vmin.f32 v1, v2;
	v1 =	vmax.f32 v1, v2  }
0xec: {  	v2 =	vld [tilespmem:s6+$0xF430];
	[tilespmem:s3+$0xF840] =	vst v5;
	v5 =	vmin.f32 v8, v1;
	v11 =	vmax.f32 v6, v9;
	v1 =	vmax.f32 v8, v1  }
0xed: {  	v8 =	vld [tilespmem:s6+$0xF810];
	[tilespmem:s3+$0xF030] =	vst v1;
	v1 =	vmax.f32 v5, v11;
	v12 =	vmin.f32 v0, v3;
	v0 =	vmax.f32 v0, v3  }
0xee: {  	v3 =	vld [tilespmem:s6+$0xF870];
	[tilespmem:s3+$0xF410] =	vst v1;
	v1 =	vmin.f32 v5, v11;
	v5 =	vmin.f32 v6, v9  }
0xef: {  	v6 =	vld [tilespmem:s6+$0xF000];
	[tilespmem:s3+$0xF470] =	vst v1;
	v1 =	vmin.f32 v4, v7;
	v4 =	vmax.f32 v4, v7  }
0xf0: {  	v7 =	vld [tilespmem:s6+$0xF060];
	[tilespmem:s3+$0xF850] =	vst v5;
	v5 =	vmin.f32 v0, v4;
	v9 =	vmax.f32 v12, v1;
	v0 =	vmax.f32 v0, v4  }
0xf1: {  	v1 =	vmin.f32 v12, v1;
	v4 =	vld [tilespmem:s6+$0xF440];
	[tilespmem:s3+$0xF040] =	vst v0;
	v0 =	vmax.f32 v5, v9;
	v5 =	vmin.f32 v5, v9  }
0xf2: {  	v11 =	vmin.f32 v10, v2;
	v9 =	vld [tilespmem:s6+$0xF820];
	[tilespmem:s3+$0xF420] =	vst v0  }
0xf3: {  	v2 =	vmax.f32 v10, v2;
	v0 =	vld [tilespmem:s6+$0xF010];
	v10 =	vmin.f32 v8, v3;
	v3 =	vmax.f32 v8, v3;
	[tilespmem:s3+$0xF800] =	vst v5  }
0xf4: {  	v5 =	vld [tilespmem:s6+$0xF070];
	v8 =	vmin.f32 v2, v3;
	v12 =	vmax.f32 v11, v10;
	v2 =	vmax.f32 v2, v3;
	[tilespmem:s3+$0xF860] =	vst v1;
	s3 =	smov.u32 s6  }
0xf5: {  	v1 =	vmin.f32 v6, v7;
	v3 =	vmax.f32 v6, v7;
	v6 =	vld [tilespmem:s3+$0xF450];
	[tilespmem:s3+$0xF050] =	vst v2;
	v2 =	vmin.f32 v8, v12  }
0xf6: {  	v8 =	vmax.f32 v8, v12;
	v7 =	vld [tilespmem:s3+$0xF830];
	[tilespmem:s3+$0xF810] =	vst v2;
	v2 =	vmin.f32 v11, v10  }
0xf7: {  	v10 =	vmin.f32 v4, v9;
	v4 =	vmax.f32 v4, v9;
	v9 =	vld [tilespmem:s3+$0xF020];
	[tilespmem:s3+$0xF430] =	vst v8  }
0xf8: {  	v8 =	vmin.f32 v3, v4;
	v11 =	vmax.f32 v1, v10;
	v3 =	vmax.f32 v3, v4;
	v4 =	vld [tilespmem:s3+$0xF400];
	[tilespmem:s3+$0xF870] =	vst v2  }
0xf9: {  	[tilespmem:s3+$0xF000] =	vst v3;
	v2 =	vmax.f32 v8, v11;
	v3 =	vmin.f32 v0, v5;
	v0 =	vmax.f32 v0, v5;
	v12 =	vld [tilespmem:s3+$0xF460]  }
0xfa: {  	v1 =	vmin.f32 v1, v10;
	[tilespmem:s3+$0xF060] =	vst v2;
	v2 =	vmin.f32 v8, v11;
	v8 =	vld [tilespmem:s3+$0xF840]  }
0xfb: {  	[tilespmem:s3+$0xF440] =	vst v2;
	v2 =	vmin.f32 v6, v7;
	v5 =	vmax.f32 v6, v7;
	v13 =	vld [tilespmem:s3+$0xF030]  }
0xfc: {  	[tilespmem:s3+$0xF820] =	vst v1;
	v6 =	vmin.f32 v0, v5;
	v7 =	vmax.f32 v3, v2;
	v0 =	vmax.f32 v0, v5;
	v14 =	vld [tilespmem:s3+$0xF410]  }
.Ltmp2:
0xfd: {  	[tilespmem:s3+$0xF010] =	vst v0;
	v0 =	vmax.f32 v6, v7;
	v5 =	vmin.f32 v9, v4;
	v4 =	vmax.f32 v9, v4;
	v1 =	vld [tilespmem:s3+$0xF470];
	(pc) =	sbr.rel @p0 .LBB2_6-.Ltmp2, $4  }
0xfe: {  	s6 =	sshrl.u32 s5, $0x3;
	v3 =	vmin.f32 v3, v2;
	[tilespmem:s3+$0xF070] =	vst v0;
	v0 =	vmin.f32 v6, v7;
	v2 =	vld [tilespmem:s3+$0xF850]  }
0xff: {  	s7 =	smul.u32 $0x3000, s6;
	[tilespmem:s3+$0xF450] =	vst v0;
	v7 =	vmin.f32 v12, v8;
	v6 =	vmax.f32 v12, v8;
	v0 =	vld [tilespmem:s3+$0xF040]  }
0x100: {  	s4 =	sadd.s32 $0x80, s4;
	[tilespmem:s3+$0xF830] =	vst v3;
	v9 =	vmin.f32 v4, v6;
	v10 =	vmax.f32 v5, v7;
	v4 =	vmax.f32 v4, v6;
	v3 =	vld [tilespmem:s3+$0xF420]  }
0x101: {  	s5 =	sadd.s32 $0x1, s5;
	s6 =	sand.u32 $0x380, s4;
	s7 =	sshra.s32 s7, $0x2;
	[tilespmem:s3+$0xF020] =	vst v4;
	v11 =	vmax.f32 v9, v10;
	v6 =	vmin.f32 v13, v14;
	v8 =	vmax.f32 v13, v14;
	v4 =	vld [tilespmem:s3+$0xF800]  }
0x102: {  	[tilespmem:s3+$0xF400] =	vst v11;
	s4 =	sor.u32 s6, s7;
	v9 =	vmin.f32 v9, v10;
	v10 =	vld [tilespmem:s3+$0xF860]  }
0x103: {  	v5 =	vmin.f32 v5, v7;
	v7 =	vld [tilespmem:s4+$0xF050];
	[tilespmem:s3+$0xF460] =	vst v9;
	v9 =	vmin.f32 v1, v2;
	v1 =	vmax.f32 v1, v2  }
0x104: {  	v2 =	vld [tilespmem:s4+$0xF430];
	[tilespmem:s3+$0xF840] =	vst v5;
	v5 =	vmin.f32 v8, v1;
	v11 =	vmax.f32 v6, v9;
	v1 =	vmax.f32 v8, v1  }
0x105: {  	v8 =	vld [tilespmem:s4+$0xF810];
	[tilespmem:s3+$0xF030] =	vst v1;
	v1 =	vmax.f32 v5, v11  }
0x106: {  	v12 =	vmin.f32 v0, v3;
	v0 =	vmax.f32 v0, v3;
	v3 =	vld [tilespmem:s4+$0xF870];
	[tilespmem:s3+$0xF410] =	vst v1;
	v1 =	vmin.f32 v5, v11  }
0x107: {  	v5 =	vmin.f32 v6, v9;
	v6 =	vld [tilespmem:s4+$0xF000];
	[tilespmem:s3+$0xF470] =	vst v1;
	v1 =	vmin.f32 v4, v10;
	v4 =	vmax.f32 v4, v10  }
0x108: {  	v9 =	vld [tilespmem:s4+$0xF060];
	[tilespmem:s3+$0xF850] =	vst v5;
	v5 =	vmin.f32 v0, v4;
	v0 =	vmax.f32 v0, v4  }
0x109: {  	v10 =	vmax.f32 v12, v1;
	v4 =	vld [tilespmem:s4+$0xF440];
	v1 =	vmin.f32 v12, v1;
	[tilespmem:s3+$0xF040] =	vst v0  }
0x10a: {  	v11 =	vmin.f32 v7, v2;
	v0 =	vmax.f32 v5, v10;
	v5 =	vmin.f32 v5, v10;
	v10 =	vld [tilespmem:s4+$0xF820];
	[tilespmem:s3+$0xF860] =	vst v1  }
0x10b: {  	v2 =	vmax.f32 v7, v2;
	[tilespmem:s3+$0xF420] =	vst v0;
	v0 =	vld [tilespmem:s4+$0xF010];
	v7 =	vmin.f32 v8, v3;
	v3 =	vmax.f32 v8, v3  }
0x10c: {  	[tilespmem:s3+$0xF800] =	vst v5;
	v5 =	vld [tilespmem:s4+$0xF070];
	v8 =	vmin.f32 v2, v3;
	v59 =	vmax.f32 v11, v7;
	v2 =	vmax.f32 v2, v3  }
0x10d: {  	v1 =	vld [tilespmem:s4+$0xF450];
	[tilespmem:s4+$0xF050] =	vst v2;
	v2 =	vmin.f32 v8, v59  }
0x10e: {  	v3 =	vmin.f32 v6, v9;
	v6 =	vmax.f32 v6, v9;
	v9 =	vld [tilespmem:s4+$0xF830];
	v8 =	vmax.f32 v8, v59;
	[tilespmem:s4+$0xF810] =	vst v2  }
0x10f: {  	v2 =	vmin.f32 v11, v7;
	[tilespmem:s4+$0xF430] =	vst v8;
	v7 =	vmin.f32 v4, v10;
	v4 =	vmax.f32 v4, v10;
	v10 =	vld [tilespmem:s4+$0xF020]  }
0x110: {  	[tilespmem:s4+$0xF870] =	vst v2;
	v8 =	vmin.f32 v6, v4;
	v11 =	vmax.f32 v3, v7;
	v4 =	vmax.f32 v6, v4;
	v6 =	vld [tilespmem:s4+$0xF400]  }
0x111: {  	v60 =	vmin.f32 v0, v5;
	v0 =	vmax.f32 v0, v5;
	v5 =	vld [tilespmem:s4+$0xF840];
	[tilespmem:s4+$0xF000] =	vst v4;
	v2 =	vmax.f32 v8, v11  }
0x112: {  	v4 =	vld [tilespmem:s4+$0xF460];
	[tilespmem:s4+$0xF060] =	vst v2;
	v2 =	vmin.f32 v8, v11  }
0x113: {  	v3 =	vmin.f32 v3, v7;
	v7 =	vld [tilespmem:s4+$0xF030];
	[tilespmem:s4+$0xF440] =	vst v2;
	v2 =	vmin.f32 v1, v9;
	v1 =	vmax.f32 v1, v9  }
0x114: {  	[tilespmem:s4+$0xF820] =	vst v3;
	v9 =	vld [tilespmem:s4+$0xF470];
	v3 =	vmin.f32 v0, v1;
	v8 =	vmax.f32 v60, v2;
	v0 =	vmax.f32 v0, v1  }
0x115: {  	v1 =	vld [tilespmem:s4+$0xF410];
	[tilespmem:s4+$0xF010] =	vst v0;
	v0 =	vmax.f32 v3, v8  }
0x116: {  	v2 =	vmin.f32 v60, v2;
	v11 =	vmin.f32 v10, v6;
	[tilespmem:s4+$0xF070] =	vst v0;
	v0 =	vmin.f32 v3, v8;
	v3 =	vld [tilespmem:s4+$0xF850]  }
0x117: {  	v6 =	vmax.f32 v10, v6;
	v10 =	vld [tilespmem:s4+$0xF800];
	[tilespmem:s4+$0xF450] =	vst v0;
	v0 =	vmin.f32 v4, v5;
	v4 =	vmax.f32 v4, v5  }
0x118: {  	[tilespmem:s4+$0xF830] =	vst v2;
	v5 =	vld [tilespmem:s4+$0xF040];
	v2 =	vmin.f32 v6, v4;
	v8 =	vmax.f32 v11, v0;
	v4 =	vmax.f32 v6, v4  }
0x119: {  	v6 =	vld [tilespmem:s4+$0xF420];
	[tilespmem:s4+$0xF020] =	vst v4;
	v4 =	vmax.f32 v2, v8  }
0x11a: {  	v0 =	vmin.f32 v11, v0;
	v61 =	vmin.f32 v7, v1;
	v2 =	vmin.f32 v2, v8;
	[tilespmem:s4+$0xF400] =	vst v4;
	v4 =	vld [tilespmem:s4+$0xF860]  }
0x11b: {  	v1 =	vmax.f32 v7, v1;
	[tilespmem:s4+$0xF460] =	vst v2;
	v2 =	vmin.f32 v9, v3;
	v3 =	vmax.f32 v9, v3  }
0x11c: {  	[tilespmem:s4+$0xF840] =	vst v0;
	v0 =	vmin.f32 v1, v3;
	v7 =	vmax.f32 v61, v2;
	v1 =	vmax.f32 v1, v3  }
0x11d: {  	[tilespmem:s4+$0xF030] =	vst v1;
	v1 =	vmax.f32 v0, v7  }
0x11e: {  	v3 =	vmin.f32 v5, v6;
	v0 =	vmin.f32 v0, v7;
	[tilespmem:s4+$0xF410] =	vst v1  }
0x11f: {  	v5 =	vmax.f32 v5, v6;
	v1 =	vmin.f32 v61, v2;
	[tilespmem:s4+$0xF470] =	vst v0;
	v2 =	vmax.f32 v10, v4  }
0x120: {  	v0 =	vmin.f32 v10, v4;
	[tilespmem:s4+$0xF850] =	vst v1;
	v1 =	vmin.f32 v5, v2;
	v2 =	vmax.f32 v5, v2  }
0x121: {  	v4 =	vmax.f32 v3, v0;
	v0 =	vmin.f32 v3, v0;
	[tilespmem:s4+$0xF040] =	vst v2  }
0x122: {  	v2 =	vmax.f32 v1, v4;
	[tilespmem:s4+$0xF860] =	vst v0  }
0x123: {  	v1 =	vmin.f32 v1, v4;
	[tilespmem:s4+$0xF420] =	vst v2  }
0x124: {  	s5 =	simm.s32 $0x0;
	[tilespmem:s4+$0xF800] =	vst v1  }
0x125: {  	[hbm4b:s9+s5] =	stream.linear.scatter [tilespmem:s26], [sflag:$0x6], $0x7800, $0x38;
	[tilespmem:$0x16800] =	vst v63  }
0x126: {  	_ =	swait.ge [sflag:s31], $0x7800  }
0x127: {  	s6 =	simm.s32 $0x0;
	[sflag:s31] =	ssyncset.done $0x0  }
0x128: {  	s4 =	smul.u32 $0x3000, s6;
	[sflag:s31] =	ssyncadd.s32 $0xFFFF8800  }
0x129: {  	[tilespmem:s24], [sflag:$0x2] =	stream.linear.gather [hbm4b:s10+s5], $0x7800, $0x38;
	[tilespmem:$0x16800] =	vst v63  }
0x12a: {  	_ =	swait.ge [sflag:s25], $0x7800  }
0x12b: {  	s3 =	sand.u32 $0x380, s5;
	s4 =	sshra.s32 s4, $0x2;
	[sflag:s25] =	ssyncset.done $0x0  }
0x12c: {  	s3 =	sor.u32 s3, s4;
	[sflag:s25] =	ssyncadd.s32 $0xFFFF8800  }
0x12d: {  	v0 =	vld [tilespmem:s3+$0x50]  }
0x12e: {  	v1 =	vld [tilespmem:s3+$0x430]  }
0x12f: {  	v2 =	vld [tilespmem:s3+$0x810]  }
0x130: {  	v3 =	vld [tilespmem:s3+$0x870]  }
0x131: {  	v4 =	vld [tilespmem:s3+$0x0]  }
0x132: {  	v6 =	vld [tilespmem:s3+$0x440]  }
0x133: {  	v7 =	vld [tilespmem:s3+$0x820]  }
0x134: {  	v5 =	vld [tilespmem:s3+$0x60];
	v9 =	vmax.f32 v0, v1  }
0x135: {  	v10 =	vmax.f32 v2, v3;
	v0 =	vmin.f32 v0, v1;
	v1 =	vmin.f32 v2, v3  }
0x136: {  	v8 =	vld [tilespmem:s3+$0x10];
	v2 =	vmax.f32 v9, v10;
	v9 =	vmin.f32 v9, v10;
	v10 =	vmax.f32 v0, v1  }
0x137: {  	v11 =	vld [tilespmem:s3+$0x70];
	[tilespmem:s3+$0x50] =	vst v2;
	v2 =	vmin.f32 v9, v10  }
0x138: {  	v62 =	vld [tilespmem:s3+$0x830];
	v0 =	vmin.f32 v0, v1;
	v1 =	vmax.f32 v6, v7;
	[tilespmem:s3+$0x810] =	vst v2;
	v2 =	vmax.f32 v9, v10  }
0x139: {  	v3 =	vld [tilespmem:s3+$0x450];
	[tilespmem:s3+$0x430] =	vst v2;
	v2 =	vmax.f32 v4, v5;
	v4 =	vmin.f32 v4, v5;
	v5 =	vmin.f32 v6, v7  }
0x13a: {  	[tilespmem:s3+$0x870] =	vst v0;
	v9 =	vld [tilespmem:s3+$0x20];
	v6 =	vmax.f32 v2, v1;
	v0 =	vmin.f32 v2, v1;
	v1 =	vmax.f32 v4, v5  }
0x13b: {  	v10 =	vld [tilespmem:s3+$0x400];
	[tilespmem:s3+$0x0] =	vst v6;
	v2 =	vmax.f32 v0, v1  }
0x13c: {  	v7 =	vld [tilespmem:s3+$0x840];
	v0 =	vmin.f32 v0, v1;
	[tilespmem:s3+$0x60] =	vst v2  }
0x13d: {  	v6 =	vld [tilespmem:s3+$0x460];
	v1 =	vmax.f32 v8, v11;
	[tilespmem:s3+$0x440] =	vst v0;
	v0 =	vmin.f32 v4, v5  }
0x13e: {  	v4 =	vld [tilespmem:s3+$0x30];
	v2 =	vmax.f32 v3, v62;
	v3 =	vmin.f32 v3, v62;
	[tilespmem:s3+$0x820] =	vst v0;
	v0 =	vmin.f32 v8, v11  }
0x13f: {  	v5 =	vmax.f32 v1, v2;
	v8 =	vld [tilespmem:s3+$0x410];
	v2 =	vmin.f32 v1, v2;
	v11 =	vmax.f32 v0, v3  }
0x140: {  	v1 =	vld [tilespmem:s3+$0x470];
	[tilespmem:s3+$0x10] =	vst v5;
	v5 =	vmax.f32 v2, v11  }
0x141: {  	s7 =	simm.s32 $0x0;
	v3 =	vmin.f32 v0, v3;
	[tilespmem:s3+$0x70] =	vst v5;
	v5 =	vmin.f32 v2, v11;
	v2 =	vld [tilespmem:s3+$0x850];
	v11 =	vmax.f32 v9, v10  }
0x142: {  	s5 =	smul.u32 $0x3000, s7;
	v0 =	vld [tilespmem:s3+$0x40];
	v63 =	vmax.f32 v6, v7;
	v7 =	vmin.f32 v6, v7;
	[tilespmem:s3+$0x450] =	vst v5;
	v5 =	vmin.f32 v9, v10  }
0x143: {  	s4 =	simm.s32 $0x80;
	[tilespmem:s3+$0x830] =	vst v3;
	v3 =	vld [tilespmem:s3+$0x420];
	v6 =	vmax.f32 v11, v63;
	v9 =	vmin.f32 v11, v63;
	v10 =	vmax.f32 v5, v7  }
0x144: {  	s6 =	sand.u32 $0x380, s4;
	s7 =	sshra.s32 s5, $0x2;
	s5 =	simm.s32 $0x2;
	[tilespmem:s3+$0x20] =	vst v6;
	v6 =	vmin.f32 v4, v8;
	v8 =	vmax.f32 v4, v8;
	v4 =	vld [tilespmem:s3+$0x800];
	v11 =	vmax.f32 v9, v10  }
.LBB2_8:
0x145: {  	p0 =	sne.s32 s5, $0x4F;
	s6 =	sor.u32 s6, s7;
	[tilespmem:s3+$0x400] =	vst v11;
	v9 =	vmin.f32 v9, v10;
	v5 =	vmin.f32 v5, v7;
	v7 =	vld [tilespmem:s3+$0x860]  }
0x146: {  	v10 =	vld [tilespmem:s6+$0x50];
	[tilespmem:s3+$0x460] =	vst v9;
	v9 =	vmin.f32 v1, v2;
	v1 =	vmax.f32 v1, v2  }
0x147: {  	v2 =	vld [tilespmem:s6+$0x430];
	[tilespmem:s3+$0x840] =	vst v5;
	v5 =	vmin.f32 v8, v1;
	v11 =	vmax.f32 v6, v9;
	v1 =	vmax.f32 v8, v1  }
0x148: {  	v8 =	vld [tilespmem:s6+$0x810];
	[tilespmem:s3+$0x30] =	vst v1;
	v1 =	vmax.f32 v5, v11;
	v12 =	vmin.f32 v0, v3;
	v0 =	vmax.f32 v0, v3  }
0x149: {  	v3 =	vld [tilespmem:s6+$0x870];
	[tilespmem:s3+$0x410] =	vst v1;
	v1 =	vmin.f32 v5, v11;
	v5 =	vmin.f32 v6, v9  }
0x14a: {  	v6 =	vld [tilespmem:s6+$0x0];
	[tilespmem:s3+$0x470] =	vst v1;
	v1 =	vmin.f32 v4, v7;
	v4 =	vmax.f32 v4, v7  }
0x14b: {  	v7 =	vld [tilespmem:s6+$0x60];
	[tilespmem:s3+$0x850] =	vst v5;
	v5 =	vmin.f32 v0, v4;
	v9 =	vmax.f32 v12, v1;
	v0 =	vmax.f32 v0, v4  }
0x14c: {  	v1 =	vmin.f32 v12, v1;
	v4 =	vld [tilespmem:s6+$0x440];
	[tilespmem:s3+$0x40] =	vst v0;
	v0 =	vmax.f32 v5, v9;
	v5 =	vmin.f32 v5, v9  }
0x14d: {  	v11 =	vmin.f32 v10, v2;
	v9 =	vld [tilespmem:s6+$0x820];
	[tilespmem:s3+$0x420] =	vst v0  }
0x14e: {  	v2 =	vmax.f32 v10, v2;
	v0 =	vld [tilespmem:s6+$0x10];
	v10 =	vmin.f32 v8, v3;
	v3 =	vmax.f32 v8, v3;
	[tilespmem:s3+$0x800] =	vst v5  }
0x14f: {  	v5 =	vld [tilespmem:s6+$0x70];
	v8 =	vmin.f32 v2, v3;
	v12 =	vmax.f32 v11, v10;
	v2 =	vmax.f32 v2, v3;
	[tilespmem:s3+$0x860] =	vst v1;
	s3 =	smov.u32 s6  }
0x150: {  	v1 =	vmin.f32 v6, v7;
	v3 =	vmax.f32 v6, v7;
	v6 =	vld [tilespmem:s3+$0x450];
	[tilespmem:s3+$0x50] =	vst v2;
	v2 =	vmin.f32 v8, v12  }
0x151: {  	v8 =	vmax.f32 v8, v12;
	v7 =	vld [tilespmem:s3+$0x830];
	[tilespmem:s3+$0x810] =	vst v2;
	v2 =	vmin.f32 v11, v10  }
0x152: {  	v10 =	vmin.f32 v4, v9;
	v4 =	vmax.f32 v4, v9;
	v9 =	vld [tilespmem:s3+$0x20];
	[tilespmem:s3+$0x430] =	vst v8  }
0x153: {  	v8 =	vmin.f32 v3, v4;
	v11 =	vmax.f32 v1, v10;
	v3 =	vmax.f32 v3, v4;
	v4 =	vld [tilespmem:s3+$0x400];
	[tilespmem:s3+$0x870] =	vst v2  }
0x154: {  	[tilespmem:s3+$0x0] =	vst v3;
	v2 =	vmax.f32 v8, v11;
	v3 =	vmin.f32 v0, v5;
	v0 =	vmax.f32 v0, v5;
	v12 =	vld [tilespmem:s3+$0x460]  }
0x155: {  	v1 =	vmin.f32 v1, v10;
	[tilespmem:s3+$0x60] =	vst v2;
	v2 =	vmin.f32 v8, v11;
	v8 =	vld [tilespmem:s3+$0x840]  }
0x156: {  	[tilespmem:s3+$0x440] =	vst v2;
	v2 =	vmin.f32 v6, v7;
	v5 =	vmax.f32 v6, v7;
	v13 =	vld [tilespmem:s3+$0x30]  }
0x157: {  	[tilespmem:s3+$0x820] =	vst v1;
	v6 =	vmin.f32 v0, v5;
	v7 =	vmax.f32 v3, v2;
	v0 =	vmax.f32 v0, v5;
	v14 =	vld [tilespmem:s3+$0x410]  }
.Ltmp3:
0x158: {  	[tilespmem:s3+$0x10] =	vst v0;
	v0 =	vmax.f32 v6, v7;
	v5 =	vmin.f32 v9, v4;
	v4 =	vmax.f32 v9, v4;
	v1 =	vld [tilespmem:s3+$0x470];
	(pc) =	sbr.rel @p0 .LBB2_8-.Ltmp3, $4  }
0x159: {  	s6 =	sshrl.u32 s5, $0x3;
	v3 =	vmin.f32 v3, v2;
	[tilespmem:s3+$0x70] =	vst v0;
	v0 =	vmin.f32 v6, v7;
	v2 =	vld [tilespmem:s3+$0x850]  }
0x15a: {  	s7 =	smul.u32 $0x3000, s6;
	[tilespmem:s3+$0x450] =	vst v0;
	v7 =	vmin.f32 v12, v8;
	v6 =	vmax.f32 v12, v8;
	v0 =	vld [tilespmem:s3+$0x40]  }
0x15b: {  	s4 =	sadd.s32 $0x80, s4;
	[tilespmem:s3+$0x830] =	vst v3;
	v9 =	vmin.f32 v4, v6;
	v10 =	vmax.f32 v5, v7;
	v4 =	vmax.f32 v4, v6;
	v3 =	vld [tilespmem:s3+$0x420]  }
0x15c: {  	s5 =	sadd.s32 $0x1, s5;
	s6 =	sand.u32 $0x380, s4;
	s7 =	sshra.s32 s7, $0x2;
	[tilespmem:s3+$0x20] =	vst v4;
	v11 =	vmax.f32 v9, v10;
	v6 =	vmin.f32 v13, v14;
	v8 =	vmax.f32 v13, v14;
	v4 =	vld [tilespmem:s3+$0x800]  }
0x15d: {  	[tilespmem:s3+$0x400] =	vst v11;
	s4 =	sor.u32 s6, s7;
	v9 =	vmin.f32 v9, v10;
	v10 =	vld [tilespmem:s3+$0x860]  }
0x15e: {  	v5 =	vmin.f32 v5, v7;
	v7 =	vld [tilespmem:s4+$0x50];
	[tilespmem:s3+$0x460] =	vst v9;
	v9 =	vmin.f32 v1, v2;
	v1 =	vmax.f32 v1, v2  }
0x15f: {  	v2 =	vld [tilespmem:s4+$0x430];
	[tilespmem:s3+$0x840] =	vst v5;
	v5 =	vmin.f32 v8, v1;
	v11 =	vmax.f32 v6, v9;
	v1 =	vmax.f32 v8, v1  }
0x160: {  	v8 =	vld [tilespmem:s4+$0x810];
	[tilespmem:s3+$0x30] =	vst v1;
	v1 =	vmax.f32 v5, v11  }
0x161: {  	v12 =	vmin.f32 v0, v3;
	v0 =	vmax.f32 v0, v3;
	v3 =	vld [tilespmem:s4+$0x870];
	[tilespmem:s3+$0x410] =	vst v1;
	v1 =	vmin.f32 v5, v11  }
0x162: {  	v5 =	vmin.f32 v6, v9;
	v6 =	vld [tilespmem:s4+$0x0];
	[tilespmem:s3+$0x470] =	vst v1;
	v1 =	vmin.f32 v4, v10;
	v4 =	vmax.f32 v4, v10  }
0x163: {  	v9 =	vld [tilespmem:s4+$0x60];
	[tilespmem:s3+$0x850] =	vst v5;
	v5 =	vmin.f32 v0, v4;
	v0 =	vmax.f32 v0, v4  }
0x164: {  	v10 =	vmax.f32 v12, v1;
	v4 =	vld [tilespmem:s4+$0x440];
	v1 =	vmin.f32 v12, v1;
	[tilespmem:s3+$0x40] =	vst v0  }
0x165: {  	v11 =	vmin.f32 v7, v2;
	v0 =	vmax.f32 v5, v10;
	v5 =	vmin.f32 v5, v10;
	v10 =	vld [tilespmem:s4+$0x820];
	[tilespmem:s3+$0x860] =	vst v1  }
0x166: {  	v2 =	vmax.f32 v7, v2;
	[tilespmem:s3+$0x420] =	vst v0;
	v0 =	vld [tilespmem:s4+$0x10];
	v7 =	vmin.f32 v8, v3;
	v3 =	vmax.f32 v8, v3  }
0x167: {  	[tilespmem:s3+$0x800] =	vst v5;
	v5 =	vld [tilespmem:s4+$0x70];
	v8 =	vmin.f32 v2, v3;
	v59 =	vmax.f32 v11, v7;
	v2 =	vmax.f32 v2, v3  }
0x168: {  	v1 =	vld [tilespmem:s4+$0x450];
	[tilespmem:s4+$0x50] =	vst v2;
	v2 =	vmin.f32 v8, v59  }
0x169: {  	v3 =	vmin.f32 v6, v9;
	v6 =	vmax.f32 v6, v9;
	v9 =	vld [tilespmem:s4+$0x830];
	v8 =	vmax.f32 v8, v59;
	[tilespmem:s4+$0x810] =	vst v2  }
0x16a: {  	v2 =	vmin.f32 v11, v7;
	[tilespmem:s4+$0x430] =	vst v8;
	v7 =	vmin.f32 v4, v10;
	v4 =	vmax.f32 v4, v10;
	v10 =	vld [tilespmem:s4+$0x20]  }
0x16b: {  	[tilespmem:s4+$0x870] =	vst v2;
	v8 =	vmin.f32 v6, v4;
	v11 =	vmax.f32 v3, v7;
	v4 =	vmax.f32 v6, v4;
	v6 =	vld [tilespmem:s4+$0x400]  }
0x16c: {  	v60 =	vmin.f32 v0, v5;
	v0 =	vmax.f32 v0, v5;
	v5 =	vld [tilespmem:s4+$0x840];
	[tilespmem:s4+$0x0] =	vst v4;
	v2 =	vmax.f32 v8, v11  }
0x16d: {  	v4 =	vld [tilespmem:s4+$0x460];
	[tilespmem:s4+$0x60] =	vst v2;
	v2 =	vmin.f32 v8, v11  }
0x16e: {  	v3 =	vmin.f32 v3, v7;
	v7 =	vld [tilespmem:s4+$0x30];
	[tilespmem:s4+$0x440] =	vst v2;
	v2 =	vmin.f32 v1, v9;
	v1 =	vmax.f32 v1, v9  }
0x16f: {  	[tilespmem:s4+$0x820] =	vst v3;
	v9 =	vld [tilespmem:s4+$0x470];
	v3 =	vmin.f32 v0, v1;
	v8 =	vmax.f32 v60, v2;
	v0 =	vmax.f32 v0, v1  }
0x170: {  	v1 =	vld [tilespmem:s4+$0x410];
	[tilespmem:s4+$0x10] =	vst v0;
	v0 =	vmax.f32 v3, v8  }
0x171: {  	v2 =	vmin.f32 v60, v2;
	v11 =	vmin.f32 v10, v6;
	[tilespmem:s4+$0x70] =	vst v0;
	v0 =	vmin.f32 v3, v8;
	v3 =	vld [tilespmem:s4+$0x850]  }
0x172: {  	v6 =	vmax.f32 v10, v6;
	v10 =	vld [tilespmem:s4+$0x800];
	[tilespmem:s4+$0x450] =	vst v0;
	v0 =	vmin.f32 v4, v5;
	v4 =	vmax.f32 v4, v5  }
0x173: {  	[tilespmem:s4+$0x830] =	vst v2;
	v5 =	vld [tilespmem:s4+$0x40];
	v2 =	vmin.f32 v6, v4;
	v8 =	vmax.f32 v11, v0;
	v4 =	vmax.f32 v6, v4  }
0x174: {  	v6 =	vld [tilespmem:s4+$0x420];
	[tilespmem:s4+$0x20] =	vst v4;
	v4 =	vmax.f32 v2, v8  }
0x175: {  	v0 =	vmin.f32 v11, v0;
	v61 =	vmin.f32 v7, v1;
	v2 =	vmin.f32 v2, v8;
	[tilespmem:s4+$0x400] =	vst v4;
	v4 =	vld [tilespmem:s4+$0x860]  }
0x176: {  	v1 =	vmax.f32 v7, v1;
	[tilespmem:s4+$0x460] =	vst v2;
	v2 =	vmin.f32 v9, v3;
	v3 =	vmax.f32 v9, v3  }
0x177: {  	[tilespmem:s4+$0x840] =	vst v0;
	v0 =	vmin.f32 v1, v3;
	v7 =	vmax.f32 v61, v2;
	v1 =	vmax.f32 v1, v3  }
0x178: {  	[tilespmem:s4+$0x30] =	vst v1;
	v1 =	vmax.f32 v0, v7  }
0x179: {  	v3 =	vmin.f32 v5, v6;
	v0 =	vmin.f32 v0, v7;
	[tilespmem:s4+$0x410] =	vst v1  }
0x17a: {  	v5 =	vmax.f32 v5, v6;
	v1 =	vmin.f32 v61, v2;
	[tilespmem:s4+$0x470] =	vst v0;
	v2 =	vmax.f32 v10, v4  }
0x17b: {  	v0 =	vmin.f32 v10, v4;
	[tilespmem:s4+$0x850] =	vst v1;
	v1 =	vmin.f32 v5, v2;
	v2 =	vmax.f32 v5, v2  }
0x17c: {  	v4 =	vmax.f32 v3, v0;
	v0 =	vmin.f32 v3, v0;
	[tilespmem:s4+$0x40] =	vst v2  }
0x17d: {  	v2 =	vmax.f32 v1, v4;
	[tilespmem:s4+$0x860] =	vst v0  }
0x17e: {  	v1 =	vmin.f32 v1, v4;
	[tilespmem:s4+$0x420] =	vst v2  }
0x17f: {  	s5 =	simm.s32 $0x0;
	[tilespmem:s4+$0x800] =	vst v1  }
0x180: {  	[hbm4b:s11+s5] =	stream.linear.scatter [tilespmem:s5], [sflag:$0x4], $0x7800, $0x38;
	[tilespmem:$0x16800] =	vst v63  }
0x181: {  	_ =	swait.ge [sflag:s1], $0x7800  }
0x182: {  	s6 =	simm.s32 $0x0;
	[sflag:s1] =	ssyncset.done $0x0  }
0x183: {  	s4 =	smul.u32 $0x3000, s6;
	[sflag:s1] =	ssyncadd.s32 $0xFFFF8800  }
0x184: {  	[tilespmem:s26], [sflag:$0x3] =	stream.linear.gather [hbm4b:s12+s5], $0x7800, $0x38;
	[tilespmem:$0x16800] =	vst v63  }
0x185: {  	_ =	swait.ge [sflag:s28], $0x7800  }
0x186: {  	s3 =	sand.u32 $0x380, s5;
	s4 =	sshra.s32 s4, $0x2;
	[sflag:s28] =	ssyncset.done $0x0  }
0x187: {  	s3 =	sor.u32 s3, s4;
	[sflag:s28] =	ssyncadd.s32 $0xFFFF8800  }
0x188: {  	v0 =	vld [tilespmem:s3+$0x7850]  }
0x189: {  	v1 =	vld [tilespmem:s3+$0x7C30]  }
0x18a: {  	v2 =	vld [tilespmem:s3+$0x8010]  }
0x18b: {  	v3 =	vld [tilespmem:s3+$0x8070]  }
0x18c: {  	v4 =	vld [tilespmem:s3+$0x7800]  }
0x18d: {  	v6 =	vld [tilespmem:s3+$0x7C40]  }
0x18e: {  	v7 =	vld [tilespmem:s3+$0x8020]  }
0x18f: {  	v5 =	vld [tilespmem:s3+$0x7860];
	v9 =	vmax.f32 v0, v1  }
0x190: {  	v10 =	vmax.f32 v2, v3;
	v0 =	vmin.f32 v0, v1;
	v1 =	vmin.f32 v2, v3  }
0x191: {  	v8 =	vld [tilespmem:s3+$0x7810];
	v2 =	vmax.f32 v9, v10;
	v9 =	vmin.f32 v9, v10;
	v10 =	vmax.f32 v0, v1  }
0x192: {  	v11 =	vld [tilespmem:s3+$0x7870];
	[tilespmem:s3+$0x7850] =	vst v2;
	v2 =	vmin.f32 v9, v10  }
0x193: {  	v62 =	vld [tilespmem:s3+$0x8030];
	v0 =	vmin.f32 v0, v1;
	v1 =	vmax.f32 v6, v7;
	[tilespmem:s3+$0x8010] =	vst v2;
	v2 =	vmax.f32 v9, v10  }
0x194: {  	v3 =	vld [tilespmem:s3+$0x7C50];
	[tilespmem:s3+$0x7C30] =	vst v2;
	v2 =	vmax.f32 v4, v5;
	v4 =	vmin.f32 v4, v5;
	v5 =	vmin.f32 v6, v7  }
0x195: {  	[tilespmem:s3+$0x8070] =	vst v0;
	v9 =	vld [tilespmem:s3+$0x7820];
	v6 =	vmax.f32 v2, v1;
	v0 =	vmin.f32 v2, v1;
	v1 =	vmax.f32 v4, v5  }
0x196: {  	v10 =	vld [tilespmem:s3+$0x7C00];
	[tilespmem:s3+$0x7800] =	vst v6;
	v2 =	vmax.f32 v0, v1  }
0x197: {  	v7 =	vld [tilespmem:s3+$0x8040];
	v0 =	vmin.f32 v0, v1;
	[tilespmem:s3+$0x7860] =	vst v2  }
0x198: {  	v6 =	vld [tilespmem:s3+$0x7C60];
	v1 =	vmax.f32 v8, v11;
	[tilespmem:s3+$0x7C40] =	vst v0;
	v0 =	vmin.f32 v4, v5  }
0x199: {  	v4 =	vld [tilespmem:s3+$0x7830];
	v2 =	vmax.f32 v3, v62;
	v3 =	vmin.f32 v3, v62;
	[tilespmem:s3+$0x8020] =	vst v0;
	v0 =	vmin.f32 v8, v11  }
0x19a: {  	v5 =	vmax.f32 v1, v2;
	v8 =	vld [tilespmem:s3+$0x7C10];
	v2 =	vmin.f32 v1, v2;
	v11 =	vmax.f32 v0, v3  }
0x19b: {  	v1 =	vld [tilespmem:s3+$0x7C70];
	[tilespmem:s3+$0x7810] =	vst v5;
	v5 =	vmax.f32 v2, v11  }
0x19c: {  	s7 =	simm.s32 $0x0;
	v3 =	vmin.f32 v0, v3;
	[tilespmem:s3+$0x7870] =	vst v5;
	v5 =	vmin.f32 v2, v11;
	v2 =	vld [tilespmem:s3+$0x8050];
	v11 =	vmax.f32 v9, v10  }
0x19d: {  	s5 =	smul.u32 $0x3000, s7;
	v0 =	vld [tilespmem:s3+$0x7840];
	v63 =	vmax.f32 v6, v7;
	v7 =	vmin.f32 v6, v7;
	[tilespmem:s3+$0x7C50] =	vst v5;
	v5 =	vmin.f32 v9, v10  }
0x19e: {  	s4 =	simm.s32 $0x80;
	[tilespmem:s3+$0x8030] =	vst v3;
	v3 =	vld [tilespmem:s3+$0x7C20];
	v6 =	vmax.f32 v11, v63;
	v9 =	vmin.f32 v11, v63;
	v10 =	vmax.f32 v5, v7  }
0x19f: {  	s6 =	sand.u32 $0x380, s4;
	s7 =	sshra.s32 s5, $0x2;
	s5 =	simm.s32 $0x2;
	[tilespmem:s3+$0x7820] =	vst v6;
	v6 =	vmin.f32 v4, v8;
	v8 =	vmax.f32 v4, v8;
	v4 =	vld [tilespmem:s3+$0x8000];
	v11 =	vmax.f32 v9, v10  }
.LBB2_10:
0x1a0: {  	p0 =	sne.s32 s5, $0x4F;
	s6 =	sor.u32 s6, s7;
	[tilespmem:s3+$0x7C00] =	vst v11;
	v9 =	vmin.f32 v9, v10;
	v5 =	vmin.f32 v5, v7;
	v7 =	vld [tilespmem:s3+$0x8060]  }
0x1a1: {  	v10 =	vld [tilespmem:s6+$0x7850];
	[tilespmem:s3+$0x7C60] =	vst v9;
	v9 =	vmin.f32 v1, v2;
	v1 =	vmax.f32 v1, v2  }
0x1a2: {  	v2 =	vld [tilespmem:s6+$0x7C30];
	[tilespmem:s3+$0x8040] =	vst v5;
	v5 =	vmin.f32 v8, v1;
	v11 =	vmax.f32 v6, v9;
	v1 =	vmax.f32 v8, v1  }
0x1a3: {  	v8 =	vld [tilespmem:s6+$0x8010];
	[tilespmem:s3+$0x7830] =	vst v1;
	v1 =	vmax.f32 v5, v11;
	v12 =	vmin.f32 v0, v3;
	v0 =	vmax.f32 v0, v3  }
0x1a4: {  	v3 =	vld [tilespmem:s6+$0x8070];
	[tilespmem:s3+$0x7C10] =	vst v1;
	v1 =	vmin.f32 v5, v11;
	v5 =	vmin.f32 v6, v9  }
0x1a5: {  	v6 =	vld [tilespmem:s6+$0x7800];
	[tilespmem:s3+$0x7C70] =	vst v1;
	v1 =	vmin.f32 v4, v7;
	v4 =	vmax.f32 v4, v7  }
0x1a6: {  	v7 =	vld [tilespmem:s6+$0x7860];
	[tilespmem:s3+$0x8050] =	vst v5;
	v5 =	vmin.f32 v0, v4;
	v9 =	vmax.f32 v12, v1;
	v0 =	vmax.f32 v0, v4  }
0x1a7: {  	v1 =	vmin.f32 v12, v1;
	v4 =	vld [tilespmem:s6+$0x7C40];
	[tilespmem:s3+$0x7840] =	vst v0;
	v0 =	vmax.f32 v5, v9;
	v5 =	vmin.f32 v5, v9  }
0x1a8: {  	v11 =	vmin.f32 v10, v2;
	v9 =	vld [tilespmem:s6+$0x8020];
	[tilespmem:s3+$0x7C20] =	vst v0  }
0x1a9: {  	v2 =	vmax.f32 v10, v2;
	v0 =	vld [tilespmem:s6+$0x7810];
	v10 =	vmin.f32 v8, v3;
	v3 =	vmax.f32 v8, v3;
	[tilespmem:s3+$0x8000] =	vst v5  }
0x1aa: {  	v5 =	vld [tilespmem:s6+$0x7870];
	v8 =	vmin.f32 v2, v3;
	v12 =	vmax.f32 v11, v10;
	v2 =	vmax.f32 v2, v3;
	[tilespmem:s3+$0x8060] =	vst v1;
	s3 =	smov.u32 s6  }
0x1ab: {  	v1 =	vmin.f32 v6, v7;
	v3 =	vmax.f32 v6, v7;
	v6 =	vld [tilespmem:s3+$0x7C50];
	[tilespmem:s3+$0x7850] =	vst v2;
	v2 =	vmin.f32 v8, v12  }
0x1ac: {  	v8 =	vmax.f32 v8, v12;
	v7 =	vld [tilespmem:s3+$0x8030];
	[tilespmem:s3+$0x8010] =	vst v2;
	v2 =	vmin.f32 v11, v10  }
0x1ad: {  	v10 =	vmin.f32 v4, v9;
	v4 =	vmax.f32 v4, v9;
	v9 =	vld [tilespmem:s3+$0x7820];
	[tilespmem:s3+$0x7C30] =	vst v8  }
0x1ae: {  	v8 =	vmin.f32 v3, v4;
	v11 =	vmax.f32 v1, v10;
	v3 =	vmax.f32 v3, v4;
	v4 =	vld [tilespmem:s3+$0x7C00];
	[tilespmem:s3+$0x8070] =	vst v2  }
0x1af: {  	[tilespmem:s3+$0x7800] =	vst v3;
	v2 =	vmax.f32 v8, v11;
	v3 =	vmin.f32 v0, v5;
	v0 =	vmax.f32 v0, v5;
	v12 =	vld [tilespmem:s3+$0x7C60]  }
0x1b0: {  	v1 =	vmin.f32 v1, v10;
	[tilespmem:s3+$0x7860] =	vst v2;
	v2 =	vmin.f32 v8, v11;
	v8 =	vld [tilespmem:s3+$0x8040]  }
0x1b1: {  	[tilespmem:s3+$0x7C40] =	vst v2;
	v2 =	vmin.f32 v6, v7;
	v5 =	vmax.f32 v6, v7;
	v13 =	vld [tilespmem:s3+$0x7830]  }
0x1b2: {  	[tilespmem:s3+$0x8020] =	vst v1;
	v6 =	vmin.f32 v0, v5;
	v7 =	vmax.f32 v3, v2;
	v0 =	vmax.f32 v0, v5;
	v14 =	vld [tilespmem:s3+$0x7C10]  }
.Ltmp4:
0x1b3: {  	[tilespmem:s3+$0x7810] =	vst v0;
	v0 =	vmax.f32 v6, v7;
	v5 =	vmin.f32 v9, v4;
	v4 =	vmax.f32 v9, v4;
	v1 =	vld [tilespmem:s3+$0x7C70];
	(pc) =	sbr.rel @p0 .LBB2_10-.Ltmp4, $4  }
0x1b4: {  	s6 =	sshrl.u32 s5, $0x3;
	v3 =	vmin.f32 v3, v2;
	[tilespmem:s3+$0x7870] =	vst v0;
	v0 =	vmin.f32 v6, v7;
	v2 =	vld [tilespmem:s3+$0x8050]  }
0x1b5: {  	s7 =	smul.u32 $0x3000, s6;
	[tilespmem:s3+$0x7C50] =	vst v0;
	v7 =	vmin.f32 v12, v8;
	v6 =	vmax.f32 v12, v8;
	v0 =	vld [tilespmem:s3+$0x7840]  }
0x1b6: {  	s4 =	sadd.s32 $0x80, s4;
	[tilespmem:s3+$0x8030] =	vst v3;
	v9 =	vmin.f32 v4, v6;
	v10 =	vmax.f32 v5, v7;
	v4 =	vmax.f32 v4, v6;
	v3 =	vld [tilespmem:s3+$0x7C20]  }
0x1b7: {  	s5 =	sadd.s32 $0x1, s5;
	s6 =	sand.u32 $0x380, s4;
	s7 =	sshra.s32 s7, $0x2;
	[tilespmem:s3+$0x7820] =	vst v4;
	v11 =	vmax.f32 v9, v10;
	v6 =	vmin.f32 v13, v14;
	v8 =	vmax.f32 v13, v14;
	v4 =	vld [tilespmem:s3+$0x8000]  }
0x1b8: {  	[tilespmem:s3+$0x7C00] =	vst v11;
	s4 =	sor.u32 s6, s7;
	v9 =	vmin.f32 v9, v10;
	v10 =	vld [tilespmem:s3+$0x8060]  }
0x1b9: {  	v5 =	vmin.f32 v5, v7;
	v7 =	vld [tilespmem:s4+$0x7850];
	[tilespmem:s3+$0x7C60] =	vst v9;
	v9 =	vmin.f32 v1, v2;
	v1 =	vmax.f32 v1, v2  }
0x1ba: {  	v2 =	vld [tilespmem:s4+$0x7C30];
	[tilespmem:s3+$0x8040] =	vst v5;
	v5 =	vmin.f32 v8, v1;
	v11 =	vmax.f32 v6, v9;
	v1 =	vmax.f32 v8, v1  }
0x1bb: {  	v8 =	vld [tilespmem:s4+$0x8010];
	[tilespmem:s3+$0x7830] =	vst v1;
	v1 =	vmax.f32 v5, v11  }
0x1bc: {  	v12 =	vmin.f32 v0, v3;
	v0 =	vmax.f32 v0, v3;
	v3 =	vld [tilespmem:s4+$0x8070];
	[tilespmem:s3+$0x7C10] =	vst v1;
	v1 =	vmin.f32 v5, v11  }
0x1bd: {  	v5 =	vmin.f32 v6, v9;
	v6 =	vld [tilespmem:s4+$0x7800];
	[tilespmem:s3+$0x7C70] =	vst v1;
	v1 =	vmin.f32 v4, v10;
	v4 =	vmax.f32 v4, v10  }
0x1be: {  	v9 =	vld [tilespmem:s4+$0x7860];
	[tilespmem:s3+$0x8050] =	vst v5;
	v5 =	vmin.f32 v0, v4;
	v0 =	vmax.f32 v0, v4  }
0x1bf: {  	v10 =	vmax.f32 v12, v1;
	v4 =	vld [tilespmem:s4+$0x7C40];
	v1 =	vmin.f32 v12, v1;
	[tilespmem:s3+$0x7840] =	vst v0  }
0x1c0: {  	v11 =	vmin.f32 v7, v2;
	v0 =	vmax.f32 v5, v10;
	v5 =	vmin.f32 v5, v10;
	v10 =	vld [tilespmem:s4+$0x8020];
	[tilespmem:s3+$0x8060] =	vst v1  }
0x1c1: {  	v2 =	vmax.f32 v7, v2;
	[tilespmem:s3+$0x7C20] =	vst v0;
	v0 =	vld [tilespmem:s4+$0x7810];
	v7 =	vmin.f32 v8, v3;
	v3 =	vmax.f32 v8, v3  }
0x1c2: {  	[tilespmem:s3+$0x8000] =	vst v5;
	v5 =	vld [tilespmem:s4+$0x7870];
	v8 =	vmin.f32 v2, v3;
	v59 =	vmax.f32 v11, v7;
	v2 =	vmax.f32 v2, v3  }
0x1c3: {  	v1 =	vld [tilespmem:s4+$0x7C50];
	[tilespmem:s4+$0x7850] =	vst v2;
	v2 =	vmin.f32 v8, v59  }
0x1c4: {  	v3 =	vmin.f32 v6, v9;
	v6 =	vmax.f32 v6, v9;
	v9 =	vld [tilespmem:s4+$0x8030];
	v8 =	vmax.f32 v8, v59;
	[tilespmem:s4+$0x8010] =	vst v2  }
0x1c5: {  	v2 =	vmin.f32 v11, v7;
	[tilespmem:s4+$0x7C30] =	vst v8;
	v7 =	vmin.f32 v4, v10;
	v4 =	vmax.f32 v4, v10;
	v10 =	vld [tilespmem:s4+$0x7820]  }
0x1c6: {  	[tilespmem:s4+$0x8070] =	vst v2;
	v8 =	vmin.f32 v6, v4;
	v11 =	vmax.f32 v3, v7;
	v4 =	vmax.f32 v6, v4;
	v6 =	vld [tilespmem:s4+$0x7C00]  }
0x1c7: {  	v60 =	vmin.f32 v0, v5;
	v0 =	vmax.f32 v0, v5;
	v5 =	vld [tilespmem:s4+$0x8040];
	[tilespmem:s4+$0x7800] =	vst v4;
	v2 =	vmax.f32 v8, v11  }
0x1c8: {  	v4 =	vld [tilespmem:s4+$0x7C60];
	[tilespmem:s4+$0x7860] =	vst v2;
	v2 =	vmin.f32 v8, v11  }
0x1c9: {  	v3 =	vmin.f32 v3, v7;
	v7 =	vld [tilespmem:s4+$0x7830];
	[tilespmem:s4+$0x7C40] =	vst v2;
	v2 =	vmin.f32 v1, v9;
	v1 =	vmax.f32 v1, v9  }
0x1ca: {  	[tilespmem:s4+$0x8020] =	vst v3;
	v9 =	vld [tilespmem:s4+$0x7C70];
	v3 =	vmin.f32 v0, v1;
	v8 =	vmax.f32 v60, v2;
	v0 =	vmax.f32 v0, v1  }
0x1cb: {  	v1 =	vld [tilespmem:s4+$0x7C10];
	[tilespmem:s4+$0x7810] =	vst v0;
	v0 =	vmax.f32 v3, v8  }
0x1cc: {  	v2 =	vmin.f32 v60, v2;
	v11 =	vmin.f32 v10, v6;
	[tilespmem:s4+$0x7870] =	vst v0;
	v0 =	vmin.f32 v3, v8;
	v3 =	vld [tilespmem:s4+$0x8050]  }
0x1cd: {  	v6 =	vmax.f32 v10, v6;
	v10 =	vld [tilespmem:s4+$0x8000];
	[tilespmem:s4+$0x7C50] =	vst v0;
	v0 =	vmin.f32 v4, v5;
	v4 =	vmax.f32 v4, v5  }
0x1ce: {  	[tilespmem:s4+$0x8030] =	vst v2;
	v5 =	vld [tilespmem:s4+$0x7840];
	v2 =	vmin.f32 v6, v4;
	v8 =	vmax.f32 v11, v0;
	v4 =	vmax.f32 v6, v4  }
0x1cf: {  	v6 =	vld [tilespmem:s4+$0x7C20];
	[tilespmem:s4+$0x7820] =	vst v4;
	v4 =	vmax.f32 v2, v8  }
0x1d0: {  	v0 =	vmin.f32 v11, v0;
	v61 =	vmin.f32 v7, v1;
	v2 =	vmin.f32 v2, v8;
	[tilespmem:s4+$0x7C00] =	vst v4;
	v4 =	vld [tilespmem:s4+$0x8060]  }
0x1d1: {  	v1 =	vmax.f32 v7, v1;
	[tilespmem:s4+$0x7C60] =	vst v2;
	v2 =	vmin.f32 v9, v3;
	v3 =	vmax.f32 v9, v3  }
0x1d2: {  	[tilespmem:s4+$0x8040] =	vst v0;
	v0 =	vmin.f32 v1, v3;
	v7 =	vmax.f32 v61, v2;
	v1 =	vmax.f32 v1, v3  }
0x1d3: {  	[tilespmem:s4+$0x7830] =	vst v1;
	v1 =	vmax.f32 v0, v7  }
0x1d4: {  	v3 =	vmin.f32 v5, v6;
	v0 =	vmin.f32 v0, v7;
	[tilespmem:s4+$0x7C10] =	vst v1  }
0x1d5: {  	v5 =	vmax.f32 v5, v6;
	v1 =	vmin.f32 v61, v2;
	[tilespmem:s4+$0x7C70] =	vst v0;
	v2 =	vmax.f32 v10, v4  }
0x1d6: {  	v0 =	vmin.f32 v10, v4;
	[tilespmem:s4+$0x8050] =	vst v1;
	v1 =	vmin.f32 v5, v2;
	v2 =	vmax.f32 v5, v2  }
0x1d7: {  	v4 =	vmax.f32 v3, v0;
	v0 =	vmin.f32 v3, v0;
	[tilespmem:s4+$0x7840] =	vst v2  }
0x1d8: {  	v2 =	vmax.f32 v1, v4;
	[tilespmem:s4+$0x8060] =	vst v0  }
0x1d9: {  	v1 =	vmin.f32 v1, v4;
	[tilespmem:s4+$0x7C20] =	vst v2  }
0x1da: {  	s5 =	simm.s32 $0x0;
	[tilespmem:s4+$0x8000] =	vst v1  }
0x1db: {  	[hbm4b:s13+s5] =	stream.linear.scatter [tilespmem:s24], [sflag:$0x5], $0x7800, $0x38;
	[tilespmem:$0x16800] =	vst v63  }
0x1dc: {  	_ =	swait.ge [sflag:s29], $0x7800  }
0x1dd: {  	s6 =	simm.s32 $0x0;
	[sflag:s29] =	ssyncset.done $0x0  }
0x1de: {  	s4 =	smul.u32 $0x3000, s6;
	[sflag:s29] =	ssyncadd.s32 $0xFFFF8800  }
0x1df: {  	[tilespmem:s5], [sflag:$0x1] =	stream.linear.gather [hbm4b:s14+s5], $0x7800, $0x38;
	[tilespmem:$0x16800] =	vst v63  }
0x1e0: {  	_ =	swait.ge [sflag:s30], $0x7800  }
0x1e1: {  	s3 =	sand.u32 $0x380, s5;
	s4 =	sshra.s32 s4, $0x2;
	[sflag:s30] =	ssyncset.done $0x0  }
0x1e2: {  	s3 =	sor.u32 s3, s4;
	[sflag:s30] =	ssyncadd.s32 $0xFFFF8800  }
0x1e3: {  	v0 =	vld [tilespmem:s3+$0xF050]  }
0x1e4: {  	v1 =	vld [tilespmem:s3+$0xF430]  }
0x1e5: {  	v2 =	vld [tilespmem:s3+$0xF810]  }
0x1e6: {  	v3 =	vld [tilespmem:s3+$0xF870]  }
0x1e7: {  	v4 =	vld [tilespmem:s3+$0xF000]  }
0x1e8: {  	v6 =	vld [tilespmem:s3+$0xF440]  }
0x1e9: {  	v7 =	vld [tilespmem:s3+$0xF820]  }
0x1ea: {  	v5 =	vld [tilespmem:s3+$0xF060];
	v9 =	vmax.f32 v0, v1  }
0x1eb: {  	v10 =	vmax.f32 v2, v3;
	v0 =	vmin.f32 v0, v1;
	v1 =	vmin.f32 v2, v3  }
0x1ec: {  	v8 =	vld [tilespmem:s3+$0xF010];
	v2 =	vmax.f32 v9, v10;
	v9 =	vmin.f32 v9, v10;
	v10 =	vmax.f32 v0, v1  }
0x1ed: {  	v11 =	vld [tilespmem:s3+$0xF070];
	[tilespmem:s3+$0xF050] =	vst v2;
	v2 =	vmin.f32 v9, v10  }
0x1ee: {  	v62 =	vld [tilespmem:s3+$0xF830];
	v0 =	vmin.f32 v0, v1;
	v1 =	vmax.f32 v6, v7;
	[tilespmem:s3+$0xF810] =	vst v2;
	v2 =	vmax.f32 v9, v10  }
0x1ef: {  	v3 =	vld [tilespmem:s3+$0xF450];
	[tilespmem:s3+$0xF430] =	vst v2;
	v2 =	vmax.f32 v4, v5;
	v4 =	vmin.f32 v4, v5;
	v5 =	vmin.f32 v6, v7  }
0x1f0: {  	[tilespmem:s3+$0xF870] =	vst v0;
	v9 =	vld [tilespmem:s3+$0xF020];
	v6 =	vmax.f32 v2, v1;
	v0 =	vmin.f32 v2, v1;
	v1 =	vmax.f32 v4, v5  }
0x1f1: {  	v10 =	vld [tilespmem:s3+$0xF400];
	[tilespmem:s3+$0xF000] =	vst v6;
	v2 =	vmax.f32 v0, v1  }
0x1f2: {  	v7 =	vld [tilespmem:s3+$0xF840];
	v0 =	vmin.f32 v0, v1;
	[tilespmem:s3+$0xF060] =	vst v2  }
0x1f3: {  	v6 =	vld [tilespmem:s3+$0xF460];
	v1 =	vmax.f32 v8, v11;
	[tilespmem:s3+$0xF440] =	vst v0;
	v0 =	vmin.f32 v4, v5  }
0x1f4: {  	v4 =	vld [tilespmem:s3+$0xF030];
	v2 =	vmax.f32 v3, v62;
	v3 =	vmin.f32 v3, v62;
	[tilespmem:s3+$0xF820] =	vst v0;
	v0 =	vmin.f32 v8, v11  }
0x1f5: {  	v5 =	vmax.f32 v1, v2;
	v8 =	vld [tilespmem:s3+$0xF410];
	v2 =	vmin.f32 v1, v2;
	v11 =	vmax.f32 v0, v3  }
0x1f6: {  	v1 =	vld [tilespmem:s3+$0xF470];
	[tilespmem:s3+$0xF010] =	vst v5;
	v5 =	vmax.f32 v2, v11  }
0x1f7: {  	s7 =	simm.s32 $0x0;
	v3 =	vmin.f32 v0, v3;
	[tilespmem:s3+$0xF070] =	vst v5;
	v5 =	vmin.f32 v2, v11;
	v2 =	vld [tilespmem:s3+$0xF850];
	v11 =	vmax.f32 v9, v10  }
0x1f8: {  	s5 =	smul.u32 $0x3000, s7;
	v0 =	vld [tilespmem:s3+$0xF040];
	v63 =	vmax.f32 v6, v7;
	v7 =	vmin.f32 v6, v7;
	[tilespmem:s3+$0xF450] =	vst v5;
	v5 =	vmin.f32 v9, v10  }
0x1f9: {  	s4 =	simm.s32 $0x80;
	[tilespmem:s3+$0xF830] =	vst v3;
	v3 =	vld [tilespmem:s3+$0xF420];
	v6 =	vmax.f32 v11, v63;
	v9 =	vmin.f32 v11, v63;
	v10 =	vmax.f32 v5, v7  }
0x1fa: {  	s6 =	sand.u32 $0x380, s4;
	s7 =	sshra.s32 s5, $0x2;
	s5 =	simm.s32 $0x2;
	[tilespmem:s3+$0xF020] =	vst v6;
	v6 =	vmin.f32 v4, v8;
	v8 =	vmax.f32 v4, v8;
	v4 =	vld [tilespmem:s3+$0xF800];
	v11 =	vmax.f32 v9, v10  }
.LBB2_12:
0x1fb: {  	p0 =	sne.s32 s5, $0x4F;
	s6 =	sor.u32 s6, s7;
	[tilespmem:s3+$0xF400] =	vst v11;
	v9 =	vmin.f32 v9, v10;
	v5 =	vmin.f32 v5, v7;
	v7 =	vld [tilespmem:s3+$0xF860]  }
0x1fc: {  	v10 =	vld [tilespmem:s6+$0xF050];
	[tilespmem:s3+$0xF460] =	vst v9;
	v9 =	vmin.f32 v1, v2;
	v1 =	vmax.f32 v1, v2  }
0x1fd: {  	v2 =	vld [tilespmem:s6+$0xF430];
	[tilespmem:s3+$0xF840] =	vst v5;
	v5 =	vmin.f32 v8, v1;
	v11 =	vmax.f32 v6, v9;
	v1 =	vmax.f32 v8, v1  }
0x1fe: {  	v8 =	vld [tilespmem:s6+$0xF810];
	[tilespmem:s3+$0xF030] =	vst v1;
	v1 =	vmax.f32 v5, v11;
	v12 =	vmin.f32 v0, v3;
	v0 =	vmax.f32 v0, v3  }
0x1ff: {  	v3 =	vld [tilespmem:s6+$0xF870];
	[tilespmem:s3+$0xF410] =	vst v1;
	v1 =	vmin.f32 v5, v11;
	v5 =	vmin.f32 v6, v9  }
0x200: {  	v6 =	vld [tilespmem:s6+$0xF000];
	[tilespmem:s3+$0xF470] =	vst v1;
	v1 =	vmin.f32 v4, v7;
	v4 =	vmax.f32 v4, v7  }
0x201: {  	v7 =	vld [tilespmem:s6+$0xF060];
	[tilespmem:s3+$0xF850] =	vst v5;
	v5 =	vmin.f32 v0, v4;
	v9 =	vmax.f32 v12, v1;
	v0 =	vmax.f32 v0, v4  }
0x202: {  	v1 =	vmin.f32 v12, v1;
	v4 =	vld [tilespmem:s6+$0xF440];
	[tilespmem:s3+$0xF040] =	vst v0;
	v0 =	vmax.f32 v5, v9;
	v5 =	vmin.f32 v5, v9  }
0x203: {  	v11 =	vmin.f32 v10, v2;
	v9 =	vld [tilespmem:s6+$0xF820];
	[tilespmem:s3+$0xF420] =	vst v0  }
0x204: {  	v2 =	vmax.f32 v10, v2;
	v0 =	vld [tilespmem:s6+$0xF010];
	v10 =	vmin.f32 v8, v3;
	v3 =	vmax.f32 v8, v3;
	[tilespmem:s3+$0xF800] =	vst v5  }
0x205: {  	v5 =	vld [tilespmem:s6+$0xF070];
	v8 =	vmin.f32 v2, v3;
	v12 =	vmax.f32 v11, v10;
	v2 =	vmax.f32 v2, v3;
	[tilespmem:s3+$0xF860] =	vst v1;
	s3 =	smov.u32 s6  }
0x206: {  	v1 =	vmin.f32 v6, v7;
	v3 =	vmax.f32 v6, v7;
	v6 =	vld [tilespmem:s3+$0xF450];
	[tilespmem:s3+$0xF050] =	vst v2;
	v2 =	vmin.f32 v8, v12  }
0x207: {  	v8 =	vmax.f32 v8, v12;
	v7 =	vld [tilespmem:s3+$0xF830];
	[tilespmem:s3+$0xF810] =	vst v2;
	v2 =	vmin.f32 v11, v10  }
0x208: {  	v10 =	vmin.f32 v4, v9;
	v4 =	vmax.f32 v4, v9;
	v9 =	vld [tilespmem:s3+$0xF020];
	[tilespmem:s3+$0xF430] =	vst v8  }
0x209: {  	v8 =	vmin.f32 v3, v4;
	v11 =	vmax.f32 v1, v10;
	v3 =	vmax.f32 v3, v4;
	v4 =	vld [tilespmem:s3+$0xF400];
	[tilespmem:s3+$0xF870] =	vst v2  }
0x20a: {  	[tilespmem:s3+$0xF000] =	vst v3;
	v2 =	vmax.f32 v8, v11;
	v3 =	vmin.f32 v0, v5;
	v0 =	vmax.f32 v0, v5;
	v12 =	vld [tilespmem:s3+$0xF460]  }
0x20b: {  	v1 =	vmin.f32 v1, v10;
	[tilespmem:s3+$0xF060] =	vst v2;
	v2 =	vmin.f32 v8, v11;
	v8 =	vld [tilespmem:s3+$0xF840]  }
0x20c: {  	[tilespmem:s3+$0xF440] =	vst v2;
	v2 =	vmin.f32 v6, v7;
	v5 =	vmax.f32 v6, v7;
	v13 =	vld [tilespmem:s3+$0xF030]  }
0x20d: {  	[tilespmem:s3+$0xF820] =	vst v1;
	v6 =	vmin.f32 v0, v5;
	v7 =	vmax.f32 v3, v2;
	v0 =	vmax.f32 v0, v5;
	v14 =	vld [tilespmem:s3+$0xF410]  }
.Ltmp5:
0x20e: {  	[tilespmem:s3+$0xF010] =	vst v0;
	v0 =	vmax.f32 v6, v7;
	v5 =	vmin.f32 v9, v4;
	v4 =	vmax.f32 v9, v4;
	v1 =	vld [tilespmem:s3+$0xF470];
	(pc) =	sbr.rel @p0 .LBB2_12-.Ltmp5, $4  }
0x20f: {  	s6 =	sshrl.u32 s5, $0x3;
	v3 =	vmin.f32 v3, v2;
	[tilespmem:s3+$0xF070] =	vst v0;
	v0 =	vmin.f32 v6, v7;
	v2 =	vld [tilespmem:s3+$0xF850]  }
0x210: {  	s7 =	smul.u32 $0x3000, s6;
	[tilespmem:s3+$0xF450] =	vst v0;
	v7 =	vmin.f32 v12, v8;
	v6 =	vmax.f32 v12, v8;
	v0 =	vld [tilespmem:s3+$0xF040]  }
0x211: {  	s4 =	sadd.s32 $0x80, s4;
	[tilespmem:s3+$0xF830] =	vst v3;
	v9 =	vmin.f32 v4, v6;
	v10 =	vmax.f32 v5, v7;
	v4 =	vmax.f32 v4, v6;
	v3 =	vld [tilespmem:s3+$0xF420]  }
0x212: {  	s5 =	sadd.s32 $0x1, s5;
	s6 =	sand.u32 $0x380, s4;
	s7 =	sshra.s32 s7, $0x2;
	[tilespmem:s3+$0xF020] =	vst v4;
	v11 =	vmax.f32 v9, v10;
	v6 =	vmin.f32 v13, v14;
	v8 =	vmax.f32 v13, v14;
	v4 =	vld [tilespmem:s3+$0xF800]  }
0x213: {  	[tilespmem:s3+$0xF400] =	vst v11;
	s4 =	sor.u32 s6, s7;
	v9 =	vmin.f32 v9, v10;
	v10 =	vld [tilespmem:s3+$0xF860]  }
0x214: {  	v5 =	vmin.f32 v5, v7;
	v7 =	vld [tilespmem:s4+$0xF050];
	[tilespmem:s3+$0xF460] =	vst v9;
	v9 =	vmin.f32 v1, v2;
	v1 =	vmax.f32 v1, v2  }
0x215: {  	v2 =	vld [tilespmem:s4+$0xF430];
	[tilespmem:s3+$0xF840] =	vst v5;
	v5 =	vmin.f32 v8, v1;
	v11 =	vmax.f32 v6, v9;
	v1 =	vmax.f32 v8, v1  }
0x216: {  	v8 =	vld [tilespmem:s4+$0xF810];
	[tilespmem:s3+$0xF030] =	vst v1;
	v1 =	vmax.f32 v5, v11  }
0x217: {  	v12 =	vmin.f32 v0, v3;
	v0 =	vmax.f32 v0, v3;
	v3 =	vld [tilespmem:s4+$0xF870];
	[tilespmem:s3+$0xF410] =	vst v1;
	v1 =	vmin.f32 v5, v11  }
0x218: {  	v5 =	vmin.f32 v6, v9;
	v6 =	vld [tilespmem:s4+$0xF000];
	[tilespmem:s3+$0xF470] =	vst v1;
	v1 =	vmin.f32 v4, v10;
	v4 =	vmax.f32 v4, v10  }
0x219: {  	v9 =	vld [tilespmem:s4+$0xF060];
	[tilespmem:s3+$0xF850] =	vst v5;
	v5 =	vmin.f32 v0, v4;
	v0 =	vmax.f32 v0, v4  }
0x21a: {  	v10 =	vmax.f32 v12, v1;
	v4 =	vld [tilespmem:s4+$0xF440];
	v1 =	vmin.f32 v12, v1;
	[tilespmem:s3+$0xF040] =	vst v0  }
0x21b: {  	v11 =	vmin.f32 v7, v2;
	v0 =	vmax.f32 v5, v10;
	v5 =	vmin.f32 v5, v10;
	v10 =	vld [tilespmem:s4+$0xF820];
	[tilespmem:s3+$0xF860] =	vst v1  }
0x21c: {  	v2 =	vmax.f32 v7, v2;
	[tilespmem:s3+$0xF420] =	vst v0;
	v0 =	vld [tilespmem:s4+$0xF010];
	v7 =	vmin.f32 v8, v3;
	v3 =	vmax.f32 v8, v3  }
0x21d: {  	[tilespmem:s3+$0xF800] =	vst v5;
	v5 =	vld [tilespmem:s4+$0xF070];
	v8 =	vmin.f32 v2, v3;
	v59 =	vmax.f32 v11, v7;
	v2 =	vmax.f32 v2, v3  }
0x21e: {  	v1 =	vld [tilespmem:s4+$0xF450];
	[tilespmem:s4+$0xF050] =	vst v2;
	v2 =	vmin.f32 v8, v59  }
0x21f: {  	v3 =	vmin.f32 v6, v9;
	v6 =	vmax.f32 v6, v9;
	v9 =	vld [tilespmem:s4+$0xF830];
	v8 =	vmax.f32 v8, v59;
	[tilespmem:s4+$0xF810] =	vst v2  }
0x220: {  	v2 =	vmin.f32 v11, v7;
	[tilespmem:s4+$0xF430] =	vst v8;
	v7 =	vmin.f32 v4, v10;
	v4 =	vmax.f32 v4, v10;
	v10 =	vld [tilespmem:s4+$0xF020]  }
0x221: {  	[tilespmem:s4+$0xF870] =	vst v2;
	v8 =	vmin.f32 v6, v4;
	v11 =	vmax.f32 v3, v7;
	v4 =	vmax.f32 v6, v4;
	v6 =	vld [tilespmem:s4+$0xF400]  }
0x222: {  	v60 =	vmin.f32 v0, v5;
	v0 =	vmax.f32 v0, v5;
	v5 =	vld [tilespmem:s4+$0xF840];
	[tilespmem:s4+$0xF000] =	vst v4;
	v2 =	vmax.f32 v8, v11  }
0x223: {  	v4 =	vld [tilespmem:s4+$0xF460];
	[tilespmem:s4+$0xF060] =	vst v2;
	v2 =	vmin.f32 v8, v11  }
0x224: {  	v3 =	vmin.f32 v3, v7;
	v7 =	vld [tilespmem:s4+$0xF030];
	[tilespmem:s4+$0xF440] =	vst v2;
	v2 =	vmin.f32 v1, v9;
	v1 =	vmax.f32 v1, v9  }
0x225: {  	[tilespmem:s4+$0xF820] =	vst v3;
	v9 =	vld [tilespmem:s4+$0xF470];
	v3 =	vmin.f32 v0, v1;
	v8 =	vmax.f32 v60, v2;
	v0 =	vmax.f32 v0, v1  }
0x226: {  	v1 =	vld [tilespmem:s4+$0xF410];
	[tilespmem:s4+$0xF010] =	vst v0;
	v0 =	vmax.f32 v3, v8  }
0x227: {  	v2 =	vmin.f32 v60, v2;
	v11 =	vmin.f32 v10, v6;
	[tilespmem:s4+$0xF070] =	vst v0;
	v0 =	vmin.f32 v3, v8;
	v3 =	vld [tilespmem:s4+$0xF850]  }
0x228: {  	v6 =	vmax.f32 v10, v6;
	v10 =	vld [tilespmem:s4+$0xF800];
	[tilespmem:s4+$0xF450] =	vst v0;
	v0 =	vmin.f32 v4, v5;
	v4 =	vmax.f32 v4, v5  }
0x229: {  	[tilespmem:s4+$0xF830] =	vst v2;
	v5 =	vld [tilespmem:s4+$0xF040];
	v2 =	vmin.f32 v6, v4;
	v8 =	vmax.f32 v11, v0;
	v4 =	vmax.f32 v6, v4  }
0x22a: {  	v6 =	vld [tilespmem:s4+$0xF420];
	[tilespmem:s4+$0xF020] =	vst v4;
	v4 =	vmax.f32 v2, v8  }
0x22b: {  	v0 =	vmin.f32 v11, v0;
	v61 =	vmin.f32 v7, v1;
	v2 =	vmin.f32 v2, v8;
	[tilespmem:s4+$0xF400] =	vst v4;
	v4 =	vld [tilespmem:s4+$0xF860]  }
0x22c: {  	v1 =	vmax.f32 v7, v1;
	[tilespmem:s4+$0xF460] =	vst v2;
	v2 =	vmin.f32 v9, v3;
	v3 =	vmax.f32 v9, v3  }
0x22d: {  	[tilespmem:s4+$0xF840] =	vst v0;
	v0 =	vmin.f32 v1, v3;
	v7 =	vmax.f32 v61, v2;
	v1 =	vmax.f32 v1, v3  }
0x22e: {  	[tilespmem:s4+$0xF030] =	vst v1;
	v1 =	vmax.f32 v0, v7  }
0x22f: {  	v3 =	vmin.f32 v5, v6;
	v0 =	vmin.f32 v0, v7;
	[tilespmem:s4+$0xF410] =	vst v1  }
0x230: {  	v5 =	vmax.f32 v5, v6;
	v1 =	vmin.f32 v61, v2;
	[tilespmem:s4+$0xF470] =	vst v0;
	v2 =	vmax.f32 v10, v4  }
0x231: {  	v0 =	vmin.f32 v10, v4;
	[tilespmem:s4+$0xF850] =	vst v1;
	v1 =	vmin.f32 v5, v2;
	v2 =	vmax.f32 v5, v2  }
0x232: {  	v4 =	vmax.f32 v3, v0;
	v0 =	vmin.f32 v3, v0;
	[tilespmem:s4+$0xF040] =	vst v2  }
0x233: {  	v2 =	vmax.f32 v1, v4;
	[tilespmem:s4+$0xF860] =	vst v0  }
0x234: {  	v1 =	vmin.f32 v1, v4;
	[tilespmem:s4+$0xF420] =	vst v2  }
0x235: {  	s5 =	simm.s32 $0x0;
	[tilespmem:s4+$0xF800] =	vst v1  }
0x236: {  	[hbm4b:s15+s5] =	stream.linear.scatter [tilespmem:s26], [sflag:$0x6], $0x7800, $0x38;
	[tilespmem:$0x16800] =	vst v63  }
0x237: {  	_ =	swait.ge [sflag:s31], $0x7800  }
0x238: {  	s6 =	simm.s32 $0x0;
	[sflag:s31] =	ssyncset.done $0x0  }
0x239: {  	s4 =	smul.u32 $0x3000, s6;
	[sflag:s31] =	ssyncadd.s32 $0xFFFF8800  }
0x23a: {  	[tilespmem:s24], [sflag:$0x2] =	stream.linear.gather [hbm4b:s16+s5], $0x7800, $0x38;
	[tilespmem:$0x16800] =	vst v63  }
0x23b: {  	_ =	swait.ge [sflag:s25], $0x7800  }
0x23c: {  	s3 =	sand.u32 $0x380, s5;
	s4 =	sshra.s32 s4, $0x2;
	[sflag:s25] =	ssyncset.done $0x0  }
0x23d: {  	s3 =	sor.u32 s3, s4;
	[sflag:s25] =	ssyncadd.s32 $0xFFFF8800  }
0x23e: {  	v0 =	vld [tilespmem:s3+$0x50]  }
0x23f: {  	v1 =	vld [tilespmem:s3+$0x430]  }
0x240: {  	v2 =	vld [tilespmem:s3+$0x810]  }
0x241: {  	v3 =	vld [tilespmem:s3+$0x870]  }
0x242: {  	v4 =	vld [tilespmem:s3+$0x0]  }
0x243: {  	v6 =	vld [tilespmem:s3+$0x440]  }
0x244: {  	v7 =	vld [tilespmem:s3+$0x820]  }
0x245: {  	v5 =	vld [tilespmem:s3+$0x60];
	v9 =	vmax.f32 v0, v1  }
0x246: {  	v10 =	vmax.f32 v2, v3;
	v0 =	vmin.f32 v0, v1;
	v1 =	vmin.f32 v2, v3  }
0x247: {  	v8 =	vld [tilespmem:s3+$0x10];
	v2 =	vmax.f32 v9, v10;
	v9 =	vmin.f32 v9, v10;
	v10 =	vmax.f32 v0, v1  }
0x248: {  	v11 =	vld [tilespmem:s3+$0x70];
	[tilespmem:s3+$0x50] =	vst v2;
	v2 =	vmin.f32 v9, v10  }
0x249: {  	v62 =	vld [tilespmem:s3+$0x830];
	v0 =	vmin.f32 v0, v1;
	v1 =	vmax.f32 v6, v7;
	[tilespmem:s3+$0x810] =	vst v2;
	v2 =	vmax.f32 v9, v10  }
0x24a: {  	v3 =	vld [tilespmem:s3+$0x450];
	[tilespmem:s3+$0x430] =	vst v2;
	v2 =	vmax.f32 v4, v5;
	v4 =	vmin.f32 v4, v5;
	v5 =	vmin.f32 v6, v7  }
0x24b: {  	[tilespmem:s3+$0x870] =	vst v0;
	v9 =	vld [tilespmem:s3+$0x20];
	v6 =	vmax.f32 v2, v1;
	v0 =	vmin.f32 v2, v1;
	v1 =	vmax.f32 v4, v5  }
0x24c: {  	v10 =	vld [tilespmem:s3+$0x400];
	[tilespmem:s3+$0x0] =	vst v6;
	v2 =	vmax.f32 v0, v1  }
0x24d: {  	v7 =	vld [tilespmem:s3+$0x840];
	v0 =	vmin.f32 v0, v1;
	[tilespmem:s3+$0x60] =	vst v2  }
0x24e: {  	v6 =	vld [tilespmem:s3+$0x460];
	v1 =	vmax.f32 v8, v11;
	[tilespmem:s3+$0x440] =	vst v0;
	v0 =	vmin.f32 v4, v5  }
0x24f: {  	v4 =	vld [tilespmem:s3+$0x30];
	v2 =	vmax.f32 v3, v62;
	v3 =	vmin.f32 v3, v62;
	[tilespmem:s3+$0x820] =	vst v0;
	v0 =	vmin.f32 v8, v11  }
0x250: {  	v5 =	vmax.f32 v1, v2;
	v8 =	vld [tilespmem:s3+$0x410];
	v2 =	vmin.f32 v1, v2;
	v11 =	vmax.f32 v0, v3  }
0x251: {  	v1 =	vld [tilespmem:s3+$0x470];
	[tilespmem:s3+$0x10] =	vst v5;
	v5 =	vmax.f32 v2, v11  }
0x252: {  	s7 =	simm.s32 $0x0;
	v3 =	vmin.f32 v0, v3;
	[tilespmem:s3+$0x70] =	vst v5;
	v5 =	vmin.f32 v2, v11;
	v2 =	vld [tilespmem:s3+$0x850];
	v11 =	vmax.f32 v9, v10  }
0x253: {  	s5 =	smul.u32 $0x3000, s7;
	v0 =	vld [tilespmem:s3+$0x40];
	v63 =	vmax.f32 v6, v7;
	v7 =	vmin.f32 v6, v7;
	[tilespmem:s3+$0x450] =	vst v5;
	v5 =	vmin.f32 v9, v10  }
0x254: {  	s4 =	simm.s32 $0x80;
	[tilespmem:s3+$0x830] =	vst v3;
	v3 =	vld [tilespmem:s3+$0x420];
	v6 =	vmax.f32 v11, v63;
	v9 =	vmin.f32 v11, v63;
	v10 =	vmax.f32 v5, v7  }
0x255: {  	s6 =	sand.u32 $0x380, s4;
	s7 =	sshra.s32 s5, $0x2;
	s5 =	simm.s32 $0x2;
	[tilespmem:s3+$0x20] =	vst v6;
	v6 =	vmin.f32 v4, v8;
	v8 =	vmax.f32 v4, v8;
	v4 =	vld [tilespmem:s3+$0x800];
	v11 =	vmax.f32 v9, v10  }
.LBB2_14:
0x256: {  	p0 =	sne.s32 s5, $0x4F;
	s6 =	sor.u32 s6, s7;
	[tilespmem:s3+$0x400] =	vst v11;
	v9 =	vmin.f32 v9, v10;
	v5 =	vmin.f32 v5, v7;
	v7 =	vld [tilespmem:s3+$0x860]  }
0x257: {  	v10 =	vld [tilespmem:s6+$0x50];
	[tilespmem:s3+$0x460] =	vst v9;
	v9 =	vmin.f32 v1, v2;
	v1 =	vmax.f32 v1, v2  }
0x258: {  	v2 =	vld [tilespmem:s6+$0x430];
	[tilespmem:s3+$0x840] =	vst v5;
	v5 =	vmin.f32 v8, v1;
	v11 =	vmax.f32 v6, v9;
	v1 =	vmax.f32 v8, v1  }
0x259: {  	v8 =	vld [tilespmem:s6+$0x810];
	[tilespmem:s3+$0x30] =	vst v1;
	v1 =	vmax.f32 v5, v11;
	v12 =	vmin.f32 v0, v3;
	v0 =	vmax.f32 v0, v3  }
0x25a: {  	v3 =	vld [tilespmem:s6+$0x870];
	[tilespmem:s3+$0x410] =	vst v1;
	v1 =	vmin.f32 v5, v11;
	v5 =	vmin.f32 v6, v9  }
0x25b: {  	v6 =	vld [tilespmem:s6+$0x0];
	[tilespmem:s3+$0x470] =	vst v1;
	v1 =	vmin.f32 v4, v7;
	v4 =	vmax.f32 v4, v7  }
0x25c: {  	v7 =	vld [tilespmem:s6+$0x60];
	[tilespmem:s3+$0x850] =	vst v5;
	v5 =	vmin.f32 v0, v4;
	v9 =	vmax.f32 v12, v1;
	v0 =	vmax.f32 v0, v4  }
0x25d: {  	v1 =	vmin.f32 v12, v1;
	v4 =	vld [tilespmem:s6+$0x440];
	[tilespmem:s3+$0x40] =	vst v0;
	v0 =	vmax.f32 v5, v9;
	v5 =	vmin.f32 v5, v9  }
0x25e: {  	v11 =	vmin.f32 v10, v2;
	v9 =	vld [tilespmem:s6+$0x820];
	[tilespmem:s3+$0x420] =	vst v0  }
0x25f: {  	v2 =	vmax.f32 v10, v2;
	v0 =	vld [tilespmem:s6+$0x10];
	v10 =	vmin.f32 v8, v3;
	v3 =	vmax.f32 v8, v3;
	[tilespmem:s3+$0x800] =	vst v5  }
0x260: {  	v5 =	vld [tilespmem:s6+$0x70];
	v8 =	vmin.f32 v2, v3;
	v12 =	vmax.f32 v11, v10;
	v2 =	vmax.f32 v2, v3;
	[tilespmem:s3+$0x860] =	vst v1;
	s3 =	smov.u32 s6  }
0x261: {  	v1 =	vmin.f32 v6, v7;
	v3 =	vmax.f32 v6, v7;
	v6 =	vld [tilespmem:s3+$0x450];
	[tilespmem:s3+$0x50] =	vst v2;
	v2 =	vmin.f32 v8, v12  }
0x262: {  	v8 =	vmax.f32 v8, v12;
	v7 =	vld [tilespmem:s3+$0x830];
	[tilespmem:s3+$0x810] =	vst v2;
	v2 =	vmin.f32 v11, v10  }
0x263: {  	v10 =	vmin.f32 v4, v9;
	v4 =	vmax.f32 v4, v9;
	v9 =	vld [tilespmem:s3+$0x20];
	[tilespmem:s3+$0x430] =	vst v8  }
0x264: {  	v8 =	vmin.f32 v3, v4;
	v11 =	vmax.f32 v1, v10;
	v3 =	vmax.f32 v3, v4;
	v4 =	vld [tilespmem:s3+$0x400];
	[tilespmem:s3+$0x870] =	vst v2  }
0x265: {  	[tilespmem:s3+$0x0] =	vst v3;
	v2 =	vmax.f32 v8, v11;
	v3 =	vmin.f32 v0, v5;
	v0 =	vmax.f32 v0, v5;
	v12 =	vld [tilespmem:s3+$0x460]  }
0x266: {  	v1 =	vmin.f32 v1, v10;
	[tilespmem:s3+$0x60] =	vst v2;
	v2 =	vmin.f32 v8, v11;
	v8 =	vld [tilespmem:s3+$0x840]  }
0x267: {  	[tilespmem:s3+$0x440] =	vst v2;
	v2 =	vmin.f32 v6, v7;
	v5 =	vmax.f32 v6, v7;
	v13 =	vld [tilespmem:s3+$0x30]  }
0x268: {  	[tilespmem:s3+$0x820] =	vst v1;
	v6 =	vmin.f32 v0, v5;
	v7 =	vmax.f32 v3, v2;
	v0 =	vmax.f32 v0, v5;
	v14 =	vld [tilespmem:s3+$0x410]  }
.Ltmp6:
0x269: {  	[tilespmem:s3+$0x10] =	vst v0;
	v0 =	vmax.f32 v6, v7;
	v5 =	vmin.f32 v9, v4;
	v4 =	vmax.f32 v9, v4;
	v1 =	vld [tilespmem:s3+$0x470];
	(pc) =	sbr.rel @p0 .LBB2_14-.Ltmp6, $4  }
0x26a: {  	s6 =	sshrl.u32 s5, $0x3;
	v3 =	vmin.f32 v3, v2;
	[tilespmem:s3+$0x70] =	vst v0;
	v0 =	vmin.f32 v6, v7;
	v2 =	vld [tilespmem:s3+$0x850]  }
0x26b: {  	s7 =	smul.u32 $0x3000, s6;
	[tilespmem:s3+$0x450] =	vst v0;
	v7 =	vmin.f32 v12, v8;
	v6 =	vmax.f32 v12, v8;
	v0 =	vld [tilespmem:s3+$0x40]  }
0x26c: {  	s4 =	sadd.s32 $0x80, s4;
	[tilespmem:s3+$0x830] =	vst v3;
	v9 =	vmin.f32 v4, v6;
	v10 =	vmax.f32 v5, v7;
	v4 =	vmax.f32 v4, v6;
	v3 =	vld [tilespmem:s3+$0x420]  }
0x26d: {  	s5 =	sadd.s32 $0x1, s5;
	s6 =	sand.u32 $0x380, s4;
	s7 =	sshra.s32 s7, $0x2;
	[tilespmem:s3+$0x20] =	vst v4;
	v11 =	vmax.f32 v9, v10;
	v6 =	vmin.f32 v13, v14;
	v8 =	vmax.f32 v13, v14;
	v4 =	vld [tilespmem:s3+$0x800]  }
0x26e: {  	[tilespmem:s3+$0x400] =	vst v11;
	s4 =	sor.u32 s6, s7;
	v9 =	vmin.f32 v9, v10;
	v10 =	vld [tilespmem:s3+$0x860]  }
0x26f: {  	v5 =	vmin.f32 v5, v7;
	v7 =	vld [tilespmem:s4+$0x50];
	[tilespmem:s3+$0x460] =	vst v9;
	v9 =	vmin.f32 v1, v2;
	v1 =	vmax.f32 v1, v2  }
0x270: {  	v2 =	vld [tilespmem:s4+$0x430];
	[tilespmem:s3+$0x840] =	vst v5;
	v5 =	vmin.f32 v8, v1;
	v11 =	vmax.f32 v6, v9;
	v1 =	vmax.f32 v8, v1  }
0x271: {  	v8 =	vld [tilespmem:s4+$0x810];
	[tilespmem:s3+$0x30] =	vst v1;
	v1 =	vmax.f32 v5, v11  }
0x272: {  	v12 =	vmin.f32 v0, v3;
	v0 =	vmax.f32 v0, v3;
	v3 =	vld [tilespmem:s4+$0x870];
	[tilespmem:s3+$0x410] =	vst v1;
	v1 =	vmin.f32 v5, v11  }
0x273: {  	v5 =	vmin.f32 v6, v9;
	v6 =	vld [tilespmem:s4+$0x0];
	[tilespmem:s3+$0x470] =	vst v1;
	v1 =	vmin.f32 v4, v10;
	v4 =	vmax.f32 v4, v10  }
0x274: {  	v9 =	vld [tilespmem:s4+$0x60];
	[tilespmem:s3+$0x850] =	vst v5;
	v5 =	vmin.f32 v0, v4;
	v0 =	vmax.f32 v0, v4  }
0x275: {  	v10 =	vmax.f32 v12, v1;
	v4 =	vld [tilespmem:s4+$0x440];
	v1 =	vmin.f32 v12, v1;
	[tilespmem:s3+$0x40] =	vst v0  }
0x276: {  	v11 =	vmin.f32 v7, v2;
	v0 =	vmax.f32 v5, v10;
	v5 =	vmin.f32 v5, v10;
	v10 =	vld [tilespmem:s4+$0x820];
	[tilespmem:s3+$0x860] =	vst v1  }
0x277: {  	v2 =	vmax.f32 v7, v2;
	[tilespmem:s3+$0x420] =	vst v0;
	v0 =	vld [tilespmem:s4+$0x10];
	v7 =	vmin.f32 v8, v3;
	v3 =	vmax.f32 v8, v3  }
0x278: {  	[tilespmem:s3+$0x800] =	vst v5;
	v5 =	vld [tilespmem:s4+$0x70];
	v8 =	vmin.f32 v2, v3;
	v59 =	vmax.f32 v11, v7;
	v2 =	vmax.f32 v2, v3  }
0x279: {  	v1 =	vld [tilespmem:s4+$0x450];
	[tilespmem:s4+$0x50] =	vst v2;
	v2 =	vmin.f32 v8, v59  }
0x27a: {  	v3 =	vmin.f32 v6, v9;
	v6 =	vmax.f32 v6, v9;
	v9 =	vld [tilespmem:s4+$0x830];
	v8 =	vmax.f32 v8, v59;
	[tilespmem:s4+$0x810] =	vst v2  }
0x27b: {  	v2 =	vmin.f32 v11, v7;
	[tilespmem:s4+$0x430] =	vst v8;
	v7 =	vmin.f32 v4, v10;
	v4 =	vmax.f32 v4, v10;
	v10 =	vld [tilespmem:s4+$0x20]  }
0x27c: {  	[tilespmem:s4+$0x870] =	vst v2;
	v8 =	vmin.f32 v6, v4;
	v11 =	vmax.f32 v3, v7;
	v4 =	vmax.f32 v6, v4;
	v6 =	vld [tilespmem:s4+$0x400]  }
0x27d: {  	v60 =	vmin.f32 v0, v5;
	v0 =	vmax.f32 v0, v5;
	v5 =	vld [tilespmem:s4+$0x840];
	[tilespmem:s4+$0x0] =	vst v4;
	v2 =	vmax.f32 v8, v11  }
0x27e: {  	v4 =	vld [tilespmem:s4+$0x460];
	[tilespmem:s4+$0x60] =	vst v2;
	v2 =	vmin.f32 v8, v11  }
0x27f: {  	v3 =	vmin.f32 v3, v7;
	v7 =	vld [tilespmem:s4+$0x30];
	[tilespmem:s4+$0x440] =	vst v2;
	v2 =	vmin.f32 v1, v9;
	v1 =	vmax.f32 v1, v9  }
0x280: {  	[tilespmem:s4+$0x820] =	vst v3;
	v9 =	vld [tilespmem:s4+$0x470];
	v3 =	vmin.f32 v0, v1;
	v8 =	vmax.f32 v60, v2;
	v0 =	vmax.f32 v0, v1  }
0x281: {  	v1 =	vld [tilespmem:s4+$0x410];
	[tilespmem:s4+$0x10] =	vst v0;
	v0 =	vmax.f32 v3, v8  }
0x282: {  	v2 =	vmin.f32 v60, v2;
	v11 =	vmin.f32 v10, v6;
	[tilespmem:s4+$0x70] =	vst v0;
	v0 =	vmin.f32 v3, v8;
	v3 =	vld [tilespmem:s4+$0x850]  }
0x283: {  	v6 =	vmax.f32 v10, v6;
	v10 =	vld [tilespmem:s4+$0x800];
	[tilespmem:s4+$0x450] =	vst v0;
	v0 =	vmin.f32 v4, v5;
	v4 =	vmax.f32 v4, v5  }
0x284: {  	[tilespmem:s4+$0x830] =	vst v2;
	v5 =	vld [tilespmem:s4+$0x40];
	v2 =	vmin.f32 v6, v4;
	v8 =	vmax.f32 v11, v0;
	v4 =	vmax.f32 v6, v4  }
0x285: {  	v6 =	vld [tilespmem:s4+$0x420];
	[tilespmem:s4+$0x20] =	vst v4;
	v4 =	vmax.f32 v2, v8  }
0x286: {  	v0 =	vmin.f32 v11, v0;
	v61 =	vmin.f32 v7, v1;
	v2 =	vmin.f32 v2, v8;
	[tilespmem:s4+$0x400] =	vst v4;
	v4 =	vld [tilespmem:s4+$0x860]  }
0x287: {  	v1 =	vmax.f32 v7, v1;
	[tilespmem:s4+$0x460] =	vst v2;
	v2 =	vmin.f32 v9, v3;
	v3 =	vmax.f32 v9, v3  }
0x288: {  	[tilespmem:s4+$0x840] =	vst v0;
	v0 =	vmin.f32 v1, v3;
	v7 =	vmax.f32 v61, v2;
	v1 =	vmax.f32 v1, v3  }
0x289: {  	[tilespmem:s4+$0x30] =	vst v1;
	v1 =	vmax.f32 v0, v7  }
0x28a: {  	v3 =	vmin.f32 v5, v6;
	v0 =	vmin.f32 v0, v7;
	[tilespmem:s4+$0x410] =	vst v1  }
0x28b: {  	v5 =	vmax.f32 v5, v6;
	v1 =	vmin.f32 v61, v2;
	[tilespmem:s4+$0x470] =	vst v0;
	v2 =	vmax.f32 v10, v4  }
0x28c: {  	v0 =	vmin.f32 v10, v4;
	[tilespmem:s4+$0x850] =	vst v1;
	v1 =	vmin.f32 v5, v2;
	v2 =	vmax.f32 v5, v2  }
0x28d: {  	v4 =	vmax.f32 v3, v0;
	v0 =	vmin.f32 v3, v0;
	[tilespmem:s4+$0x40] =	vst v2  }
0x28e: {  	v2 =	vmax.f32 v1, v4;
	[tilespmem:s4+$0x860] =	vst v0  }
0x28f: {  	v1 =	vmin.f32 v1, v4;
	[tilespmem:s4+$0x420] =	vst v2  }
0x290: {  	s5 =	simm.s32 $0x0;
	[tilespmem:s4+$0x800] =	vst v1  }
0x291: {  	[hbm4b:s17+s5] =	stream.linear.scatter [tilespmem:s5], [sflag:$0x4], $0x7800, $0x38;
	[tilespmem:$0x16800] =	vst v63  }
0x292: {  	_ =	swait.ge [sflag:s1], $0x7800  }
0x293: {  	s6 =	simm.s32 $0x0;
	[sflag:s1] =	ssyncset.done $0x0  }
0x294: {  	s4 =	smul.u32 $0x3000, s6;
	[sflag:s1] =	ssyncadd.s32 $0xFFFF8800  }
0x295: {  	[tilespmem:s26], [sflag:$0x3] =	stream.linear.gather [hbm4b:s18+s5], $0x7800, $0x38;
	[tilespmem:$0x16800] =	vst v63  }
0x296: {  	_ =	swait.ge [sflag:s28], $0x7800  }
0x297: {  	s3 =	sand.u32 $0x380, s5;
	s4 =	sshra.s32 s4, $0x2;
	[sflag:s28] =	ssyncset.done $0x0  }
0x298: {  	s3 =	sor.u32 s3, s4;
	[sflag:s28] =	ssyncadd.s32 $0xFFFF8800  }
0x299: {  	v0 =	vld [tilespmem:s3+$0x7850]  }
0x29a: {  	v1 =	vld [tilespmem:s3+$0x7C30]  }
0x29b: {  	v2 =	vld [tilespmem:s3+$0x8010]  }
0x29c: {  	v3 =	vld [tilespmem:s3+$0x8070]  }
0x29d: {  	v4 =	vld [tilespmem:s3+$0x7800]  }
0x29e: {  	v6 =	vld [tilespmem:s3+$0x7C40]  }
0x29f: {  	v7 =	vld [tilespmem:s3+$0x8020]  }
0x2a0: {  	v5 =	vld [tilespmem:s3+$0x7860];
	v9 =	vmax.f32 v0, v1  }
0x2a1: {  	v10 =	vmax.f32 v2, v3;
	v0 =	vmin.f32 v0, v1;
	v1 =	vmin.f32 v2, v3  }
0x2a2: {  	v8 =	vld [tilespmem:s3+$0x7810];
	v2 =	vmax.f32 v9, v10;
	v9 =	vmin.f32 v9, v10;
	v10 =	vmax.f32 v0, v1  }
0x2a3: {  	v11 =	vld [tilespmem:s3+$0x7870];
	[tilespmem:s3+$0x7850] =	vst v2;
	v2 =	vmin.f32 v9, v10  }
0x2a4: {  	v62 =	vld [tilespmem:s3+$0x8030];
	v0 =	vmin.f32 v0, v1;
	v1 =	vmax.f32 v6, v7;
	[tilespmem:s3+$0x8010] =	vst v2;
	v2 =	vmax.f32 v9, v10  }
0x2a5: {  	v3 =	vld [tilespmem:s3+$0x7C50];
	[tilespmem:s3+$0x7C30] =	vst v2;
	v2 =	vmax.f32 v4, v5;
	v4 =	vmin.f32 v4, v5;
	v5 =	vmin.f32 v6, v7  }
0x2a6: {  	[tilespmem:s3+$0x8070] =	vst v0;
	v9 =	vld [tilespmem:s3+$0x7820];
	v6 =	vmax.f32 v2, v1;
	v0 =	vmin.f32 v2, v1;
	v1 =	vmax.f32 v4, v5  }
0x2a7: {  	v10 =	vld [tilespmem:s3+$0x7C00];
	[tilespmem:s3+$0x7800] =	vst v6;
	v2 =	vmax.f32 v0, v1  }
0x2a8: {  	v7 =	vld [tilespmem:s3+$0x8040];
	v0 =	vmin.f32 v0, v1;
	[tilespmem:s3+$0x7860] =	vst v2  }
0x2a9: {  	v6 =	vld [tilespmem:s3+$0x7C60];
	v1 =	vmax.f32 v8, v11;
	[tilespmem:s3+$0x7C40] =	vst v0;
	v0 =	vmin.f32 v4, v5  }
0x2aa: {  	v4 =	vld [tilespmem:s3+$0x7830];
	v2 =	vmax.f32 v3, v62;
	v3 =	vmin.f32 v3, v62;
	[tilespmem:s3+$0x8020] =	vst v0;
	v0 =	vmin.f32 v8, v11  }
0x2ab: {  	v5 =	vmax.f32 v1, v2;
	v8 =	vld [tilespmem:s3+$0x7C10];
	v2 =	vmin.f32 v1, v2;
	v11 =	vmax.f32 v0, v3  }
0x2ac: {  	v1 =	vld [tilespmem:s3+$0x7C70];
	[tilespmem:s3+$0x7810] =	vst v5;
	v5 =	vmax.f32 v2, v11  }
0x2ad: {  	s7 =	simm.s32 $0x0;
	v3 =	vmin.f32 v0, v3;
	[tilespmem:s3+$0x7870] =	vst v5;
	v5 =	vmin.f32 v2, v11;
	v2 =	vld [tilespmem:s3+$0x8050];
	v11 =	vmax.f32 v9, v10  }
0x2ae: {  	s5 =	smul.u32 $0x3000, s7;
	v0 =	vld [tilespmem:s3+$0x7840];
	v63 =	vmax.f32 v6, v7;
	v7 =	vmin.f32 v6, v7;
	[tilespmem:s3+$0x7C50] =	vst v5;
	v5 =	vmin.f32 v9, v10  }
0x2af: {  	s4 =	simm.s32 $0x80;
	[tilespmem:s3+$0x8030] =	vst v3;
	v3 =	vld [tilespmem:s3+$0x7C20];
	v6 =	vmax.f32 v11, v63;
	v9 =	vmin.f32 v11, v63;
	v10 =	vmax.f32 v5, v7  }
0x2b0: {  	s6 =	sand.u32 $0x380, s4;
	s7 =	sshra.s32 s5, $0x2;
	s5 =	simm.s32 $0x2;
	[tilespmem:s3+$0x7820] =	vst v6;
	v6 =	vmin.f32 v4, v8;
	v8 =	vmax.f32 v4, v8;
	v4 =	vld [tilespmem:s3+$0x8000];
	v11 =	vmax.f32 v9, v10  }
.LBB2_16:
0x2b1: {  	p0 =	sne.s32 s5, $0x4F;
	s6 =	sor.u32 s6, s7;
	[tilespmem:s3+$0x7C00] =	vst v11;
	v9 =	vmin.f32 v9, v10;
	v5 =	vmin.f32 v5, v7;
	v7 =	vld [tilespmem:s3+$0x8060]  }
0x2b2: {  	v10 =	vld [tilespmem:s6+$0x7850];
	[tilespmem:s3+$0x7C60] =	vst v9;
	v9 =	vmin.f32 v1, v2;
	v1 =	vmax.f32 v1, v2  }
0x2b3: {  	v2 =	vld [tilespmem:s6+$0x7C30];
	[tilespmem:s3+$0x8040] =	vst v5;
	v5 =	vmin.f32 v8, v1;
	v11 =	vmax.f32 v6, v9;
	v1 =	vmax.f32 v8, v1  }
0x2b4: {  	v8 =	vld [tilespmem:s6+$0x8010];
	[tilespmem:s3+$0x7830] =	vst v1;
	v1 =	vmax.f32 v5, v11;
	v12 =	vmin.f32 v0, v3;
	v0 =	vmax.f32 v0, v3  }
0x2b5: {  	v3 =	vld [tilespmem:s6+$0x8070];
	[tilespmem:s3+$0x7C10] =	vst v1;
	v1 =	vmin.f32 v5, v11;
	v5 =	vmin.f32 v6, v9  }
0x2b6: {  	v6 =	vld [tilespmem:s6+$0x7800];
	[tilespmem:s3+$0x7C70] =	vst v1;
	v1 =	vmin.f32 v4, v7;
	v4 =	vmax.f32 v4, v7  }
0x2b7: {  	v7 =	vld [tilespmem:s6+$0x7860];
	[tilespmem:s3+$0x8050] =	vst v5;
	v5 =	vmin.f32 v0, v4;
	v9 =	vmax.f32 v12, v1;
	v0 =	vmax.f32 v0, v4  }
0x2b8: {  	v1 =	vmin.f32 v12, v1;
	v4 =	vld [tilespmem:s6+$0x7C40];
	[tilespmem:s3+$0x7840] =	vst v0;
	v0 =	vmax.f32 v5, v9;
	v5 =	vmin.f32 v5, v9  }
0x2b9: {  	v11 =	vmin.f32 v10, v2;
	v9 =	vld [tilespmem:s6+$0x8020];
	[tilespmem:s3+$0x7C20] =	vst v0  }
0x2ba: {  	v2 =	vmax.f32 v10, v2;
	v0 =	vld [tilespmem:s6+$0x7810];
	v10 =	vmin.f32 v8, v3;
	v3 =	vmax.f32 v8, v3;
	[tilespmem:s3+$0x8000] =	vst v5  }
0x2bb: {  	v5 =	vld [tilespmem:s6+$0x7870];
	v8 =	vmin.f32 v2, v3;
	v12 =	vmax.f32 v11, v10;
	v2 =	vmax.f32 v2, v3;
	[tilespmem:s3+$0x8060] =	vst v1;
	s3 =	smov.u32 s6  }
0x2bc: {  	v1 =	vmin.f32 v6, v7;
	v3 =	vmax.f32 v6, v7;
	v6 =	vld [tilespmem:s3+$0x7C50];
	[tilespmem:s3+$0x7850] =	vst v2;
	v2 =	vmin.f32 v8, v12  }
0x2bd: {  	v8 =	vmax.f32 v8, v12;
	v7 =	vld [tilespmem:s3+$0x8030];
	[tilespmem:s3+$0x8010] =	vst v2;
	v2 =	vmin.f32 v11, v10  }
0x2be: {  	v10 =	vmin.f32 v4, v9;
	v4 =	vmax.f32 v4, v9;
	v9 =	vld [tilespmem:s3+$0x7820];
	[tilespmem:s3+$0x7C30] =	vst v8  }
0x2bf: {  	v8 =	vmin.f32 v3, v4;
	v11 =	vmax.f32 v1, v10;
	v3 =	vmax.f32 v3, v4;
	v4 =	vld [tilespmem:s3+$0x7C00];
	[tilespmem:s3+$0x8070] =	vst v2  }
0x2c0: {  	[tilespmem:s3+$0x7800] =	vst v3;
	v2 =	vmax.f32 v8, v11;
	v3 =	vmin.f32 v0, v5;
	v0 =	vmax.f32 v0, v5;
	v12 =	vld [tilespmem:s3+$0x7C60]  }
0x2c1: {  	v1 =	vmin.f32 v1, v10;
	[tilespmem:s3+$0x7860] =	vst v2;
	v2 =	vmin.f32 v8, v11;
	v8 =	vld [tilespmem:s3+$0x8040]  }
0x2c2: {  	[tilespmem:s3+$0x7C40] =	vst v2;
	v2 =	vmin.f32 v6, v7;
	v5 =	vmax.f32 v6, v7;
	v13 =	vld [tilespmem:s3+$0x7830]  }
0x2c3: {  	[tilespmem:s3+$0x8020] =	vst v1;
	v6 =	vmin.f32 v0, v5;
	v7 =	vmax.f32 v3, v2;
	v0 =	vmax.f32 v0, v5;
	v14 =	vld [tilespmem:s3+$0x7C10]  }
.Ltmp7:
0x2c4: {  	[tilespmem:s3+$0x7810] =	vst v0;
	v0 =	vmax.f32 v6, v7;
	v5 =	vmin.f32 v9, v4;
	v4 =	vmax.f32 v9, v4;
	v1 =	vld [tilespmem:s3+$0x7C70];
	(pc) =	sbr.rel @p0 .LBB2_16-.Ltmp7, $4  }
0x2c5: {  	s6 =	sshrl.u32 s5, $0x3;
	v3 =	vmin.f32 v3, v2;
	[tilespmem:s3+$0x7870] =	vst v0;
	v0 =	vmin.f32 v6, v7;
	v2 =	vld [tilespmem:s3+$0x8050]  }
0x2c6: {  	s7 =	smul.u32 $0x3000, s6;
	[tilespmem:s3+$0x7C50] =	vst v0;
	v7 =	vmin.f32 v12, v8;
	v6 =	vmax.f32 v12, v8;
	v0 =	vld [tilespmem:s3+$0x7840]  }
0x2c7: {  	s4 =	sadd.s32 $0x80, s4;
	[tilespmem:s3+$0x8030] =	vst v3;
	v9 =	vmin.f32 v4, v6;
	v10 =	vmax.f32 v5, v7;
	v4 =	vmax.f32 v4, v6;
	v3 =	vld [tilespmem:s3+$0x7C20]  }
0x2c8: {  	s5 =	sadd.s32 $0x1, s5;
	s6 =	sand.u32 $0x380, s4;
	s7 =	sshra.s32 s7, $0x2;
	[tilespmem:s3+$0x7820] =	vst v4;
	v11 =	vmax.f32 v9, v10;
	v6 =	vmin.f32 v13, v14;
	v8 =	vmax.f32 v13, v14;
	v4 =	vld [tilespmem:s3+$0x8000]  }
0x2c9: {  	[tilespmem:s3+$0x7C00] =	vst v11;
	s4 =	sor.u32 s6, s7;
	v9 =	vmin.f32 v9, v10;
	v10 =	vld [tilespmem:s3+$0x8060]  }
0x2ca: {  	v5 =	vmin.f32 v5, v7;
	v7 =	vld [tilespmem:s4+$0x7850];
	[tilespmem:s3+$0x7C60] =	vst v9;
	v9 =	vmin.f32 v1, v2;
	v1 =	vmax.f32 v1, v2  }
0x2cb: {  	v2 =	vld [tilespmem:s4+$0x7C30];
	[tilespmem:s3+$0x8040] =	vst v5;
	v5 =	vmin.f32 v8, v1;
	v11 =	vmax.f32 v6, v9;
	v1 =	vmax.f32 v8, v1  }
0x2cc: {  	v8 =	vld [tilespmem:s4+$0x8010];
	[tilespmem:s3+$0x7830] =	vst v1;
	v1 =	vmax.f32 v5, v11  }
0x2cd: {  	v12 =	vmin.f32 v0, v3;
	v0 =	vmax.f32 v0, v3;
	v3 =	vld [tilespmem:s4+$0x8070];
	[tilespmem:s3+$0x7C10] =	vst v1;
	v1 =	vmin.f32 v5, v11  }
0x2ce: {  	v5 =	vmin.f32 v6, v9;
	v6 =	vld [tilespmem:s4+$0x7800];
	[tilespmem:s3+$0x7C70] =	vst v1;
	v1 =	vmin.f32 v4, v10;
	v4 =	vmax.f32 v4, v10  }
0x2cf: {  	v9 =	vld [tilespmem:s4+$0x7860];
	[tilespmem:s3+$0x8050] =	vst v5;
	v5 =	vmin.f32 v0, v4;
	v0 =	vmax.f32 v0, v4  }
0x2d0: {  	v10 =	vmax.f32 v12, v1;
	v4 =	vld [tilespmem:s4+$0x7C40];
	v1 =	vmin.f32 v12, v1;
	[tilespmem:s3+$0x7840] =	vst v0  }
0x2d1: {  	v11 =	vmin.f32 v7, v2;
	v0 =	vmax.f32 v5, v10;
	v5 =	vmin.f32 v5, v10;
	v10 =	vld [tilespmem:s4+$0x8020];
	[tilespmem:s3+$0x8060] =	vst v1  }
0x2d2: {  	v2 =	vmax.f32 v7, v2;
	[tilespmem:s3+$0x7C20] =	vst v0;
	v0 =	vld [tilespmem:s4+$0x7810];
	v7 =	vmin.f32 v8, v3;
	v3 =	vmax.f32 v8, v3  }
0x2d3: {  	[tilespmem:s3+$0x8000] =	vst v5;
	v5 =	vld [tilespmem:s4+$0x7870];
	v8 =	vmin.f32 v2, v3;
	v59 =	vmax.f32 v11, v7;
	v2 =	vmax.f32 v2, v3  }
0x2d4: {  	v1 =	vld [tilespmem:s4+$0x7C50];
	[tilespmem:s4+$0x7850] =	vst v2;
	v2 =	vmin.f32 v8, v59  }
0x2d5: {  	v3 =	vmin.f32 v6, v9;
	v6 =	vmax.f32 v6, v9;
	v9 =	vld [tilespmem:s4+$0x8030];
	v8 =	vmax.f32 v8, v59;
	[tilespmem:s4+$0x8010] =	vst v2  }
0x2d6: {  	v2 =	vmin.f32 v11, v7;
	[tilespmem:s4+$0x7C30] =	vst v8;
	v7 =	vmin.f32 v4, v10;
	v4 =	vmax.f32 v4, v10;
	v10 =	vld [tilespmem:s4+$0x7820]  }
0x2d7: {  	[tilespmem:s4+$0x8070] =	vst v2;
	v8 =	vmin.f32 v6, v4;
	v11 =	vmax.f32 v3, v7;
	v4 =	vmax.f32 v6, v4;
	v6 =	vld [tilespmem:s4+$0x7C00]  }
0x2d8: {  	v60 =	vmin.f32 v0, v5;
	v0 =	vmax.f32 v0, v5;
	v5 =	vld [tilespmem:s4+$0x8040];
	[tilespmem:s4+$0x7800] =	vst v4;
	v2 =	vmax.f32 v8, v11  }
0x2d9: {  	v4 =	vld [tilespmem:s4+$0x7C60];
	[tilespmem:s4+$0x7860] =	vst v2;
	v2 =	vmin.f32 v8, v11  }
0x2da: {  	v3 =	vmin.f32 v3, v7;
	v7 =	vld [tilespmem:s4+$0x7830];
	[tilespmem:s4+$0x7C40] =	vst v2;
	v2 =	vmin.f32 v1, v9;
	v1 =	vmax.f32 v1, v9  }
0x2db: {  	[tilespmem:s4+$0x8020] =	vst v3;
	v9 =	vld [tilespmem:s4+$0x7C70];
	v3 =	vmin.f32 v0, v1;
	v8 =	vmax.f32 v60, v2;
	v0 =	vmax.f32 v0, v1  }
0x2dc: {  	v1 =	vld [tilespmem:s4+$0x7C10];
	[tilespmem:s4+$0x7810] =	vst v0;
	v0 =	vmax.f32 v3, v8  }
0x2dd: {  	v2 =	vmin.f32 v60, v2;
	v11 =	vmin.f32 v10, v6;
	[tilespmem:s4+$0x7870] =	vst v0;
	v0 =	vmin.f32 v3, v8;
	v3 =	vld [tilespmem:s4+$0x8050]  }
0x2de: {  	v6 =	vmax.f32 v10, v6;
	v10 =	vld [tilespmem:s4+$0x8000];
	[tilespmem:s4+$0x7C50] =	vst v0;
	v0 =	vmin.f32 v4, v5;
	v4 =	vmax.f32 v4, v5  }
0x2df: {  	[tilespmem:s4+$0x8030] =	vst v2;
	v5 =	vld [tilespmem:s4+$0x7840];
	v2 =	vmin.f32 v6, v4;
	v8 =	vmax.f32 v11, v0;
	v4 =	vmax.f32 v6, v4  }
0x2e0: {  	v6 =	vld [tilespmem:s4+$0x7C20];
	[tilespmem:s4+$0x7820] =	vst v4;
	v4 =	vmax.f32 v2, v8  }
0x2e1: {  	v0 =	vmin.f32 v11, v0;
	v61 =	vmin.f32 v7, v1;
	v2 =	vmin.f32 v2, v8;
	[tilespmem:s4+$0x7C00] =	vst v4;
	v4 =	vld [tilespmem:s4+$0x8060]  }
0x2e2: {  	v1 =	vmax.f32 v7, v1;
	[tilespmem:s4+$0x7C60] =	vst v2;
	v2 =	vmin.f32 v9, v3;
	v3 =	vmax.f32 v9, v3  }
0x2e3: {  	[tilespmem:s4+$0x8040] =	vst v0;
	v0 =	vmin.f32 v1, v3;
	v7 =	vmax.f32 v61, v2;
	v1 =	vmax.f32 v1, v3  }
0x2e4: {  	[tilespmem:s4+$0x7830] =	vst v1;
	v1 =	vmax.f32 v0, v7  }
0x2e5: {  	v3 =	vmin.f32 v5, v6;
	v0 =	vmin.f32 v0, v7;
	[tilespmem:s4+$0x7C10] =	vst v1  }
0x2e6: {  	v5 =	vmax.f32 v5, v6;
	v1 =	vmin.f32 v61, v2;
	[tilespmem:s4+$0x7C70] =	vst v0;
	v2 =	vmax.f32 v10, v4  }
0x2e7: {  	v0 =	vmin.f32 v10, v4;
	[tilespmem:s4+$0x8050] =	vst v1;
	v1 =	vmin.f32 v5, v2;
	v2 =	vmax.f32 v5, v2  }
0x2e8: {  	v4 =	vmax.f32 v3, v0;
	v0 =	vmin.f32 v3, v0;
	[tilespmem:s4+$0x7840] =	vst v2  }
0x2e9: {  	v2 =	vmax.f32 v1, v4;
	[tilespmem:s4+$0x8060] =	vst v0  }
0x2ea: {  	v1 =	vmin.f32 v1, v4;
	[tilespmem:s4+$0x7C20] =	vst v2  }
0x2eb: {  	s5 =	simm.s32 $0x0;
	[tilespmem:s4+$0x8000] =	vst v1  }
0x2ec: {  	[hbm4b:s19+s5] =	stream.linear.scatter [tilespmem:s24], [sflag:$0x5], $0x7800, $0x38;
	[tilespmem:$0x16800] =	vst v63  }
0x2ed: {  	_ =	swait.ge [sflag:s29], $0x7800  }
0x2ee: {  	s6 =	simm.s32 $0x0;
	[sflag:s29] =	ssyncset.done $0x0  }
0x2ef: {  	s4 =	smul.u32 $0x3000, s6;
	[sflag:s29] =	ssyncadd.s32 $0xFFFF8800  }
0x2f0: {  	[tilespmem:s5], [sflag:$0x1] =	stream.linear.gather [hbm4b:s20+s5], $0x6000, $0x38;
	[tilespmem:$0x16800] =	vst v63  }
0x2f1: {  	_ =	swait.ge [sflag:s30], $0x7800  }
0x2f2: {  	s3 =	sand.u32 $0x380, s5;
	s4 =	sshra.s32 s4, $0x2;
	[sflag:s30] =	ssyncset.done $0x0  }
0x2f3: {  	s3 =	sor.u32 s3, s4;
	[sflag:s30] =	ssyncadd.s32 $0xFFFF8800  }
0x2f4: {  	v0 =	vld [tilespmem:s3+$0xF050]  }
0x2f5: {  	v1 =	vld [tilespmem:s3+$0xF430]  }
0x2f6: {  	v2 =	vld [tilespmem:s3+$0xF810]  }
0x2f7: {  	v3 =	vld [tilespmem:s3+$0xF870]  }
0x2f8: {  	v4 =	vld [tilespmem:s3+$0xF000]  }
0x2f9: {  	v6 =	vld [tilespmem:s3+$0xF440]  }
0x2fa: {  	v7 =	vld [tilespmem:s3+$0xF820]  }
0x2fb: {  	v5 =	vld [tilespmem:s3+$0xF060];
	v9 =	vmax.f32 v0, v1  }
0x2fc: {  	v10 =	vmax.f32 v2, v3;
	v0 =	vmin.f32 v0, v1;
	v1 =	vmin.f32 v2, v3  }
0x2fd: {  	v8 =	vld [tilespmem:s3+$0xF010];
	v2 =	vmax.f32 v9, v10;
	v9 =	vmin.f32 v9, v10;
	v10 =	vmax.f32 v0, v1  }
0x2fe: {  	v11 =	vld [tilespmem:s3+$0xF070];
	[tilespmem:s3+$0xF050] =	vst v2;
	v2 =	vmin.f32 v9, v10  }
0x2ff: {  	v62 =	vld [tilespmem:s3+$0xF830];
	v0 =	vmin.f32 v0, v1;
	v1 =	vmax.f32 v6, v7;
	[tilespmem:s3+$0xF810] =	vst v2;
	v2 =	vmax.f32 v9, v10  }
0x300: {  	v3 =	vld [tilespmem:s3+$0xF450];
	[tilespmem:s3+$0xF430] =	vst v2;
	v2 =	vmax.f32 v4, v5;
	v4 =	vmin.f32 v4, v5;
	v5 =	vmin.f32 v6, v7  }
0x301: {  	[tilespmem:s3+$0xF870] =	vst v0;
	v9 =	vld [tilespmem:s3+$0xF020];
	v6 =	vmax.f32 v2, v1;
	v0 =	vmin.f32 v2, v1;
	v1 =	vmax.f32 v4, v5  }
0x302: {  	v10 =	vld [tilespmem:s3+$0xF400];
	[tilespmem:s3+$0xF000] =	vst v6;
	v2 =	vmax.f32 v0, v1  }
0x303: {  	v7 =	vld [tilespmem:s3+$0xF840];
	v0 =	vmin.f32 v0, v1;
	[tilespmem:s3+$0xF060] =	vst v2  }
0x304: {  	v6 =	vld [tilespmem:s3+$0xF460];
	v1 =	vmax.f32 v8, v11;
	[tilespmem:s3+$0xF440] =	vst v0;
	v0 =	vmin.f32 v4, v5  }
0x305: {  	v4 =	vld [tilespmem:s3+$0xF030];
	v2 =	vmax.f32 v3, v62;
	v3 =	vmin.f32 v3, v62;
	[tilespmem:s3+$0xF820] =	vst v0;
	v0 =	vmin.f32 v8, v11  }
0x306: {  	v5 =	vmax.f32 v1, v2;
	v8 =	vld [tilespmem:s3+$0xF410];
	v2 =	vmin.f32 v1, v2;
	v11 =	vmax.f32 v0, v3  }
0x307: {  	v1 =	vld [tilespmem:s3+$0xF470];
	[tilespmem:s3+$0xF010] =	vst v5;
	v5 =	vmax.f32 v2, v11  }
0x308: {  	s7 =	simm.s32 $0x0;
	v3 =	vmin.f32 v0, v3;
	[tilespmem:s3+$0xF070] =	vst v5;
	v5 =	vmin.f32 v2, v11;
	v2 =	vld [tilespmem:s3+$0xF850];
	v11 =	vmax.f32 v9, v10  }
0x309: {  	s5 =	smul.u32 $0x3000, s7;
	v0 =	vld [tilespmem:s3+$0xF040];
	v63 =	vmax.f32 v6, v7;
	v7 =	vmin.f32 v6, v7;
	[tilespmem:s3+$0xF450] =	vst v5;
	v5 =	vmin.f32 v9, v10  }
0x30a: {  	s4 =	simm.s32 $0x80;
	[tilespmem:s3+$0xF830] =	vst v3;
	v3 =	vld [tilespmem:s3+$0xF420];
	v6 =	vmax.f32 v11, v63;
	v9 =	vmin.f32 v11, v63;
	v10 =	vmax.f32 v5, v7  }
0x30b: {  	s6 =	sand.u32 $0x380, s4;
	s7 =	sshra.s32 s5, $0x2;
	s5 =	simm.s32 $0x2;
	[tilespmem:s3+$0xF020] =	vst v6;
	v6 =	vmin.f32 v4, v8;
	v8 =	vmax.f32 v4, v8;
	v4 =	vld [tilespmem:s3+$0xF800];
	v11 =	vmax.f32 v9, v10  }
.LBB2_18:
0x30c: {  	p0 =	sne.s32 s5, $0x4F;
	s6 =	sor.u32 s6, s7;
	[tilespmem:s3+$0xF400] =	vst v11;
	v9 =	vmin.f32 v9, v10;
	v5 =	vmin.f32 v5, v7;
	v7 =	vld [tilespmem:s3+$0xF860]  }
0x30d: {  	v10 =	vld [tilespmem:s6+$0xF050];
	[tilespmem:s3+$0xF460] =	vst v9;
	v9 =	vmin.f32 v1, v2;
	v1 =	vmax.f32 v1, v2  }
0x30e: {  	v2 =	vld [tilespmem:s6+$0xF430];
	[tilespmem:s3+$0xF840] =	vst v5;
	v5 =	vmin.f32 v8, v1;
	v11 =	vmax.f32 v6, v9;
	v1 =	vmax.f32 v8, v1  }
0x30f: {  	v8 =	vld [tilespmem:s6+$0xF810];
	[tilespmem:s3+$0xF030] =	vst v1;
	v1 =	vmax.f32 v5, v11;
	v12 =	vmin.f32 v0, v3;
	v0 =	vmax.f32 v0, v3  }
0x310: {  	v3 =	vld [tilespmem:s6+$0xF870];
	[tilespmem:s3+$0xF410] =	vst v1;
	v1 =	vmin.f32 v5, v11;
	v5 =	vmin.f32 v6, v9  }
0x311: {  	v6 =	vld [tilespmem:s6+$0xF000];
	[tilespmem:s3+$0xF470] =	vst v1;
	v1 =	vmin.f32 v4, v7;
	v4 =	vmax.f32 v4, v7  }
0x312: {  	v7 =	vld [tilespmem:s6+$0xF060];
	[tilespmem:s3+$0xF850] =	vst v5;
	v5 =	vmin.f32 v0, v4;
	v9 =	vmax.f32 v12, v1;
	v0 =	vmax.f32 v0, v4  }
0x313: {  	v1 =	vmin.f32 v12, v1;
	v4 =	vld [tilespmem:s6+$0xF440];
	[tilespmem:s3+$0xF040] =	vst v0;
	v0 =	vmax.f32 v5, v9;
	v5 =	vmin.f32 v5, v9  }
0x314: {  	v11 =	vmin.f32 v10, v2;
	v9 =	vld [tilespmem:s6+$0xF820];
	[tilespmem:s3+$0xF420] =	vst v0  }
0x315: {  	v2 =	vmax.f32 v10, v2;
	v0 =	vld [tilespmem:s6+$0xF010];
	v10 =	vmin.f32 v8, v3;
	v3 =	vmax.f32 v8, v3;
	[tilespmem:s3+$0xF800] =	vst v5  }
0x316: {  	v5 =	vld [tilespmem:s6+$0xF070];
	v8 =	vmin.f32 v2, v3;
	v12 =	vmax.f32 v11, v10;
	v2 =	vmax.f32 v2, v3;
	[tilespmem:s3+$0xF860] =	vst v1;
	s3 =	smov.u32 s6  }
0x317: {  	v1 =	vmin.f32 v6, v7;
	v3 =	vmax.f32 v6, v7;
	v6 =	vld [tilespmem:s3+$0xF450];
	[tilespmem:s3+$0xF050] =	vst v2;
	v2 =	vmin.f32 v8, v12  }
0x318: {  	v8 =	vmax.f32 v8, v12;
	v7 =	vld [tilespmem:s3+$0xF830];
	[tilespmem:s3+$0xF810] =	vst v2;
	v2 =	vmin.f32 v11, v10  }
0x319: {  	v10 =	vmin.f32 v4, v9;
	v4 =	vmax.f32 v4, v9;
	v9 =	vld [tilespmem:s3+$0xF020];
	[tilespmem:s3+$0xF430] =	vst v8  }
0x31a: {  	v8 =	vmin.f32 v3, v4;
	v11 =	vmax.f32 v1, v10;
	v3 =	vmax.f32 v3, v4;
	v4 =	vld [tilespmem:s3+$0xF400];
	[tilespmem:s3+$0xF870] =	vst v2  }
0x31b: {  	[tilespmem:s3+$0xF000] =	vst v3;
	v2 =	vmax.f32 v8, v11;
	v3 =	vmin.f32 v0, v5;
	v0 =	vmax.f32 v0, v5;
	v12 =	vld [tilespmem:s3+$0xF460]  }
0x31c: {  	v1 =	vmin.f32 v1, v10;
	[tilespmem:s3+$0xF060] =	vst v2;
	v2 =	vmin.f32 v8, v11;
	v8 =	vld [tilespmem:s3+$0xF840]  }
0x31d: {  	[tilespmem:s3+$0xF440] =	vst v2;
	v2 =	vmin.f32 v6, v7;
	v5 =	vmax.f32 v6, v7;
	v13 =	vld [tilespmem:s3+$0xF030]  }
0x31e: {  	[tilespmem:s3+$0xF820] =	vst v1;
	v6 =	vmin.f32 v0, v5;
	v7 =	vmax.f32 v3, v2;
	v0 =	vmax.f32 v0, v5;
	v14 =	vld [tilespmem:s3+$0xF410]  }
.Ltmp8:
0x31f: {  	[tilespmem:s3+$0xF010] =	vst v0;
	v0 =	vmax.f32 v6, v7;
	v5 =	vmin.f32 v9, v4;
	v4 =	vmax.f32 v9, v4;
	v1 =	vld [tilespmem:s3+$0xF470];
	(pc) =	sbr.rel @p0 .LBB2_18-.Ltmp8, $4  }
0x320: {  	s6 =	sshrl.u32 s5, $0x3;
	v3 =	vmin.f32 v3, v2;
	[tilespmem:s3+$0xF070] =	vst v0;
	v0 =	vmin.f32 v6, v7;
	v2 =	vld [tilespmem:s3+$0xF850]  }
0x321: {  	s7 =	smul.u32 $0x3000, s6;
	[tilespmem:s3+$0xF450] =	vst v0;
	v7 =	vmin.f32 v12, v8;
	v6 =	vmax.f32 v12, v8;
	v0 =	vld [tilespmem:s3+$0xF040]  }
0x322: {  	s4 =	sadd.s32 $0x80, s4;
	[tilespmem:s3+$0xF830] =	vst v3;
	v9 =	vmin.f32 v4, v6;
	v10 =	vmax.f32 v5, v7;
	v4 =	vmax.f32 v4, v6;
	v3 =	vld [tilespmem:s3+$0xF420]  }
0x323: {  	s5 =	sadd.s32 $0x1, s5;
	s6 =	sand.u32 $0x380, s4;
	s7 =	sshra.s32 s7, $0x2;
	[tilespmem:s3+$0xF020] =	vst v4;
	v11 =	vmax.f32 v9, v10;
	v6 =	vmin.f32 v13, v14;
	v8 =	vmax.f32 v13, v14;
	v4 =	vld [tilespmem:s3+$0xF800]  }
0x324: {  	[tilespmem:s3+$0xF400] =	vst v11;
	s4 =	sor.u32 s6, s7;
	v9 =	vmin.f32 v9, v10;
	v10 =	vld [tilespmem:s3+$0xF860]  }
0x325: {  	v5 =	vmin.f32 v5, v7;
	v7 =	vld [tilespmem:s4+$0xF050];
	[tilespmem:s3+$0xF460] =	vst v9;
	v9 =	vmin.f32 v1, v2;
	v1 =	vmax.f32 v1, v2  }
0x326: {  	v2 =	vld [tilespmem:s4+$0xF430];
	[tilespmem:s3+$0xF840] =	vst v5;
	v5 =	vmin.f32 v8, v1;
	v11 =	vmax.f32 v6, v9;
	v1 =	vmax.f32 v8, v1  }
0x327: {  	v8 =	vld [tilespmem:s4+$0xF810];
	[tilespmem:s3+$0xF030] =	vst v1;
	v1 =	vmax.f32 v5, v11  }
0x328: {  	v12 =	vmin.f32 v0, v3;
	v0 =	vmax.f32 v0, v3;
	v3 =	vld [tilespmem:s4+$0xF870];
	[tilespmem:s3+$0xF410] =	vst v1;
	v1 =	vmin.f32 v5, v11  }
0x329: {  	v5 =	vmin.f32 v6, v9;
	v6 =	vld [tilespmem:s4+$0xF000];
	[tilespmem:s3+$0xF470] =	vst v1;
	v1 =	vmin.f32 v4, v10;
	v4 =	vmax.f32 v4, v10  }
0x32a: {  	v9 =	vld [tilespmem:s4+$0xF060];
	[tilespmem:s3+$0xF850] =	vst v5;
	v5 =	vmin.f32 v0, v4;
	v0 =	vmax.f32 v0, v4  }
0x32b: {  	v10 =	vmax.f32 v12, v1;
	v4 =	vld [tilespmem:s4+$0xF440];
	v1 =	vmin.f32 v12, v1;
	[tilespmem:s3+$0xF040] =	vst v0  }
0x32c: {  	v11 =	vmin.f32 v7, v2;
	v0 =	vmax.f32 v5, v10;
	v5 =	vmin.f32 v5, v10;
	v10 =	vld [tilespmem:s4+$0xF820];
	[tilespmem:s3+$0xF860] =	vst v1  }
0x32d: {  	v2 =	vmax.f32 v7, v2;
	[tilespmem:s3+$0xF420] =	vst v0;
	v0 =	vld [tilespmem:s4+$0xF010];
	v7 =	vmin.f32 v8, v3;
	v3 =	vmax.f32 v8, v3  }
0x32e: {  	[tilespmem:s3+$0xF800] =	vst v5;
	v5 =	vld [tilespmem:s4+$0xF070];
	v8 =	vmin.f32 v2, v3;
	v59 =	vmax.f32 v11, v7;
	v2 =	vmax.f32 v2, v3  }
0x32f: {  	v1 =	vld [tilespmem:s4+$0xF450];
	[tilespmem:s4+$0xF050] =	vst v2;
	v2 =	vmin.f32 v8, v59  }
0x330: {  	v3 =	vmin.f32 v6, v9;
	v6 =	vmax.f32 v6, v9;
	v9 =	vld [tilespmem:s4+$0xF830];
	v8 =	vmax.f32 v8, v59;
	[tilespmem:s4+$0xF810] =	vst v2  }
0x331: {  	v2 =	vmin.f32 v11, v7;
	[tilespmem:s4+$0xF430] =	vst v8;
	v7 =	vmin.f32 v4, v10;
	v4 =	vmax.f32 v4, v10;
	v10 =	vld [tilespmem:s4+$0xF020]  }
0x332: {  	[tilespmem:s4+$0xF870] =	vst v2;
	v8 =	vmin.f32 v6, v4;
	v11 =	vmax.f32 v3, v7;
	v4 =	vmax.f32 v6, v4;
	v6 =	vld [tilespmem:s4+$0xF400]  }
0x333: {  	v60 =	vmin.f32 v0, v5;
	v0 =	vmax.f32 v0, v5;
	v5 =	vld [tilespmem:s4+$0xF840];
	[tilespmem:s4+$0xF000] =	vst v4;
	v2 =	vmax.f32 v8, v11  }
0x334: {  	v4 =	vld [tilespmem:s4+$0xF460];
	[tilespmem:s4+$0xF060] =	vst v2;
	v2 =	vmin.f32 v8, v11  }
0x335: {  	v3 =	vmin.f32 v3, v7;
	v7 =	vld [tilespmem:s4+$0xF030];
	[tilespmem:s4+$0xF440] =	vst v2;
	v2 =	vmin.f32 v1, v9;
	v1 =	vmax.f32 v1, v9  }
0x336: {  	[tilespmem:s4+$0xF820] =	vst v3;
	v9 =	vld [tilespmem:s4+$0xF470];
	v3 =	vmin.f32 v0, v1;
	v8 =	vmax.f32 v60, v2;
	v0 =	vmax.f32 v0, v1  }
0x337: {  	v1 =	vld [tilespmem:s4+$0xF410];
	[tilespmem:s4+$0xF010] =	vst v0;
	v0 =	vmax.f32 v3, v8  }
0x338: {  	v2 =	vmin.f32 v60, v2;
	v11 =	vmin.f32 v10, v6;
	[tilespmem:s4+$0xF070] =	vst v0;
	v0 =	vmin.f32 v3, v8;
	v3 =	vld [tilespmem:s4+$0xF850]  }
0x339: {  	v6 =	vmax.f32 v10, v6;
	v10 =	vld [tilespmem:s4+$0xF800];
	[tilespmem:s4+$0xF450] =	vst v0;
	v0 =	vmin.f32 v4, v5;
	v4 =	vmax.f32 v4, v5  }
0x33a: {  	[tilespmem:s4+$0xF830] =	vst v2;
	v5 =	vld [tilespmem:s4+$0xF040];
	v2 =	vmin.f32 v6, v4;
	v8 =	vmax.f32 v11, v0;
	v4 =	vmax.f32 v6, v4  }
0x33b: {  	v6 =	vld [tilespmem:s4+$0xF420];
	[tilespmem:s4+$0xF020] =	vst v4;
	v4 =	vmax.f32 v2, v8  }
0x33c: {  	v0 =	vmin.f32 v11, v0;
	v61 =	vmin.f32 v7, v1;
	v2 =	vmin.f32 v2, v8;
	[tilespmem:s4+$0xF400] =	vst v4;
	v4 =	vld [tilespmem:s4+$0xF860]  }
0x33d: {  	v1 =	vmax.f32 v7, v1;
	[tilespmem:s4+$0xF460] =	vst v2;
	v2 =	vmin.f32 v9, v3;
	v3 =	vmax.f32 v9, v3  }
0x33e: {  	[tilespmem:s4+$0xF840] =	vst v0;
	v0 =	vmin.f32 v1, v3;
	v7 =	vmax.f32 v61, v2;
	v1 =	vmax.f32 v1, v3  }
0x33f: {  	[tilespmem:s4+$0xF030] =	vst v1;
	v1 =	vmax.f32 v0, v7  }
0x340: {  	v3 =	vmin.f32 v5, v6;
	v0 =	vmin.f32 v0, v7;
	[tilespmem:s4+$0xF410] =	vst v1  }
0x341: {  	v5 =	vmax.f32 v5, v6;
	v1 =	vmin.f32 v61, v2;
	[tilespmem:s4+$0xF470] =	vst v0;
	v2 =	vmax.f32 v10, v4  }
0x342: {  	v0 =	vmin.f32 v10, v4;
	[tilespmem:s4+$0xF850] =	vst v1;
	v1 =	vmin.f32 v5, v2;
	v2 =	vmax.f32 v5, v2  }
0x343: {  	v4 =	vmax.f32 v3, v0;
	v0 =	vmin.f32 v3, v0;
	[tilespmem:s4+$0xF040] =	vst v2  }
0x344: {  	v2 =	vmax.f32 v1, v4;
	[tilespmem:s4+$0xF860] =	vst v0  }
0x345: {  	s6 =	simm.s32 $0x0;
	v1 =	vmin.f32 v1, v4;
	[tilespmem:s4+$0xF420] =	vst v2  }
0x346: {  	s5 =	simm.s32 $0x0;
	[tilespmem:s4+$0xF800] =	vst v1;
	s4 =	smul.u32 $0x3000, s6  }
0x347: {  	[hbm4b:s21+s5] =	stream.linear.scatter [tilespmem:s26], [sflag:$0x6], $0x7800, $0x38;
	[tilespmem:$0x16800] =	vst v63  }
0x348: {  	_ =	swait.ge [sflag:s25], $0x6000  }
0x349: {  	s3 =	sand.u32 $0x380, s5;
	s4 =	sshra.s32 s4, $0x2;
	[sflag:s25] =	ssyncset.done $0x0  }
0x34a: {  	s3 =	sor.u32 s3, s4;
	[sflag:s25] =	ssyncadd.s32 $0xFFFFA000  }
0x34b: {  	v0 =	vld [tilespmem:s3+$0x50]  }
0x34c: {  	v1 =	vld [tilespmem:s3+$0x430]  }
0x34d: {  	v2 =	vld [tilespmem:s3+$0x810]  }
0x34e: {  	v3 =	vld [tilespmem:s3+$0x870]  }
0x34f: {  	v4 =	vld [tilespmem:s3+$0x0]  }
0x350: {  	v6 =	vld [tilespmem:s3+$0x440]  }
0x351: {  	v7 =	vld [tilespmem:s3+$0x820]  }
0x352: {  	v5 =	vld [tilespmem:s3+$0x60];
	v9 =	vmax.f32 v0, v1  }
0x353: {  	v10 =	vmax.f32 v2, v3;
	v0 =	vmin.f32 v0, v1;
	v1 =	vmin.f32 v2, v3  }
0x354: {  	v8 =	vld [tilespmem:s3+$0x10];
	v2 =	vmax.f32 v9, v10;
	v9 =	vmin.f32 v9, v10;
	v10 =	vmax.f32 v0, v1  }
0x355: {  	v11 =	vld [tilespmem:s3+$0x70];
	[tilespmem:s3+$0x50] =	vst v2;
	v2 =	vmin.f32 v9, v10  }
0x356: {  	v62 =	vld [tilespmem:s3+$0x830];
	v0 =	vmin.f32 v0, v1;
	v1 =	vmax.f32 v6, v7;
	[tilespmem:s3+$0x810] =	vst v2;
	v2 =	vmax.f32 v9, v10  }
0x357: {  	v3 =	vld [tilespmem:s3+$0x450];
	[tilespmem:s3+$0x430] =	vst v2;
	v2 =	vmax.f32 v4, v5;
	v4 =	vmin.f32 v4, v5;
	v5 =	vmin.f32 v6, v7  }
0x358: {  	[tilespmem:s3+$0x870] =	vst v0;
	v9 =	vld [tilespmem:s3+$0x20];
	v6 =	vmax.f32 v2, v1;
	v0 =	vmin.f32 v2, v1;
	v1 =	vmax.f32 v4, v5  }
0x359: {  	v10 =	vld [tilespmem:s3+$0x400];
	[tilespmem:s3+$0x0] =	vst v6;
	v2 =	vmax.f32 v0, v1  }
0x35a: {  	v7 =	vld [tilespmem:s3+$0x840];
	v0 =	vmin.f32 v0, v1;
	[tilespmem:s3+$0x60] =	vst v2  }
0x35b: {  	v6 =	vld [tilespmem:s3+$0x460];
	v1 =	vmax.f32 v8, v11;
	[tilespmem:s3+$0x440] =	vst v0;
	v0 =	vmin.f32 v4, v5  }
0x35c: {  	v4 =	vld [tilespmem:s3+$0x30];
	v2 =	vmax.f32 v3, v62;
	v3 =	vmin.f32 v3, v62;
	[tilespmem:s3+$0x820] =	vst v0;
	v0 =	vmin.f32 v8, v11  }
0x35d: {  	v5 =	vmax.f32 v1, v2;
	v8 =	vld [tilespmem:s3+$0x410];
	v2 =	vmin.f32 v1, v2;
	v11 =	vmax.f32 v0, v3  }
0x35e: {  	v1 =	vld [tilespmem:s3+$0x470];
	[tilespmem:s3+$0x10] =	vst v5;
	v5 =	vmax.f32 v2, v11  }
0x35f: {  	s7 =	simm.s32 $0x0;
	v3 =	vmin.f32 v0, v3;
	[tilespmem:s3+$0x70] =	vst v5;
	v5 =	vmin.f32 v2, v11;
	v2 =	vld [tilespmem:s3+$0x850];
	v11 =	vmax.f32 v9, v10  }
0x360: {  	s5 =	smul.u32 $0x3000, s7;
	v0 =	vld [tilespmem:s3+$0x40];
	v63 =	vmax.f32 v6, v7;
	v7 =	vmin.f32 v6, v7;
	[tilespmem:s3+$0x450] =	vst v5;
	v5 =	vmin.f32 v9, v10  }
0x361: {  	s4 =	simm.s32 $0x80;
	[tilespmem:s3+$0x830] =	vst v3;
	v3 =	vld [tilespmem:s3+$0x420];
	v6 =	vmax.f32 v11, v63;
	v9 =	vmin.f32 v11, v63;
	v10 =	vmax.f32 v5, v7  }
0x362: {  	s7 =	sshra.s32 s5, $0x2;
	s5 =	simm.s32 $0x2;
	s6 =	sand.u32 $0x380, s4;
	[tilespmem:s3+$0x20] =	vst v6;
	v6 =	vmin.f32 v4, v8;
	v8 =	vmax.f32 v4, v8;
	v4 =	vld [tilespmem:s3+$0x800];
	v11 =	vmax.f32 v9, v10  }
.LBB2_20:
0x363: {  	p0 =	sne.s32 s5, $0x3F;
	s6 =	sor.u32 s6, s7;
	[tilespmem:s3+$0x400] =	vst v11;
	v9 =	vmin.f32 v9, v10;
	v5 =	vmin.f32 v5, v7;
	v7 =	vld [tilespmem:s3+$0x860]  }
0x364: {  	v10 =	vld [tilespmem:s6+$0x50];
	[tilespmem:s3+$0x460] =	vst v9;
	v9 =	vmin.f32 v1, v2;
	v1 =	vmax.f32 v1, v2  }
0x365: {  	v2 =	vld [tilespmem:s6+$0x430];
	[tilespmem:s3+$0x840] =	vst v5;
	v5 =	vmin.f32 v8, v1;
	v11 =	vmax.f32 v6, v9;
	v1 =	vmax.f32 v8, v1  }
0x366: {  	v8 =	vld [tilespmem:s6+$0x810];
	[tilespmem:s3+$0x30] =	vst v1;
	v1 =	vmax.f32 v5, v11;
	v12 =	vmin.f32 v0, v3;
	v0 =	vmax.f32 v0, v3  }
0x367: {  	v3 =	vld [tilespmem:s6+$0x870];
	[tilespmem:s3+$0x410] =	vst v1;
	v1 =	vmin.f32 v5, v11;
	v5 =	vmin.f32 v6, v9  }
0x368: {  	v6 =	vld [tilespmem:s6+$0x0];
	[tilespmem:s3+$0x470] =	vst v1;
	v1 =	vmin.f32 v4, v7;
	v4 =	vmax.f32 v4, v7  }
0x369: {  	v7 =	vld [tilespmem:s6+$0x60];
	[tilespmem:s3+$0x850] =	vst v5;
	v5 =	vmin.f32 v0, v4;
	v9 =	vmax.f32 v12, v1;
	v0 =	vmax.f32 v0, v4  }
0x36a: {  	v1 =	vmin.f32 v12, v1;
	v4 =	vld [tilespmem:s6+$0x440];
	[tilespmem:s3+$0x40] =	vst v0;
	v0 =	vmax.f32 v5, v9;
	v5 =	vmin.f32 v5, v9  }
0x36b: {  	v11 =	vmin.f32 v10, v2;
	v9 =	vld [tilespmem:s6+$0x820];
	[tilespmem:s3+$0x420] =	vst v0  }
0x36c: {  	v2 =	vmax.f32 v10, v2;
	v0 =	vld [tilespmem:s6+$0x10];
	v10 =	vmin.f32 v8, v3;
	v3 =	vmax.f32 v8, v3;
	[tilespmem:s3+$0x800] =	vst v5  }
0x36d: {  	v5 =	vld [tilespmem:s6+$0x70];
	v8 =	vmin.f32 v2, v3;
	v12 =	vmax.f32 v11, v10;
	v2 =	vmax.f32 v2, v3;
	[tilespmem:s3+$0x860] =	vst v1;
	s3 =	smov.u32 s6  }
0x36e: {  	v1 =	vmin.f32 v6, v7;
	v3 =	vmax.f32 v6, v7;
	v6 =	vld [tilespmem:s3+$0x450];
	[tilespmem:s3+$0x50] =	vst v2;
	v2 =	vmin.f32 v8, v12  }
0x36f: {  	v8 =	vmax.f32 v8, v12;
	v7 =	vld [tilespmem:s3+$0x830];
	[tilespmem:s3+$0x810] =	vst v2;
	v2 =	vmin.f32 v11, v10  }
0x370: {  	v10 =	vmin.f32 v4, v9;
	v4 =	vmax.f32 v4, v9;
	v9 =	vld [tilespmem:s3+$0x20];
	[tilespmem:s3+$0x430] =	vst v8  }
0x371: {  	v8 =	vmin.f32 v3, v4;
	v11 =	vmax.f32 v1, v10;
	v3 =	vmax.f32 v3, v4;
	v4 =	vld [tilespmem:s3+$0x400];
	[tilespmem:s3+$0x870] =	vst v2  }
0x372: {  	[tilespmem:s3+$0x0] =	vst v3;
	v2 =	vmax.f32 v8, v11;
	v3 =	vmin.f32 v0, v5;
	v0 =	vmax.f32 v0, v5;
	v12 =	vld [tilespmem:s3+$0x460]  }
0x373: {  	v1 =	vmin.f32 v1, v10;
	[tilespmem:s3+$0x60] =	vst v2;
	v2 =	vmin.f32 v8, v11;
	v8 =	vld [tilespmem:s3+$0x840]  }
0x374: {  	[tilespmem:s3+$0x440] =	vst v2;
	v2 =	vmin.f32 v6, v7;
	v5 =	vmax.f32 v6, v7;
	v13 =	vld [tilespmem:s3+$0x30]  }
0x375: {  	[tilespmem:s3+$0x820] =	vst v1;
	v6 =	vmin.f32 v0, v5;
	v7 =	vmax.f32 v3, v2;
	v0 =	vmax.f32 v0, v5;
	v14 =	vld [tilespmem:s3+$0x410]  }
.Ltmp9:
0x376: {  	[tilespmem:s3+$0x10] =	vst v0;
	v0 =	vmax.f32 v6, v7;
	v5 =	vmin.f32 v9, v4;
	v4 =	vmax.f32 v9, v4;
	v1 =	vld [tilespmem:s3+$0x470];
	(pc) =	sbr.rel @p0 .LBB2_20-.Ltmp9, $4  }
0x377: {  	s6 =	sshrl.u32 s5, $0x3;
	v3 =	vmin.f32 v3, v2;
	[tilespmem:s3+$0x70] =	vst v0;
	v0 =	vmin.f32 v6, v7;
	v2 =	vld [tilespmem:s3+$0x850]  }
0x378: {  	s7 =	smul.u32 $0x3000, s6;
	[tilespmem:s3+$0x450] =	vst v0;
	v7 =	vmin.f32 v12, v8;
	v6 =	vmax.f32 v12, v8;
	v0 =	vld [tilespmem:s3+$0x40]  }
0x379: {  	s4 =	sadd.s32 $0x80, s4;
	[tilespmem:s3+$0x830] =	vst v3;
	v9 =	vmin.f32 v4, v6;
	v10 =	vmax.f32 v5, v7;
	v4 =	vmax.f32 v4, v6;
	v3 =	vld [tilespmem:s3+$0x420]  }
0x37a: {  	s5 =	sadd.s32 $0x1, s5;
	s6 =	sand.u32 $0x380, s4;
	s7 =	sshra.s32 s7, $0x2;
	[tilespmem:s3+$0x20] =	vst v4;
	v11 =	vmax.f32 v9, v10;
	v6 =	vmin.f32 v13, v14;
	v8 =	vmax.f32 v13, v14;
	v4 =	vld [tilespmem:s3+$0x800]  }
0x37b: {  	s4 =	sor.u32 s6, s7;
	v40 =	vld [tilespmem:s3+$0x860]  }
0x37c: {  	v41 =	vld [tilespmem:s4+$0x50]  }
0x37d: {  	[tilespmem:s3+$0x400] =	vst v11;
	v9 =	vmin.f32 v9, v10;
	v44 =	vld [tilespmem:s4+$0x430]  }
0x37e: {  	v5 =	vmin.f32 v5, v7;
	[tilespmem:s3+$0x460] =	vst v9;
	v43 =	vmax.f32 v1, v2;
	v47 =	vld [tilespmem:s4+$0x810]  }
0x37f: {  	v42 =	vmin.f32 v1, v2;
	[tilespmem:s3+$0x840] =	vst v5;
	v50 =	vld [tilespmem:s4+$0x870];
	v1 =	vmax.f32 v8, v43  }
0x380: {  	v53 =	vld [tilespmem:s4+$0x0];
	v45 =	vmin.f32 v8, v43;
	v46 =	vmax.f32 v6, v42;
	v52 =	vmin.f32 v6, v42;
	[tilespmem:s3+$0x30] =	vst v1  }
0x381: {  	v56 =	vld [tilespmem:s4+$0x60];
	v48 =	vmax.f32 v45, v46;
	[tilespmem:s3+$0x850] =	vst v52  }
0x382: {  	v59 =	vld [tilespmem:s4+$0x440];
	v49 =	vmax.f32 v0, v3;
	v51 =	vmin.f32 v45, v46;
	[tilespmem:s3+$0x410] =	vst v48;
	v55 =	vmax.f32 v4, v40  }
0x383: {  	v61 =	vld [tilespmem:s4+$0x820];
	v12 =	vmin.f32 v0, v3;
	[tilespmem:s3+$0x470] =	vst v51;
	v54 =	vmin.f32 v4, v40;
	v0 =	vmax.f32 v49, v55  }
0x384: {  	v57 =	vmin.f32 v49, v55;
	v58 =	vmax.f32 v12, v54;
	v1 =	vmin.f32 v12, v54;
	[tilespmem:s3+$0x40] =	vst v0  }
0x385: {  	v62 =	vmin.f32 v41, v44;
	v2 =	vmax.f32 v41, v44;
	v60 =	vmax.f32 v57, v58;
	[tilespmem:s3+$0x860] =	vst v1  }
0x386: {  	v63 =	vld [tilespmem:s4+$0x10];
	v16 =	vmin.f32 v47, v50;
	v3 =	vmax.f32 v47, v50;
	v5 =	vmin.f32 v57, v58;
	[tilespmem:s3+$0x420] =	vst v60  }
0x387: {  	v17 =	vld [tilespmem:s4+$0x70];
	v21 =	vmin.f32 v53, v56;
	v8 =	vmin.f32 v2, v3;
	v2 =	vmax.f32 v2, v3;
	[tilespmem:s3+$0x800] =	vst v5  }
0x388: {  	v19 =	vld [tilespmem:s4+$0x450];
	v6 =	vmax.f32 v53, v56;
	v4 =	vmax.f32 v59, v61;
	v23 =	vmin.f32 v62, v16;
	[tilespmem:s4+$0x50] =	vst v2  }
0x389: {  	v22 =	vld [tilespmem:s4+$0x830];
	v24 =	vmin.f32 v59, v61;
	v26 =	vmin.f32 v6, v4;
	v4 =	vmax.f32 v6, v4;
	[tilespmem:s4+$0x870] =	vst v23  }
0x38a: {  	v25 =	vld [tilespmem:s4+$0x20];
	v18 =	vmax.f32 v62, v16;
	v3 =	vmin.f32 v21, v24;
	[tilespmem:s4+$0x0] =	vst v4  }
0x38b: {  	v28 =	vld [tilespmem:s4+$0x400];
	v20 =	vmin.f32 v8, v18;
	[tilespmem:s4+$0x820] =	vst v3  }
0x38c: {  	v30 =	vld [tilespmem:s4+$0x460];
	v27 =	vmax.f32 v21, v24;
	v8 =	vmax.f32 v8, v18;
	[tilespmem:s4+$0x810] =	vst v20  }
0x38d: {  	v33 =	vld [tilespmem:s4+$0x840];
	v31 =	vmin.f32 v63, v17;
	v29 =	vmax.f32 v26, v27;
	[tilespmem:s4+$0x430] =	vst v8  }
0x38e: {  	v35 =	vld [tilespmem:s4+$0x30];
	v0 =	vmax.f32 v63, v17;
	v1 =	vmax.f32 v19, v22;
	v32 =	vmin.f32 v26, v27;
	[tilespmem:s4+$0x60] =	vst v29  }
0x38f: {  	v38 =	vld [tilespmem:s4+$0x410];
	v34 =	vmin.f32 v19, v22;
	v36 =	vmin.f32 v0, v1;
	v0 =	vmax.f32 v0, v1;
	[tilespmem:s4+$0x440] =	vst v32  }
0x390: {  	v43 =	vld [tilespmem:s4+$0x850];
	v37 =	vmax.f32 v31, v34;
	v2 =	vmin.f32 v31, v34;
	[tilespmem:s4+$0x10] =	vst v0  }
0x391: {  	v40 =	vld [tilespmem:s4+$0x470];
	v41 =	vmin.f32 v25, v28;
	v39 =	vmax.f32 v36, v37;
	[tilespmem:s4+$0x830] =	vst v2  }
0x392: {  	v45 =	vld [tilespmem:s4+$0x40];
	v6 =	vmax.f32 v25, v28;
	v4 =	vmax.f32 v30, v33;
	v42 =	vmin.f32 v36, v37;
	[tilespmem:s4+$0x70] =	vst v39  }
0x393: {  	v52 =	vld [tilespmem:s4+$0x860];
	v44 =	vmin.f32 v30, v33;
	v46 =	vmin.f32 v6, v4;
	v4 =	vmax.f32 v6, v4;
	[tilespmem:s4+$0x450] =	vst v42  }
0x394: {  	v48 =	vld [tilespmem:s4+$0x420];
	v47 =	vmax.f32 v41, v44;
	v0 =	vmin.f32 v41, v44;
	[tilespmem:s4+$0x20] =	vst v4  }
0x395: {  	v50 =	vld [tilespmem:s4+$0x800];
	v51 =	vmin.f32 v35, v38;
	v49 =	vmax.f32 v46, v47;
	[tilespmem:s4+$0x840] =	vst v0  }
0x396: {  	v1 =	vmax.f32 v35, v38;
	v2 =	vmin.f32 v46, v47;
	v3 =	vmax.f32 v40, v43;
	[tilespmem:s4+$0x400] =	vst v49  }
0x397: {  	v53 =	vmin.f32 v40, v43;
	[tilespmem:s4+$0x460] =	vst v2;
	v54 =	vmin.f32 v1, v3;
	v1 =	vmax.f32 v1, v3  }
0x398: {  	v55 =	vmax.f32 v51, v53;
	v58 =	vmin.f32 v51, v53;
	[tilespmem:s4+$0x30] =	vst v1  }
0x399: {  	v57 =	vmin.f32 v45, v48;
	v5 =	vmax.f32 v45, v48;
	v56 =	vmax.f32 v54, v55;
	[tilespmem:s4+$0x850] =	vst v58  }
0x39a: {  	v59 =	vmin.f32 v50, v52;
	v60 =	vmax.f32 v50, v52;
	v0 =	vmin.f32 v54, v55;
	[tilespmem:s4+$0x410] =	vst v56  }
0x39b: {  	v61 =	vmin.f32 v5, v60;
	v62 =	vmax.f32 v57, v59;
	v2 =	vmax.f32 v5, v60;
	[tilespmem:s4+$0x470] =	vst v0  }
0x39c: {  	[tilespmem:s4+$0x40] =	vst v2;
	v63 =	vmax.f32 v61, v62  }
0x39d: {  	v1 =	vmin.f32 v61, v62;
	[tilespmem:s4+$0x420] =	vst v63  }
0x39e: {  	v0 =	vmin.f32 v57, v59;
	[tilespmem:s4+$0x800] =	vst v1  }
0x39f: {  	[tilespmem:s4+$0x860] =	vst v0  }
0x3a0: {  	[hbm4b:s22+s2] =	stream.linear.scatter [tilespmem:s2], [sflag:$0x4], $0x6000, $0x38;
	[tilespmem:$0x16800] =	vst v63  }
0x3a1: {  	_ =	swait.ge [sflag:s29], $0x6000  }
0x3a2: {  	[sflag:s29] =	ssyncset.done $0x0  }
0x3a3: {  	s0 =	sadd.s32 $0x1, s0;
	[sflag:s29] =	ssyncadd.s32 $0xFFFFA000  }
0x3a4: {  	p0 =	sne.s32 s0, s23;
	_ =	swait.ge [sflag:s31], $0x7800  }
.Ltmp10:
0x3a5: {  	[sflag:s31] =	ssyncset.done $0x0;
	(pc) =	sbr.rel @p0 .LBB2_1-.Ltmp10, $4  }
0x3a6: {  	[sflag:s31] =	ssyncadd.s32 $0xFFFF8800  }
0x3a7: {  	_ =	swait.ge [sflag:s1], $0x7800  }
0x3a8: {  	[sflag:s1] =	ssyncset.done $0x0  }
0x3a9: {  	[sflag:s1] =	ssyncadd.s32 $0xFFFF8800  }
0x3aa: {  	_ =	sfence.sel $0x180000  }
0x3ab: {  	[bflag:$0x0] =	sbarrier.arrive $0xFFFF  }
0x3ac: {  	_ =	strace $0x90000047  }
0x3ad: {  	s0 =	stileid.u32;
	[bflag:$0x2] =	sbarrier.arrive $0xFFFF  }
0x3ae: {  	p0 =	sne.s32 s0, $0x0;
	s0 =	rddreg [dreg:$0x2]  }
0x3af: {  	s0 =	sadd.s32 @!p0 $0x100000, s0  }
0x3b0: {  	[sflag:s0] =	ssyncadd.tile.s32 @!p0 $0x1;
	_ =	shalt  }
.Lfunc_end2:
_tile_overlayer_lowered:
.L_overlay_start_2:
0x3b1: {  	(tag) =	ssettag $0x2  }
0x3b2: {  	s0 =	rddreg [dreg:$0x0];
	s2 =	stileid.u32  }
0x3b3: {  	s1 =	rddreg [dreg:$0x1];
	p0 =	sne.s32 s2, $0x0  }
0x3b4: {  	s3 =	rddreg [dreg:$0x2];
	[bflag:$0x3] =	sbarrier.arrive $0xFFFF;
	s2 =	simm.s32 @!p0 $0x1C07  }
0x3b5: {  	[timem:s3], [sflag:s2] =	dma.local @!p0 [hbm:s0], s1  }
0x3b6: {  	s0 =	simm.s32 @!p0 $0x7  }
0x3b7: {  	_ =	swait.ge @!p0 [sflag:s0], s1  }
0x3b8: {  	s1 =	ssub.s32 @!p0 $0x0, s1;
	[sflag:s0] =	ssyncset.done @!p0 $0x0  }
0x3b9: {  	[sflag:s0] =	ssyncadd.s32 @!p0 s1  }
0x3ba: {  	[bflag:$0x3] =	sbarrier.arrive $0xFFFF  }
0x3bb: {  	_ =	shalt  }

</sc_bundles>
